<compile_context>
chip_gen: v7x
topology: tpu7x:2x2x1
jax: 0.10.2.dev20260603
libtpu: 0.0.44.dev20260713+nightly
codegen_flags: <defaults>
</compile_context>

<pallas_src>
import functools

import jax
import jax.numpy as jnp
from jax import lax
from jax.experimental import pallas as pl
from jax.experimental.pallas import tpu as pltpu
from jax.experimental.pallas import tpu_sc as plsc

N = 10000
D = 128
E = 320000
FF = 4 * D
NC = 2
NS = 16
NW = NC * NS
NPAD = 10240
EPAD = 327680
CH = 128
EPTD = EPAD // NW
DCHUNK = EPTD // CH
EPT = EPAD // NS
NCHUNK = EPT // CH
ROWS_PT = NPAD // NS
DH = D // 2
RB = 1024
G = NPAD // RB

@functools.cache
def _get_mesh():
    return plsc.VectorSubcoreMesh(
        core_axis_name="c", subcore_axis_name="s",
        num_cores=NC, num_subcores=NS)


def _deg_body(dst_hbm, deg_out, dstv, onesv, stage, acc, deg_sp):
    c = lax.axis_index("c")
    s = lax.axis_index("s")
    wid = c * NS + s

    @pl.loop(0, ROWS_PT // 16)
    def _z(i):
        z = jnp.zeros((16,), jnp.float32)
        stage[pl.ds(i * 16, 16)] = z
        acc[pl.ds(i * 16, 16)] = z

    @pl.loop(0, CH // 16)
    def _o(i):
        onesv[pl.ds(i * 16, 16)] = jnp.ones((16,), jnp.float32)

    for t in range(NS):
        pltpu.sync_copy(stage,
                        deg_sp.at[pl.ds(t * NPAD + s * ROWS_PT, ROWS_PT)])
    pltpu.sync_copy(dst_hbm.at[wid], dstv)

    off = s * NPAD

    @pl.loop(0, DCHUNK)
    def _ofs(r):
        for k in range(CH // 16):
            sl = pl.ds(k * 16, 16)
            dstv[r, sl] = dstv[r, sl] + off

    plsc.subcore_barrier()

    @pl.loop(0, DCHUNK)
    def _hist(j):
        pltpu.sync_copy(onesv, deg_sp.at[dstv.at[j]], add=True)

    plsc.subcore_barrier()
    for t in range(NS):
        pltpu.sync_copy(deg_sp.at[pl.ds(t * NPAD + s * ROWS_PT, ROWS_PT)],
                        stage)

        @pl.loop(0, ROWS_PT // 16)
        def _acc(i):
            sl = pl.ds(i * 16, 16)
            acc[sl] = acc[sl] + stage[sl]

    pltpu.sync_copy(acc, deg_out.at[pl.ds(c * NPAD + s * ROWS_PT, ROWS_PT)])


@functools.cache
def _deg():
    return pl.kernel(
        _deg_body,
        out_type=jax.ShapeDtypeStruct((NC * NPAD,), jnp.float32),
        mesh=_get_mesh(),
        scratch_types=[
            pltpu.VMEM((DCHUNK, CH), jnp.int32),
            pltpu.VMEM((CH,), jnp.float32),
            pltpu.VMEM((ROWS_PT,), jnp.float32),
            pltpu.VMEM((ROWS_PT,), jnp.float32),
            pltpu.VMEM_SHARED((NS * NPAD,), jnp.float32),
        ],
    )


GK = 16
NGRP = NCHUNK // GK
ZR = 128
NBUF = 3


def _agg_body(hws_hbm, src_hbm, dst_hbm, out, sring, dring, dummy_idx,
              bufs, ssems, gsems, table_sp, acc_sp):
    c = lax.axis_index("c")
    s = lax.axis_index("s")
    buf0 = bufs[0]

    @pl.loop(0, ZR)
    def _z(r):
        for k in range(DH // 16):
            buf0[r, pl.ds(k * 16, 16)] = jnp.zeros((16,), jnp.float32)

    for t in range(ROWS_PT // ZR):
        pltpu.async_copy(buf0, acc_sp.at[pl.ds(s * ROWS_PT + t * ZR, ZR)],
                         ssems[0])

    @pl.loop(0, CH // 16)
    def _di(k):
        dummy_idx[0, pl.ds(k * 16, 16)] = jnp.full((16,), N, jnp.int32)

    for t in range(ROWS_PT // CH):
        b = 1 + (t & 1)
        row0 = s * ROWS_PT + t * CH
        if t >= 2:
            pltpu.make_async_copy(
                bufs[b], table_sp.at[pl.ds(row0 - 2 * CH, CH)],
                gsems[b]).wait()
        pltpu.sync_copy(hws_hbm.at[c, pl.ds(row0, CH)], bufs[b])
        pltpu.async_copy(bufs[b], table_sp.at[pl.ds(row0, CH)], gsems[b])

    for b in (2, 1):
        pltpu.make_async_copy(bufs[b], table_sp.at[pl.ds(0, CH)],
                              gsems[b]).wait()
    for t in range(ROWS_PT // ZR):
        pltpu.make_async_copy(buf0, acc_sp.at[pl.ds(s * ROWS_PT, ZR)],
                              ssems[0]).wait()

    plsc.subcore_barrier()

    def _drain_scatter(b):
        pltpu.make_async_copy(bufs[b], acc_sp.at[dummy_idx.at[0]],
                              ssems[b]).wait()

    def _drain_gather(b):
        pltpu.make_async_copy(table_sp.at[pl.ds(0, CH)], bufs[b],
                              gsems[b]).wait()

    def _issue_gather(kc, b):
        pltpu.async_copy(table_sp.at[sring.at[kc]], bufs[b], gsems[b])

    for b in range(NBUF):
        pltpu.async_copy(bufs[b], acc_sp.at[dummy_idx.at[0]], ssems[b],
                         add=True)

    def _one_group(g, h):
        pltpu.sync_copy(src_hbm.at[s, pl.ds(g * GK, GK)], sring)
        pltpu.sync_copy(dst_hbm.at[s, pl.ds(g * GK, GK)],
                        dring.at[pl.ds(h * GK, GK)])
        _drain_scatter(0)
        _issue_gather(0, 0)
        _drain_scatter(1)
        _issue_gather(1, 1)
        for kc in range(GK):
            b = kc % NBUF
            if kc + 2 < GK:
                b2 = (kc + 2) % NBUF
                _drain_scatter(b2)
                _issue_gather(kc + 2, b2)
            _drain_gather(b)
            pltpu.async_copy(bufs[b], acc_sp.at[dring.at[h * GK + kc]],
                             ssems[b], add=True)

    @pl.loop(0, NGRP // 2)
    def _grp(g2):
        _one_group(2 * g2, 0)
        _one_group(2 * g2 + 1, 1)

    for b in range(NBUF):
        _drain_scatter(b)

    plsc.subcore_barrier()
    for t in range(ROWS_PT // CH):
        b = t % NBUF
        row0 = s * ROWS_PT + t * CH
        if t >= NBUF:
            pltpu.make_async_copy(
                bufs[b], out.at[pl.ds(c * NPAD, CH)], gsems[b]).wait()
        pltpu.sync_copy(acc_sp.at[pl.ds(row0, CH)], bufs[b])
        pltpu.async_copy(bufs[b], out.at[pl.ds(c * NPAD + row0, CH)],
                         gsems[b])
    for b in range(NBUF):
        pltpu.make_async_copy(bufs[b], out.at[pl.ds(c * NPAD, CH)],
                              gsems[b]).wait()


@functools.cache
def _agg():
    return pl.kernel(
        _agg_body,
        out_type=jax.ShapeDtypeStruct((NC * NPAD, DH), jnp.float32),
        mesh=_get_mesh(),
        scratch_types=[
            pltpu.VMEM((GK, CH), jnp.int32),
            pltpu.VMEM((2 * GK, CH), jnp.int32),
            pltpu.VMEM((1, CH), jnp.int32),
            [pltpu.VMEM((CH, DH), jnp.float32) for _ in range(NBUF)],
            [pltpu.SemaphoreType.DMA for _ in range(NBUF)],
            [pltpu.SemaphoreType.DMA for _ in range(NBUF)],
            pltpu.VMEM_SHARED((NPAD, DH), jnp.float32),
            pltpu.VMEM_SHARED((NPAD, DH), jnp.float32),
        ],
        compiler_params=pltpu.CompilerParams(use_tc_tiling_on_sc=False),
    )


def _hws_body(x_ref, w_ref, degp_ref, hws_ref, hsp_ref):
    dp = degp_ref[...]
    deg = dp[0, 0, :] + dp[0, 1, :] + 1.0
    dinv = lax.rsqrt(deg).reshape(RB, 1)
    hw = jnp.dot(x_ref[...], w_ref[...], preferred_element_type=jnp.float32)
    hws = hw * dinv
    hws_ref[...] = hws
    hsp_ref[0] = hws[:, :DH]
    hsp_ref[1] = hws[:, DH:]


def _hws_call(x2, W, degp3):
    return pl.pallas_call(
        _hws_body,
        grid=(G,),
        in_specs=[
            pl.BlockSpec((RB, D), lambda g: (g, 0)),
            pl.BlockSpec((D, D), lambda g: (0, 0)),
            pl.BlockSpec((1, NC, RB), lambda g: (g, 0, 0)),
        ],
        out_specs=[
            pl.BlockSpec((RB, D), lambda g: (g, 0)),
            pl.BlockSpec((NC, RB, DH), lambda g: (0, g, 0)),
        ],
        out_shape=[
            jax.ShapeDtypeStruct((NPAD, D), jnp.float32),
            jax.ShapeDtypeStruct((NC, NPAD, DH), jnp.float32),
        ],
    )(x2, W, degp3)


def _ln(h, g, b):
    m = jnp.mean(h, axis=1, keepdims=True)
    v = jnp.mean((h - m) * (h - m), axis=1, keepdims=True)
    return (h - m) * lax.rsqrt(v + 1e-5) * g + b


def _tail_body(p_ref, hws_ref, x_ref, degp_ref, b_ref, w1_ref, b1_ref,
               w2_ref, b2_ref, g1_ref, be1_ref, g2_ref, be2_ref, o_ref):
    dp = degp_ref[...]
    deg = dp[0, 0, :] + dp[0, 1, :] + 1.0
    dinv = lax.rsqrt(deg).reshape(RB, 1)
    hws = hws_ref[...]
    p = p_ref[...]
    pcat = jnp.concatenate([p[0], p[1]], axis=1)
    agg = (pcat + hws) * dinv + b_ref[...]
    h1 = agg + x_ref[...]
    h2 = _ln(h1, g1_ref[...], be1_ref[...])
    a = jnp.dot(h2, w1_ref[...], preferred_element_type=jnp.float32) + b1_ref[...]
    a = a * jax.nn.sigmoid(a)
    ff = jnp.dot(a, w2_ref[...], preferred_element_type=jnp.float32) + b2_ref[...]
    o_ref[...] = _ln(ff + h2, g2_ref[...], be2_ref[...])


def _tail_call(p, hws, x2, degp3, b, W1, b1, W2, b2, g1, be1, g2, be2):
    vec = lambda v: v.reshape(1, -1)
    full = lambda shape: pl.BlockSpec(shape, lambda g: tuple(0 for _ in shape))
    return pl.pallas_call(
        _tail_body,
        grid=(G,),
        in_specs=[
            pl.BlockSpec((NC, RB, DH), lambda g: (0, g, 0)),
            pl.BlockSpec((RB, D), lambda g: (g, 0)),
            pl.BlockSpec((RB, D), lambda g: (g, 0)),
            pl.BlockSpec((1, NC, RB), lambda g: (g, 0, 0)),
            full((1, D)), full((D, FF)), full((1, FF)),
            full((FF, D)), full((1, D)),
            full((1, D)), full((1, D)), full((1, D)), full((1, D)),
        ],
        out_specs=pl.BlockSpec((RB, D), lambda g: (g, 0)),
        out_shape=jax.ShapeDtypeStruct((N, D), jnp.float32),
    )(p, hws, x2, degp3, vec(b), W1, vec(b1), W2, vec(b2),
      vec(g1), vec(be1), vec(g2), vec(be2))


def kernel(x, edge_index, W, b, W1, b1, W2, b2, g1, be1, g2, be2):
    x2 = x.reshape(N, D)

    pad = EPAD - E
    src = jnp.concatenate([edge_index[0], jnp.zeros((pad,), jnp.int32)])
    dst = jnp.concatenate([edge_index[1], jnp.full((pad,), N, jnp.int32)])
    dst_deg = dst.reshape(NW, DCHUNK, CH)
    src_agg = src.reshape(NS, NCHUNK, CH)
    dst_agg = dst.reshape(NS, NCHUNK, CH)

    degp = _deg()(dst_deg)
    degp3 = degp.reshape(NC, G, RB).swapaxes(0, 1)

    hws, hws_split = _hws_call(x2, W, degp3)

    p = _agg()(hws_split, src_agg, dst_agg).reshape(NC, NPAD, DH)

    out = _tail_call(p, hws, x2, degp3,
                     b, W1, b1, W2, b2, g1, be1, g2, be2)
    return out.reshape(1, N, D)

# --- scband reference (transcript-rebuilt; emitter-appended) ---
"""Pipeline reference for scband-graph-conv-encoder-layer-46480136077658 (READ-ONLY COPY).

The authoritative reference and input builder live on the scoring server;
editing this copy changes nothing except your own understanding.
"""

import jax, jax.numpy as jnp
import numpy as np

B, N, D = 1, 10000, 128
E = 320000
FF = 4 * D

def _layernorm(x, g, b, eps=1e-5):
    m = jnp.mean(x, axis=-1, keepdims=True)
    v = jnp.var(x, axis=-1, keepdims=True)
    return (x - m) / jnp.sqrt(v + eps) * g + b

def setup_inputs(seed: int = 0):
    key = jax.random.key(seed)
    ks = jax.random.split(key, 12)
    x = jax.random.normal(ks[0], (B, N, D), dtype=jnp.float32)
    edge_index = jax.random.randint(ks[1], (2, E), 0, N, dtype=jnp.int32)
    W = jax.random.normal(ks[2], (D, D), dtype=jnp.float32) * (1.0 / np.sqrt(D))
    b = jnp.zeros((D,), dtype=jnp.float32)
    W1 = jax.random.normal(ks[3], (D, FF), dtype=jnp.float32) * (1.0 / np.sqrt(D))
    b1 = jnp.zeros((FF,), dtype=jnp.float32)
    W2 = jax.random.normal(ks[4], (FF, D), dtype=jnp.float32) * (1.0 / np.sqrt(FF))
    b2 = jnp.zeros((D,), dtype=jnp.float32)
    g1 = jnp.ones((D,), dtype=jnp.float32)
    be1 = jnp.zeros((D,), dtype=jnp.float32)
    g2 = jnp.ones((D,), dtype=jnp.float32)
    be2 = jnp.zeros((D,), dtype=jnp.float32)
    return {"x": x, "edge_index": edge_index, "W": W, "b": b, "W1": W1, "b1": b1, "W2": W2, "b2": b2, "g1": g1, "be1": be1, "g2": g2, "be2": be2}

def _gcn_conv(h, edge_index, W, b):
    num_nodes = h.shape[0]
    loop = jnp.arange(num_nodes, dtype=edge_index.dtype)
    src = jnp.concatenate([edge_index[0], loop])
    dst = jnp.concatenate([edge_index[1], loop])
    deg = jnp.zeros((num_nodes,), dtype=h.dtype).at[dst].add(1.0)
    dinv = jnp.where(deg > 0, 1.0 / jnp.sqrt(deg), 0.0)
    norm = dinv[src] * dinv[dst]
    hw = h @ W
    msg = hw[src] * norm[:, None]
    agg = jax.ops.segment_sum(msg, dst, num_segments=num_nodes)
    return agg + b

def reference(x, edge_index, W, b, W1, b1, W2, b2, g1, be1, g2, be2):
    bsz, n, d = x.shape
    residual = x
    h = x.reshape(bsz * n, d)
    h = _gcn_conv(h, edge_index, W, b)
    h = h.reshape(bsz, n, d)
    h = h + residual  # dropout is identity in eval
    h = _layernorm(h, g1, be1)
    residual = h
    ff = jax.nn.silu(h @ W1 + b1) @ W2 + b2
    h = ff + residual
    h = _layernorm(h, g2, be2)
    return h

if __name__ == "__main__":
    import jax
    _d = setup_inputs()
    print(jax.jit(kernel)(*tuple(_d.values())))

</pallas_src>

<mosaic_0001>
#map = affine_map<(d0, d1) -> (0, 0, 0)>
#map1 = affine_map<(d0, d1) -> (0, 0)>
module attributes {stable_mosaic.version = 14 : i64} {
  func.func @_agg_body(%arg0: i32, %arg1: i32, %arg2: memref<2x10240x64xf32, #tpu.memory_space<hbm>>, %arg3: memref<16x160x128xi32, #tpu.memory_space<hbm>>, %arg4: memref<16x160x128xi32, #tpu.memory_space<hbm>>, %arg5: memref<20480x64xf32, #tpu.memory_space<hbm>>, %arg6: memref<16x128xi32, #tpu.memory_space<vmem>>, %arg7: memref<32x128xi32, #tpu.memory_space<vmem>>, %arg8: memref<1x128xi32, #tpu.memory_space<vmem>>, %arg9: memref<128x64xf32, #tpu.memory_space<vmem>>, %arg10: memref<128x64xf32, #tpu.memory_space<vmem>>, %arg11: memref<128x64xf32, #tpu.memory_space<vmem>>, %arg12: memref<!tpu.dma_semaphore, #tpu.memory_space<semaphore_mem>>, %arg13: memref<!tpu.dma_semaphore, #tpu.memory_space<semaphore_mem>>, %arg14: memref<!tpu.dma_semaphore, #tpu.memory_space<semaphore_mem>>, %arg15: memref<!tpu.dma_semaphore, #tpu.memory_space<semaphore_mem>>, %arg16: memref<!tpu.dma_semaphore, #tpu.memory_space<semaphore_mem>>, %arg17: memref<!tpu.dma_semaphore, #tpu.memory_space<semaphore_mem>>, %arg18: memref<10240x64xf32, #tpu.memory_space<vmem_shared>>, %arg19: memref<10240x64xf32, #tpu.memory_space<vmem_shared>>) attributes {dimension_semantics = [#tpu.dimension_semantics<core_parallel>, #tpu.dimension_semantics<subcore_parallel>], iteration_bounds = array<i64: 2, 16>, scalar_prefetch = 0 : i64, scratch_operands = 14 : i64, tpu.core_type = #tpu.core_type<sc_vector_subcore>, window_params = [{transform_indices = #map}, {transform_indices = #map}, {transform_indices = #map}, {transform_indices = #map1}]} {
    %scan3A = arith.constant 0 : i32
    %scan3A_0 = arith.constant 128 : i32
    %scan3A_1 = arith.addi %scan3A, %scan3A_0 : i32
    %scan3A_2 = arith.constant 1 : i32
    scf.for %scan3A_277 = %scan3A to %scan3A_1 step %scan3A_2  : i32 {
      %mul3A_278 = arith.constant 1 : i32
      %mul3A_279 = arith.muli %scan3A_277, %mul3A_278 : i32
      %add3A_280 = arith.constant 0 : i32
      %add3A_281 = arith.addi %add3A_280, %mul3A_279 : i32
      %broadcast_in_dim3A = arith.constant 0.000000e+00 : f32
      %broadcast_in_dim3A_282 = vector.broadcast %broadcast_in_dim3A : f32 to vector<16xf32>
      %swap3A = arith.index_cast %add3A_281 : i32 to index
      %swap3A_283 = arith.constant 0 : index
      %swap3A_284 = tpu.vector_load %arg9[%swap3A, %swap3A_283] {strides = array<i32>} : memref<128x64xf32, #tpu.memory_space<vmem>>, vector<1x16xf32>,
      %swap3A_285 = vector.shape_cast %swap3A_284 : vector<1x16xf32> to vector<16xf32>
      %swap3A_286 = vector.shape_cast %broadcast_in_dim3A_282 : vector<16xf32> to vector<1x16xf32>
      tpu.vector_store %arg9[%swap3A, %swap3A_283], %swap3A_286 {strides = array<i32>} : memref<128x64xf32, #tpu.memory_space<vmem>>, vector<1x16xf32>,
      %broadcast_in_dim3A_287 = arith.constant 0.000000e+00 : f32
      %broadcast_in_dim3A_288 = vector.broadcast %broadcast_in_dim3A_287 : f32 to vector<16xf32>
      %swap3A_289 = arith.index_cast %add3A_281 : i32 to index
      %swap3A_290 = arith.constant 16 : index
      %swap3A_291 = tpu.vector_load %arg9[%swap3A_289, %swap3A_290] {strides = array<i32>} : memref<128x64xf32, #tpu.memory_space<vmem>>, vector<1x16xf32>,
      %swap3A_292 = vector.shape_cast %swap3A_291 : vector<1x16xf32> to vector<16xf32>
      %swap3A_293 = vector.shape_cast %broadcast_in_dim3A_288 : vector<16xf32> to vector<1x16xf32>
      tpu.vector_store %arg9[%swap3A_289, %swap3A_290], %swap3A_293 {strides = array<i32>} : memref<128x64xf32, #tpu.memory_space<vmem>>, vector<1x16xf32>,
      %broadcast_in_dim3A_294 = arith.constant 0.000000e+00 : f32
      %broadcast_in_dim3A_295 = vector.broadcast %broadcast_in_dim3A_294 : f32 to vector<16xf32>
      %swap3A_296 = arith.index_cast %add3A_281 : i32 to index
      %swap3A_297 = arith.constant 32 : index
      %swap3A_298 = tpu.vector_load %arg9[%swap3A_296, %swap3A_297] {strides = array<i32>} : memref<128x64xf32, #tpu.memory_space<vmem>>, vector<1x16xf32>,
      %swap3A_299 = vector.shape_cast %swap3A_298 : vector<1x16xf32> to vector<16xf32>
      %swap3A_300 = vector.shape_cast %broadcast_in_dim3A_295 : vector<16xf32> to vector<1x16xf32>
      tpu.vector_store %arg9[%swap3A_296, %swap3A_297], %swap3A_300 {strides = array<i32>} : memref<128x64xf32, #tpu.memory_space<vmem>>, vector<1x16xf32>,
      %broadcast_in_dim3A_301 = arith.constant 0.000000e+00 : f32
      %broadcast_in_dim3A_302 = vector.broadcast %broadcast_in_dim3A_301 : f32 to vector<16xf32>
      %swap3A_303 = arith.index_cast %add3A_281 : i32 to index
      %swap3A_304 = arith.constant 48 : index
      %swap3A_305 = tpu.vector_load %arg9[%swap3A_303, %swap3A_304] {strides = array<i32>} : memref<128x64xf32, #tpu.memory_space<vmem>>, vector<1x16xf32>,
      %swap3A_306 = vector.shape_cast %swap3A_305 : vector<1x16xf32> to vector<16xf32>
      %swap3A_307 = vector.shape_cast %broadcast_in_dim3A_302 : vector<16xf32> to vector<1x16xf32>
      tpu.vector_store %arg9[%swap3A_303, %swap3A_304], %swap3A_307 {strides = array<i32>} : memref<128x64xf32, #tpu.memory_space<vmem>>, vector<1x16xf32>,
    }
    %scan3A_3 = arith.constant 128 : i32
    %mul3A = arith.constant 640 : i32
    %mul3A_4 = arith.muli %arg1, %mul3A : i32
    %add3A = arith.constant 0 : i32
    %add3A_5 = arith.addi %mul3A_4, %add3A : i32
    %dma_start3A = arith.constant 0 : i32
    %dma_start3A_6 = tpu.memref_slice %arg19[%add3A_5, %dma_start3A] : memref<10240x64xf32, #tpu.memory_space<vmem_shared>> -> memref<128x64xf32, #tpu.memory_space<vmem_shared>>
    %dma_start3A_7 = arith.constant 0 : i32
    %dma_start3A_8 = tpu.memref_slice %arg19[%add3A_5, %dma_start3A_7] : memref<10240x64xf32, #tpu.memory_space<vmem_shared>> -> memref<128x64xf32, #tpu.memory_space<vmem_shared>>
    tpu.enqueue_dma source(%arg9 : memref<128x64xf32, #tpu.memory_space<vmem>>) target(%dma_start3A_8 : memref<128x64xf32, #tpu.memory_space<vmem_shared>>) target_semaphore(%arg12 : memref<!tpu.dma_semaphore, #tpu.memory_space<semaphore_mem>>)
    %mul3A_9 = arith.constant 640 : i32
    %mul3A_10 = arith.muli %arg1, %mul3A_9 : i32
    %add3A_11 = arith.constant 128 : i32
    %add3A_12 = arith.addi %mul3A_10, %add3A_11 : i32
    %dma_start3A_13 = arith.constant 0 : i32
    %dma_start3A_14 = tpu.memref_slice %arg19[%add3A_12, %dma_start3A_13] : memref<10240x64xf32, #tpu.memory_space<vmem_shared>> -> memref<128x64xf32, #tpu.memory_space<vmem_shared>>
    %dma_start3A_15 = arith.constant 0 : i32
    %dma_start3A_16 = tpu.memref_slice %arg19[%add3A_12, %dma_start3A_15] : memref<10240x64xf32, #tpu.memory_space<vmem_shared>> -> memref<128x64xf32, #tpu.memory_space<vmem_shared>>
    tpu.enqueue_dma source(%arg9 : memref<128x64xf32, #tpu.memory_space<vmem>>) target(%dma_start3A_16 : memref<128x64xf32, #tpu.memory_space<vmem_shared>>) target_semaphore(%arg12 : memref<!tpu.dma_semaphore, #tpu.memory_space<semaphore_mem>>)
    %mul3A_17 = arith.constant 640 : i32
    %mul3A_18 = arith.muli %arg1, %mul3A_17 : i32
    %add3A_19 = arith.constant 256 : i32
    %add3A_20 = arith.addi %mul3A_18, %add3A_19 : i32
    %dma_start3A_21 = arith.constant 0 : i32
    %dma_start3A_22 = tpu.memref_slice %arg19[%add3A_20, %dma_start3A_21] : memref<10240x64xf32, #tpu.memory_space<vmem_shared>> -> memref<128x64xf32, #tpu.memory_space<vmem_shared>>
    %dma_start3A_23 = arith.constant 0 : i32
    %dma_start3A_24 = tpu.memref_slice %arg19[%add3A_20, %dma_start3A_23] : memref<10240x64xf32, #tpu.memory_space<vmem_shared>> -> memref<128x64xf32, #tpu.memory_space<vmem_shared>>
    tpu.enqueue_dma source(%arg9 : memref<128x64xf32, #tpu.memory_space<vmem>>) target(%dma_start3A_24 : memref<128x64xf32, #tpu.memory_space<vmem_shared>>) target_semaphore(%arg12 : memref<!tpu.dma_semaphore, #tpu.memory_space<semaphore_mem>>)
    %mul3A_25 = arith.constant 640 : i32
    %mul3A_26 = arith.muli %arg1, %mul3A_25 : i32
    %add3A_27 = arith.constant 384 : i32
    %add3A_28 = arith.addi %mul3A_26, %add3A_27 : i32
    %dma_start3A_29 = arith.constant 0 : i32
    %dma_start3A_30 = tpu.memref_slice %arg19[%add3A_28, %dma_start3A_29] : memref<10240x64xf32, #tpu.memory_space<vmem_shared>> -> memref<128x64xf32, #tpu.memory_space<vmem_shared>>
    %dma_start3A_31 = arith.constant 0 : i32
    %dma_start3A_32 = tpu.memref_slice %arg19[%add3A_28, %dma_start3A_31] : memref<10240x64xf32, #tpu.memory_space<vmem_shared>> -> memref<128x64xf32, #tpu.memory_space<vmem_shared>>
    tpu.enqueue_dma source(%arg9 : memref<128x64xf32, #tpu.memory_space<vmem>>) target(%dma_start3A_32 : memref<128x64xf32, #tpu.memory_space<vmem_shared>>) target_semaphore(%arg12 : memref<!tpu.dma_semaphore, #tpu.memory_space<semaphore_mem>>)
    %mul3A_33 = arith.constant 640 : i32
    %mul3A_34 = arith.muli %arg1, %mul3A_33 : i32
    %add3A_35 = arith.constant 512 : i32
    %add3A_36 = arith.addi %mul3A_34, %add3A_35 : i32
    %dma_start3A_37 = arith.constant 0 : i32
    %dma_start3A_38 = tpu.memref_slice %arg19[%add3A_36, %dma_start3A_37] : memref<10240x64xf32, #tpu.memory_space<vmem_shared>> -> memref<128x64xf32, #tpu.memory_space<vmem_shared>>
    %dma_start3A_39 = arith.constant 0 : i32
    %dma_start3A_40 = tpu.memref_slice %arg19[%add3A_36, %dma_start3A_39] : memref<10240x64xf32, #tpu.memory_space<vmem_shared>> -> memref<128x64xf32, #tpu.memory_space<vmem_shared>>
    tpu.enqueue_dma source(%arg9 : memref<128x64xf32, #tpu.memory_space<vmem>>) target(%dma_start3A_40 : memref<128x64xf32, #tpu.memory_space<vmem_shared>>) target_semaphore(%arg12 : memref<!tpu.dma_semaphore, #tpu.memory_space<semaphore_mem>>)
    %scan3A_41 = arith.constant 0 : i32
    %scan3A_42 = arith.constant 8 : i32
    %scan3A_43 = arith.addi %scan3A_41, %scan3A_42 : i32
    %scan3A_44 = arith.constant 1 : i32
    scf.for %scan3A_277 = %scan3A_41 to %scan3A_43 step %scan3A_44  : i32 {
      %mul3A_278 = arith.constant 1 : i32
      %mul3A_279 = arith.muli %scan3A_277, %mul3A_278 : i32
      %add3A_280 = arith.constant 0 : i32
      %add3A_281 = arith.addi %add3A_280, %mul3A_279 : i32
      %broadcast_in_dim3A = arith.constant 10000 : i32
      %broadcast_in_dim3A_282 = vector.broadcast %broadcast_in_dim3A : i32 to vector<16xi32>
      %mul3A_283 = arith.constant 16 : i32
      %mul3A_284 = arith.muli %add3A_281, %mul3A_283 : i32
      %swap3A = arith.constant 0 : i32
      %swap3A_285 = arith.index_cast %swap3A : i32 to index
      %swap3A_286 = arith.index_cast %mul3A_284 : i32 to index
      %swap3A_287 = tpu.vector_load %arg8[%swap3A_285, %swap3A_286] {strides = array<i32>} : memref<1x128xi32, #tpu.memory_space<vmem>>, vector<1x16xi32>,
      %swap3A_288 = vector.shape_cast %swap3A_287 : vector<1x16xi32> to vector<16xi32>
      %swap3A_289 = vector.shape_cast %broadcast_in_dim3A_282 : vector<16xi32> to vector<1x16xi32>
      tpu.vector_store %arg8[%swap3A_285, %swap3A_286], %swap3A_289 {strides = array<i32>} : memref<1x128xi32, #tpu.memory_space<vmem>>, vector<1x16xi32>,
    }
    %scan3A_45 = arith.constant 8 : i32
    %mul3A_46 = arith.constant 640 : i32
    %mul3A_47 = arith.muli %arg1, %mul3A_46 : i32
    %add3A_48 = arith.constant 0 : i32
    %add3A_49 = arith.addi %mul3A_47, %add3A_48 : i32
    "tpu.region"() ({
      %run_scoped3A = tpu.sem_alloc : memref<!tpu.dma_semaphore, #tpu.memory_space<semaphore_mem>>
      %dma_start3A_277 = arith.constant 0 : i32
      %dma_start3A_278 = tpu.memref_slice %arg2[%arg0, %add3A_49, %dma_start3A_277] : memref<2x10240x64xf32, #tpu.memory_space<hbm>> -> memref<1x128x64xf32, #tpu.memory_space<hbm>>
      %dma_start3A_279 = tpu.memref_squeeze %dma_start3A_278 : memref<1x128x64xf32, #tpu.memory_space<hbm>> -> memref<128x64xf32, #tpu.memory_space<hbm>>
      %dma_start3A_280 = arith.constant 0 : i32
      %dma_start3A_281 = tpu.memref_slice %arg2[%arg0, %add3A_49, %dma_start3A_280] : memref<2x10240x64xf32, #tpu.memory_space<hbm>> -> memref<1x128x64xf32, #tpu.memory_space<hbm>>
      %dma_start3A_282 = tpu.memref_squeeze %dma_start3A_281 : memref<1x128x64xf32, #tpu.memory_space<hbm>> -> memref<128x64xf32, #tpu.memory_space<hbm>>
      tpu.enqueue_dma source(%dma_start3A_282 : memref<128x64xf32, #tpu.memory_space<hbm>>) target(%arg10 : memref<128x64xf32, #tpu.memory_space<vmem>>) target_semaphore(%run_scoped3A : memref<!tpu.dma_semaphore, #tpu.memory_space<semaphore_mem>>)
      %dma_wait3A_283 = arith.constant 0 : i32
      %dma_wait3A_284 = tpu.memref_slice %arg2[%arg0, %add3A_49, %dma_wait3A_283] : memref<2x10240x64xf32, #tpu.memory_space<hbm>> -> memref<1x128x64xf32, #tpu.memory_space<hbm>>
      %dma_wait3A_285 = tpu.memref_squeeze %dma_wait3A_284 : memref<1x128x64xf32, #tpu.memory_space<hbm>> -> memref<128x64xf32, #tpu.memory_space<hbm>>
      %dma_wait3A_286 = arith.constant 0 : i32
      %dma_wait3A_287 = tpu.memref_slice %arg2[%arg0, %add3A_49, %dma_wait3A_286] : memref<2x10240x64xf32, #tpu.memory_space<hbm>> -> memref<1x128x64xf32, #tpu.memory_space<hbm>>
      %dma_wait3A_288 = tpu.memref_squeeze %dma_wait3A_287 : memref<1x128x64xf32, #tpu.memory_space<hbm>> -> memref<128x64xf32, #tpu.memory_space<hbm>>
      tpu.wait_dma2 semaphore(%run_scoped3A : memref<!tpu.dma_semaphore, #tpu.memory_space<semaphore_mem>>) src(%dma_wait3A_288 : memref<128x64xf32, #tpu.memory_space<hbm>>) dst(%arg10 : memref<128x64xf32, #tpu.memory_space<vmem>>)
      tpu.yield
    }) : () -> ()
    %dma_start3A_50 = arith.constant 0 : i32
    %dma_start3A_51 = tpu.memref_slice %arg18[%add3A_49, %dma_start3A_50] : memref<10240x64xf32, #tpu.memory_space<vmem_shared>> -> memref<128x64xf32, #tpu.memory_space<vmem_shared>>
    %dma_start3A_52 = arith.constant 0 : i32
    %dma_start3A_53 = tpu.memref_slice %arg18[%add3A_49, %dma_start3A_52] : memref<10240x64xf32, #tpu.memory_space<vmem_shared>> -> memref<128x64xf32, #tpu.memory_space<vmem_shared>>
    tpu.enqueue_dma source(%arg10 : memref<128x64xf32, #tpu.memory_space<vmem>>) target(%dma_start3A_53 : memref<128x64xf32, #tpu.memory_space<vmem_shared>>) target_semaphore(%arg16 : memref<!tpu.dma_semaphore, #tpu.memory_space<semaphore_mem>>)
    %mul3A_54 = arith.constant 640 : i32
    %mul3A_55 = arith.muli %arg1, %mul3A_54 : i32
    %add3A_56 = arith.constant 128 : i32
    %add3A_57 = arith.addi %mul3A_55, %add3A_56 : i32
    "tpu.region"() ({
      %run_scoped3A = tpu.sem_alloc : memref<!tpu.dma_semaphore, #tpu.memory_space<semaphore_mem>>
      %dma_start3A_277 = arith.constant 0 : i32
      %dma_start3A_278 = tpu.memref_slice %arg2[%arg0, %add3A_57, %dma_start3A_277] : memref<2x10240x64xf32, #tpu.memory_space<hbm>> -> memref<1x128x64xf32, #tpu.memory_space<hbm>>
      %dma_start3A_279 = tpu.memref_squeeze %dma_start3A_278 : memref<1x128x64xf32, #tpu.memory_space<hbm>> -> memref<128x64xf32, #tpu.memory_space<hbm>>
      %dma_start3A_280 = arith.constant 0 : i32
      %dma_start3A_281 = tpu.memref_slice %arg2[%arg0, %add3A_57, %dma_start3A_280] : memref<2x10240x64xf32, #tpu.memory_space<hbm>> -> memref<1x128x64xf32, #tpu.memory_space<hbm>>
      %dma_start3A_282 = tpu.memref_squeeze %dma_start3A_281 : memref<1x128x64xf32, #tpu.memory_space<hbm>> -> memref<128x64xf32, #tpu.memory_space<hbm>>
      tpu.enqueue_dma source(%dma_start3A_282 : memref<128x64xf32, #tpu.memory_space<hbm>>) target(%arg11 : memref<128x64xf32, #tpu.memory_space<vmem>>) target_semaphore(%run_scoped3A : memref<!tpu.dma_semaphore, #tpu.memory_space<semaphore_mem>>)
      %dma_wait3A_283 = arith.constant 0 : i32
      %dma_wait3A_284 = tpu.memref_slice %arg2[%arg0, %add3A_57, %dma_wait3A_283] : memref<2x10240x64xf32, #tpu.memory_space<hbm>> -> memref<1x128x64xf32, #tpu.memory_space<hbm>>
      %dma_wait3A_285 = tpu.memref_squeeze %dma_wait3A_284 : memref<1x128x64xf32, #tpu.memory_space<hbm>> -> memref<128x64xf32, #tpu.memory_space<hbm>>
      %dma_wait3A_286 = arith.constant 0 : i32
      %dma_wait3A_287 = tpu.memref_slice %arg2[%arg0, %add3A_57, %dma_wait3A_286] : memref<2x10240x64xf32, #tpu.memory_space<hbm>> -> memref<1x128x64xf32, #tpu.memory_space<hbm>>
      %dma_wait3A_288 = tpu.memref_squeeze %dma_wait3A_287 : memref<1x128x64xf32, #tpu.memory_space<hbm>> -> memref<128x64xf32, #tpu.memory_space<hbm>>
      tpu.wait_dma2 semaphore(%run_scoped3A : memref<!tpu.dma_semaphore, #tpu.memory_space<semaphore_mem>>) src(%dma_wait3A_288 : memref<128x64xf32, #tpu.memory_space<hbm>>) dst(%arg11 : memref<128x64xf32, #tpu.memory_space<vmem>>)
      tpu.yield
    }) : () -> ()
    %dma_start3A_58 = arith.constant 0 : i32
    %dma_start3A_59 = tpu.memref_slice %arg18[%add3A_57, %dma_start3A_58] : memref<10240x64xf32, #tpu.memory_space<vmem_shared>> -> memref<128x64xf32, #tpu.memory_space<vmem_shared>>
    %dma_start3A_60 = arith.constant 0 : i32
    %dma_start3A_61 = tpu.memref_slice %arg18[%add3A_57, %dma_start3A_60] : memref<10240x64xf32, #tpu.memory_space<vmem_shared>> -> memref<128x64xf32, #tpu.memory_space<vmem_shared>>
    tpu.enqueue_dma source(%arg11 : memref<128x64xf32, #tpu.memory_space<vmem>>) target(%dma_start3A_61 : memref<128x64xf32, #tpu.memory_space<vmem_shared>>) target_semaphore(%arg17 : memref<!tpu.dma_semaphore, #tpu.memory_space<semaphore_mem>>)
    %mul3A_62 = arith.constant 640 : i32
    %mul3A_63 = arith.muli %arg1, %mul3A_62 : i32
    %add3A_64 = arith.constant 256 : i32
    %add3A_65 = arith.addi %mul3A_63, %add3A_64 : i32
    %sub3A = arith.constant 256 : i32
    %sub3A_66 = arith.subi %add3A_65, %sub3A : i32
    %dma_wait3A = arith.constant 0 : i32
    %dma_wait3A_67 = tpu.memref_slice %arg18[%sub3A_66, %dma_wait3A] : memref<10240x64xf32, #tpu.memory_space<vmem_shared>> -> memref<128x64xf32, #tpu.memory_space<vmem_shared>>
    %dma_wait3A_68 = arith.constant 0 : i32
    %dma_wait3A_69 = tpu.memref_slice %arg18[%sub3A_66, %dma_wait3A_68] : memref<10240x64xf32, #tpu.memory_space<vmem_shared>> -> memref<128x64xf32, #tpu.memory_space<vmem_shared>>
    tpu.wait_dma2 semaphore(%arg16 : memref<!tpu.dma_semaphore, #tpu.memory_space<semaphore_mem>>) src(%arg10 : memref<128x64xf32, #tpu.memory_space<vmem>>) dst(%dma_wait3A_69 : memref<128x64xf32, #tpu.memory_space<vmem_shared>>)
    "tpu.region"() ({
      %run_scoped3A = tpu.sem_alloc : memref<!tpu.dma_semaphore, #tpu.memory_space<semaphore_mem>>
      %dma_start3A_277 = arith.constant 0 : i32
      %dma_start3A_278 = tpu.memref_slice %arg2[%arg0, %add3A_65, %dma_start3A_277] : memref<2x10240x64xf32, #tpu.memory_space<hbm>> -> memref<1x128x64xf32, #tpu.memory_space<hbm>>
      %dma_start3A_279 = tpu.memref_squeeze %dma_start3A_278 : memref<1x128x64xf32, #tpu.memory_space<hbm>> -> memref<128x64xf32, #tpu.memory_space<hbm>>
      %dma_start3A_280 = arith.constant 0 : i32
      %dma_start3A_281 = tpu.memref_slice %arg2[%arg0, %add3A_65, %dma_start3A_280] : memref<2x10240x64xf32, #tpu.memory_space<hbm>> -> memref<1x128x64xf32, #tpu.memory_space<hbm>>
      %dma_start3A_282 = tpu.memref_squeeze %dma_start3A_281 : memref<1x128x64xf32, #tpu.memory_space<hbm>> -> memref<128x64xf32, #tpu.memory_space<hbm>>
      tpu.enqueue_dma source(%dma_start3A_282 : memref<128x64xf32, #tpu.memory_space<hbm>>) target(%arg10 : memref<128x64xf32, #tpu.memory_space<vmem>>) target_semaphore(%run_scoped3A : memref<!tpu.dma_semaphore, #tpu.memory_space<semaphore_mem>>)
      %dma_wait3A_283 = arith.constant 0 : i32
      %dma_wait3A_284 = tpu.memref_slice %arg2[%arg0, %add3A_65, %dma_wait3A_283] : memref<2x10240x64xf32, #tpu.memory_space<hbm>> -> memref<1x128x64xf32, #tpu.memory_space<hbm>>
      %dma_wait3A_285 = tpu.memref_squeeze %dma_wait3A_284 : memref<1x128x64xf32, #tpu.memory_space<hbm>> -> memref<128x64xf32, #tpu.memory_space<hbm>>
      %dma_wait3A_286 = arith.constant 0 : i32
      %dma_wait3A_287 = tpu.memref_slice %arg2[%arg0, %add3A_65, %dma_wait3A_286] : memref<2x10240x64xf32, #tpu.memory_space<hbm>> -> memref<1x128x64xf32, #tpu.memory_space<hbm>>
      %dma_wait3A_288 = tpu.memref_squeeze %dma_wait3A_287 : memref<1x128x64xf32, #tpu.memory_space<hbm>> -> memref<128x64xf32, #tpu.memory_space<hbm>>
      tpu.wait_dma2 semaphore(%run_scoped3A : memref<!tpu.dma_semaphore, #tpu.memory_space<semaphore_mem>>) src(%dma_wait3A_288 : memref<128x64xf32, #tpu.memory_space<hbm>>) dst(%arg10 : memref<128x64xf32, #tpu.memory_space<vmem>>)
      tpu.yield
    }) : () -> ()
    %dma_start3A_70 = arith.constant 0 : i32
    %dma_start3A_71 = tpu.memref_slice %arg18[%add3A_65, %dma_start3A_70] : memref<10240x64xf32, #tpu.memory_space<vmem_shared>> -> memref<128x64xf32, #tpu.memory_space<vmem_shared>>
    %dma_start3A_72 = arith.constant 0 : i32
    %dma_start3A_73 = tpu.memref_slice %arg18[%add3A_65, %dma_start3A_72] : memref<10240x64xf32, #tpu.memory_space<vmem_shared>> -> memref<128x64xf32, #tpu.memory_space<vmem_shared>>
    tpu.enqueue_dma source(%arg10 : memref<128x64xf32, #tpu.memory_space<vmem>>) target(%dma_start3A_73 : memref<128x64xf32, #tpu.memory_space<vmem_shared>>) target_semaphore(%arg16 : memref<!tpu.dma_semaphore, #tpu.memory_space<semaphore_mem>>)
    %mul3A_74 = arith.constant 640 : i32
    %mul3A_75 = arith.muli %arg1, %mul3A_74 : i32
    %add3A_76 = arith.constant 384 : i32
    %add3A_77 = arith.addi %mul3A_75, %add3A_76 : i32
    %sub3A_78 = arith.constant 256 : i32
    %sub3A_79 = arith.subi %add3A_77, %sub3A_78 : i32
    %dma_wait3A_80 = arith.constant 0 : i32
    %dma_wait3A_81 = tpu.memref_slice %arg18[%sub3A_79, %dma_wait3A_80] : memref<10240x64xf32, #tpu.memory_space<vmem_shared>> -> memref<128x64xf32, #tpu.memory_space<vmem_shared>>
    %dma_wait3A_82 = arith.constant 0 : i32
    %dma_wait3A_83 = tpu.memref_slice %arg18[%sub3A_79, %dma_wait3A_82] : memref<10240x64xf32, #tpu.memory_space<vmem_shared>> -> memref<128x64xf32, #tpu.memory_space<vmem_shared>>
    tpu.wait_dma2 semaphore(%arg17 : memref<!tpu.dma_semaphore, #tpu.memory_space<semaphore_mem>>) src(%arg11 : memref<128x64xf32, #tpu.memory_space<vmem>>) dst(%dma_wait3A_83 : memref<128x64xf32, #tpu.memory_space<vmem_shared>>)
    "tpu.region"() ({
      %run_scoped3A = tpu.sem_alloc : memref<!tpu.dma_semaphore, #tpu.memory_space<semaphore_mem>>
      %dma_start3A_277 = arith.constant 0 : i32
      %dma_start3A_278 = tpu.memref_slice %arg2[%arg0, %add3A_77, %dma_start3A_277] : memref<2x10240x64xf32, #tpu.memory_space<hbm>> -> memref<1x128x64xf32, #tpu.memory_space<hbm>>
      %dma_start3A_279 = tpu.memref_squeeze %dma_start3A_278 : memref<1x128x64xf32, #tpu.memory_space<hbm>> -> memref<128x64xf32, #tpu.memory_space<hbm>>
      %dma_start3A_280 = arith.constant 0 : i32
      %dma_start3A_281 = tpu.memref_slice %arg2[%arg0, %add3A_77, %dma_start3A_280] : memref<2x10240x64xf32, #tpu.memory_space<hbm>> -> memref<1x128x64xf32, #tpu.memory_space<hbm>>
      %dma_start3A_282 = tpu.memref_squeeze %dma_start3A_281 : memref<1x128x64xf32, #tpu.memory_space<hbm>> -> memref<128x64xf32, #tpu.memory_space<hbm>>
      tpu.enqueue_dma source(%dma_start3A_282 : memref<128x64xf32, #tpu.memory_space<hbm>>) target(%arg11 : memref<128x64xf32, #tpu.memory_space<vmem>>) target_semaphore(%run_scoped3A : memref<!tpu.dma_semaphore, #tpu.memory_space<semaphore_mem>>)
      %dma_wait3A_283 = arith.constant 0 : i32
      %dma_wait3A_284 = tpu.memref_slice %arg2[%arg0, %add3A_77, %dma_wait3A_283] : memref<2x10240x64xf32, #tpu.memory_space<hbm>> -> memref<1x128x64xf32, #tpu.memory_space<hbm>>
      %dma_wait3A_285 = tpu.memref_squeeze %dma_wait3A_284 : memref<1x128x64xf32, #tpu.memory_space<hbm>> -> memref<128x64xf32, #tpu.memory_space<hbm>>
      %dma_wait3A_286 = arith.constant 0 : i32
      %dma_wait3A_287 = tpu.memref_slice %arg2[%arg0, %add3A_77, %dma_wait3A_286] : memref<2x10240x64xf32, #tpu.memory_space<hbm>> -> memref<1x128x64xf32, #tpu.memory_space<hbm>>
      %dma_wait3A_288 = tpu.memref_squeeze %dma_wait3A_287 : memref<1x128x64xf32, #tpu.memory_space<hbm>> -> memref<128x64xf32, #tpu.memory_space<hbm>>
      tpu.wait_dma2 semaphore(%run_scoped3A : memref<!tpu.dma_semaphore, #tpu.memory_space<semaphore_mem>>) src(%dma_wait3A_288 : memref<128x64xf32, #tpu.memory_space<hbm>>) dst(%arg11 : memref<128x64xf32, #tpu.memory_space<vmem>>)
      tpu.yield
    }) : () -> ()
    %dma_start3A_84 = arith.constant 0 : i32
    %dma_start3A_85 = tpu.memref_slice %arg18[%add3A_77, %dma_start3A_84] : memref<10240x64xf32, #tpu.memory_space<vmem_shared>> -> memref<128x64xf32, #tpu.memory_space<vmem_shared>>
    %dma_start3A_86 = arith.constant 0 : i32
    %dma_start3A_87 = tpu.memref_slice %arg18[%add3A_77, %dma_start3A_86] : memref<10240x64xf32, #tpu.memory_space<vmem_shared>> -> memref<128x64xf32, #tpu.memory_space<vmem_shared>>
    tpu.enqueue_dma source(%arg11 : memref<128x64xf32, #tpu.memory_space<vmem>>) target(%dma_start3A_87 : memref<128x64xf32, #tpu.memory_space<vmem_shared>>) target_semaphore(%arg17 : memref<!tpu.dma_semaphore, #tpu.memory_space<semaphore_mem>>)
    %mul3A_88 = arith.constant 640 : i32
    %mul3A_89 = arith.muli %arg1, %mul3A_88 : i32
    %add3A_90 = arith.constant 512 : i32
    %add3A_91 = arith.addi %mul3A_89, %add3A_90 : i32
    %sub3A_92 = arith.constant 256 : i32
    %sub3A_93 = arith.subi %add3A_91, %sub3A_92 : i32
    %dma_wait3A_94 = arith.constant 0 : i32
    %dma_wait3A_95 = tpu.memref_slice %arg18[%sub3A_93, %dma_wait3A_94] : memref<10240x64xf32, #tpu.memory_space<vmem_shared>> -> memref<128x64xf32, #tpu.memory_space<vmem_shared>>
    %dma_wait3A_96 = arith.constant 0 : i32
    %dma_wait3A_97 = tpu.memref_slice %arg18[%sub3A_93, %dma_wait3A_96] : memref<10240x64xf32, #tpu.memory_space<vmem_shared>> -> memref<128x64xf32, #tpu.memory_space<vmem_shared>>
    tpu.wait_dma2 semaphore(%arg16 : memref<!tpu.dma_semaphore, #tpu.memory_space<semaphore_mem>>) src(%arg10 : memref<128x64xf32, #tpu.memory_space<vmem>>) dst(%dma_wait3A_97 : memref<128x64xf32, #tpu.memory_space<vmem_shared>>)
    "tpu.region"() ({
      %run_scoped3A = tpu.sem_alloc : memref<!tpu.dma_semaphore, #tpu.memory_space<semaphore_mem>>
      %dma_start3A_277 = arith.constant 0 : i32
      %dma_start3A_278 = tpu.memref_slice %arg2[%arg0, %add3A_91, %dma_start3A_277] : memref<2x10240x64xf32, #tpu.memory_space<hbm>> -> memref<1x128x64xf32, #tpu.memory_space<hbm>>
      %dma_start3A_279 = tpu.memref_squeeze %dma_start3A_278 : memref<1x128x64xf32, #tpu.memory_space<hbm>> -> memref<128x64xf32, #tpu.memory_space<hbm>>
      %dma_start3A_280 = arith.constant 0 : i32
      %dma_start3A_281 = tpu.memref_slice %arg2[%arg0, %add3A_91, %dma_start3A_280] : memref<2x10240x64xf32, #tpu.memory_space<hbm>> -> memref<1x128x64xf32, #tpu.memory_space<hbm>>
      %dma_start3A_282 = tpu.memref_squeeze %dma_start3A_281 : memref<1x128x64xf32, #tpu.memory_space<hbm>> -> memref<128x64xf32, #tpu.memory_space<hbm>>
      tpu.enqueue_dma source(%dma_start3A_282 : memref<128x64xf32, #tpu.memory_space<hbm>>) target(%arg10 : memref<128x64xf32, #tpu.memory_space<vmem>>) target_semaphore(%run_scoped3A : memref<!tpu.dma_semaphore, #tpu.memory_space<semaphore_mem>>)
      %dma_wait3A_283 = arith.constant 0 : i32
      %dma_wait3A_284 = tpu.memref_slice %arg2[%arg0, %add3A_91, %dma_wait3A_283] : memref<2x10240x64xf32, #tpu.memory_space<hbm>> -> memref<1x128x64xf32, #tpu.memory_space<hbm>>
      %dma_wait3A_285 = tpu.memref_squeeze %dma_wait3A_284 : memref<1x128x64xf32, #tpu.memory_space<hbm>> -> memref<128x64xf32, #tpu.memory_space<hbm>>
      %dma_wait3A_286 = arith.constant 0 : i32
      %dma_wait3A_287 = tpu.memref_slice %arg2[%arg0, %add3A_91, %dma_wait3A_286] : memref<2x10240x64xf32, #tpu.memory_space<hbm>> -> memref<1x128x64xf32, #tpu.memory_space<hbm>>
      %dma_wait3A_288 = tpu.memref_squeeze %dma_wait3A_287 : memref<1x128x64xf32, #tpu.memory_space<hbm>> -> memref<128x64xf32, #tpu.memory_space<hbm>>
      tpu.wait_dma2 semaphore(%run_scoped3A : memref<!tpu.dma_semaphore, #tpu.memory_space<semaphore_mem>>) src(%dma_wait3A_288 : memref<128x64xf32, #tpu.memory_space<hbm>>) dst(%arg10 : memref<128x64xf32, #tpu.memory_space<vmem>>)
      tpu.yield
    }) : () -> ()
    %dma_start3A_98 = arith.constant 0 : i32
    %dma_start3A_99 = tpu.memref_slice %arg18[%add3A_91, %dma_start3A_98] : memref<10240x64xf32, #tpu.memory_space<vmem_shared>> -> memref<128x64xf32, #tpu.memory_space<vmem_shared>>
    %dma_start3A_100 = arith.constant 0 : i32
    %dma_start3A_101 = tpu.memref_slice %arg18[%add3A_91, %dma_start3A_100] : memref<10240x64xf32, #tpu.memory_space<vmem_shared>> -> memref<128x64xf32, #tpu.memory_space<vmem_shared>>
    tpu.enqueue_dma source(%arg10 : memref<128x64xf32, #tpu.memory_space<vmem>>) target(%dma_start3A_101 : memref<128x64xf32, #tpu.memory_space<vmem_shared>>) target_semaphore(%arg16 : memref<!tpu.dma_semaphore, #tpu.memory_space<semaphore_mem>>)
    %dma_wait3A_102 = arith.constant 0 : i32
    %dma_wait3A_103 = arith.constant 0 : i32
    %dma_wait3A_104 = tpu.memref_slice %arg18[%dma_wait3A_102, %dma_wait3A_103] : memref<10240x64xf32, #tpu.memory_space<vmem_shared>> -> memref<128x64xf32, #tpu.memory_space<vmem_shared>>
    %dma_wait3A_105 = arith.constant 0 : i32
    %dma_wait3A_106 = arith.constant 0 : i32
    %dma_wait3A_107 = tpu.memref_slice %arg18[%dma_wait3A_105, %dma_wait3A_106] : memref<10240x64xf32, #tpu.memory_space<vmem_shared>> -> memref<128x64xf32, #tpu.memory_space<vmem_shared>>
    tpu.wait_dma2 semaphore(%arg17 : memref<!tpu.dma_semaphore, #tpu.memory_space<semaphore_mem>>) src(%arg11 : memref<128x64xf32, #tpu.memory_space<vmem>>) dst(%dma_wait3A_107 : memref<128x64xf32, #tpu.memory_space<vmem_shared>>)
    %dma_wait3A_108 = arith.constant 0 : i32
    %dma_wait3A_109 = arith.constant 0 : i32
    %dma_wait3A_110 = tpu.memref_slice %arg18[%dma_wait3A_108, %dma_wait3A_109] : memref<10240x64xf32, #tpu.memory_space<vmem_shared>> -> memref<128x64xf32, #tpu.memory_space<vmem_shared>>
    %dma_wait3A_111 = arith.constant 0 : i32
    %dma_wait3A_112 = arith.constant 0 : i32
    %dma_wait3A_113 = tpu.memref_slice %arg18[%dma_wait3A_111, %dma_wait3A_112] : memref<10240x64xf32, #tpu.memory_space<vmem_shared>> -> memref<128x64xf32, #tpu.memory_space<vmem_shared>>
    tpu.wait_dma2 semaphore(%arg16 : memref<!tpu.dma_semaphore, #tpu.memory_space<semaphore_mem>>) src(%arg10 : memref<128x64xf32, #tpu.memory_space<vmem>>) dst(%dma_wait3A_113 : memref<128x64xf32, #tpu.memory_space<vmem_shared>>)
    %mul3A_114 = arith.constant 640 : i32
    %mul3A_115 = arith.muli %arg1, %mul3A_114 : i32
    %dma_wait3A_116 = arith.constant 0 : i32
    %dma_wait3A_117 = tpu.memref_slice %arg19[%mul3A_115, %dma_wait3A_116] : memref<10240x64xf32, #tpu.memory_space<vmem_shared>> -> memref<128x64xf32, #tpu.memory_space<vmem_shared>>
    %dma_wait3A_118 = arith.constant 0 : i32
    %dma_wait3A_119 = tpu.memref_slice %arg19[%mul3A_115, %dma_wait3A_118] : memref<10240x64xf32, #tpu.memory_space<vmem_shared>> -> memref<128x64xf32, #tpu.memory_space<vmem_shared>>
    tpu.wait_dma2 semaphore(%arg12 : memref<!tpu.dma_semaphore, #tpu.memory_space<semaphore_mem>>) src(%arg9 : memref<128x64xf32, #tpu.memory_space<vmem>>) dst(%dma_wait3A_119 : memref<128x64xf32, #tpu.memory_space<vmem_shared>>)
    %mul3A_120 = arith.constant 640 : i32
    %mul3A_121 = arith.muli %arg1, %mul3A_120 : i32
    %dma_wait3A_122 = arith.constant 0 : i32
    %dma_wait3A_123 = tpu.memref_slice %arg19[%mul3A_121, %dma_wait3A_122] : memref<10240x64xf32, #tpu.memory_space<vmem_shared>> -> memref<128x64xf32, #tpu.memory_space<vmem_shared>>
    %dma_wait3A_124 = arith.constant 0 : i32
    %dma_wait3A_125 = tpu.memref_slice %arg19[%mul3A_121, %dma_wait3A_124] : memref<10240x64xf32, #tpu.memory_space<vmem_shared>> -> memref<128x64xf32, #tpu.memory_space<vmem_shared>>
    tpu.wait_dma2 semaphore(%arg12 : memref<!tpu.dma_semaphore, #tpu.memory_space<semaphore_mem>>) src(%arg9 : memref<128x64xf32, #tpu.memory_space<vmem>>) dst(%dma_wait3A_125 : memref<128x64xf32, #tpu.memory_space<vmem_shared>>)
    %mul3A_126 = arith.constant 640 : i32
    %mul3A_127 = arith.muli %arg1, %mul3A_126 : i32
    %dma_wait3A_128 = arith.constant 0 : i32
    %dma_wait3A_129 = tpu.memref_slice %arg19[%mul3A_127, %dma_wait3A_128] : memref<10240x64xf32, #tpu.memory_space<vmem_shared>> -> memref<128x64xf32, #tpu.memory_space<vmem_shared>>
    %dma_wait3A_130 = arith.constant 0 : i32
    %dma_wait3A_131 = tpu.memref_slice %arg19[%mul3A_127, %dma_wait3A_130] : memref<10240x64xf32, #tpu.memory_space<vmem_shared>> -> memref<128x64xf32, #tpu.memory_space<vmem_shared>>
    tpu.wait_dma2 semaphore(%arg12 : memref<!tpu.dma_semaphore, #tpu.memory_space<semaphore_mem>>) src(%arg9 : memref<128x64xf32, #tpu.memory_space<vmem>>) dst(%dma_wait3A_131 : memref<128x64xf32, #tpu.memory_space<vmem_shared>>)
    %mul3A_132 = arith.constant 640 : i32
    %mul3A_133 = arith.muli %arg1, %mul3A_132 : i32
    %dma_wait3A_134 = arith.constant 0 : i32
    %dma_wait3A_135 = tpu.memref_slice %arg19[%mul3A_133, %dma_wait3A_134] : memref<10240x64xf32, #tpu.memory_space<vmem_shared>> -> memref<128x64xf32, #tpu.memory_space<vmem_shared>>
    %dma_wait3A_136 = arith.constant 0 : i32
    %dma_wait3A_137 = tpu.memref_slice %arg19[%mul3A_133, %dma_wait3A_136] : memref<10240x64xf32, #tpu.memory_space<vmem_shared>> -> memref<128x64xf32, #tpu.memory_space<vmem_shared>>
    tpu.wait_dma2 semaphore(%arg12 : memref<!tpu.dma_semaphore, #tpu.memory_space<semaphore_mem>>) src(%arg9 : memref<128x64xf32, #tpu.memory_space<vmem>>) dst(%dma_wait3A_137 : memref<128x64xf32, #tpu.memory_space<vmem_shared>>)
    %mul3A_138 = arith.constant 640 : i32
    %mul3A_139 = arith.muli %arg1, %mul3A_138 : i32
    %dma_wait3A_140 = arith.constant 0 : i32
    %dma_wait3A_141 = tpu.memref_slice %arg19[%mul3A_139, %dma_wait3A_140] : memref<10240x64xf32, #tpu.memory_space<vmem_shared>> -> memref<128x64xf32, #tpu.memory_space<vmem_shared>>
    %dma_wait3A_142 = arith.constant 0 : i32
    %dma_wait3A_143 = tpu.memref_slice %arg19[%mul3A_139, %dma_wait3A_142] : memref<10240x64xf32, #tpu.memory_space<vmem_shared>> -> memref<128x64xf32, #tpu.memory_space<vmem_shared>>
    tpu.wait_dma2 semaphore(%arg12 : memref<!tpu.dma_semaphore, #tpu.memory_space<semaphore_mem>>) src(%arg9 : memref<128x64xf32, #tpu.memory_space<vmem>>) dst(%dma_wait3A_143 : memref<128x64xf32, #tpu.memory_space<vmem_shared>>)
    %barrier3A = arith.constant 0 : index
    tpu.barrier barrier_id(%barrier3A)
    %dma_start3A_144 = arith.constant 0 : i32
    %dma_start3A_145 = arith.constant 0 : i32
    %dma_start3A_146 = tpu.memref_slice %arg8[%dma_start3A_144, %dma_start3A_145] : memref<1x128xi32, #tpu.memory_space<vmem>> -> memref<1x128xi32, #tpu.memory_space<vmem>>
    %dma_start3A_147 = tpu.memref_squeeze %dma_start3A_146 : memref<1x128xi32, #tpu.memory_space<vmem>> -> memref<128xi32, #tpu.memory_space<vmem>>
    %dma_start3A_148 = arith.constant 0 : i32
    %dma_start3A_149 = arith.constant 0 : i32
    %dma_start3A_150 = tpu.memref_slice %arg19[%dma_start3A_148, %dma_start3A_149] : memref<10240x64xf32, #tpu.memory_space<vmem_shared>> -> memref<10240x64xf32, #tpu.memory_space<vmem_shared>>
    tpu.enqueue_indirect_dma source(%arg9 : memref<128x64xf32, #tpu.memory_space<vmem>>) target(%dma_start3A_150 : memref<10240x64xf32, #tpu.memory_space<vmem_shared>>) offsets(%dma_start3A_147 : memref<128xi32, #tpu.memory_space<vmem>>) semaphore(%arg12 : memref<!tpu.dma_semaphore, #tpu.memory_space<semaphore_mem>>) {add = true}
    %dma_start3A_151 = arith.constant 0 : i32
    %dma_start3A_152 = arith.constant 0 : i32
    %dma_start3A_153 = tpu.memref_slice %arg8[%dma_start3A_151, %dma_start3A_152] : memref<1x128xi32, #tpu.memory_space<vmem>> -> memref<1x128xi32, #tpu.memory_space<vmem>>
    %dma_start3A_154 = tpu.memref_squeeze %dma_start3A_153 : memref<1x128xi32, #tpu.memory_space<vmem>> -> memref<128xi32, #tpu.memory_space<vmem>>
    %dma_start3A_155 = arith.constant 0 : i32
    %dma_start3A_156 = arith.constant 0 : i32
    %dma_start3A_157 = tpu.memref_slice %arg19[%dma_start3A_155, %dma_start3A_156] : memref<10240x64xf32, #tpu.memory_space<vmem_shared>> -> memref<10240x64xf32, #tpu.memory_space<vmem_shared>>
    tpu.enqueue_indirect_dma source(%arg10 : memref<128x64xf32, #tpu.memory_space<vmem>>) target(%dma_start3A_157 : memref<10240x64xf32, #tpu.memory_space<vmem_shared>>) offsets(%dma_start3A_154 : memref<128xi32, #tpu.memory_space<vmem>>) semaphore(%arg13 : memref<!tpu.dma_semaphore, #tpu.memory_space<semaphore_mem>>) {add = true}
    %dma_start3A_158 = arith.constant 0 : i32
    %dma_start3A_159 = arith.constant 0 : i32
    %dma_start3A_160 = tpu.memref_slice %arg8[%dma_start3A_158, %dma_start3A_159] : memref<1x128xi32, #tpu.memory_space<vmem>> -> memref<1x128xi32, #tpu.memory_space<vmem>>
    %dma_start3A_161 = tpu.memref_squeeze %dma_start3A_160 : memref<1x128xi32, #tpu.memory_space<vmem>> -> memref<128xi32, #tpu.memory_space<vmem>>
    %dma_start3A_162 = arith.constant 0 : i32
    %dma_start3A_163 = arith.constant 0 : i32
    %dma_start3A_164 = tpu.memref_slice %arg19[%dma_start3A_162, %dma_start3A_163] : memref<10240x64xf32, #tpu.memory_space<vmem_shared>> -> memref<10240x64xf32, #tpu.memory_space<vmem_shared>>
    tpu.enqueue_indirect_dma source(%arg11 : memref<128x64xf32, #tpu.memory_space<vmem>>) target(%dma_start3A_164 : memref<10240x64xf32, #tpu.memory_space<vmem_shared>>) offsets(%dma_start3A_161 : memref<128xi32, #tpu.memory_space<vmem>>) semaphore(%arg14 : memref<!tpu.dma_semaphore, #tpu.memory_space<semaphore_mem>>) {add = true}
    %scan3A_165 = arith.constant 0 : i32
    %scan3A_166 = arith.constant 5 : i32
    %scan3A_167 = arith.addi %scan3A_165, %scan3A_166 : i32
    %scan3A_168 = arith.constant 1 : i32
    scf.for %scan3A_277 = %scan3A_165 to %scan3A_167 step %scan3A_168  : i32 {
      %mul3A_278 = arith.constant 1 : i32
      %mul3A_279 = arith.muli %scan3A_277, %mul3A_278 : i32
      %add3A_280 = arith.constant 0 : i32
      %add3A_281 = arith.addi %add3A_280, %mul3A_279 : i32
      %mul3A_282 = arith.constant 2 : i32
      %mul3A_283 = arith.muli %mul3A_282, %add3A_281 : i32
      %mul3A_284 = arith.constant 16 : i32
      %mul3A_285 = arith.muli %mul3A_283, %mul3A_284 : i32
      "tpu.region"() ({
        %run_scoped3A = tpu.sem_alloc : memref<!tpu.dma_semaphore, #tpu.memory_space<semaphore_mem>>
        %dma_start3A_1160 = arith.constant 0 : i32
        %dma_start3A_1161 = tpu.memref_slice %arg3[%arg1, %mul3A_285, %dma_start3A_1160] : memref<16x160x128xi32, #tpu.memory_space<hbm>> -> memref<1x16x128xi32, #tpu.memory_space<hbm>>
        %dma_start3A_1162 = tpu.memref_squeeze %dma_start3A_1161 : memref<1x16x128xi32, #tpu.memory_space<hbm>> -> memref<16x128xi32, #tpu.memory_space<hbm>>
        %dma_start3A_1163 = arith.constant 0 : i32
        %dma_start3A_1164 = tpu.memref_slice %arg3[%arg1, %mul3A_285, %dma_start3A_1163] : memref<16x160x128xi32, #tpu.memory_space<hbm>> -> memref<1x16x128xi32, #tpu.memory_space<hbm>>
        %dma_start3A_1165 = tpu.memref_squeeze %dma_start3A_1164 : memref<1x16x128xi32, #tpu.memory_space<hbm>> -> memref<16x128xi32, #tpu.memory_space<hbm>>
        tpu.enqueue_dma source(%dma_start3A_1165 : memref<16x128xi32, #tpu.memory_space<hbm>>) target(%arg6 : memref<16x128xi32, #tpu.memory_space<vmem>>) target_semaphore(%run_scoped3A : memref<!tpu.dma_semaphore, #tpu.memory_space<semaphore_mem>>)
        %dma_wait3A_1166 = arith.constant 0 : i32
        %dma_wait3A_1167 = tpu.memref_slice %arg3[%arg1, %mul3A_285, %dma_wait3A_1166] : memref<16x160x128xi32, #tpu.memory_space<hbm>> -> memref<1x16x128xi32, #tpu.memory_space<hbm>>
        %dma_wait3A_1168 = tpu.memref_squeeze %dma_wait3A_1167 : memref<1x16x128xi32, #tpu.memory_space<hbm>> -> memref<16x128xi32, #tpu.memory_space<hbm>>
        %dma_wait3A_1169 = arith.constant 0 : i32
        %dma_wait3A_1170 = tpu.memref_slice %arg3[%arg1, %mul3A_285, %dma_wait3A_1169] : memref<16x160x128xi32, #tpu.memory_space<hbm>> -> memref<1x16x128xi32, #tpu.memory_space<hbm>>
        %dma_wait3A_1171 = tpu.memref_squeeze %dma_wait3A_1170 : memref<1x16x128xi32, #tpu.memory_space<hbm>> -> memref<16x128xi32, #tpu.memory_space<hbm>>
        tpu.wait_dma2 semaphore(%run_scoped3A : memref<!tpu.dma_semaphore, #tpu.memory_space<semaphore_mem>>) src(%dma_wait3A_1171 : memref<16x128xi32, #tpu.memory_space<hbm>>) dst(%arg6 : memref<16x128xi32, #tpu.memory_space<vmem>>)
        tpu.yield
      }) : () -> ()
      %mul3A_286 = arith.constant 16 : i32
      %mul3A_287 = arith.muli %mul3A_283, %mul3A_286 : i32
      "tpu.region"() ({
        %run_scoped3A = tpu.sem_alloc : memref<!tpu.dma_semaphore, #tpu.memory_space<semaphore_mem>>
        %dma_start3A_1160 = arith.constant 0 : i32
        %dma_start3A_1161 = arith.constant 0 : i32
        %dma_start3A_1162 = tpu.memref_slice %arg7[%dma_start3A_1160, %dma_start3A_1161] : memref<32x128xi32, #tpu.memory_space<vmem>> -> memref<16x128xi32, #tpu.memory_space<vmem>>
        %dma_start3A_1163 = arith.constant 0 : i32
        %dma_start3A_1164 = tpu.memref_slice %arg4[%arg1, %mul3A_287, %dma_start3A_1163] : memref<16x160x128xi32, #tpu.memory_space<hbm>> -> memref<1x16x128xi32, #tpu.memory_space<hbm>>
        %dma_start3A_1165 = tpu.memref_squeeze %dma_start3A_1164 : memref<1x16x128xi32, #tpu.memory_space<hbm>> -> memref<16x128xi32, #tpu.memory_space<hbm>>
        %dma_start3A_1166 = arith.constant 0 : i32
        %dma_start3A_1167 = arith.constant 0 : i32
        %dma_start3A_1168 = tpu.memref_slice %arg7[%dma_start3A_1166, %dma_start3A_1167] : memref<32x128xi32, #tpu.memory_space<vmem>> -> memref<16x128xi32, #tpu.memory_space<vmem>>
        %dma_start3A_1169 = arith.constant 0 : i32
        %dma_start3A_1170 = tpu.memref_slice %arg4[%arg1, %mul3A_287, %dma_start3A_1169] : memref<16x160x128xi32, #tpu.memory_space<hbm>> -> memref<1x16x128xi32, #tpu.memory_space<hbm>>
        %dma_start3A_1171 = tpu.memref_squeeze %dma_start3A_1170 : memref<1x16x128xi32, #tpu.memory_space<hbm>> -> memref<16x128xi32, #tpu.memory_space<hbm>>
        tpu.enqueue_dma source(%dma_start3A_1171 : memref<16x128xi32, #tpu.memory_space<hbm>>) target(%dma_start3A_1168 : memref<16x128xi32, #tpu.memory_space<vmem>>) target_semaphore(%run_scoped3A : memref<!tpu.dma_semaphore, #tpu.memory_space<semaphore_mem>>)
        %dma_wait3A_1172 = arith.constant 0 : i32
        %dma_wait3A_1173 = arith.constant 0 : i32
        %dma_wait3A_1174 = tpu.memref_slice %arg7[%dma_wait3A_1172, %dma_wait3A_1173] : memref<32x128xi32, #tpu.memory_space<vmem>> -> memref<16x128xi32, #tpu.memory_space<vmem>>
        %dma_wait3A_1175 = arith.constant 0 : i32
        %dma_wait3A_1176 = tpu.memref_slice %arg4[%arg1, %mul3A_287, %dma_wait3A_1175] : memref<16x160x128xi32, #tpu.memory_space<hbm>> -> memref<1x16x128xi32, #tpu.memory_space<hbm>>
        %dma_wait3A_1177 = tpu.memref_squeeze %dma_wait3A_1176 : memref<1x16x128xi32, #tpu.memory_space<hbm>> -> memref<16x128xi32, #tpu.memory_space<hbm>>
        %dma_wait3A_1178 = arith.constant 0 : i32
        %dma_wait3A_1179 = arith.constant 0 : i32
        %dma_wait3A_1180 = tpu.memref_slice %arg7[%dma_wait3A_1178, %dma_wait3A_1179] : memref<32x128xi32, #tpu.memory_space<vmem>> -> memref<16x128xi32, #tpu.memory_space<vmem>>
        %dma_wait3A_1181 = arith.constant 0 : i32
        %dma_wait3A_1182 = tpu.memref_slice %arg4[%arg1, %mul3A_287, %dma_wait3A_1181] : memref<16x160x128xi32, #tpu.memory_space<hbm>> -> memref<1x16x128xi32, #tpu.memory_space<hbm>>
        %dma_wait3A_1183 = tpu.memref_squeeze %dma_wait3A_1182 : memref<1x16x128xi32, #tpu.memory_space<hbm>> -> memref<16x128xi32, #tpu.memory_space<hbm>>
        tpu.wait_dma2 semaphore(%run_scoped3A : memref<!tpu.dma_semaphore, #tpu.memory_space<semaphore_mem>>) src(%dma_wait3A_1183 : memref<16x128xi32, #tpu.memory_space<hbm>>) dst(%dma_wait3A_1180 : memref<16x128xi32, #tpu.memory_space<vmem>>)
        tpu.yield
      }) : () -> ()
      %dma_wait3A_288 = arith.constant 0 : i32
      %dma_wait3A_289 = arith.constant 0 : i32
      %dma_wait3A_290 = tpu.memref_slice %arg8[%dma_wait3A_288, %dma_wait3A_289] : memref<1x128xi32, #tpu.memory_space<vmem>> -> memref<1x128xi32, #tpu.memory_space<vmem>>
      %dma_wait3A_291 = tpu.memref_squeeze %dma_wait3A_290 : memref<1x128xi32, #tpu.memory_space<vmem>> -> memref<128xi32, #tpu.memory_space<vmem>>
      %dma_wait3A_292 = arith.constant 0 : i32
      %dma_wait3A_293 = arith.constant 0 : i32
      %dma_wait3A_294 = tpu.memref_slice %arg19[%dma_wait3A_292, %dma_wait3A_293] : memref<10240x64xf32, #tpu.memory_space<vmem_shared>> -> memref<10240x64xf32, #tpu.memory_space<vmem_shared>>
      tpu.wait_indirect_dma semaphore(%arg12 : memref<!tpu.dma_semaphore, #tpu.memory_space<semaphore_mem>>) src(%arg9 : memref<128x64xf32, #tpu.memory_space<vmem>>) dst(%dma_wait3A_294 : memref<10240x64xf32, #tpu.memory_space<vmem_shared>>)
      %dma_start3A_295 = arith.constant 0 : i32
      %dma_start3A_296 = arith.constant 0 : i32
      %dma_start3A_297 = tpu.memref_slice %arg6[%dma_start3A_295, %dma_start3A_296] : memref<16x128xi32, #tpu.memory_space<vmem>> -> memref<1x128xi32, #tpu.memory_space<vmem>>
      %dma_start3A_298 = tpu.memref_squeeze %dma_start3A_297 : memref<1x128xi32, #tpu.memory_space<vmem>> -> memref<128xi32, #tpu.memory_space<vmem>>
      %dma_start3A_299 = arith.constant 0 : i32
      %dma_start3A_300 = arith.constant 0 : i32
      %dma_start3A_301 = tpu.memref_slice %arg18[%dma_start3A_299, %dma_start3A_300] : memref<10240x64xf32, #tpu.memory_space<vmem_shared>> -> memref<10240x64xf32, #tpu.memory_space<vmem_shared>>
      tpu.enqueue_indirect_dma source(%dma_start3A_301 : memref<10240x64xf32, #tpu.memory_space<vmem_shared>>) target(%arg9 : memref<128x64xf32, #tpu.memory_space<vmem>>) offsets(%dma_start3A_298 : memref<128xi32, #tpu.memory_space<vmem>>) semaphore(%arg15 : memref<!tpu.dma_semaphore, #tpu.memory_space<semaphore_mem>>)
      %dma_wait3A_302 = arith.constant 0 : i32
      %dma_wait3A_303 = arith.constant 0 : i32
      %dma_wait3A_304 = tpu.memref_slice %arg8[%dma_wait3A_302, %dma_wait3A_303] : memref<1x128xi32, #tpu.memory_space<vmem>> -> memref<1x128xi32, #tpu.memory_space<vmem>>
      %dma_wait3A_305 = tpu.memref_squeeze %dma_wait3A_304 : memref<1x128xi32, #tpu.memory_space<vmem>> -> memref<128xi32, #tpu.memory_space<vmem>>
      %dma_wait3A_306 = arith.constant 0 : i32
      %dma_wait3A_307 = arith.constant 0 : i32
      %dma_wait3A_308 = tpu.memref_slice %arg19[%dma_wait3A_306, %dma_wait3A_307] : memref<10240x64xf32, #tpu.memory_space<vmem_shared>> -> memref<10240x64xf32, #tpu.memory_space<vmem_shared>>
      tpu.wait_indirect_dma semaphore(%arg13 : memref<!tpu.dma_semaphore, #tpu.memory_space<semaphore_mem>>) src(%arg10 : memref<128x64xf32, #tpu.memory_space<vmem>>) dst(%dma_wait3A_308 : memref<10240x64xf32, #tpu.memory_space<vmem_shared>>)
      %dma_start3A_309 = arith.constant 1 : i32
      %dma_start3A_310 = arith.constant 0 : i32
      %dma_start3A_311 = tpu.memref_slice %arg6[%dma_start3A_309, %dma_start3A_310] : memref<16x128xi32, #tpu.memory_space<vmem>> -> memref<1x128xi32, #tpu.memory_space<vmem>>
      %dma_start3A_312 = tpu.memref_squeeze %dma_start3A_311 : memref<1x128xi32, #tpu.memory_space<vmem>> -> memref<128xi32, #tpu.memory_space<vmem>>
      %dma_start3A_313 = arith.constant 0 : i32
      %dma_start3A_314 = arith.constant 0 : i32
      %dma_start3A_315 = tpu.memref_slice %arg18[%dma_start3A_313, %dma_start3A_314] : memref<10240x64xf32, #tpu.memory_space<vmem_shared>> -> memref<10240x64xf32, #tpu.memory_space<vmem_shared>>
      tpu.enqueue_indirect_dma source(%dma_start3A_315 : memref<10240x64xf32, #tpu.memory_space<vmem_shared>>) target(%arg10 : memref<128x64xf32, #tpu.memory_space<vmem>>) offsets(%dma_start3A_312 : memref<128xi32, #tpu.memory_space<vmem>>) semaphore(%arg16 : memref<!tpu.dma_semaphore, #tpu.memory_space<semaphore_mem>>)
      %dma_wait3A_316 = arith.constant 0 : i32
      %dma_wait3A_317 = arith.constant 0 : i32
      %dma_wait3A_318 = tpu.memref_slice %arg8[%dma_wait3A_316, %dma_wait3A_317] : memref<1x128xi32, #tpu.memory_space<vmem>> -> memref<1x128xi32, #tpu.memory_space<vmem>>
      %dma_wait3A_319 = tpu.memref_squeeze %dma_wait3A_318 : memref<1x128xi32, #tpu.memory_space<vmem>> -> memref<128xi32, #tpu.memory_space<vmem>>
      %dma_wait3A_320 = arith.constant 0 : i32
      %dma_wait3A_321 = arith.constant 0 : i32
      %dma_wait3A_322 = tpu.memref_slice %arg19[%dma_wait3A_320, %dma_wait3A_321] : memref<10240x64xf32, #tpu.memory_space<vmem_shared>> -> memref<10240x64xf32, #tpu.memory_space<vmem_shared>>
      tpu.wait_indirect_dma semaphore(%arg14 : memref<!tpu.dma_semaphore, #tpu.memory_space<semaphore_mem>>) src(%arg11 : memref<128x64xf32, #tpu.memory_space<vmem>>) dst(%dma_wait3A_322 : memref<10240x64xf32, #tpu.memory_space<vmem_shared>>)
      %dma_start3A_323 = arith.constant 2 : i32
      %dma_start3A_324 = arith.constant 0 : i32
      %dma_start3A_325 = tpu.memref_slice %arg6[%dma_start3A_323, %dma_start3A_324] : memref<16x128xi32, #tpu.memory_space<vmem>> -> memref<1x128xi32, #tpu.memory_space<vmem>>
      %dma_start3A_326 = tpu.memref_squeeze %dma_start3A_325 : memref<1x128xi32, #tpu.memory_space<vmem>> -> memref<128xi32, #tpu.memory_space<vmem>>
      %dma_start3A_327 = arith.constant 0 : i32
      %dma_start3A_328 = arith.constant 0 : i32
      %dma_start3A_329 = tpu.memref_slice %arg18[%dma_start3A_327, %dma_start3A_328] : memref<10240x64xf32, #tpu.memory_space<vmem_shared>> -> memref<10240x64xf32, #tpu.memory_space<vmem_shared>>
      tpu.enqueue_indirect_dma source(%dma_start3A_329 : memref<10240x64xf32, #tpu.memory_space<vmem_shared>>) target(%arg11 : memref<128x64xf32, #tpu.memory_space<vmem>>) offsets(%dma_start3A_326 : memref<128xi32, #tpu.memory_space<vmem>>) semaphore(%arg17 : memref<!tpu.dma_semaphore, #tpu.memory_space<semaphore_mem>>)
      %dma_wait3A_330 = arith.constant 0 : i32
      %dma_wait3A_331 = arith.constant 0 : i32
      %dma_wait3A_332 = tpu.memref_slice %arg18[%dma_wait3A_330, %dma_wait3A_331] : memref<10240x64xf32, #tpu.memory_space<vmem_shared>> -> memref<128x64xf32, #tpu.memory_space<vmem_shared>>
      %dma_wait3A_333 = arith.constant 0 : i32
      %dma_wait3A_334 = arith.constant 0 : i32
      %dma_wait3A_335 = tpu.memref_slice %arg18[%dma_wait3A_333, %dma_wait3A_334] : memref<10240x64xf32, #tpu.memory_space<vmem_shared>> -> memref<128x64xf32, #tpu.memory_space<vmem_shared>>
      tpu.wait_dma2 semaphore(%arg15 : memref<!tpu.dma_semaphore, #tpu.memory_space<semaphore_mem>>) src(%dma_wait3A_335 : memref<128x64xf32, #tpu.memory_space<vmem_shared>>) dst(%arg9 : memref<128x64xf32, #tpu.memory_space<vmem>>)
      %dma_start3A_336 = arith.constant 0 : i32
      %dma_start3A_337 = arith.constant 0 : i32
      %dma_start3A_338 = tpu.memref_slice %arg7[%dma_start3A_336, %dma_start3A_337] : memref<32x128xi32, #tpu.memory_space<vmem>> -> memref<1x128xi32, #tpu.memory_space<vmem>>
      %dma_start3A_339 = tpu.memref_squeeze %dma_start3A_338 : memref<1x128xi32, #tpu.memory_space<vmem>> -> memref<128xi32, #tpu.memory_space<vmem>>
      %dma_start3A_340 = arith.constant 0 : i32
      %dma_start3A_341 = arith.constant 0 : i32
      %dma_start3A_342 = tpu.memref_slice %arg19[%dma_start3A_340, %dma_start3A_341] : memref<10240x64xf32, #tpu.memory_space<vmem_shared>> -> memref<10240x64xf32, #tpu.memory_space<vmem_shared>>
      tpu.enqueue_indirect_dma source(%arg9 : memref<128x64xf32, #tpu.memory_space<vmem>>) target(%dma_start3A_342 : memref<10240x64xf32, #tpu.memory_space<vmem_shared>>) offsets(%dma_start3A_339 : memref<128xi32, #tpu.memory_space<vmem>>) semaphore(%arg12 : memref<!tpu.dma_semaphore, #tpu.memory_space<semaphore_mem>>) {add = true}
      %dma_wait3A_343 = arith.constant 0 : i32
      %dma_wait3A_344 = arith.constant 0 : i32
      %dma_wait3A_345 = tpu.memref_slice %arg8[%dma_wait3A_343, %dma_wait3A_344] : memref<1x128xi32, #tpu.memory_space<vmem>> -> memref<1x128xi32, #tpu.memory_space<vmem>>
      %dma_wait3A_346 = tpu.memref_squeeze %dma_wait3A_345 : memref<1x128xi32, #tpu.memory_space<vmem>> -> memref<128xi32, #tpu.memory_space<vmem>>
      %dma_wait3A_347 = arith.constant 0 : i32
      %dma_wait3A_348 = arith.constant 0 : i32
      %dma_wait3A_349 = tpu.memref_slice %arg19[%dma_wait3A_347, %dma_wait3A_348] : memref<10240x64xf32, #tpu.memory_space<vmem_shared>> -> memref<10240x64xf32, #tpu.memory_space<vmem_shared>>
      tpu.wait_indirect_dma semaphore(%arg12 : memref<!tpu.dma_semaphore, #tpu.memory_space<semaphore_mem>>) src(%arg9 : memref<128x64xf32, #tpu.memory_space<vmem>>) dst(%dma_wait3A_349 : memref<10240x64xf32, #tpu.memory_space<vmem_shared>>)
      %dma_start3A_350 = arith.constant 3 : i32
      %dma_start3A_351 = arith.constant 0 : i32
      %dma_start3A_352 = tpu.memref_slice %arg6[%dma_start3A_350, %dma_start3A_351] : memref<16x128xi32, #tpu.memory_space<vmem>> -> memref<1x128xi32, #tpu.memory_space<vmem>>
      %dma_start3A_353 = tpu.memref_squeeze %dma_start3A_352 : memref<1x128xi32, #tpu.memory_space<vmem>> -> memref<128xi32, #tpu.memory_space<vmem>>
      %dma_start3A_354 = arith.constant 0 : i32
      %dma_start3A_355 = arith.constant 0 : i32
      %dma_start3A_356 = tpu.memref_slice %arg18[%dma_start3A_354, %dma_start3A_355] : memref<10240x64xf32, #tpu.memory_space<vmem_shared>> -> memref<10240x64xf32, #tpu.memory_space<vmem_shared>>
      tpu.enqueue_indirect_dma source(%dma_start3A_356 : memref<10240x64xf32, #tpu.memory_space<vmem_shared>>) target(%arg9 : memref<128x64xf32, #tpu.memory_space<vmem>>) offsets(%dma_start3A_353 : memref<128xi32, #tpu.memory_space<vmem>>) semaphore(%arg15 : memref<!tpu.dma_semaphore, #tpu.memory_space<semaphore_mem>>)
      %dma_wait3A_357 = arith.constant 0 : i32
      %dma_wait3A_358 = arith.constant 0 : i32
      %dma_wait3A_359 = tpu.memref_slice %arg18[%dma_wait3A_357, %dma_wait3A_358] : memref<10240x64xf32, #tpu.memory_space<vmem_shared>> -> memref<128x64xf32, #tpu.memory_space<vmem_shared>>
      %dma_wait3A_360 = arith.constant 0 : i32
      %dma_wait3A_361 = arith.constant 0 : i32
      %dma_wait3A_362 = tpu.memref_slice %arg18[%dma_wait3A_360, %dma_wait3A_361] : memref<10240x64xf32, #tpu.memory_space<vmem_shared>> -> memref<128x64xf32, #tpu.memory_space<vmem_shared>>
      tpu.wait_dma2 semaphore(%arg16 : memref<!tpu.dma_semaphore, #tpu.memory_space<semaphore_mem>>) src(%dma_wait3A_362 : memref<128x64xf32, #tpu.memory_space<vmem_shared>>) dst(%arg10 : memref<128x64xf32, #tpu.memory_space<vmem>>)
      %dma_start3A_363 = arith.constant 1 : i32
      %dma_start3A_364 = arith.constant 0 : i32
      %dma_start3A_365 = tpu.memref_slice %arg7[%dma_start3A_363, %dma_start3A_364] : memref<32x128xi32, #tpu.memory_space<vmem>> -> memref<1x128xi32, #tpu.memory_space<vmem>>
      %dma_start3A_366 = tpu.memref_squeeze %dma_start3A_365 : memref<1x128xi32, #tpu.memory_space<vmem>> -> memref<128xi32, #tpu.memory_space<vmem>>
      %dma_start3A_367 = arith.constant 0 : i32
      %dma_start3A_368 = arith.constant 0 : i32
      %dma_start3A_369 = tpu.memref_slice %arg19[%dma_start3A_367, %dma_start3A_368] : memref<10240x64xf32, #tpu.memory_space<vmem_shared>> -> memref<10240x64xf32, #tpu.memory_space<vmem_shared>>
      tpu.enqueue_indirect_dma source(%arg10 : memref<128x64xf32, #tpu.memory_space<vmem>>) target(%dma_start3A_369 : memref<10240x64xf32, #tpu.memory_space<vmem_shared>>) offsets(%dma_start3A_366 : memref<128xi32, #tpu.memory_space<vmem>>) semaphore(%arg13 : memref<!tpu.dma_semaphore, #tpu.memory_space<semaphore_mem>>) {add = true}
      %dma_wait3A_370 = arith.constant 0 : i32
      %dma_wait3A_371 = arith.constant 0 : i32
      %dma_wait3A_372 = tpu.memref_slice %arg8[%dma_wait3A_370, %dma_wait3A_371] : memref<1x128xi32, #tpu.memory_space<vmem>> -> memref<1x128xi32, #tpu.memory_space<vmem>>
      %dma_wait3A_373 = tpu.memref_squeeze %dma_wait3A_372 : memref<1x128xi32, #tpu.memory_space<vmem>> -> memref<128xi32, #tpu.memory_space<vmem>>
      %dma_wait3A_374 = arith.constant 0 : i32
      %dma_wait3A_375 = arith.constant 0 : i32
      %dma_wait3A_376 = tpu.memref_slice %arg19[%dma_wait3A_374, %dma_wait3A_375] : memref<10240x64xf32, #tpu.memory_space<vmem_shared>> -> memref<10240x64xf32, #tpu.memory_space<vmem_shared>>
      tpu.wait_indirect_dma semaphore(%arg13 : memref<!tpu.dma_semaphore, #tpu.memory_space<semaphore_mem>>) src(%arg10 : memref<128x64xf32, #tpu.memory_space<vmem>>) dst(%dma_wait3A_376 : memref<10240x64xf32, #tpu.memory_space<vmem_shared>>)
      %dma_start3A_377 = arith.constant 4 : i32
      %dma_start3A_378 = arith.constant 0 : i32
      %dma_start3A_379 = tpu.memref_slice %arg6[%dma_start3A_377, %dma_start3A_378] : memref<16x128xi32, #tpu.memory_space<vmem>> -> memref<1x128xi32, #tpu.memory_space<vmem>>
      %dma_start3A_380 = tpu.memref_squeeze %dma_start3A_379 : memref<1x128xi32, #tpu.memory_space<vmem>> -> memref<128xi32, #tpu.memory_space<vmem>>
      %dma_start3A_381 = arith.constant 0 : i32
      %dma_start3A_382 = arith.constant 0 : i32
      %dma_start3A_383 = tpu.memref_slice %arg18[%dma_start3A_381, %dma_start3A_382] : memref<10240x64xf32, #tpu.memory_space<vmem_shared>> -> memref<10240x64xf32, #tpu.memory_space<vmem_shared>>
      tpu.enqueue_indirect_dma source(%dma_start3A_383 : memref<10240x64xf32, #tpu.memory_space<vmem_shared>>) target(%arg10 : memref<128x64xf32, #tpu.memory_space<vmem>>) offsets(%dma_start3A_380 : memref<128xi32, #tpu.memory_space<vmem>>) semaphore(%arg16 : memref<!tpu.dma_semaphore, #tpu.memory_space<semaphore_mem>>)
      %dma_wait3A_384 = arith.constant 0 : i32
      %dma_wait3A_385 = arith.constant 0 : i32
      %dma_wait3A_386 = tpu.memref_slice %arg18[%dma_wait3A_384, %dma_wait3A_385] : memref<10240x64xf32, #tpu.memory_space<vmem_shared>> -> memref<128x64xf32, #tpu.memory_space<vmem_shared>>
      %dma_wait3A_387 = arith.constant 0 : i32
      %dma_wait3A_388 = arith.constant 0 : i32
      %dma_wait3A_389 = tpu.memref_slice %arg18[%dma_wait3A_387, %dma_wait3A_388] : memref<10240x64xf32, #tpu.memory_space<vmem_shared>> -> memref<128x64xf32, #tpu.memory_space<vmem_shared>>
      tpu.wait_dma2 semaphore(%arg17 : memref<!tpu.dma_semaphore, #tpu.memory_space<semaphore_mem>>) src(%dma_wait3A_389 : memref<128x64xf32, #tpu.memory_space<vmem_shared>>) dst(%arg11 : memref<128x64xf32, #tpu.memory_space<vmem>>)
      %dma_start3A_390 = arith.constant 2 : i32
      %dma_start3A_391 = arith.constant 0 : i32
      %dma_start3A_392 = tpu.memref_slice %arg7[%dma_start3A_390, %dma_start3A_391] : memref<32x128xi32, #tpu.memory_space<vmem>> -> memref<1x128xi32, #tpu.memory_space<vmem>>
      %dma_start3A_393 = tpu.memref_squeeze %dma_start3A_392 : memref<1x128xi32, #tpu.memory_space<vmem>> -> memref<128xi32, #tpu.memory_space<vmem>>
      %dma_start3A_394 = arith.constant 0 : i32
      %dma_start3A_395 = arith.constant 0 : i32
      %dma_start3A_396 = tpu.memref_slice %arg19[%dma_start3A_394, %dma_start3A_395] : memref<10240x64xf32, #tpu.memory_space<vmem_shared>> -> memref<10240x64xf32, #tpu.memory_space<vmem_shared>>
      tpu.enqueue_indirect_dma source(%arg11 : memref<128x64xf32, #tpu.memory_space<vmem>>) target(%dma_start3A_396 : memref<10240x64xf32, #tpu.memory_space<vmem_shared>>) offsets(%dma_start3A_393 : memref<128xi32, #tpu.memory_space<vmem>>) semaphore(%arg14 : memref<!tpu.dma_semaphore, #tpu.memory_space<semaphore_mem>>) {add = true}
      %dma_wait3A_397 = arith.constant 0 : i32
      %dma_wait3A_398 = arith.constant 0 : i32
      %dma_wait3A_399 = tpu.memref_slice %arg8[%dma_wait3A_397, %dma_wait3A_398] : memref<1x128xi32, #tpu.memory_space<vmem>> -> memref<1x128xi32, #tpu.memory_space<vmem>>
      %dma_wait3A_400 = tpu.memref_squeeze %dma_wait3A_399 : memref<1x128xi32, #tpu.memory_space<vmem>> -> memref<128xi32, #tpu.memory_space<vmem>>
      %dma_wait3A_401 = arith.constant 0 : i32
      %dma_wait3A_402 = arith.constant 0 : i32
      %dma_wait3A_403 = tpu.memref_slice %arg19[%dma_wait3A_401, %dma_wait3A_402] : memref<10240x64xf32, #tpu.memory_space<vmem_shared>> -> memref<10240x64xf32, #tpu.memory_space<vmem_shared>>
      tpu.wait_indirect_dma semaphore(%arg14 : memref<!tpu.dma_semaphore, #tpu.memory_space<semaphore_mem>>) src(%arg11 : memref<128x64xf32, #tpu.memory_space<vmem>>) dst(%dma_wait3A_403 : memref<10240x64xf32, #tpu.memory_space<vmem_shared>>)
      %dma_start3A_404 = arith.constant 5 : i32
      %dma_start3A_405 = arith.constant 0 : i32
      %dma_start3A_406 = tpu.memref_slice %arg6[%dma_start3A_404, %dma_start3A_405] : memref<16x128xi32, #tpu.memory_space<vmem>> -> memref<1x128xi32, #tpu.memory_space<vmem>>
      %dma_start3A_407 = tpu.memref_squeeze %dma_start3A_406 : memref<1x128xi32, #tpu.memory_space<vmem>> -> memref<128xi32, #tpu.memory_space<vmem>>
      %dma_start3A_408 = arith.constant 0 : i32
      %dma_start3A_409 = arith.constant 0 : i32
      %dma_start3A_410 = tpu.memref_slice %arg18[%dma_start3A_408, %dma_start3A_409] : memref<10240x64xf32, #tpu.memory_space<vmem_shared>> -> memref<10240x64xf32, #tpu.memory_space<vmem_shared>>
      tpu.enqueue_indirect_dma source(%dma_start3A_410 : memref<10240x64xf32, #tpu.memory_space<vmem_shared>>) target(%arg11 : memref<128x64xf32, #tpu.memory_space<vmem>>) offsets(%dma_start3A_407 : memref<128xi32, #tpu.memory_space<vmem>>) semaphore(%arg17 : memref<!tpu.dma_semaphore, #tpu.memory_space<semaphore_mem>>)
      %dma_wait3A_411 = arith.constant 0 : i32
      %dma_wait3A_412 = arith.constant 0 : i32
      %dma_wait3A_413 = tpu.memref_slice %arg18[%dma_wait3A_411, %dma_wait3A_412] : memref<10240x64xf32, #tpu.memory_space<vmem_shared>> -> memref<128x64xf32, #tpu.memory_space<vmem_shared>>
      %dma_wait3A_414 = arith.constant 0 : i32
      %dma_wait3A_415 = arith.constant 0 : i32
      %dma_wait3A_416 = tpu.memref_slice %arg18[%dma_wait3A_414, %dma_wait3A_415] : memref<10240x64xf32, #tpu.memory_space<vmem_shared>> -> memref<128x64xf32, #tpu.memory_space<vmem_shared>>
      tpu.wait_dma2 semaphore(%arg15 : memref<!tpu.dma_semaphore, #tpu.memory_space<semaphore_mem>>) src(%dma_wait3A_416 : memref<128x64xf32, #tpu.memory_space<vmem_shared>>) dst(%arg9 : memref<128x64xf32, #tpu.memory_space<vmem>>)
      %dma_start3A_417 = arith.constant 3 : i32
      %dma_start3A_418 = arith.constant 0 : i32
      %dma_start3A_419 = tpu.memref_slice %arg7[%dma_start3A_417, %dma_start3A_418] : memref<32x128xi32, #tpu.memory_space<vmem>> -> memref<1x128xi32, #tpu.memory_space<vmem>>
      %dma_start3A_420 = tpu.memref_squeeze %dma_start3A_419 : memref<1x128xi32, #tpu.memory_space<vmem>> -> memref<128xi32, #tpu.memory_space<vmem>>
      %dma_start3A_421 = arith.constant 0 : i32
      %dma_start3A_422 = arith.constant 0 : i32
      %dma_start3A_423 = tpu.memref_slice %arg19[%dma_start3A_421, %dma_start3A_422] : memref<10240x64xf32, #tpu.memory_space<vmem_shared>> -> memref<10240x64xf32, #tpu.memory_space<vmem_shared>>
      tpu.enqueue_indirect_dma source(%arg9 : memref<128x64xf32, #tpu.memory_space<vmem>>) target(%dma_start3A_423 : memref<10240x64xf32, #tpu.memory_space<vmem_shared>>) offsets(%dma_start3A_420 : memref<128xi32, #tpu.memory_space<vmem>>) semaphore(%arg12 : memref<!tpu.dma_semaphore, #tpu.memory_space<semaphore_mem>>) {add = true}
      %dma_wait3A_424 = arith.constant 0 : i32
      %dma_wait3A_425 = arith.constant 0 : i32
      %dma_wait3A_426 = tpu.memref_slice %arg8[%dma_wait3A_424, %dma_wait3A_425] : memref<1x128xi32, #tpu.memory_space<vmem>> -> memref<1x128xi32, #tpu.memory_space<vmem>>
      %dma_wait3A_427 = tpu.memref_squeeze %dma_wait3A_426 : memref<1x128xi32, #tpu.memory_space<vmem>> -> memref<128xi32, #tpu.memory_space<vmem>>
      %dma_wait3A_428 = arith.constant 0 : i32
      %dma_wait3A_429 = arith.constant 0 : i32
      %dma_wait3A_430 = tpu.memref_slice %arg19[%dma_wait3A_428, %dma_wait3A_429] : memref<10240x64xf32, #tpu.memory_space<vmem_shared>> -> memref<10240x64xf32, #tpu.memory_space<vmem_shared>>
      tpu.wait_indirect_dma semaphore(%arg12 : memref<!tpu.dma_semaphore, #tpu.memory_space<semaphore_mem>>) src(%arg9 : memref<128x64xf32, #tpu.memory_space<vmem>>) dst(%dma_wait3A_430 : memref<10240x64xf32, #tpu.memory_space<vmem_shared>>)
      %dma_start3A_431 = arith.constant 6 : i32
      %dma_start3A_432 = arith.constant 0 : i32
      %dma_start3A_433 = tpu.memref_slice %arg6[%dma_start3A_431, %dma_start3A_432] : memref<16x128xi32, #tpu.memory_space<vmem>> -> memref<1x128xi32, #tpu.memory_space<vmem>>
      %dma_start3A_434 = tpu.memref_squeeze %dma_start3A_433 : memref<1x128xi32, #tpu.memory_space<vmem>> -> memref<128xi32, #tpu.memory_space<vmem>>
      %dma_start3A_435 = arith.constant 0 : i32
      %dma_start3A_436 = arith.constant 0 : i32
      %dma_start3A_437 = tpu.memref_slice %arg18[%dma_start3A_435, %dma_start3A_436] : memref<10240x64xf32, #tpu.memory_space<vmem_shared>> -> memref<10240x64xf32, #tpu.memory_space<vmem_shared>>
      tpu.enqueue_indirect_dma source(%dma_start3A_437 : memref<10240x64xf32, #tpu.memory_space<vmem_shared>>) target(%arg9 : memref<128x64xf32, #tpu.memory_space<vmem>>) offsets(%dma_start3A_434 : memref<128xi32, #tpu.memory_space<vmem>>) semaphore(%arg15 : memref<!tpu.dma_semaphore, #tpu.memory_space<semaphore_mem>>)
      %dma_wait3A_438 = arith.constant 0 : i32
      %dma_wait3A_439 = arith.constant 0 : i32
      %dma_wait3A_440 = tpu.memref_slice %arg18[%dma_wait3A_438, %dma_wait3A_439] : memref<10240x64xf32, #tpu.memory_space<vmem_shared>> -> memref<128x64xf32, #tpu.memory_space<vmem_shared>>
      %dma_wait3A_441 = arith.constant 0 : i32
      %dma_wait3A_442 = arith.constant 0 : i32
      %dma_wait3A_443 = tpu.memref_slice %arg18[%dma_wait3A_441, %dma_wait3A_442] : memref<10240x64xf32, #tpu.memory_space<vmem_shared>> -> memref<128x64xf32, #tpu.memory_space<vmem_shared>>
      tpu.wait_dma2 semaphore(%arg16 : memref<!tpu.dma_semaphore, #tpu.memory_space<semaphore_mem>>) src(%dma_wait3A_443 : memref<128x64xf32, #tpu.memory_space<vmem_shared>>) dst(%arg10 : memref<128x64xf32, #tpu.memory_space<vmem>>)
      %dma_start3A_444 = arith.constant 4 : i32
      %dma_start3A_445 = arith.constant 0 : i32
      %dma_start3A_446 = tpu.memref_slice %arg7[%dma_start3A_444, %dma_start3A_445] : memref<32x128xi32, #tpu.memory_space<vmem>> -> memref<1x128xi32, #tpu.memory_space<vmem>>
      %dma_start3A_447 = tpu.memref_squeeze %dma_start3A_446 : memref<1x128xi32, #tpu.memory_space<vmem>> -> memref<128xi32, #tpu.memory_space<vmem>>
      %dma_start3A_448 = arith.constant 0 : i32
      %dma_start3A_449 = arith.constant 0 : i32
      %dma_start3A_450 = tpu.memref_slice %arg19[%dma_start3A_448, %dma_start3A_449] : memref<10240x64xf32, #tpu.memory_space<vmem_shared>> -> memref<10240x64xf32, #tpu.memory_space<vmem_shared>>
      tpu.enqueue_indirect_dma source(%arg10 : memref<128x64xf32, #tpu.memory_space<vmem>>) target(%dma_start3A_450 : memref<10240x64xf32, #tpu.memory_space<vmem_shared>>) offsets(%dma_start3A_447 : memref<128xi32, #tpu.memory_space<vmem>>) semaphore(%arg13 : memref<!tpu.dma_semaphore, #tpu.memory_space<semaphore_mem>>) {add = true}
      %dma_wait3A_451 = arith.constant 0 : i32
      %dma_wait3A_452 = arith.constant 0 : i32
      %dma_wait3A_453 = tpu.memref_slice %arg8[%dma_wait3A_451, %dma_wait3A_452] : memref<1x128xi32, #tpu.memory_space<vmem>> -> memref<1x128xi32, #tpu.memory_space<vmem>>
      %dma_wait3A_454 = tpu.memref_squeeze %dma_wait3A_453 : memref<1x128xi32, #tpu.memory_space<vmem>> -> memref<128xi32, #tpu.memory_space<vmem>>
      %dma_wait3A_455 = arith.constant 0 : i32
      %dma_wait3A_456 = arith.constant 0 : i32
      %dma_wait3A_457 = tpu.memref_slice %arg19[%dma_wait3A_455, %dma_wait3A_456] : memref<10240x64xf32, #tpu.memory_space<vmem_shared>> -> memref<10240x64xf32, #tpu.memory_space<vmem_shared>>
      tpu.wait_indirect_dma semaphore(%arg13 : memref<!tpu.dma_semaphore, #tpu.memory_space<semaphore_mem>>) src(%arg10 : memref<128x64xf32, #tpu.memory_space<vmem>>) dst(%dma_wait3A_457 : memref<10240x64xf32, #tpu.memory_space<vmem_shared>>)
      %dma_start3A_458 = arith.constant 7 : i32
      %dma_start3A_459 = arith.constant 0 : i32
      %dma_start3A_460 = tpu.memref_slice %arg6[%dma_start3A_458, %dma_start3A_459] : memref<16x128xi32, #tpu.memory_space<vmem>> -> memref<1x128xi32, #tpu.memory_space<vmem>>
      %dma_start3A_461 = tpu.memref_squeeze %dma_start3A_460 : memref<1x128xi32, #tpu.memory_space<vmem>> -> memref<128xi32, #tpu.memory_space<vmem>>
      %dma_start3A_462 = arith.constant 0 : i32
      %dma_start3A_463 = arith.constant 0 : i32
      %dma_start3A_464 = tpu.memref_slice %arg18[%dma_start3A_462, %dma_start3A_463] : memref<10240x64xf32, #tpu.memory_space<vmem_shared>> -> memref<10240x64xf32, #tpu.memory_space<vmem_shared>>
      tpu.enqueue_indirect_dma source(%dma_start3A_464 : memref<10240x64xf32, #tpu.memory_space<vmem_shared>>) target(%arg10 : memref<128x64xf32, #tpu.memory_space<vmem>>) offsets(%dma_start3A_461 : memref<128xi32, #tpu.memory_space<vmem>>) semaphore(%arg16 : memref<!tpu.dma_semaphore, #tpu.memory_space<semaphore_mem>>)
      %dma_wait3A_465 = arith.constant 0 : i32
      %dma_wait3A_466 = arith.constant 0 : i32
      %dma_wait3A_467 = tpu.memref_slice %arg18[%dma_wait3A_465, %dma_wait3A_466] : memref<10240x64xf32, #tpu.memory_space<vmem_shared>> -> memref<128x64xf32, #tpu.memory_space<vmem_shared>>
      %dma_wait3A_468 = arith.constant 0 : i32
      %dma_wait3A_469 = arith.constant 0 : i32
      %dma_wait3A_470 = tpu.memref_slice %arg18[%dma_wait3A_468, %dma_wait3A_469] : memref<10240x64xf32, #tpu.memory_space<vmem_shared>> -> memref<128x64xf32, #tpu.memory_space<vmem_shared>>
      tpu.wait_dma2 semaphore(%arg17 : memref<!tpu.dma_semaphore, #tpu.memory_space<semaphore_mem>>) src(%dma_wait3A_470 : memref<128x64xf32, #tpu.memory_space<vmem_shared>>) dst(%arg11 : memref<128x64xf32, #tpu.memory_space<vmem>>)
      %dma_start3A_471 = arith.constant 5 : i32
      %dma_start3A_472 = arith.constant 0 : i32
      %dma_start3A_473 = tpu.memref_slice %arg7[%dma_start3A_471, %dma_start3A_472] : memref<32x128xi32, #tpu.memory_space<vmem>> -> memref<1x128xi32, #tpu.memory_space<vmem>>
      %dma_start3A_474 = tpu.memref_squeeze %dma_start3A_473 : memref<1x128xi32, #tpu.memory_space<vmem>> -> memref<128xi32, #tpu.memory_space<vmem>>
      %dma_start3A_475 = arith.constant 0 : i32
      %dma_start3A_476 = arith.constant 0 : i32
      %dma_start3A_477 = tpu.memref_slice %arg19[%dma_start3A_475, %dma_start3A_476] : memref<10240x64xf32, #tpu.memory_space<vmem_shared>> -> memref<10240x64xf32, #tpu.memory_space<vmem_shared>>
      tpu.enqueue_indirect_dma source(%arg11 : memref<128x64xf32, #tpu.memory_space<vmem>>) target(%dma_start3A_477 : memref<10240x64xf32, #tpu.memory_space<vmem_shared>>) offsets(%dma_start3A_474 : memref<128xi32, #tpu.memory_space<vmem>>) semaphore(%arg14 : memref<!tpu.dma_semaphore, #tpu.memory_space<semaphore_mem>>) {add = true}
      %dma_wait3A_478 = arith.constant 0 : i32
      %dma_wait3A_479 = arith.constant 0 : i32
      %dma_wait3A_480 = tpu.memref_slice %arg8[%dma_wait3A_478, %dma_wait3A_479] : memref<1x128xi32, #tpu.memory_space<vmem>> -> memref<1x128xi32, #tpu.memory_space<vmem>>
      %dma_wait3A_481 = tpu.memref_squeeze %dma_wait3A_480 : memref<1x128xi32, #tpu.memory_space<vmem>> -> memref<128xi32, #tpu.memory_space<vmem>>
      %dma_wait3A_482 = arith.constant 0 : i32
      %dma_wait3A_483 = arith.constant 0 : i32
      %dma_wait3A_484 = tpu.memref_slice %arg19[%dma_wait3A_482, %dma_wait3A_483] : memref<10240x64xf32, #tpu.memory_space<vmem_shared>> -> memref<10240x64xf32, #tpu.memory_space<vmem_shared>>
      tpu.wait_indirect_dma semaphore(%arg14 : memref<!tpu.dma_semaphore, #tpu.memory_space<semaphore_mem>>) src(%arg11 : memref<128x64xf32, #tpu.memory_space<vmem>>) dst(%dma_wait3A_484 : memref<10240x64xf32, #tpu.memory_space<vmem_shared>>)
      %dma_start3A_485 = arith.constant 8 : i32
      %dma_start3A_486 = arith.constant 0 : i32
      %dma_start3A_487 = tpu.memref_slice %arg6[%dma_start3A_485, %dma_start3A_486] : memref<16x128xi32, #tpu.memory_space<vmem>> -> memref<1x128xi32, #tpu.memory_space<vmem>>
      %dma_start3A_488 = tpu.memref_squeeze %dma_start3A_487 : memref<1x128xi32, #tpu.memory_space<vmem>> -> memref<128xi32, #tpu.memory_space<vmem>>
      %dma_start3A_489 = arith.constant 0 : i32
      %dma_start3A_490 = arith.constant 0 : i32
      %dma_start3A_491 = tpu.memref_slice %arg18[%dma_start3A_489, %dma_start3A_490] : memref<10240x64xf32, #tpu.memory_space<vmem_shared>> -> memref<10240x64xf32, #tpu.memory_space<vmem_shared>>
      tpu.enqueue_indirect_dma source(%dma_start3A_491 : memref<10240x64xf32, #tpu.memory_space<vmem_shared>>) target(%arg11 : memref<128x64xf32, #tpu.memory_space<vmem>>) offsets(%dma_start3A_488 : memref<128xi32, #tpu.memory_space<vmem>>) semaphore(%arg17 : memref<!tpu.dma_semaphore, #tpu.memory_space<semaphore_mem>>)
      %dma_wait3A_492 = arith.constant 0 : i32
      %dma_wait3A_493 = arith.constant 0 : i32
      %dma_wait3A_494 = tpu.memref_slice %arg18[%dma_wait3A_492, %dma_wait3A_493] : memref<10240x64xf32, #tpu.memory_space<vmem_shared>> -> memref<128x64xf32, #tpu.memory_space<vmem_shared>>
      %dma_wait3A_495 = arith.constant 0 : i32
      %dma_wait3A_496 = arith.constant 0 : i32
      %dma_wait3A_497 = tpu.memref_slice %arg18[%dma_wait3A_495, %dma_wait3A_496] : memref<10240x64xf32, #tpu.memory_space<vmem_shared>> -> memref<128x64xf32, #tpu.memory_space<vmem_shared>>
      tpu.wait_dma2 semaphore(%arg15 : memref<!tpu.dma_semaphore, #tpu.memory_space<semaphore_mem>>) src(%dma_wait3A_497 : memref<128x64xf32, #tpu.memory_space<vmem_shared>>) dst(%arg9 : memref<128x64xf32, #tpu.memory_space<vmem>>)
      %dma_start3A_498 = arith.constant 6 : i32
      %dma_start3A_499 = arith.constant 0 : i32
      %dma_start3A_500 = tpu.memref_slice %arg7[%dma_start3A_498, %dma_start3A_499] : memref<32x128xi32, #tpu.memory_space<vmem>> -> memref<1x128xi32, #tpu.memory_space<vmem>>
      %dma_start3A_501 = tpu.memref_squeeze %dma_start3A_500 : memref<1x128xi32, #tpu.memory_space<vmem>> -> memref<128xi32, #tpu.memory_space<vmem>>
      %dma_start3A_502 = arith.constant 0 : i32
      %dma_start3A_503 = arith.constant 0 : i32
      %dma_start3A_504 = tpu.memref_slice %arg19[%dma_start3A_502, %dma_start3A_503] : memref<10240x64xf32, #tpu.memory_space<vmem_shared>> -> memref<10240x64xf32, #tpu.memory_space<vmem_shared>>
      tpu.enqueue_indirect_dma source(%arg9 : memref<128x64xf32, #tpu.memory_space<vmem>>) target(%dma_start3A_504 : memref<10240x64xf32, #tpu.memory_space<vmem_shared>>) offsets(%dma_start3A_501 : memref<128xi32, #tpu.memory_space<vmem>>) semaphore(%arg12 : memref<!tpu.dma_semaphore, #tpu.memory_space<semaphore_mem>>) {add = true}
      %dma_wait3A_505 = arith.constant 0 : i32
      %dma_wait3A_506 = arith.constant 0 : i32
      %dma_wait3A_507 = tpu.memref_slice %arg8[%dma_wait3A_505, %dma_wait3A_506] : memref<1x128xi32, #tpu.memory_space<vmem>> -> memref<1x128xi32, #tpu.memory_space<vmem>>
      %dma_wait3A_508 = tpu.memref_squeeze %dma_wait3A_507 : memref<1x128xi32, #tpu.memory_space<vmem>> -> memref<128xi32, #tpu.memory_space<vmem>>
      %dma_wait3A_509 = arith.constant 0 : i32
      %dma_wait3A_510 = arith.constant 0 : i32
      %dma_wait3A_511 = tpu.memref_slice %arg19[%dma_wait3A_509, %dma_wait3A_510] : memref<10240x64xf32, #tpu.memory_space<vmem_shared>> -> memref<10240x64xf32, #tpu.memory_space<vmem_shared>>
      tpu.wait_indirect_dma semaphore(%arg12 : memref<!tpu.dma_semaphore, #tpu.memory_space<semaphore_mem>>) src(%arg9 : memref<128x64xf32, #tpu.memory_space<vmem>>) dst(%dma_wait3A_511 : memref<10240x64xf32, #tpu.memory_space<vmem_shared>>)
      %dma_start3A_512 = arith.constant 9 : i32
      %dma_start3A_513 = arith.constant 0 : i32
      %dma_start3A_514 = tpu.memref_slice %arg6[%dma_start3A_512, %dma_start3A_513] : memref<16x128xi32, #tpu.memory_space<vmem>> -> memref<1x128xi32, #tpu.memory_space<vmem>>
      %dma_start3A_515 = tpu.memref_squeeze %dma_start3A_514 : memref<1x128xi32, #tpu.memory_space<vmem>> -> memref<128xi32, #tpu.memory_space<vmem>>
      %dma_start3A_516 = arith.constant 0 : i32
      %dma_start3A_517 = arith.constant 0 : i32
      %dma_start3A_518 = tpu.memref_slice %arg18[%dma_start3A_516, %dma_start3A_517] : memref<10240x64xf32, #tpu.memory_space<vmem_shared>> -> memref<10240x64xf32, #tpu.memory_space<vmem_shared>>
      tpu.enqueue_indirect_dma source(%dma_start3A_518 : memref<10240x64xf32, #tpu.memory_space<vmem_shared>>) target(%arg9 : memref<128x64xf32, #tpu.memory_space<vmem>>) offsets(%dma_start3A_515 : memref<128xi32, #tpu.memory_space<vmem>>) semaphore(%arg15 : memref<!tpu.dma_semaphore, #tpu.memory_space<semaphore_mem>>)
      %dma_wait3A_519 = arith.constant 0 : i32
      %dma_wait3A_520 = arith.constant 0 : i32
      %dma_wait3A_521 = tpu.memref_slice %arg18[%dma_wait3A_519, %dma_wait3A_520] : memref<10240x64xf32, #tpu.memory_space<vmem_shared>> -> memref<128x64xf32, #tpu.memory_space<vmem_shared>>
      %dma_wait3A_522 = arith.constant 0 : i32
      %dma_wait3A_523 = arith.constant 0 : i32
      %dma_wait3A_524 = tpu.memref_slice %arg18[%dma_wait3A_522, %dma_wait3A_523] : memref<10240x64xf32, #tpu.memory_space<vmem_shared>> -> memref<128x64xf32, #tpu.memory_space<vmem_shared>>
      tpu.wait_dma2 semaphore(%arg16 : memref<!tpu.dma_semaphore, #tpu.memory_space<semaphore_mem>>) src(%dma_wait3A_524 : memref<128x64xf32, #tpu.memory_space<vmem_shared>>) dst(%arg10 : memref<128x64xf32, #tpu.memory_space<vmem>>)
      %dma_start3A_525 = arith.constant 7 : i32
      %dma_start3A_526 = arith.constant 0 : i32
      %dma_start3A_527 = tpu.memref_slice %arg7[%dma_start3A_525, %dma_start3A_526] : memref<32x128xi32, #tpu.memory_space<vmem>> -> memref<1x128xi32, #tpu.memory_space<vmem>>
      %dma_start3A_528 = tpu.memref_squeeze %dma_start3A_527 : memref<1x128xi32, #tpu.memory_space<vmem>> -> memref<128xi32, #tpu.memory_space<vmem>>
      %dma_start3A_529 = arith.constant 0 : i32
      %dma_start3A_530 = arith.constant 0 : i32
      %dma_start3A_531 = tpu.memref_slice %arg19[%dma_start3A_529, %dma_start3A_530] : memref<10240x64xf32, #tpu.memory_space<vmem_shared>> -> memref<10240x64xf32, #tpu.memory_space<vmem_shared>>
      tpu.enqueue_indirect_dma source(%arg10 : memref<128x64xf32, #tpu.memory_space<vmem>>) target(%dma_start3A_531 : memref<10240x64xf32, #tpu.memory_space<vmem_shared>>) offsets(%dma_start3A_528 : memref<128xi32, #tpu.memory_space<vmem>>) semaphore(%arg13 : memref<!tpu.dma_semaphore, #tpu.memory_space<semaphore_mem>>) {add = true}
      %dma_wait3A_532 = arith.constant 0 : i32
      %dma_wait3A_533 = arith.constant 0 : i32
      %dma_wait3A_534 = tpu.memref_slice %arg8[%dma_wait3A_532, %dma_wait3A_533] : memref<1x128xi32, #tpu.memory_space<vmem>> -> memref<1x128xi32, #tpu.memory_space<vmem>>
      %dma_wait3A_535 = tpu.memref_squeeze %dma_wait3A_534 : memref<1x128xi32, #tpu.memory_space<vmem>> -> memref<128xi32, #tpu.memory_space<vmem>>
      %dma_wait3A_536 = arith.constant 0 : i32
      %dma_wait3A_537 = arith.constant 0 : i32
      %dma_wait3A_538 = tpu.memref_slice %arg19[%dma_wait3A_536, %dma_wait3A_537] : memref<10240x64xf32, #tpu.memory_space<vmem_shared>> -> memref<10240x64xf32, #tpu.memory_space<vmem_shared>>
      tpu.wait_indirect_dma semaphore(%arg13 : memref<!tpu.dma_semaphore, #tpu.memory_space<semaphore_mem>>) src(%arg10 : memref<128x64xf32, #tpu.memory_space<vmem>>) dst(%dma_wait3A_538 : memref<10240x64xf32, #tpu.memory_space<vmem_shared>>)
      %dma_start3A_539 = arith.constant 10 : i32
      %dma_start3A_540 = arith.constant 0 : i32
      %dma_start3A_541 = tpu.memref_slice %arg6[%dma_start3A_539, %dma_start3A_540] : memref<16x128xi32, #tpu.memory_space<vmem>> -> memref<1x128xi32, #tpu.memory_space<vmem>>
      %dma_start3A_542 = tpu.memref_squeeze %dma_start3A_541 : memref<1x128xi32, #tpu.memory_space<vmem>> -> memref<128xi32, #tpu.memory_space<vmem>>
      %dma_start3A_543 = arith.constant 0 : i32
      %dma_start3A_544 = arith.constant 0 : i32
      %dma_start3A_545 = tpu.memref_slice %arg18[%dma_start3A_543, %dma_start3A_544] : memref<10240x64xf32, #tpu.memory_space<vmem_shared>> -> memref<10240x64xf32, #tpu.memory_space<vmem_shared>>
      tpu.enqueue_indirect_dma source(%dma_start3A_545 : memref<10240x64xf32, #tpu.memory_space<vmem_shared>>) target(%arg10 : memref<128x64xf32, #tpu.memory_space<vmem>>) offsets(%dma_start3A_542 : memref<128xi32, #tpu.memory_space<vmem>>) semaphore(%arg16 : memref<!tpu.dma_semaphore, #tpu.memory_space<semaphore_mem>>)
      %dma_wait3A_546 = arith.constant 0 : i32
      %dma_wait3A_547 = arith.constant 0 : i32
      %dma_wait3A_548 = tpu.memref_slice %arg18[%dma_wait3A_546, %dma_wait3A_547] : memref<10240x64xf32, #tpu.memory_space<vmem_shared>> -> memref<128x64xf32, #tpu.memory_space<vmem_shared>>
      %dma_wait3A_549 = arith.constant 0 : i32
      %dma_wait3A_550 = arith.constant 0 : i32
      %dma_wait3A_551 = tpu.memref_slice %arg18[%dma_wait3A_549, %dma_wait3A_550] : memref<10240x64xf32, #tpu.memory_space<vmem_shared>> -> memref<128x64xf32, #tpu.memory_space<vmem_shared>>
      tpu.wait_dma2 semaphore(%arg17 : memref<!tpu.dma_semaphore, #tpu.memory_space<semaphore_mem>>) src(%dma_wait3A_551 : memref<128x64xf32, #tpu.memory_space<vmem_shared>>) dst(%arg11 : memref<128x64xf32, #tpu.memory_space<vmem>>)
      %dma_start3A_552 = arith.constant 8 : i32
      %dma_start3A_553 = arith.constant 0 : i32
      %dma_start3A_554 = tpu.memref_slice %arg7[%dma_start3A_552, %dma_start3A_553] : memref<32x128xi32, #tpu.memory_space<vmem>> -> memref<1x128xi32, #tpu.memory_space<vmem>>
      %dma_start3A_555 = tpu.memref_squeeze %dma_start3A_554 : memref<1x128xi32, #tpu.memory_space<vmem>> -> memref<128xi32, #tpu.memory_space<vmem>>
      %dma_start3A_556 = arith.constant 0 : i32
      %dma_start3A_557 = arith.constant 0 : i32
      %dma_start3A_558 = tpu.memref_slice %arg19[%dma_start3A_556, %dma_start3A_557] : memref<10240x64xf32, #tpu.memory_space<vmem_shared>> -> memref<10240x64xf32, #tpu.memory_space<vmem_shared>>
      tpu.enqueue_indirect_dma source(%arg11 : memref<128x64xf32, #tpu.memory_space<vmem>>) target(%dma_start3A_558 : memref<10240x64xf32, #tpu.memory_space<vmem_shared>>) offsets(%dma_start3A_555 : memref<128xi32, #tpu.memory_space<vmem>>) semaphore(%arg14 : memref<!tpu.dma_semaphore, #tpu.memory_space<semaphore_mem>>) {add = true}
      %dma_wait3A_559 = arith.constant 0 : i32
      %dma_wait3A_560 = arith.constant 0 : i32
      %dma_wait3A_561 = tpu.memref_slice %arg8[%dma_wait3A_559, %dma_wait3A_560] : memref<1x128xi32, #tpu.memory_space<vmem>> -> memref<1x128xi32, #tpu.memory_space<vmem>>
      %dma_wait3A_562 = tpu.memref_squeeze %dma_wait3A_561 : memref<1x128xi32, #tpu.memory_space<vmem>> -> memref<128xi32, #tpu.memory_space<vmem>>
      %dma_wait3A_563 = arith.constant 0 : i32
      %dma_wait3A_564 = arith.constant 0 : i32
      %dma_wait3A_565 = tpu.memref_slice %arg19[%dma_wait3A_563, %dma_wait3A_564] : memref<10240x64xf32, #tpu.memory_space<vmem_shared>> -> memref<10240x64xf32, #tpu.memory_space<vmem_shared>>
      tpu.wait_indirect_dma semaphore(%arg14 : memref<!tpu.dma_semaphore, #tpu.memory_space<semaphore_mem>>) src(%arg11 : memref<128x64xf32, #tpu.memory_space<vmem>>) dst(%dma_wait3A_565 : memref<10240x64xf32, #tpu.memory_space<vmem_shared>>)
      %dma_start3A_566 = arith.constant 11 : i32
      %dma_start3A_567 = arith.constant 0 : i32
      %dma_start3A_568 = tpu.memref_slice %arg6[%dma_start3A_566, %dma_start3A_567] : memref<16x128xi32, #tpu.memory_space<vmem>> -> memref<1x128xi32, #tpu.memory_space<vmem>>
      %dma_start3A_569 = tpu.memref_squeeze %dma_start3A_568 : memref<1x128xi32, #tpu.memory_space<vmem>> -> memref<128xi32, #tpu.memory_space<vmem>>
      %dma_start3A_570 = arith.constant 0 : i32
      %dma_start3A_571 = arith.constant 0 : i32
      %dma_start3A_572 = tpu.memref_slice %arg18[%dma_start3A_570, %dma_start3A_571] : memref<10240x64xf32, #tpu.memory_space<vmem_shared>> -> memref<10240x64xf32, #tpu.memory_space<vmem_shared>>
      tpu.enqueue_indirect_dma source(%dma_start3A_572 : memref<10240x64xf32, #tpu.memory_space<vmem_shared>>) target(%arg11 : memref<128x64xf32, #tpu.memory_space<vmem>>) offsets(%dma_start3A_569 : memref<128xi32, #tpu.memory_space<vmem>>) semaphore(%arg17 : memref<!tpu.dma_semaphore, #tpu.memory_space<semaphore_mem>>)
      %dma_wait3A_573 = arith.constant 0 : i32
      %dma_wait3A_574 = arith.constant 0 : i32
      %dma_wait3A_575 = tpu.memref_slice %arg18[%dma_wait3A_573, %dma_wait3A_574] : memref<10240x64xf32, #tpu.memory_space<vmem_shared>> -> memref<128x64xf32, #tpu.memory_space<vmem_shared>>
      %dma_wait3A_576 = arith.constant 0 : i32
      %dma_wait3A_577 = arith.constant 0 : i32
      %dma_wait3A_578 = tpu.memref_slice %arg18[%dma_wait3A_576, %dma_wait3A_577] : memref<10240x64xf32, #tpu.memory_space<vmem_shared>> -> memref<128x64xf32, #tpu.memory_space<vmem_shared>>
      tpu.wait_dma2 semaphore(%arg15 : memref<!tpu.dma_semaphore, #tpu.memory_space<semaphore_mem>>) src(%dma_wait3A_578 : memref<128x64xf32, #tpu.memory_space<vmem_shared>>) dst(%arg9 : memref<128x64xf32, #tpu.memory_space<vmem>>)
      %dma_start3A_579 = arith.constant 9 : i32
      %dma_start3A_580 = arith.constant 0 : i32
      %dma_start3A_581 = tpu.memref_slice %arg7[%dma_start3A_579, %dma_start3A_580] : memref<32x128xi32, #tpu.memory_space<vmem>> -> memref<1x128xi32, #tpu.memory_space<vmem>>
      %dma_start3A_582 = tpu.memref_squeeze %dma_start3A_581 : memref<1x128xi32, #tpu.memory_space<vmem>> -> memref<128xi32, #tpu.memory_space<vmem>>
      %dma_start3A_583 = arith.constant 0 : i32
      %dma_start3A_584 = arith.constant 0 : i32
      %dma_start3A_585 = tpu.memref_slice %arg19[%dma_start3A_583, %dma_start3A_584] : memref<10240x64xf32, #tpu.memory_space<vmem_shared>> -> memref<10240x64xf32, #tpu.memory_space<vmem_shared>>
      tpu.enqueue_indirect_dma source(%arg9 : memref<128x64xf32, #tpu.memory_space<vmem>>) target(%dma_start3A_585 : memref<10240x64xf32, #tpu.memory_space<vmem_shared>>) offsets(%dma_start3A_582 : memref<128xi32, #tpu.memory_space<vmem>>) semaphore(%arg12 : memref<!tpu.dma_semaphore, #tpu.memory_space<semaphore_mem>>) {add = true}
      %dma_wait3A_586 = arith.constant 0 : i32
      %dma_wait3A_587 = arith.constant 0 : i32
      %dma_wait3A_588 = tpu.memref_slice %arg8[%dma_wait3A_586, %dma_wait3A_587] : memref<1x128xi32, #tpu.memory_space<vmem>> -> memref<1x128xi32, #tpu.memory_space<vmem>>
      %dma_wait3A_589 = tpu.memref_squeeze %dma_wait3A_588 : memref<1x128xi32, #tpu.memory_space<vmem>> -> memref<128xi32, #tpu.memory_space<vmem>>
      %dma_wait3A_590 = arith.constant 0 : i32
      %dma_wait3A_591 = arith.constant 0 : i32
      %dma_wait3A_592 = tpu.memref_slice %arg19[%dma_wait3A_590, %dma_wait3A_591] : memref<10240x64xf32, #tpu.memory_space<vmem_shared>> -> memref<10240x64xf32, #tpu.memory_space<vmem_shared>>
      tpu.wait_indirect_dma semaphore(%arg12 : memref<!tpu.dma_semaphore, #tpu.memory_space<semaphore_mem>>) src(%arg9 : memref<128x64xf32, #tpu.memory_space<vmem>>) dst(%dma_wait3A_592 : memref<10240x64xf32, #tpu.memory_space<vmem_shared>>)
      %dma_start3A_593 = arith.constant 12 : i32
      %dma_start3A_594 = arith.constant 0 : i32
      %dma_start3A_595 = tpu.memref_slice %arg6[%dma_start3A_593, %dma_start3A_594] : memref<16x128xi32, #tpu.memory_space<vmem>> -> memref<1x128xi32, #tpu.memory_space<vmem>>
      %dma_start3A_596 = tpu.memref_squeeze %dma_start3A_595 : memref<1x128xi32, #tpu.memory_space<vmem>> -> memref<128xi32, #tpu.memory_space<vmem>>
      %dma_start3A_597 = arith.constant 0 : i32
      %dma_start3A_598 = arith.constant 0 : i32
      %dma_start3A_599 = tpu.memref_slice %arg18[%dma_start3A_597, %dma_start3A_598] : memref<10240x64xf32, #tpu.memory_space<vmem_shared>> -> memref<10240x64xf32, #tpu.memory_space<vmem_shared>>
      tpu.enqueue_indirect_dma source(%dma_start3A_599 : memref<10240x64xf32, #tpu.memory_space<vmem_shared>>) target(%arg9 : memref<128x64xf32, #tpu.memory_space<vmem>>) offsets(%dma_start3A_596 : memref<128xi32, #tpu.memory_space<vmem>>) semaphore(%arg15 : memref<!tpu.dma_semaphore, #tpu.memory_space<semaphore_mem>>)
      %dma_wait3A_600 = arith.constant 0 : i32
      %dma_wait3A_601 = arith.constant 0 : i32
      %dma_wait3A_602 = tpu.memref_slice %arg18[%dma_wait3A_600, %dma_wait3A_601] : memref<10240x64xf32, #tpu.memory_space<vmem_shared>> -> memref<128x64xf32, #tpu.memory_space<vmem_shared>>
      %dma_wait3A_603 = arith.constant 0 : i32
      %dma_wait3A_604 = arith.constant 0 : i32
      %dma_wait3A_605 = tpu.memref_slice %arg18[%dma_wait3A_603, %dma_wait3A_604] : memref<10240x64xf32, #tpu.memory_space<vmem_shared>> -> memref<128x64xf32, #tpu.memory_space<vmem_shared>>
      tpu.wait_dma2 semaphore(%arg16 : memref<!tpu.dma_semaphore, #tpu.memory_space<semaphore_mem>>) src(%dma_wait3A_605 : memref<128x64xf32, #tpu.memory_space<vmem_shared>>) dst(%arg10 : memref<128x64xf32, #tpu.memory_space<vmem>>)
      %dma_start3A_606 = arith.constant 10 : i32
      %dma_start3A_607 = arith.constant 0 : i32
      %dma_start3A_608 = tpu.memref_slice %arg7[%dma_start3A_606, %dma_start3A_607] : memref<32x128xi32, #tpu.memory_space<vmem>> -> memref<1x128xi32, #tpu.memory_space<vmem>>
      %dma_start3A_609 = tpu.memref_squeeze %dma_start3A_608 : memref<1x128xi32, #tpu.memory_space<vmem>> -> memref<128xi32, #tpu.memory_space<vmem>>
      %dma_start3A_610 = arith.constant 0 : i32
      %dma_start3A_611 = arith.constant 0 : i32
      %dma_start3A_612 = tpu.memref_slice %arg19[%dma_start3A_610, %dma_start3A_611] : memref<10240x64xf32, #tpu.memory_space<vmem_shared>> -> memref<10240x64xf32, #tpu.memory_space<vmem_shared>>
      tpu.enqueue_indirect_dma source(%arg10 : memref<128x64xf32, #tpu.memory_space<vmem>>) target(%dma_start3A_612 : memref<10240x64xf32, #tpu.memory_space<vmem_shared>>) offsets(%dma_start3A_609 : memref<128xi32, #tpu.memory_space<vmem>>) semaphore(%arg13 : memref<!tpu.dma_semaphore, #tpu.memory_space<semaphore_mem>>) {add = true}
      %dma_wait3A_613 = arith.constant 0 : i32
      %dma_wait3A_614 = arith.constant 0 : i32
      %dma_wait3A_615 = tpu.memref_slice %arg8[%dma_wait3A_613, %dma_wait3A_614] : memref<1x128xi32, #tpu.memory_space<vmem>> -> memref<1x128xi32, #tpu.memory_space<vmem>>
      %dma_wait3A_616 = tpu.memref_squeeze %dma_wait3A_615 : memref<1x128xi32, #tpu.memory_space<vmem>> -> memref<128xi32, #tpu.memory_space<vmem>>
      %dma_wait3A_617 = arith.constant 0 : i32
      %dma_wait3A_618 = arith.constant 0 : i32
      %dma_wait3A_619 = tpu.memref_slice %arg19[%dma_wait3A_617, %dma_wait3A_618] : memref<10240x64xf32, #tpu.memory_space<vmem_shared>> -> memref<10240x64xf32, #tpu.memory_space<vmem_shared>>
      tpu.wait_indirect_dma semaphore(%arg13 : memref<!tpu.dma_semaphore, #tpu.memory_space<semaphore_mem>>) src(%arg10 : memref<128x64xf32, #tpu.memory_space<vmem>>) dst(%dma_wait3A_619 : memref<10240x64xf32, #tpu.memory_space<vmem_shared>>)
      %dma_start3A_620 = arith.constant 13 : i32
      %dma_start3A_621 = arith.constant 0 : i32
      %dma_start3A_622 = tpu.memref_slice %arg6[%dma_start3A_620, %dma_start3A_621] : memref<16x128xi32, #tpu.memory_space<vmem>> -> memref<1x128xi32, #tpu.memory_space<vmem>>
      %dma_start3A_623 = tpu.memref_squeeze %dma_start3A_622 : memref<1x128xi32, #tpu.memory_space<vmem>> -> memref<128xi32, #tpu.memory_space<vmem>>
      %dma_start3A_624 = arith.constant 0 : i32
      %dma_start3A_625 = arith.constant 0 : i32
      %dma_start3A_626 = tpu.memref_slice %arg18[%dma_start3A_624, %dma_start3A_625] : memref<10240x64xf32, #tpu.memory_space<vmem_shared>> -> memref<10240x64xf32, #tpu.memory_space<vmem_shared>>
      tpu.enqueue_indirect_dma source(%dma_start3A_626 : memref<10240x64xf32, #tpu.memory_space<vmem_shared>>) target(%arg10 : memref<128x64xf32, #tpu.memory_space<vmem>>) offsets(%dma_start3A_623 : memref<128xi32, #tpu.memory_space<vmem>>) semaphore(%arg16 : memref<!tpu.dma_semaphore, #tpu.memory_space<semaphore_mem>>)
      %dma_wait3A_627 = arith.constant 0 : i32
      %dma_wait3A_628 = arith.constant 0 : i32
      %dma_wait3A_629 = tpu.memref_slice %arg18[%dma_wait3A_627, %dma_wait3A_628] : memref<10240x64xf32, #tpu.memory_space<vmem_shared>> -> memref<128x64xf32, #tpu.memory_space<vmem_shared>>
      %dma_wait3A_630 = arith.constant 0 : i32
      %dma_wait3A_631 = arith.constant 0 : i32
      %dma_wait3A_632 = tpu.memref_slice %arg18[%dma_wait3A_630, %dma_wait3A_631] : memref<10240x64xf32, #tpu.memory_space<vmem_shared>> -> memref<128x64xf32, #tpu.memory_space<vmem_shared>>
      tpu.wait_dma2 semaphore(%arg17 : memref<!tpu.dma_semaphore, #tpu.memory_space<semaphore_mem>>) src(%dma_wait3A_632 : memref<128x64xf32, #tpu.memory_space<vmem_shared>>) dst(%arg11 : memref<128x64xf32, #tpu.memory_space<vmem>>)
      %dma_start3A_633 = arith.constant 11 : i32
      %dma_start3A_634 = arith.constant 0 : i32
      %dma_start3A_635 = tpu.memref_slice %arg7[%dma_start3A_633, %dma_start3A_634] : memref<32x128xi32, #tpu.memory_space<vmem>> -> memref<1x128xi32, #tpu.memory_space<vmem>>
      %dma_start3A_636 = tpu.memref_squeeze %dma_start3A_635 : memref<1x128xi32, #tpu.memory_space<vmem>> -> memref<128xi32, #tpu.memory_space<vmem>>
      %dma_start3A_637 = arith.constant 0 : i32
      %dma_start3A_638 = arith.constant 0 : i32
      %dma_start3A_639 = tpu.memref_slice %arg19[%dma_start3A_637, %dma_start3A_638] : memref<10240x64xf32, #tpu.memory_space<vmem_shared>> -> memref<10240x64xf32, #tpu.memory_space<vmem_shared>>
      tpu.enqueue_indirect_dma source(%arg11 : memref<128x64xf32, #tpu.memory_space<vmem>>) target(%dma_start3A_639 : memref<10240x64xf32, #tpu.memory_space<vmem_shared>>) offsets(%dma_start3A_636 : memref<128xi32, #tpu.memory_space<vmem>>) semaphore(%arg14 : memref<!tpu.dma_semaphore, #tpu.memory_space<semaphore_mem>>) {add = true}
      %dma_wait3A_640 = arith.constant 0 : i32
      %dma_wait3A_641 = arith.constant 0 : i32
      %dma_wait3A_642 = tpu.memref_slice %arg8[%dma_wait3A_640, %dma_wait3A_641] : memref<1x128xi32, #tpu.memory_space<vmem>> -> memref<1x128xi32, #tpu.memory_space<vmem>>
      %dma_wait3A_643 = tpu.memref_squeeze %dma_wait3A_642 : memref<1x128xi32, #tpu.memory_space<vmem>> -> memref<128xi32, #tpu.memory_space<vmem>>
      %dma_wait3A_644 = arith.constant 0 : i32
      %dma_wait3A_645 = arith.constant 0 : i32
      %dma_wait3A_646 = tpu.memref_slice %arg19[%dma_wait3A_644, %dma_wait3A_645] : memref<10240x64xf32, #tpu.memory_space<vmem_shared>> -> memref<10240x64xf32, #tpu.memory_space<vmem_shared>>
      tpu.wait_indirect_dma semaphore(%arg14 : memref<!tpu.dma_semaphore, #tpu.memory_space<semaphore_mem>>) src(%arg11 : memref<128x64xf32, #tpu.memory_space<vmem>>) dst(%dma_wait3A_646 : memref<10240x64xf32, #tpu.memory_space<vmem_shared>>)
      %dma_start3A_647 = arith.constant 14 : i32
      %dma_start3A_648 = arith.constant 0 : i32
      %dma_start3A_649 = tpu.memref_slice %arg6[%dma_start3A_647, %dma_start3A_648] : memref<16x128xi32, #tpu.memory_space<vmem>> -> memref<1x128xi32, #tpu.memory_space<vmem>>
      %dma_start3A_650 = tpu.memref_squeeze %dma_start3A_649 : memref<1x128xi32, #tpu.memory_space<vmem>> -> memref<128xi32, #tpu.memory_space<vmem>>
      %dma_start3A_651 = arith.constant 0 : i32
      %dma_start3A_652 = arith.constant 0 : i32
      %dma_start3A_653 = tpu.memref_slice %arg18[%dma_start3A_651, %dma_start3A_652] : memref<10240x64xf32, #tpu.memory_space<vmem_shared>> -> memref<10240x64xf32, #tpu.memory_space<vmem_shared>>
      tpu.enqueue_indirect_dma source(%dma_start3A_653 : memref<10240x64xf32, #tpu.memory_space<vmem_shared>>) target(%arg11 : memref<128x64xf32, #tpu.memory_space<vmem>>) offsets(%dma_start3A_650 : memref<128xi32, #tpu.memory_space<vmem>>) semaphore(%arg17 : memref<!tpu.dma_semaphore, #tpu.memory_space<semaphore_mem>>)
      %dma_wait3A_654 = arith.constant 0 : i32
      %dma_wait3A_655 = arith.constant 0 : i32
      %dma_wait3A_656 = tpu.memref_slice %arg18[%dma_wait3A_654, %dma_wait3A_655] : memref<10240x64xf32, #tpu.memory_space<vmem_shared>> -> memref<128x64xf32, #tpu.memory_space<vmem_shared>>
      %dma_wait3A_657 = arith.constant 0 : i32
      %dma_wait3A_658 = arith.constant 0 : i32
      %dma_wait3A_659 = tpu.memref_slice %arg18[%dma_wait3A_657, %dma_wait3A_658] : memref<10240x64xf32, #tpu.memory_space<vmem_shared>> -> memref<128x64xf32, #tpu.memory_space<vmem_shared>>
      tpu.wait_dma2 semaphore(%arg15 : memref<!tpu.dma_semaphore, #tpu.memory_space<semaphore_mem>>) src(%dma_wait3A_659 : memref<128x64xf32, #tpu.memory_space<vmem_shared>>) dst(%arg9 : memref<128x64xf32, #tpu.memory_space<vmem>>)
      %dma_start3A_660 = arith.constant 12 : i32
      %dma_start3A_661 = arith.constant 0 : i32
      %dma_start3A_662 = tpu.memref_slice %arg7[%dma_start3A_660, %dma_start3A_661] : memref<32x128xi32, #tpu.memory_space<vmem>> -> memref<1x128xi32, #tpu.memory_space<vmem>>
      %dma_start3A_663 = tpu.memref_squeeze %dma_start3A_662 : memref<1x128xi32, #tpu.memory_space<vmem>> -> memref<128xi32, #tpu.memory_space<vmem>>
      %dma_start3A_664 = arith.constant 0 : i32
      %dma_start3A_665 = arith.constant 0 : i32
      %dma_start3A_666 = tpu.memref_slice %arg19[%dma_start3A_664, %dma_start3A_665] : memref<10240x64xf32, #tpu.memory_space<vmem_shared>> -> memref<10240x64xf32, #tpu.memory_space<vmem_shared>>
      tpu.enqueue_indirect_dma source(%arg9 : memref<128x64xf32, #tpu.memory_space<vmem>>) target(%dma_start3A_666 : memref<10240x64xf32, #tpu.memory_space<vmem_shared>>) offsets(%dma_start3A_663 : memref<128xi32, #tpu.memory_space<vmem>>) semaphore(%arg12 : memref<!tpu.dma_semaphore, #tpu.memory_space<semaphore_mem>>) {add = true}
      %dma_wait3A_667 = arith.constant 0 : i32
      %dma_wait3A_668 = arith.constant 0 : i32
      %dma_wait3A_669 = tpu.memref_slice %arg8[%dma_wait3A_667, %dma_wait3A_668] : memref<1x128xi32, #tpu.memory_space<vmem>> -> memref<1x128xi32, #tpu.memory_space<vmem>>
      %dma_wait3A_670 = tpu.memref_squeeze %dma_wait3A_669 : memref<1x128xi32, #tpu.memory_space<vmem>> -> memref<128xi32, #tpu.memory_space<vmem>>
      %dma_wait3A_671 = arith.constant 0 : i32
      %dma_wait3A_672 = arith.constant 0 : i32
      %dma_wait3A_673 = tpu.memref_slice %arg19[%dma_wait3A_671, %dma_wait3A_672] : memref<10240x64xf32, #tpu.memory_space<vmem_shared>> -> memref<10240x64xf32, #tpu.memory_space<vmem_shared>>
      tpu.wait_indirect_dma semaphore(%arg12 : memref<!tpu.dma_semaphore, #tpu.memory_space<semaphore_mem>>) src(%arg9 : memref<128x64xf32, #tpu.memory_space<vmem>>) dst(%dma_wait3A_673 : memref<10240x64xf32, #tpu.memory_space<vmem_shared>>)
      %dma_start3A_674 = arith.constant 15 : i32
      %dma_start3A_675 = arith.constant 0 : i32
      %dma_start3A_676 = tpu.memref_slice %arg6[%dma_start3A_674, %dma_start3A_675] : memref<16x128xi32, #tpu.memory_space<vmem>> -> memref<1x128xi32, #tpu.memory_space<vmem>>
      %dma_start3A_677 = tpu.memref_squeeze %dma_start3A_676 : memref<1x128xi32, #tpu.memory_space<vmem>> -> memref<128xi32, #tpu.memory_space<vmem>>
      %dma_start3A_678 = arith.constant 0 : i32
      %dma_start3A_679 = arith.constant 0 : i32
      %dma_start3A_680 = tpu.memref_slice %arg18[%dma_start3A_678, %dma_start3A_679] : memref<10240x64xf32, #tpu.memory_space<vmem_shared>> -> memref<10240x64xf32, #tpu.memory_space<vmem_shared>>
      tpu.enqueue_indirect_dma source(%dma_start3A_680 : memref<10240x64xf32, #tpu.memory_space<vmem_shared>>) target(%arg9 : memref<128x64xf32, #tpu.memory_space<vmem>>) offsets(%dma_start3A_677 : memref<128xi32, #tpu.memory_space<vmem>>) semaphore(%arg15 : memref<!tpu.dma_semaphore, #tpu.memory_space<semaphore_mem>>)
      %dma_wait3A_681 = arith.constant 0 : i32
      %dma_wait3A_682 = arith.constant 0 : i32
      %dma_wait3A_683 = tpu.memref_slice %arg18[%dma_wait3A_681, %dma_wait3A_682] : memref<10240x64xf32, #tpu.memory_space<vmem_shared>> -> memref<128x64xf32, #tpu.memory_space<vmem_shared>>
      %dma_wait3A_684 = arith.constant 0 : i32
      %dma_wait3A_685 = arith.constant 0 : i32
      %dma_wait3A_686 = tpu.memref_slice %arg18[%dma_wait3A_684, %dma_wait3A_685] : memref<10240x64xf32, #tpu.memory_space<vmem_shared>> -> memref<128x64xf32, #tpu.memory_space<vmem_shared>>
      tpu.wait_dma2 semaphore(%arg16 : memref<!tpu.dma_semaphore, #tpu.memory_space<semaphore_mem>>) src(%dma_wait3A_686 : memref<128x64xf32, #tpu.memory_space<vmem_shared>>) dst(%arg10 : memref<128x64xf32, #tpu.memory_space<vmem>>)
      %dma_start3A_687 = arith.constant 13 : i32
      %dma_start3A_688 = arith.constant 0 : i32
      %dma_start3A_689 = tpu.memref_slice %arg7[%dma_start3A_687, %dma_start3A_688] : memref<32x128xi32, #tpu.memory_space<vmem>> -> memref<1x128xi32, #tpu.memory_space<vmem>>
      %dma_start3A_690 = tpu.memref_squeeze %dma_start3A_689 : memref<1x128xi32, #tpu.memory_space<vmem>> -> memref<128xi32, #tpu.memory_space<vmem>>
      %dma_start3A_691 = arith.constant 0 : i32
      %dma_start3A_692 = arith.constant 0 : i32
      %dma_start3A_693 = tpu.memref_slice %arg19[%dma_start3A_691, %dma_start3A_692] : memref<10240x64xf32, #tpu.memory_space<vmem_shared>> -> memref<10240x64xf32, #tpu.memory_space<vmem_shared>>
      tpu.enqueue_indirect_dma source(%arg10 : memref<128x64xf32, #tpu.memory_space<vmem>>) target(%dma_start3A_693 : memref<10240x64xf32, #tpu.memory_space<vmem_shared>>) offsets(%dma_start3A_690 : memref<128xi32, #tpu.memory_space<vmem>>) semaphore(%arg13 : memref<!tpu.dma_semaphore, #tpu.memory_space<semaphore_mem>>) {add = true}
      %dma_wait3A_694 = arith.constant 0 : i32
      %dma_wait3A_695 = arith.constant 0 : i32
      %dma_wait3A_696 = tpu.memref_slice %arg18[%dma_wait3A_694, %dma_wait3A_695] : memref<10240x64xf32, #tpu.memory_space<vmem_shared>> -> memref<128x64xf32, #tpu.memory_space<vmem_shared>>
      %dma_wait3A_697 = arith.constant 0 : i32
      %dma_wait3A_698 = arith.constant 0 : i32
      %dma_wait3A_699 = tpu.memref_slice %arg18[%dma_wait3A_697, %dma_wait3A_698] : memref<10240x64xf32, #tpu.memory_space<vmem_shared>> -> memref<128x64xf32, #tpu.memory_space<vmem_shared>>
      tpu.wait_dma2 semaphore(%arg17 : memref<!tpu.dma_semaphore, #tpu.memory_space<semaphore_mem>>) src(%dma_wait3A_699 : memref<128x64xf32, #tpu.memory_space<vmem_shared>>) dst(%arg11 : memref<128x64xf32, #tpu.memory_space<vmem>>)
      %dma_start3A_700 = arith.constant 14 : i32
      %dma_start3A_701 = arith.constant 0 : i32
      %dma_start3A_702 = tpu.memref_slice %arg7[%dma_start3A_700, %dma_start3A_701] : memref<32x128xi32, #tpu.memory_space<vmem>> -> memref<1x128xi32, #tpu.memory_space<vmem>>
      %dma_start3A_703 = tpu.memref_squeeze %dma_start3A_702 : memref<1x128xi32, #tpu.memory_space<vmem>> -> memref<128xi32, #tpu.memory_space<vmem>>
      %dma_start3A_704 = arith.constant 0 : i32
      %dma_start3A_705 = arith.constant 0 : i32
      %dma_start3A_706 = tpu.memref_slice %arg19[%dma_start3A_704, %dma_start3A_705] : memref<10240x64xf32, #tpu.memory_space<vmem_shared>> -> memref<10240x64xf32, #tpu.memory_space<vmem_shared>>
      tpu.enqueue_indirect_dma source(%arg11 : memref<128x64xf32, #tpu.memory_space<vmem>>) target(%dma_start3A_706 : memref<10240x64xf32, #tpu.memory_space<vmem_shared>>) offsets(%dma_start3A_703 : memref<128xi32, #tpu.memory_space<vmem>>) semaphore(%arg14 : memref<!tpu.dma_semaphore, #tpu.memory_space<semaphore_mem>>) {add = true}
      %dma_wait3A_707 = arith.constant 0 : i32
      %dma_wait3A_708 = arith.constant 0 : i32
      %dma_wait3A_709 = tpu.memref_slice %arg18[%dma_wait3A_707, %dma_wait3A_708] : memref<10240x64xf32, #tpu.memory_space<vmem_shared>> -> memref<128x64xf32, #tpu.memory_space<vmem_shared>>
      %dma_wait3A_710 = arith.constant 0 : i32
      %dma_wait3A_711 = arith.constant 0 : i32
      %dma_wait3A_712 = tpu.memref_slice %arg18[%dma_wait3A_710, %dma_wait3A_711] : memref<10240x64xf32, #tpu.memory_space<vmem_shared>> -> memref<128x64xf32, #tpu.memory_space<vmem_shared>>
      tpu.wait_dma2 semaphore(%arg15 : memref<!tpu.dma_semaphore, #tpu.memory_space<semaphore_mem>>) src(%dma_wait3A_712 : memref<128x64xf32, #tpu.memory_space<vmem_shared>>) dst(%arg9 : memref<128x64xf32, #tpu.memory_space<vmem>>)
      %dma_start3A_713 = arith.constant 15 : i32
      %dma_start3A_714 = arith.constant 0 : i32
      %dma_start3A_715 = tpu.memref_slice %arg7[%dma_start3A_713, %dma_start3A_714] : memref<32x128xi32, #tpu.memory_space<vmem>> -> memref<1x128xi32, #tpu.memory_space<vmem>>
      %dma_start3A_716 = tpu.memref_squeeze %dma_start3A_715 : memref<1x128xi32, #tpu.memory_space<vmem>> -> memref<128xi32, #tpu.memory_space<vmem>>
      %dma_start3A_717 = arith.constant 0 : i32
      %dma_start3A_718 = arith.constant 0 : i32
      %dma_start3A_719 = tpu.memref_slice %arg19[%dma_start3A_717, %dma_start3A_718] : memref<10240x64xf32, #tpu.memory_space<vmem_shared>> -> memref<10240x64xf32, #tpu.memory_space<vmem_shared>>
      tpu.enqueue_indirect_dma source(%arg9 : memref<128x64xf32, #tpu.memory_space<vmem>>) target(%dma_start3A_719 : memref<10240x64xf32, #tpu.memory_space<vmem_shared>>) offsets(%dma_start3A_716 : memref<128xi32, #tpu.memory_space<vmem>>) semaphore(%arg12 : memref<!tpu.dma_semaphore, #tpu.memory_space<semaphore_mem>>) {add = true}
      %mul3A_720 = arith.constant 2 : i32
      %mul3A_721 = arith.muli %mul3A_720, %add3A_281 : i32
      %add3A_722 = arith.constant 1 : i32
      %add3A_723 = arith.addi %mul3A_721, %add3A_722 : i32
      %mul3A_724 = arith.constant 16 : i32
      %mul3A_725 = arith.muli %add3A_723, %mul3A_724 : i32
      "tpu.region"() ({
        %run_scoped3A = tpu.sem_alloc : memref<!tpu.dma_semaphore, #tpu.memory_space<semaphore_mem>>
        %dma_start3A_1160 = arith.constant 0 : i32
        %dma_start3A_1161 = tpu.memref_slice %arg3[%arg1, %mul3A_725, %dma_start3A_1160] : memref<16x160x128xi32, #tpu.memory_space<hbm>> -> memref<1x16x128xi32, #tpu.memory_space<hbm>>
        %dma_start3A_1162 = tpu.memref_squeeze %dma_start3A_1161 : memref<1x16x128xi32, #tpu.memory_space<hbm>> -> memref<16x128xi32, #tpu.memory_space<hbm>>
        %dma_start3A_1163 = arith.constant 0 : i32
        %dma_start3A_1164 = tpu.memref_slice %arg3[%arg1, %mul3A_725, %dma_start3A_1163] : memref<16x160x128xi32, #tpu.memory_space<hbm>> -> memref<1x16x128xi32, #tpu.memory_space<hbm>>
        %dma_start3A_1165 = tpu.memref_squeeze %dma_start3A_1164 : memref<1x16x128xi32, #tpu.memory_space<hbm>> -> memref<16x128xi32, #tpu.memory_space<hbm>>
        tpu.enqueue_dma source(%dma_start3A_1165 : memref<16x128xi32, #tpu.memory_space<hbm>>) target(%arg6 : memref<16x128xi32, #tpu.memory_space<vmem>>) target_semaphore(%run_scoped3A : memref<!tpu.dma_semaphore, #tpu.memory_space<semaphore_mem>>)
        %dma_wait3A_1166 = arith.constant 0 : i32
        %dma_wait3A_1167 = tpu.memref_slice %arg3[%arg1, %mul3A_725, %dma_wait3A_1166] : memref<16x160x128xi32, #tpu.memory_space<hbm>> -> memref<1x16x128xi32, #tpu.memory_space<hbm>>
        %dma_wait3A_1168 = tpu.memref_squeeze %dma_wait3A_1167 : memref<1x16x128xi32, #tpu.memory_space<hbm>> -> memref<16x128xi32, #tpu.memory_space<hbm>>
        %dma_wait3A_1169 = arith.constant 0 : i32
        %dma_wait3A_1170 = tpu.memref_slice %arg3[%arg1, %mul3A_725, %dma_wait3A_1169] : memref<16x160x128xi32, #tpu.memory_space<hbm>> -> memref<1x16x128xi32, #tpu.memory_space<hbm>>
        %dma_wait3A_1171 = tpu.memref_squeeze %dma_wait3A_1170 : memref<1x16x128xi32, #tpu.memory_space<hbm>> -> memref<16x128xi32, #tpu.memory_space<hbm>>
        tpu.wait_dma2 semaphore(%run_scoped3A : memref<!tpu.dma_semaphore, #tpu.memory_space<semaphore_mem>>) src(%dma_wait3A_1171 : memref<16x128xi32, #tpu.memory_space<hbm>>) dst(%arg6 : memref<16x128xi32, #tpu.memory_space<vmem>>)
        tpu.yield
      }) : () -> ()
      %mul3A_726 = arith.constant 16 : i32
      %mul3A_727 = arith.muli %add3A_723, %mul3A_726 : i32
      "tpu.region"() ({
        %run_scoped3A = tpu.sem_alloc : memref<!tpu.dma_semaphore, #tpu.memory_space<semaphore_mem>>
        %dma_start3A_1160 = arith.constant 16 : i32
        %dma_start3A_1161 = arith.constant 0 : i32
        %dma_start3A_1162 = tpu.memref_slice %arg7[%dma_start3A_1160, %dma_start3A_1161] : memref<32x128xi32, #tpu.memory_space<vmem>> -> memref<16x128xi32, #tpu.memory_space<vmem>>
        %dma_start3A_1163 = arith.constant 0 : i32
        %dma_start3A_1164 = tpu.memref_slice %arg4[%arg1, %mul3A_727, %dma_start3A_1163] : memref<16x160x128xi32, #tpu.memory_space<hbm>> -> memref<1x16x128xi32, #tpu.memory_space<hbm>>
        %dma_start3A_1165 = tpu.memref_squeeze %dma_start3A_1164 : memref<1x16x128xi32, #tpu.memory_space<hbm>> -> memref<16x128xi32, #tpu.memory_space<hbm>>
        %dma_start3A_1166 = arith.constant 16 : i32
        %dma_start3A_1167 = arith.constant 0 : i32
        %dma_start3A_1168 = tpu.memref_slice %arg7[%dma_start3A_1166, %dma_start3A_1167] : memref<32x128xi32, #tpu.memory_space<vmem>> -> memref<16x128xi32, #tpu.memory_space<vmem>>
        %dma_start3A_1169 = arith.constant 0 : i32
        %dma_start3A_1170 = tpu.memref_slice %arg4[%arg1, %mul3A_727, %dma_start3A_1169] : memref<16x160x128xi32, #tpu.memory_space<hbm>> -> memref<1x16x128xi32, #tpu.memory_space<hbm>>
        %dma_start3A_1171 = tpu.memref_squeeze %dma_start3A_1170 : memref<1x16x128xi32, #tpu.memory_space<hbm>> -> memref<16x128xi32, #tpu.memory_space<hbm>>
        tpu.enqueue_dma source(%dma_start3A_1171 : memref<16x128xi32, #tpu.memory_space<hbm>>) target(%dma_start3A_1168 : memref<16x128xi32, #tpu.memory_space<vmem>>) target_semaphore(%run_scoped3A : memref<!tpu.dma_semaphore, #tpu.memory_space<semaphore_mem>>)
        %dma_wait3A_1172 = arith.constant 16 : i32
        %dma_wait3A_1173 = arith.constant 0 : i32
        %dma_wait3A_1174 = tpu.memref_slice %arg7[%dma_wait3A_1172, %dma_wait3A_1173] : memref<32x128xi32, #tpu.memory_space<vmem>> -> memref<16x128xi32, #tpu.memory_space<vmem>>
        %dma_wait3A_1175 = arith.constant 0 : i32
        %dma_wait3A_1176 = tpu.memref_slice %arg4[%arg1, %mul3A_727, %dma_wait3A_1175] : memref<16x160x128xi32, #tpu.memory_space<hbm>> -> memref<1x16x128xi32, #tpu.memory_space<hbm>>
        %dma_wait3A_1177 = tpu.memref_squeeze %dma_wait3A_1176 : memref<1x16x128xi32, #tpu.memory_space<hbm>> -> memref<16x128xi32, #tpu.memory_space<hbm>>
        %dma_wait3A_1178 = arith.constant 16 : i32
        %dma_wait3A_1179 = arith.constant 0 : i32
        %dma_wait3A_1180 = tpu.memref_slice %arg7[%dma_wait3A_1178, %dma_wait3A_1179] : memref<32x128xi32, #tpu.memory_space<vmem>> -> memref<16x128xi32, #tpu.memory_space<vmem>>
        %dma_wait3A_1181 = arith.constant 0 : i32
        %dma_wait3A_1182 = tpu.memref_slice %arg4[%arg1, %mul3A_727, %dma_wait3A_1181] : memref<16x160x128xi32, #tpu.memory_space<hbm>> -> memref<1x16x128xi32, #tpu.memory_space<hbm>>
        %dma_wait3A_1183 = tpu.memref_squeeze %dma_wait3A_1182 : memref<1x16x128xi32, #tpu.memory_space<hbm>> -> memref<16x128xi32, #tpu.memory_space<hbm>>
        tpu.wait_dma2 semaphore(%run_scoped3A : memref<!tpu.dma_semaphore, #tpu.memory_space<semaphore_mem>>) src(%dma_wait3A_1183 : memref<16x128xi32, #tpu.memory_space<hbm>>) dst(%dma_wait3A_1180 : memref<16x128xi32, #tpu.memory_space<vmem>>)
        tpu.yield
      }) : () -> ()
      %dma_wait3A_728 = arith.constant 0 : i32
      %dma_wait3A_729 = arith.constant 0 : i32
      %dma_wait3A_730 = tpu.memref_slice %arg8[%dma_wait3A_728, %dma_wait3A_729] : memref<1x128xi32, #tpu.memory_space<vmem>> -> memref<1x128xi32, #tpu.memory_space<vmem>>
      %dma_wait3A_731 = tpu.memref_squeeze %dma_wait3A_730 : memref<1x128xi32, #tpu.memory_space<vmem>> -> memref<128xi32, #tpu.memory_space<vmem>>
      %dma_wait3A_732 = arith.constant 0 : i32
      %dma_wait3A_733 = arith.constant 0 : i32
      %dma_wait3A_734 = tpu.memref_slice %arg19[%dma_wait3A_732, %dma_wait3A_733] : memref<10240x64xf32, #tpu.memory_space<vmem_shared>> -> memref<10240x64xf32, #tpu.memory_space<vmem_shared>>
      tpu.wait_indirect_dma semaphore(%arg12 : memref<!tpu.dma_semaphore, #tpu.memory_space<semaphore_mem>>) src(%arg9 : memref<128x64xf32, #tpu.memory_space<vmem>>) dst(%dma_wait3A_734 : memref<10240x64xf32, #tpu.memory_space<vmem_shared>>)
      %dma_start3A_735 = arith.constant 0 : i32
      %dma_start3A_736 = arith.constant 0 : i32
      %dma_start3A_737 = tpu.memref_slice %arg6[%dma_start3A_735, %dma_start3A_736] : memref<16x128xi32, #tpu.memory_space<vmem>> -> memref<1x128xi32, #tpu.memory_space<vmem>>
      %dma_start3A_738 = tpu.memref_squeeze %dma_start3A_737 : memref<1x128xi32, #tpu.memory_space<vmem>> -> memref<128xi32, #tpu.memory_space<vmem>>
      %dma_start3A_739 = arith.constant 0 : i32
      %dma_start3A_740 = arith.constant 0 : i32
      %dma_start3A_741 = tpu.memref_slice %arg18[%dma_start3A_739, %dma_start3A_740] : memref<10240x64xf32, #tpu.memory_space<vmem_shared>> -> memref<10240x64xf32, #tpu.memory_space<vmem_shared>>
      tpu.enqueue_indirect_dma source(%dma_start3A_741 : memref<10240x64xf32, #tpu.memory_space<vmem_shared>>) target(%arg9 : memref<128x64xf32, #tpu.memory_space<vmem>>) offsets(%dma_start3A_738 : memref<128xi32, #tpu.memory_space<vmem>>) semaphore(%arg15 : memref<!tpu.dma_semaphore, #tpu.memory_space<semaphore_mem>>)
      %dma_wait3A_742 = arith.constant 0 : i32
      %dma_wait3A_743 = arith.constant 0 : i32
      %dma_wait3A_744 = tpu.memref_slice %arg8[%dma_wait3A_742, %dma_wait3A_743] : memref<1x128xi32, #tpu.memory_space<vmem>> -> memref<1x128xi32, #tpu.memory_space<vmem>>
      %dma_wait3A_745 = tpu.memref_squeeze %dma_wait3A_744 : memref<1x128xi32, #tpu.memory_space<vmem>> -> memref<128xi32, #tpu.memory_space<vmem>>
      %dma_wait3A_746 = arith.constant 0 : i32
      %dma_wait3A_747 = arith.constant 0 : i32
      %dma_wait3A_748 = tpu.memref_slice %arg19[%dma_wait3A_746, %dma_wait3A_747] : memref<10240x64xf32, #tpu.memory_space<vmem_shared>> -> memref<10240x64xf32, #tpu.memory_space<vmem_shared>>
      tpu.wait_indirect_dma semaphore(%arg13 : memref<!tpu.dma_semaphore, #tpu.memory_space<semaphore_mem>>) src(%arg10 : memref<128x64xf32, #tpu.memory_space<vmem>>) dst(%dma_wait3A_748 : memref<10240x64xf32, #tpu.memory_space<vmem_shared>>)
      %dma_start3A_749 = arith.constant 1 : i32
      %dma_start3A_750 = arith.constant 0 : i32
      %dma_start3A_751 = tpu.memref_slice %arg6[%dma_start3A_749, %dma_start3A_750] : memref<16x128xi32, #tpu.memory_space<vmem>> -> memref<1x128xi32, #tpu.memory_space<vmem>>
      %dma_start3A_752 = tpu.memref_squeeze %dma_start3A_751 : memref<1x128xi32, #tpu.memory_space<vmem>> -> memref<128xi32, #tpu.memory_space<vmem>>
      %dma_start3A_753 = arith.constant 0 : i32
      %dma_start3A_754 = arith.constant 0 : i32
      %dma_start3A_755 = tpu.memref_slice %arg18[%dma_start3A_753, %dma_start3A_754] : memref<10240x64xf32, #tpu.memory_space<vmem_shared>> -> memref<10240x64xf32, #tpu.memory_space<vmem_shared>>
      tpu.enqueue_indirect_dma source(%dma_start3A_755 : memref<10240x64xf32, #tpu.memory_space<vmem_shared>>) target(%arg10 : memref<128x64xf32, #tpu.memory_space<vmem>>) offsets(%dma_start3A_752 : memref<128xi32, #tpu.memory_space<vmem>>) semaphore(%arg16 : memref<!tpu.dma_semaphore, #tpu.memory_space<semaphore_mem>>)
      %dma_wait3A_756 = arith.constant 0 : i32
      %dma_wait3A_757 = arith.constant 0 : i32
      %dma_wait3A_758 = tpu.memref_slice %arg8[%dma_wait3A_756, %dma_wait3A_757] : memref<1x128xi32, #tpu.memory_space<vmem>> -> memref<1x128xi32, #tpu.memory_space<vmem>>
      %dma_wait3A_759 = tpu.memref_squeeze %dma_wait3A_758 : memref<1x128xi32, #tpu.memory_space<vmem>> -> memref<128xi32, #tpu.memory_space<vmem>>
      %dma_wait3A_760 = arith.constant 0 : i32
      %dma_wait3A_761 = arith.constant 0 : i32
      %dma_wait3A_762 = tpu.memref_slice %arg19[%dma_wait3A_760, %dma_wait3A_761] : memref<10240x64xf32, #tpu.memory_space<vmem_shared>> -> memref<10240x64xf32, #tpu.memory_space<vmem_shared>>
      tpu.wait_indirect_dma semaphore(%arg14 : memref<!tpu.dma_semaphore, #tpu.memory_space<semaphore_mem>>) src(%arg11 : memref<128x64xf32, #tpu.memory_space<vmem>>) dst(%dma_wait3A_762 : memref<10240x64xf32, #tpu.memory_space<vmem_shared>>)
      %dma_start3A_763 = arith.constant 2 : i32
      %dma_start3A_764 = arith.constant 0 : i32
      %dma_start3A_765 = tpu.memref_slice %arg6[%dma_start3A_763, %dma_start3A_764] : memref<16x128xi32, #tpu.memory_space<vmem>> -> memref<1x128xi32, #tpu.memory_space<vmem>>
      %dma_start3A_766 = tpu.memref_squeeze %dma_start3A_765 : memref<1x128xi32, #tpu.memory_space<vmem>> -> memref<128xi32, #tpu.memory_space<vmem>>
      %dma_start3A_767 = arith.constant 0 : i32
      %dma_start3A_768 = arith.constant 0 : i32
      %dma_start3A_769 = tpu.memref_slice %arg18[%dma_start3A_767, %dma_start3A_768] : memref<10240x64xf32, #tpu.memory_space<vmem_shared>> -> memref<10240x64xf32, #tpu.memory_space<vmem_shared>>
      tpu.enqueue_indirect_dma source(%dma_start3A_769 : memref<10240x64xf32, #tpu.memory_space<vmem_shared>>) target(%arg11 : memref<128x64xf32, #tpu.memory_space<vmem>>) offsets(%dma_start3A_766 : memref<128xi32, #tpu.memory_space<vmem>>) semaphore(%arg17 : memref<!tpu.dma_semaphore, #tpu.memory_space<semaphore_mem>>)
      %dma_wait3A_770 = arith.constant 0 : i32
      %dma_wait3A_771 = arith.constant 0 : i32
      %dma_wait3A_772 = tpu.memref_slice %arg18[%dma_wait3A_770, %dma_wait3A_771] : memref<10240x64xf32, #tpu.memory_space<vmem_shared>> -> memref<128x64xf32, #tpu.memory_space<vmem_shared>>
      %dma_wait3A_773 = arith.constant 0 : i32
      %dma_wait3A_774 = arith.constant 0 : i32
      %dma_wait3A_775 = tpu.memref_slice %arg18[%dma_wait3A_773, %dma_wait3A_774] : memref<10240x64xf32, #tpu.memory_space<vmem_shared>> -> memref<128x64xf32, #tpu.memory_space<vmem_shared>>
      tpu.wait_dma2 semaphore(%arg15 : memref<!tpu.dma_semaphore, #tpu.memory_space<semaphore_mem>>) src(%dma_wait3A_775 : memref<128x64xf32, #tpu.memory_space<vmem_shared>>) dst(%arg9 : memref<128x64xf32, #tpu.memory_space<vmem>>)
      %dma_start3A_776 = arith.constant 16 : i32
      %dma_start3A_777 = arith.constant 0 : i32
      %dma_start3A_778 = tpu.memref_slice %arg7[%dma_start3A_776, %dma_start3A_777] : memref<32x128xi32, #tpu.memory_space<vmem>> -> memref<1x128xi32, #tpu.memory_space<vmem>>
      %dma_start3A_779 = tpu.memref_squeeze %dma_start3A_778 : memref<1x128xi32, #tpu.memory_space<vmem>> -> memref<128xi32, #tpu.memory_space<vmem>>
      %dma_start3A_780 = arith.constant 0 : i32
      %dma_start3A_781 = arith.constant 0 : i32
      %dma_start3A_782 = tpu.memref_slice %arg19[%dma_start3A_780, %dma_start3A_781] : memref<10240x64xf32, #tpu.memory_space<vmem_shared>> -> memref<10240x64xf32, #tpu.memory_space<vmem_shared>>
      tpu.enqueue_indirect_dma source(%arg9 : memref<128x64xf32, #tpu.memory_space<vmem>>) target(%dma_start3A_782 : memref<10240x64xf32, #tpu.memory_space<vmem_shared>>) offsets(%dma_start3A_779 : memref<128xi32, #tpu.memory_space<vmem>>) semaphore(%arg12 : memref<!tpu.dma_semaphore, #tpu.memory_space<semaphore_mem>>) {add = true}
      %dma_wait3A_783 = arith.constant 0 : i32
      %dma_wait3A_784 = arith.constant 0 : i32
      %dma_wait3A_785 = tpu.memref_slice %arg8[%dma_wait3A_783, %dma_wait3A_784] : memref<1x128xi32, #tpu.memory_space<vmem>> -> memref<1x128xi32, #tpu.memory_space<vmem>>
      %dma_wait3A_786 = tpu.memref_squeeze %dma_wait3A_785 : memref<1x128xi32, #tpu.memory_space<vmem>> -> memref<128xi32, #tpu.memory_space<vmem>>
      %dma_wait3A_787 = arith.constant 0 : i32
      %dma_wait3A_788 = arith.constant 0 : i32
      %dma_wait3A_789 = tpu.memref_slice %arg19[%dma_wait3A_787, %dma_wait3A_788] : memref<10240x64xf32, #tpu.memory_space<vmem_shared>> -> memref<10240x64xf32, #tpu.memory_space<vmem_shared>>
      tpu.wait_indirect_dma semaphore(%arg12 : memref<!tpu.dma_semaphore, #tpu.memory_space<semaphore_mem>>) src(%arg9 : memref<128x64xf32, #tpu.memory_space<vmem>>) dst(%dma_wait3A_789 : memref<10240x64xf32, #tpu.memory_space<vmem_shared>>)
      %dma_start3A_790 = arith.constant 3 : i32
      %dma_start3A_791 = arith.constant 0 : i32
      %dma_start3A_792 = tpu.memref_slice %arg6[%dma_start3A_790, %dma_start3A_791] : memref<16x128xi32, #tpu.memory_space<vmem>> -> memref<1x128xi32, #tpu.memory_space<vmem>>
      %dma_start3A_793 = tpu.memref_squeeze %dma_start3A_792 : memref<1x128xi32, #tpu.memory_space<vmem>> -> memref<128xi32, #tpu.memory_space<vmem>>
      %dma_start3A_794 = arith.constant 0 : i32
      %dma_start3A_795 = arith.constant 0 : i32
      %dma_start3A_796 = tpu.memref_slice %arg18[%dma_start3A_794, %dma_start3A_795] : memref<10240x64xf32, #tpu.memory_space<vmem_shared>> -> memref<10240x64xf32, #tpu.memory_space<vmem_shared>>
      tpu.enqueue_indirect_dma source(%dma_start3A_796 : memref<10240x64xf32, #tpu.memory_space<vmem_shared>>) target(%arg9 : memref<128x64xf32, #tpu.memory_space<vmem>>) offsets(%dma_start3A_793 : memref<128xi32, #tpu.memory_space<vmem>>) semaphore(%arg15 : memref<!tpu.dma_semaphore, #tpu.memory_space<semaphore_mem>>)
      %dma_wait3A_797 = arith.constant 0 : i32
      %dma_wait3A_798 = arith.constant 0 : i32
      %dma_wait3A_799 = tpu.memref_slice %arg18[%dma_wait3A_797, %dma_wait3A_798] : memref<10240x64xf32, #tpu.memory_space<vmem_shared>> -> memref<128x64xf32, #tpu.memory_space<vmem_shared>>
      %dma_wait3A_800 = arith.constant 0 : i32
      %dma_wait3A_801 = arith.constant 0 : i32
      %dma_wait3A_802 = tpu.memref_slice %arg18[%dma_wait3A_800, %dma_wait3A_801] : memref<10240x64xf32, #tpu.memory_space<vmem_shared>> -> memref<128x64xf32, #tpu.memory_space<vmem_shared>>
      tpu.wait_dma2 semaphore(%arg16 : memref<!tpu.dma_semaphore, #tpu.memory_space<semaphore_mem>>) src(%dma_wait3A_802 : memref<128x64xf32, #tpu.memory_space<vmem_shared>>) dst(%arg10 : memref<128x64xf32, #tpu.memory_space<vmem>>)
      %dma_start3A_803 = arith.constant 17 : i32
      %dma_start3A_804 = arith.constant 0 : i32
      %dma_start3A_805 = tpu.memref_slice %arg7[%dma_start3A_803, %dma_start3A_804] : memref<32x128xi32, #tpu.memory_space<vmem>> -> memref<1x128xi32, #tpu.memory_space<vmem>>
      %dma_start3A_806 = tpu.memref_squeeze %dma_start3A_805 : memref<1x128xi32, #tpu.memory_space<vmem>> -> memref<128xi32, #tpu.memory_space<vmem>>
      %dma_start3A_807 = arith.constant 0 : i32
      %dma_start3A_808 = arith.constant 0 : i32
      %dma_start3A_809 = tpu.memref_slice %arg19[%dma_start3A_807, %dma_start3A_808] : memref<10240x64xf32, #tpu.memory_space<vmem_shared>> -> memref<10240x64xf32, #tpu.memory_space<vmem_shared>>
      tpu.enqueue_indirect_dma source(%arg10 : memref<128x64xf32, #tpu.memory_space<vmem>>) target(%dma_start3A_809 : memref<10240x64xf32, #tpu.memory_space<vmem_shared>>) offsets(%dma_start3A_806 : memref<128xi32, #tpu.memory_space<vmem>>) semaphore(%arg13 : memref<!tpu.dma_semaphore, #tpu.memory_space<semaphore_mem>>) {add = true}
      %dma_wait3A_810 = arith.constant 0 : i32
      %dma_wait3A_811 = arith.constant 0 : i32
      %dma_wait3A_812 = tpu.memref_slice %arg8[%dma_wait3A_810, %dma_wait3A_811] : memref<1x128xi32, #tpu.memory_space<vmem>> -> memref<1x128xi32, #tpu.memory_space<vmem>>
      %dma_wait3A_813 = tpu.memref_squeeze %dma_wait3A_812 : memref<1x128xi32, #tpu.memory_space<vmem>> -> memref<128xi32, #tpu.memory_space<vmem>>
      %dma_wait3A_814 = arith.constant 0 : i32
      %dma_wait3A_815 = arith.constant 0 : i32
      %dma_wait3A_816 = tpu.memref_slice %arg19[%dma_wait3A_814, %dma_wait3A_815] : memref<10240x64xf32, #tpu.memory_space<vmem_shared>> -> memref<10240x64xf32, #tpu.memory_space<vmem_shared>>
      tpu.wait_indirect_dma semaphore(%arg13 : memref<!tpu.dma_semaphore, #tpu.memory_space<semaphore_mem>>) src(%arg10 : memref<128x64xf32, #tpu.memory_space<vmem>>) dst(%dma_wait3A_816 : memref<10240x64xf32, #tpu.memory_space<vmem_shared>>)
      %dma_start3A_817 = arith.constant 4 : i32
      %dma_start3A_818 = arith.constant 0 : i32
      %dma_start3A_819 = tpu.memref_slice %arg6[%dma_start3A_817, %dma_start3A_818] : memref<16x128xi32, #tpu.memory_space<vmem>> -> memref<1x128xi32, #tpu.memory_space<vmem>>
      %dma_start3A_820 = tpu.memref_squeeze %dma_start3A_819 : memref<1x128xi32, #tpu.memory_space<vmem>> -> memref<128xi32, #tpu.memory_space<vmem>>
      %dma_start3A_821 = arith.constant 0 : i32
      %dma_start3A_822 = arith.constant 0 : i32
      %dma_start3A_823 = tpu.memref_slice %arg18[%dma_start3A_821, %dma_start3A_822] : memref<10240x64xf32, #tpu.memory_space<vmem_shared>> -> memref<10240x64xf32, #tpu.memory_space<vmem_shared>>
      tpu.enqueue_indirect_dma source(%dma_start3A_823 : memref<10240x64xf32, #tpu.memory_space<vmem_shared>>) target(%arg10 : memref<128x64xf32, #tpu.memory_space<vmem>>) offsets(%dma_start3A_820 : memref<128xi32, #tpu.memory_space<vmem>>) semaphore(%arg16 : memref<!tpu.dma_semaphore, #tpu.memory_space<semaphore_mem>>)
      %dma_wait3A_824 = arith.constant 0 : i32
      %dma_wait3A_825 = arith.constant 0 : i32
      %dma_wait3A_826 = tpu.memref_slice %arg18[%dma_wait3A_824, %dma_wait3A_825] : memref<10240x64xf32, #tpu.memory_space<vmem_shared>> -> memref<128x64xf32, #tpu.memory_space<vmem_shared>>
      %dma_wait3A_827 = arith.constant 0 : i32
      %dma_wait3A_828 = arith.constant 0 : i32
      %dma_wait3A_829 = tpu.memref_slice %arg18[%dma_wait3A_827, %dma_wait3A_828] : memref<10240x64xf32, #tpu.memory_space<vmem_shared>> -> memref<128x64xf32, #tpu.memory_space<vmem_shared>>
      tpu.wait_dma2 semaphore(%arg17 : memref<!tpu.dma_semaphore, #tpu.memory_space<semaphore_mem>>) src(%dma_wait3A_829 : memref<128x64xf32, #tpu.memory_space<vmem_shared>>) dst(%arg11 : memref<128x64xf32, #tpu.memory_space<vmem>>)
      %dma_start3A_830 = arith.constant 18 : i32
      %dma_start3A_831 = arith.constant 0 : i32
      %dma_start3A_832 = tpu.memref_slice %arg7[%dma_start3A_830, %dma_start3A_831] : memref<32x128xi32, #tpu.memory_space<vmem>> -> memref<1x128xi32, #tpu.memory_space<vmem>>
      %dma_start3A_833 = tpu.memref_squeeze %dma_start3A_832 : memref<1x128xi32, #tpu.memory_space<vmem>> -> memref<128xi32, #tpu.memory_space<vmem>>
      %dma_start3A_834 = arith.constant 0 : i32
      %dma_start3A_835 = arith.constant 0 : i32
      %dma_start3A_836 = tpu.memref_slice %arg19[%dma_start3A_834, %dma_start3A_835] : memref<10240x64xf32, #tpu.memory_space<vmem_shared>> -> memref<10240x64xf32, #tpu.memory_space<vmem_shared>>
      tpu.enqueue_indirect_dma source(%arg11 : memref<128x64xf32, #tpu.memory_space<vmem>>) target(%dma_start3A_836 : memref<10240x64xf32, #tpu.memory_space<vmem_shared>>) offsets(%dma_start3A_833 : memref<128xi32, #tpu.memory_space<vmem>>) semaphore(%arg14 : memref<!tpu.dma_semaphore, #tpu.memory_space<semaphore_mem>>) {add = true}
      %dma_wait3A_837 = arith.constant 0 : i32
      %dma_wait3A_838 = arith.constant 0 : i32
      %dma_wait3A_839 = tpu.memref_slice %arg8[%dma_wait3A_837, %dma_wait3A_838] : memref<1x128xi32, #tpu.memory_space<vmem>> -> memref<1x128xi32, #tpu.memory_space<vmem>>
      %dma_wait3A_840 = tpu.memref_squeeze %dma_wait3A_839 : memref<1x128xi32, #tpu.memory_space<vmem>> -> memref<128xi32, #tpu.memory_space<vmem>>
      %dma_wait3A_841 = arith.constant 0 : i32
      %dma_wait3A_842 = arith.constant 0 : i32
      %dma_wait3A_843 = tpu.memref_slice %arg19[%dma_wait3A_841, %dma_wait3A_842] : memref<10240x64xf32, #tpu.memory_space<vmem_shared>> -> memref<10240x64xf32, #tpu.memory_space<vmem_shared>>
      tpu.wait_indirect_dma semaphore(%arg14 : memref<!tpu.dma_semaphore, #tpu.memory_space<semaphore_mem>>) src(%arg11 : memref<128x64xf32, #tpu.memory_space<vmem>>) dst(%dma_wait3A_843 : memref<10240x64xf32, #tpu.memory_space<vmem_shared>>)
      %dma_start3A_844 = arith.constant 5 : i32
      %dma_start3A_845 = arith.constant 0 : i32
      %dma_start3A_846 = tpu.memref_slice %arg6[%dma_start3A_844, %dma_start3A_845] : memref<16x128xi32, #tpu.memory_space<vmem>> -> memref<1x128xi32, #tpu.memory_space<vmem>>
      %dma_start3A_847 = tpu.memref_squeeze %dma_start3A_846 : memref<1x128xi32, #tpu.memory_space<vmem>> -> memref<128xi32, #tpu.memory_space<vmem>>
      %dma_start3A_848 = arith.constant 0 : i32
      %dma_start3A_849 = arith.constant 0 : i32
      %dma_start3A_850 = tpu.memref_slice %arg18[%dma_start3A_848, %dma_start3A_849] : memref<10240x64xf32, #tpu.memory_space<vmem_shared>> -> memref<10240x64xf32, #tpu.memory_space<vmem_shared>>
      tpu.enqueue_indirect_dma source(%dma_start3A_850 : memref<10240x64xf32, #tpu.memory_space<vmem_shared>>) target(%arg11 : memref<128x64xf32, #tpu.memory_space<vmem>>) offsets(%dma_start3A_847 : memref<128xi32, #tpu.memory_space<vmem>>) semaphore(%arg17 : memref<!tpu.dma_semaphore, #tpu.memory_space<semaphore_mem>>)
      %dma_wait3A_851 = arith.constant 0 : i32
      %dma_wait3A_852 = arith.constant 0 : i32
      %dma_wait3A_853 = tpu.memref_slice %arg18[%dma_wait3A_851, %dma_wait3A_852] : memref<10240x64xf32, #tpu.memory_space<vmem_shared>> -> memref<128x64xf32, #tpu.memory_space<vmem_shared>>
      %dma_wait3A_854 = arith.constant 0 : i32
      %dma_wait3A_855 = arith.constant 0 : i32
      %dma_wait3A_856 = tpu.memref_slice %arg18[%dma_wait3A_854, %dma_wait3A_855] : memref<10240x64xf32, #tpu.memory_space<vmem_shared>> -> memref<128x64xf32, #tpu.memory_space<vmem_shared>>
      tpu.wait_dma2 semaphore(%arg15 : memref<!tpu.dma_semaphore, #tpu.memory_space<semaphore_mem>>) src(%dma_wait3A_856 : memref<128x64xf32, #tpu.memory_space<vmem_shared>>) dst(%arg9 : memref<128x64xf32, #tpu.memory_space<vmem>>)
      %dma_start3A_857 = arith.constant 19 : i32
      %dma_start3A_858 = arith.constant 0 : i32
      %dma_start3A_859 = tpu.memref_slice %arg7[%dma_start3A_857, %dma_start3A_858] : memref<32x128xi32, #tpu.memory_space<vmem>> -> memref<1x128xi32, #tpu.memory_space<vmem>>
      %dma_start3A_860 = tpu.memref_squeeze %dma_start3A_859 : memref<1x128xi32, #tpu.memory_space<vmem>> -> memref<128xi32, #tpu.memory_space<vmem>>
      %dma_start3A_861 = arith.constant 0 : i32
      %dma_start3A_862 = arith.constant 0 : i32
      %dma_start3A_863 = tpu.memref_slice %arg19[%dma_start3A_861, %dma_start3A_862] : memref<10240x64xf32, #tpu.memory_space<vmem_shared>> -> memref<10240x64xf32, #tpu.memory_space<vmem_shared>>
      tpu.enqueue_indirect_dma source(%arg9 : memref<128x64xf32, #tpu.memory_space<vmem>>) target(%dma_start3A_863 : memref<10240x64xf32, #tpu.memory_space<vmem_shared>>) offsets(%dma_start3A_860 : memref<128xi32, #tpu.memory_space<vmem>>) semaphore(%arg12 : memref<!tpu.dma_semaphore, #tpu.memory_space<semaphore_mem>>) {add = true}
      %dma_wait3A_864 = arith.constant 0 : i32
      %dma_wait3A_865 = arith.constant 0 : i32
      %dma_wait3A_866 = tpu.memref_slice %arg8[%dma_wait3A_864, %dma_wait3A_865] : memref<1x128xi32, #tpu.memory_space<vmem>> -> memref<1x128xi32, #tpu.memory_space<vmem>>
      %dma_wait3A_867 = tpu.memref_squeeze %dma_wait3A_866 : memref<1x128xi32, #tpu.memory_space<vmem>> -> memref<128xi32, #tpu.memory_space<vmem>>
      %dma_wait3A_868 = arith.constant 0 : i32
      %dma_wait3A_869 = arith.constant 0 : i32
      %dma_wait3A_870 = tpu.memref_slice %arg19[%dma_wait3A_868, %dma_wait3A_869] : memref<10240x64xf32, #tpu.memory_space<vmem_shared>> -> memref<10240x64xf32, #tpu.memory_space<vmem_shared>>
      tpu.wait_indirect_dma semaphore(%arg12 : memref<!tpu.dma_semaphore, #tpu.memory_space<semaphore_mem>>) src(%arg9 : memref<128x64xf32, #tpu.memory_space<vmem>>) dst(%dma_wait3A_870 : memref<10240x64xf32, #tpu.memory_space<vmem_shared>>)
      %dma_start3A_871 = arith.constant 6 : i32
      %dma_start3A_872 = arith.constant 0 : i32
      %dma_start3A_873 = tpu.memref_slice %arg6[%dma_start3A_871, %dma_start3A_872] : memref<16x128xi32, #tpu.memory_space<vmem>> -> memref<1x128xi32, #tpu.memory_space<vmem>>
      %dma_start3A_874 = tpu.memref_squeeze %dma_start3A_873 : memref<1x128xi32, #tpu.memory_space<vmem>> -> memref<128xi32, #tpu.memory_space<vmem>>
      %dma_start3A_875 = arith.constant 0 : i32
      %dma_start3A_876 = arith.constant 0 : i32
      %dma_start3A_877 = tpu.memref_slice %arg18[%dma_start3A_875, %dma_start3A_876] : memref<10240x64xf32, #tpu.memory_space<vmem_shared>> -> memref<10240x64xf32, #tpu.memory_space<vmem_shared>>
      tpu.enqueue_indirect_dma source(%dma_start3A_877 : memref<10240x64xf32, #tpu.memory_space<vmem_shared>>) target(%arg9 : memref<128x64xf32, #tpu.memory_space<vmem>>) offsets(%dma_start3A_874 : memref<128xi32, #tpu.memory_space<vmem>>) semaphore(%arg15 : memref<!tpu.dma_semaphore, #tpu.memory_space<semaphore_mem>>)
      %dma_wait3A_878 = arith.constant 0 : i32
      %dma_wait3A_879 = arith.constant 0 : i32
      %dma_wait3A_880 = tpu.memref_slice %arg18[%dma_wait3A_878, %dma_wait3A_879] : memref<10240x64xf32, #tpu.memory_space<vmem_shared>> -> memref<128x64xf32, #tpu.memory_space<vmem_shared>>
      %dma_wait3A_881 = arith.constant 0 : i32
      %dma_wait3A_882 = arith.constant 0 : i32
      %dma_wait3A_883 = tpu.memref_slice %arg18[%dma_wait3A_881, %dma_wait3A_882] : memref<10240x64xf32, #tpu.memory_space<vmem_shared>> -> memref<128x64xf32, #tpu.memory_space<vmem_shared>>
      tpu.wait_dma2 semaphore(%arg16 : memref<!tpu.dma_semaphore, #tpu.memory_space<semaphore_mem>>) src(%dma_wait3A_883 : memref<128x64xf32, #tpu.memory_space<vmem_shared>>) dst(%arg10 : memref<128x64xf32, #tpu.memory_space<vmem>>)
      %dma_start3A_884 = arith.constant 20 : i32
      %dma_start3A_885 = arith.constant 0 : i32
      %dma_start3A_886 = tpu.memref_slice %arg7[%dma_start3A_884, %dma_start3A_885] : memref<32x128xi32, #tpu.memory_space<vmem>> -> memref<1x128xi32, #tpu.memory_space<vmem>>
      %dma_start3A_887 = tpu.memref_squeeze %dma_start3A_886 : memref<1x128xi32, #tpu.memory_space<vmem>> -> memref<128xi32, #tpu.memory_space<vmem>>
      %dma_start3A_888 = arith.constant 0 : i32
      %dma_start3A_889 = arith.constant 0 : i32
      %dma_start3A_890 = tpu.memref_slice %arg19[%dma_start3A_888, %dma_start3A_889] : memref<10240x64xf32, #tpu.memory_space<vmem_shared>> -> memref<10240x64xf32, #tpu.memory_space<vmem_shared>>
      tpu.enqueue_indirect_dma source(%arg10 : memref<128x64xf32, #tpu.memory_space<vmem>>) target(%dma_start3A_890 : memref<10240x64xf32, #tpu.memory_space<vmem_shared>>) offsets(%dma_start3A_887 : memref<128xi32, #tpu.memory_space<vmem>>) semaphore(%arg13 : memref<!tpu.dma_semaphore, #tpu.memory_space<semaphore_mem>>) {add = true}
      %dma_wait3A_891 = arith.constant 0 : i32
      %dma_wait3A_892 = arith.constant 0 : i32
      %dma_wait3A_893 = tpu.memref_slice %arg8[%dma_wait3A_891, %dma_wait3A_892] : memref<1x128xi32, #tpu.memory_space<vmem>> -> memref<1x128xi32, #tpu.memory_space<vmem>>
      %dma_wait3A_894 = tpu.memref_squeeze %dma_wait3A_893 : memref<1x128xi32, #tpu.memory_space<vmem>> -> memref<128xi32, #tpu.memory_space<vmem>>
      %dma_wait3A_895 = arith.constant 0 : i32
      %dma_wait3A_896 = arith.constant 0 : i32
      %dma_wait3A_897 = tpu.memref_slice %arg19[%dma_wait3A_895, %dma_wait3A_896] : memref<10240x64xf32, #tpu.memory_space<vmem_shared>> -> memref<10240x64xf32, #tpu.memory_space<vmem_shared>>
      tpu.wait_indirect_dma semaphore(%arg13 : memref<!tpu.dma_semaphore, #tpu.memory_space<semaphore_mem>>) src(%arg10 : memref<128x64xf32, #tpu.memory_space<vmem>>) dst(%dma_wait3A_897 : memref<10240x64xf32, #tpu.memory_space<vmem_shared>>)
      %dma_start3A_898 = arith.constant 7 : i32
      %dma_start3A_899 = arith.constant 0 : i32
      %dma_start3A_900 = tpu.memref_slice %arg6[%dma_start3A_898, %dma_start3A_899] : memref<16x128xi32, #tpu.memory_space<vmem>> -> memref<1x128xi32, #tpu.memory_space<vmem>>
      %dma_start3A_901 = tpu.memref_squeeze %dma_start3A_900 : memref<1x128xi32, #tpu.memory_space<vmem>> -> memref<128xi32, #tpu.memory_space<vmem>>
      %dma_start3A_902 = arith.constant 0 : i32
      %dma_start3A_903 = arith.constant 0 : i32
      %dma_start3A_904 = tpu.memref_slice %arg18[%dma_start3A_902, %dma_start3A_903] : memref<10240x64xf32, #tpu.memory_space<vmem_shared>> -> memref<10240x64xf32, #tpu.memory_space<vmem_shared>>
      tpu.enqueue_indirect_dma source(%dma_start3A_904 : memref<10240x64xf32, #tpu.memory_space<vmem_shared>>) target(%arg10 : memref<128x64xf32, #tpu.memory_space<vmem>>) offsets(%dma_start3A_901 : memref<128xi32, #tpu.memory_space<vmem>>) semaphore(%arg16 : memref<!tpu.dma_semaphore, #tpu.memory_space<semaphore_mem>>)
      %dma_wait3A_905 = arith.constant 0 : i32
      %dma_wait3A_906 = arith.constant 0 : i32
      %dma_wait3A_907 = tpu.memref_slice %arg18[%dma_wait3A_905, %dma_wait3A_906] : memref<10240x64xf32, #tpu.memory_space<vmem_shared>> -> memref<128x64xf32, #tpu.memory_space<vmem_shared>>
      %dma_wait3A_908 = arith.constant 0 : i32
      %dma_wait3A_909 = arith.constant 0 : i32
      %dma_wait3A_910 = tpu.memref_slice %arg18[%dma_wait3A_908, %dma_wait3A_909] : memref<10240x64xf32, #tpu.memory_space<vmem_shared>> -> memref<128x64xf32, #tpu.memory_space<vmem_shared>>
      tpu.wait_dma2 semaphore(%arg17 : memref<!tpu.dma_semaphore, #tpu.memory_space<semaphore_mem>>) src(%dma_wait3A_910 : memref<128x64xf32, #tpu.memory_space<vmem_shared>>) dst(%arg11 : memref<128x64xf32, #tpu.memory_space<vmem>>)
      %dma_start3A_911 = arith.constant 21 : i32
      %dma_start3A_912 = arith.constant 0 : i32
      %dma_start3A_913 = tpu.memref_slice %arg7[%dma_start3A_911, %dma_start3A_912] : memref<32x128xi32, #tpu.memory_space<vmem>> -> memref<1x128xi32, #tpu.memory_space<vmem>>
      %dma_start3A_914 = tpu.memref_squeeze %dma_start3A_913 : memref<1x128xi32, #tpu.memory_space<vmem>> -> memref<128xi32, #tpu.memory_space<vmem>>
      %dma_start3A_915 = arith.constant 0 : i32
      %dma_start3A_916 = arith.constant 0 : i32
      %dma_start3A_917 = tpu.memref_slice %arg19[%dma_start3A_915, %dma_start3A_916] : memref<10240x64xf32, #tpu.memory_space<vmem_shared>> -> memref<10240x64xf32, #tpu.memory_space<vmem_shared>>
      tpu.enqueue_indirect_dma source(%arg11 : memref<128x64xf32, #tpu.memory_space<vmem>>) target(%dma_start3A_917 : memref<10240x64xf32, #tpu.memory_space<vmem_shared>>) offsets(%dma_start3A_914 : memref<128xi32, #tpu.memory_space<vmem>>) semaphore(%arg14 : memref<!tpu.dma_semaphore, #tpu.memory_space<semaphore_mem>>) {add = true}
      %dma_wait3A_918 = arith.constant 0 : i32
      %dma_wait3A_919 = arith.constant 0 : i32
      %dma_wait3A_920 = tpu.memref_slice %arg8[%dma_wait3A_918, %dma_wait3A_919] : memref<1x128xi32, #tpu.memory_space<vmem>> -> memref<1x128xi32, #tpu.memory_space<vmem>>
      %dma_wait3A_921 = tpu.memref_squeeze %dma_wait3A_920 : memref<1x128xi32, #tpu.memory_space<vmem>> -> memref<128xi32, #tpu.memory_space<vmem>>
      %dma_wait3A_922 = arith.constant 0 : i32
      %dma_wait3A_923 = arith.constant 0 : i32
      %dma_wait3A_924 = tpu.memref_slice %arg19[%dma_wait3A_922, %dma_wait3A_923] : memref<10240x64xf32, #tpu.memory_space<vmem_shared>> -> memref<10240x64xf32, #tpu.memory_space<vmem_shared>>
      tpu.wait_indirect_dma semaphore(%arg14 : memref<!tpu.dma_semaphore, #tpu.memory_space<semaphore_mem>>) src(%arg11 : memref<128x64xf32, #tpu.memory_space<vmem>>) dst(%dma_wait3A_924 : memref<10240x64xf32, #tpu.memory_space<vmem_shared>>)
      %dma_start3A_925 = arith.constant 8 : i32
      %dma_start3A_926 = arith.constant 0 : i32
      %dma_start3A_927 = tpu.memref_slice %arg6[%dma_start3A_925, %dma_start3A_926] : memref<16x128xi32, #tpu.memory_space<vmem>> -> memref<1x128xi32, #tpu.memory_space<vmem>>
      %dma_start3A_928 = tpu.memref_squeeze %dma_start3A_927 : memref<1x128xi32, #tpu.memory_space<vmem>> -> memref<128xi32, #tpu.memory_space<vmem>>
      %dma_start3A_929 = arith.constant 0 : i32
      %dma_start3A_930 = arith.constant 0 : i32
      %dma_start3A_931 = tpu.memref_slice %arg18[%dma_start3A_929, %dma_start3A_930] : memref<10240x64xf32, #tpu.memory_space<vmem_shared>> -> memref<10240x64xf32, #tpu.memory_space<vmem_shared>>
      tpu.enqueue_indirect_dma source(%dma_start3A_931 : memref<10240x64xf32, #tpu.memory_space<vmem_shared>>) target(%arg11 : memref<128x64xf32, #tpu.memory_space<vmem>>) offsets(%dma_start3A_928 : memref<128xi32, #tpu.memory_space<vmem>>) semaphore(%arg17 : memref<!tpu.dma_semaphore, #tpu.memory_space<semaphore_mem>>)
      %dma_wait3A_932 = arith.constant 0 : i32
      %dma_wait3A_933 = arith.constant 0 : i32
      %dma_wait3A_934 = tpu.memref_slice %arg18[%dma_wait3A_932, %dma_wait3A_933] : memref<10240x64xf32, #tpu.memory_space<vmem_shared>> -> memref<128x64xf32, #tpu.memory_space<vmem_shared>>
      %dma_wait3A_935 = arith.constant 0 : i32
      %dma_wait3A_936 = arith.constant 0 : i32
      %dma_wait3A_937 = tpu.memref_slice %arg18[%dma_wait3A_935, %dma_wait3A_936] : memref<10240x64xf32, #tpu.memory_space<vmem_shared>> -> memref<128x64xf32, #tpu.memory_space<vmem_shared>>
      tpu.wait_dma2 semaphore(%arg15 : memref<!tpu.dma_semaphore, #tpu.memory_space<semaphore_mem>>) src(%dma_wait3A_937 : memref<128x64xf32, #tpu.memory_space<vmem_shared>>) dst(%arg9 : memref<128x64xf32, #tpu.memory_space<vmem>>)
      %dma_start3A_938 = arith.constant 22 : i32
      %dma_start3A_939 = arith.constant 0 : i32
      %dma_start3A_940 = tpu.memref_slice %arg7[%dma_start3A_938, %dma_start3A_939] : memref<32x128xi32, #tpu.memory_space<vmem>> -> memref<1x128xi32, #tpu.memory_space<vmem>>
      %dma_start3A_941 = tpu.memref_squeeze %dma_start3A_940 : memref<1x128xi32, #tpu.memory_space<vmem>> -> memref<128xi32, #tpu.memory_space<vmem>>
      %dma_start3A_942 = arith.constant 0 : i32
      %dma_start3A_943 = arith.constant 0 : i32
      %dma_start3A_944 = tpu.memref_slice %arg19[%dma_start3A_942, %dma_start3A_943] : memref<10240x64xf32, #tpu.memory_space<vmem_shared>> -> memref<10240x64xf32, #tpu.memory_space<vmem_shared>>
      tpu.enqueue_indirect_dma source(%arg9 : memref<128x64xf32, #tpu.memory_space<vmem>>) target(%dma_start3A_944 : memref<10240x64xf32, #tpu.memory_space<vmem_shared>>) offsets(%dma_start3A_941 : memref<128xi32, #tpu.memory_space<vmem>>) semaphore(%arg12 : memref<!tpu.dma_semaphore, #tpu.memory_space<semaphore_mem>>) {add = true}
      %dma_wait3A_945 = arith.constant 0 : i32
      %dma_wait3A_946 = arith.constant 0 : i32
      %dma_wait3A_947 = tpu.memref_slice %arg8[%dma_wait3A_945, %dma_wait3A_946] : memref<1x128xi32, #tpu.memory_space<vmem>> -> memref<1x128xi32, #tpu.memory_space<vmem>>
      %dma_wait3A_948 = tpu.memref_squeeze %dma_wait3A_947 : memref<1x128xi32, #tpu.memory_space<vmem>> -> memref<128xi32, #tpu.memory_space<vmem>>
      %dma_wait3A_949 = arith.constant 0 : i32
      %dma_wait3A_950 = arith.constant 0 : i32
      %dma_wait3A_951 = tpu.memref_slice %arg19[%dma_wait3A_949, %dma_wait3A_950] : memref<10240x64xf32, #tpu.memory_space<vmem_shared>> -> memref<10240x64xf32, #tpu.memory_space<vmem_shared>>
      tpu.wait_indirect_dma semaphore(%arg12 : memref<!tpu.dma_semaphore, #tpu.memory_space<semaphore_mem>>) src(%arg9 : memref<128x64xf32, #tpu.memory_space<vmem>>) dst(%dma_wait3A_951 : memref<10240x64xf32, #tpu.memory_space<vmem_shared>>)
      %dma_start3A_952 = arith.constant 9 : i32
      %dma_start3A_953 = arith.constant 0 : i32
      %dma_start3A_954 = tpu.memref_slice %arg6[%dma_start3A_952, %dma_start3A_953] : memref<16x128xi32, #tpu.memory_space<vmem>> -> memref<1x128xi32, #tpu.memory_space<vmem>>
      %dma_start3A_955 = tpu.memref_squeeze %dma_start3A_954 : memref<1x128xi32, #tpu.memory_space<vmem>> -> memref<128xi32, #tpu.memory_space<vmem>>
      %dma_start3A_956 = arith.constant 0 : i32
      %dma_start3A_957 = arith.constant 0 : i32
      %dma_start3A_958 = tpu.memref_slice %arg18[%dma_start3A_956, %dma_start3A_957] : memref<10240x64xf32, #tpu.memory_space<vmem_shared>> -> memref<10240x64xf32, #tpu.memory_space<vmem_shared>>
      tpu.enqueue_indirect_dma source(%dma_start3A_958 : memref<10240x64xf32, #tpu.memory_space<vmem_shared>>) target(%arg9 : memref<128x64xf32, #tpu.memory_space<vmem>>) offsets(%dma_start3A_955 : memref<128xi32, #tpu.memory_space<vmem>>) semaphore(%arg15 : memref<!tpu.dma_semaphore, #tpu.memory_space<semaphore_mem>>)
      %dma_wait3A_959 = arith.constant 0 : i32
      %dma_wait3A_960 = arith.constant 0 : i32
      %dma_wait3A_961 = tpu.memref_slice %arg18[%dma_wait3A_959, %dma_wait3A_960] : memref<10240x64xf32, #tpu.memory_space<vmem_shared>> -> memref<128x64xf32, #tpu.memory_space<vmem_shared>>
      %dma_wait3A_962 = arith.constant 0 : i32
      %dma_wait3A_963 = arith.constant 0 : i32
      %dma_wait3A_964 = tpu.memref_slice %arg18[%dma_wait3A_962, %dma_wait3A_963] : memref<10240x64xf32, #tpu.memory_space<vmem_shared>> -> memref<128x64xf32, #tpu.memory_space<vmem_shared>>
      tpu.wait_dma2 semaphore(%arg16 : memref<!tpu.dma_semaphore, #tpu.memory_space<semaphore_mem>>) src(%dma_wait3A_964 : memref<128x64xf32, #tpu.memory_space<vmem_shared>>) dst(%arg10 : memref<128x64xf32, #tpu.memory_space<vmem>>)
      %dma_start3A_965 = arith.constant 23 : i32
      %dma_start3A_966 = arith.constant 0 : i32
      %dma_start3A_967 = tpu.memref_slice %arg7[%dma_start3A_965, %dma_start3A_966] : memref<32x128xi32, #tpu.memory_space<vmem>> -> memref<1x128xi32, #tpu.memory_space<vmem>>
      %dma_start3A_968 = tpu.memref_squeeze %dma_start3A_967 : memref<1x128xi32, #tpu.memory_space<vmem>> -> memref<128xi32, #tpu.memory_space<vmem>>
      %dma_start3A_969 = arith.constant 0 : i32
      %dma_start3A_970 = arith.constant 0 : i32
      %dma_start3A_971 = tpu.memref_slice %arg19[%dma_start3A_969, %dma_start3A_970] : memref<10240x64xf32, #tpu.memory_space<vmem_shared>> -> memref<10240x64xf32, #tpu.memory_space<vmem_shared>>
      tpu.enqueue_indirect_dma source(%arg10 : memref<128x64xf32, #tpu.memory_space<vmem>>) target(%dma_start3A_971 : memref<10240x64xf32, #tpu.memory_space<vmem_shared>>) offsets(%dma_start3A_968 : memref<128xi32, #tpu.memory_space<vmem>>) semaphore(%arg13 : memref<!tpu.dma_semaphore, #tpu.memory_space<semaphore_mem>>) {add = true}
      %dma_wait3A_972 = arith.constant 0 : i32
      %dma_wait3A_973 = arith.constant 0 : i32
      %dma_wait3A_974 = tpu.memref_slice %arg8[%dma_wait3A_972, %dma_wait3A_973] : memref<1x128xi32, #tpu.memory_space<vmem>> -> memref<1x128xi32, #tpu.memory_space<vmem>>
      %dma_wait3A_975 = tpu.memref_squeeze %dma_wait3A_974 : memref<1x128xi32, #tpu.memory_space<vmem>> -> memref<128xi32, #tpu.memory_space<vmem>>
      %dma_wait3A_976 = arith.constant 0 : i32
      %dma_wait3A_977 = arith.constant 0 : i32
      %dma_wait3A_978 = tpu.memref_slice %arg19[%dma_wait3A_976, %dma_wait3A_977] : memref<10240x64xf32, #tpu.memory_space<vmem_shared>> -> memref<10240x64xf32, #tpu.memory_space<vmem_shared>>
      tpu.wait_indirect_dma semaphore(%arg13 : memref<!tpu.dma_semaphore, #tpu.memory_space<semaphore_mem>>) src(%arg10 : memref<128x64xf32, #tpu.memory_space<vmem>>) dst(%dma_wait3A_978 : memref<10240x64xf32, #tpu.memory_space<vmem_shared>>)
      %dma_start3A_979 = arith.constant 10 : i32
      %dma_start3A_980 = arith.constant 0 : i32
      %dma_start3A_981 = tpu.memref_slice %arg6[%dma_start3A_979, %dma_start3A_980] : memref<16x128xi32, #tpu.memory_space<vmem>> -> memref<1x128xi32, #tpu.memory_space<vmem>>
      %dma_start3A_982 = tpu.memref_squeeze %dma_start3A_981 : memref<1x128xi32, #tpu.memory_space<vmem>> -> memref<128xi32, #tpu.memory_space<vmem>>
      %dma_start3A_983 = arith.constant 0 : i32
      %dma_start3A_984 = arith.constant 0 : i32
      %dma_start3A_985 = tpu.memref_slice %arg18[%dma_start3A_983, %dma_start3A_984] : memref<10240x64xf32, #tpu.memory_space<vmem_shared>> -> memref<10240x64xf32, #tpu.memory_space<vmem_shared>>
      tpu.enqueue_indirect_dma source(%dma_start3A_985 : memref<10240x64xf32, #tpu.memory_space<vmem_shared>>) target(%arg10 : memref<128x64xf32, #tpu.memory_space<vmem>>) offsets(%dma_start3A_982 : memref<128xi32, #tpu.memory_space<vmem>>) semaphore(%arg16 : memref<!tpu.dma_semaphore, #tpu.memory_space<semaphore_mem>>)
      %dma_wait3A_986 = arith.constant 0 : i32
      %dma_wait3A_987 = arith.constant 0 : i32
      %dma_wait3A_988 = tpu.memref_slice %arg18[%dma_wait3A_986, %dma_wait3A_987] : memref<10240x64xf32, #tpu.memory_space<vmem_shared>> -> memref<128x64xf32, #tpu.memory_space<vmem_shared>>
      %dma_wait3A_989 = arith.constant 0 : i32
      %dma_wait3A_990 = arith.constant 0 : i32
      %dma_wait3A_991 = tpu.memref_slice %arg18[%dma_wait3A_989, %dma_wait3A_990] : memref<10240x64xf32, #tpu.memory_space<vmem_shared>> -> memref<128x64xf32, #tpu.memory_space<vmem_shared>>
      tpu.wait_dma2 semaphore(%arg17 : memref<!tpu.dma_semaphore, #tpu.memory_space<semaphore_mem>>) src(%dma_wait3A_991 : memref<128x64xf32, #tpu.memory_space<vmem_shared>>) dst(%arg11 : memref<128x64xf32, #tpu.memory_space<vmem>>)
      %dma_start3A_992 = arith.constant 24 : i32
      %dma_start3A_993 = arith.constant 0 : i32
      %dma_start3A_994 = tpu.memref_slice %arg7[%dma_start3A_992, %dma_start3A_993] : memref<32x128xi32, #tpu.memory_space<vmem>> -> memref<1x128xi32, #tpu.memory_space<vmem>>
      %dma_start3A_995 = tpu.memref_squeeze %dma_start3A_994 : memref<1x128xi32, #tpu.memory_space<vmem>> -> memref<128xi32, #tpu.memory_space<vmem>>
      %dma_start3A_996 = arith.constant 0 : i32
      %dma_start3A_997 = arith.constant 0 : i32
      %dma_start3A_998 = tpu.memref_slice %arg19[%dma_start3A_996, %dma_start3A_997] : memref<10240x64xf32, #tpu.memory_space<vmem_shared>> -> memref<10240x64xf32, #tpu.memory_space<vmem_shared>>
      tpu.enqueue_indirect_dma source(%arg11 : memref<128x64xf32, #tpu.memory_space<vmem>>) target(%dma_start3A_998 : memref<10240x64xf32, #tpu.memory_space<vmem_shared>>) offsets(%dma_start3A_995 : memref<128xi32, #tpu.memory_space<vmem>>) semaphore(%arg14 : memref<!tpu.dma_semaphore, #tpu.memory_space<semaphore_mem>>) {add = true}
      %dma_wait3A_999 = arith.constant 0 : i32
      %dma_wait3A_1000 = arith.constant 0 : i32
      %dma_wait3A_1001 = tpu.memref_slice %arg8[%dma_wait3A_999, %dma_wait3A_1000] : memref<1x128xi32, #tpu.memory_space<vmem>> -> memref<1x128xi32, #tpu.memory_space<vmem>>
      %dma_wait3A_1002 = tpu.memref_squeeze %dma_wait3A_1001 : memref<1x128xi32, #tpu.memory_space<vmem>> -> memref<128xi32, #tpu.memory_space<vmem>>
      %dma_wait3A_1003 = arith.constant 0 : i32
      %dma_wait3A_1004 = arith.constant 0 : i32
      %dma_wait3A_1005 = tpu.memref_slice %arg19[%dma_wait3A_1003, %dma_wait3A_1004] : memref<10240x64xf32, #tpu.memory_space<vmem_shared>> -> memref<10240x64xf32, #tpu.memory_space<vmem_shared>>
      tpu.wait_indirect_dma semaphore(%arg14 : memref<!tpu.dma_semaphore, #tpu.memory_space<semaphore_mem>>) src(%arg11 : memref<128x64xf32, #tpu.memory_space<vmem>>) dst(%dma_wait3A_1005 : memref<10240x64xf32, #tpu.memory_space<vmem_shared>>)
      %dma_start3A_1006 = arith.constant 11 : i32
      %dma_start3A_1007 = arith.constant 0 : i32
      %dma_start3A_1008 = tpu.memref_slice %arg6[%dma_start3A_1006, %dma_start3A_1007] : memref<16x128xi32, #tpu.memory_space<vmem>> -> memref<1x128xi32, #tpu.memory_space<vmem>>
      %dma_start3A_1009 = tpu.memref_squeeze %dma_start3A_1008 : memref<1x128xi32, #tpu.memory_space<vmem>> -> memref<128xi32, #tpu.memory_space<vmem>>
      %dma_start3A_1010 = arith.constant 0 : i32
      %dma_start3A_1011 = arith.constant 0 : i32
      %dma_start3A_1012 = tpu.memref_slice %arg18[%dma_start3A_1010, %dma_start3A_1011] : memref<10240x64xf32, #tpu.memory_space<vmem_shared>> -> memref<10240x64xf32, #tpu.memory_space<vmem_shared>>
      tpu.enqueue_indirect_dma source(%dma_start3A_1012 : memref<10240x64xf32, #tpu.memory_space<vmem_shared>>) target(%arg11 : memref<128x64xf32, #tpu.memory_space<vmem>>) offsets(%dma_start3A_1009 : memref<128xi32, #tpu.memory_space<vmem>>) semaphore(%arg17 : memref<!tpu.dma_semaphore, #tpu.memory_space<semaphore_mem>>)
      %dma_wait3A_1013 = arith.constant 0 : i32
      %dma_wait3A_1014 = arith.constant 0 : i32
      %dma_wait3A_1015 = tpu.memref_slice %arg18[%dma_wait3A_1013, %dma_wait3A_1014] : memref<10240x64xf32, #tpu.memory_space<vmem_shared>> -> memref<128x64xf32, #tpu.memory_space<vmem_shared>>
      %dma_wait3A_1016 = arith.constant 0 : i32
      %dma_wait3A_1017 = arith.constant 0 : i32
      %dma_wait3A_1018 = tpu.memref_slice %arg18[%dma_wait3A_1016, %dma_wait3A_1017] : memref<10240x64xf32, #tpu.memory_space<vmem_shared>> -> memref<128x64xf32, #tpu.memory_space<vmem_shared>>
      tpu.wait_dma2 semaphore(%arg15 : memref<!tpu.dma_semaphore, #tpu.memory_space<semaphore_mem>>) src(%dma_wait3A_1018 : memref<128x64xf32, #tpu.memory_space<vmem_shared>>) dst(%arg9 : memref<128x64xf32, #tpu.memory_space<vmem>>)
      %dma_start3A_1019 = arith.constant 25 : i32
      %dma_start3A_1020 = arith.constant 0 : i32
      %dma_start3A_1021 = tpu.memref_slice %arg7[%dma_start3A_1019, %dma_start3A_1020] : memref<32x128xi32, #tpu.memory_space<vmem>> -> memref<1x128xi32, #tpu.memory_space<vmem>>
      %dma_start3A_1022 = tpu.memref_squeeze %dma_start3A_1021 : memref<1x128xi32, #tpu.memory_space<vmem>> -> memref<128xi32, #tpu.memory_space<vmem>>
      %dma_start3A_1023 = arith.constant 0 : i32
      %dma_start3A_1024 = arith.constant 0 : i32
      %dma_start3A_1025 = tpu.memref_slice %arg19[%dma_start3A_1023, %dma_start3A_1024] : memref<10240x64xf32, #tpu.memory_space<vmem_shared>> -> memref<10240x64xf32, #tpu.memory_space<vmem_shared>>
      tpu.enqueue_indirect_dma source(%arg9 : memref<128x64xf32, #tpu.memory_space<vmem>>) target(%dma_start3A_1025 : memref<10240x64xf32, #tpu.memory_space<vmem_shared>>) offsets(%dma_start3A_1022 : memref<128xi32, #tpu.memory_space<vmem>>) semaphore(%arg12 : memref<!tpu.dma_semaphore, #tpu.memory_space<semaphore_mem>>) {add = true}
      %dma_wait3A_1026 = arith.constant 0 : i32
      %dma_wait3A_1027 = arith.constant 0 : i32
      %dma_wait3A_1028 = tpu.memref_slice %arg8[%dma_wait3A_1026, %dma_wait3A_1027] : memref<1x128xi32, #tpu.memory_space<vmem>> -> memref<1x128xi32, #tpu.memory_space<vmem>>
      %dma_wait3A_1029 = tpu.memref_squeeze %dma_wait3A_1028 : memref<1x128xi32, #tpu.memory_space<vmem>> -> memref<128xi32, #tpu.memory_space<vmem>>
      %dma_wait3A_1030 = arith.constant 0 : i32
      %dma_wait3A_1031 = arith.constant 0 : i32
      %dma_wait3A_1032 = tpu.memref_slice %arg19[%dma_wait3A_1030, %dma_wait3A_1031] : memref<10240x64xf32, #tpu.memory_space<vmem_shared>> -> memref<10240x64xf32, #tpu.memory_space<vmem_shared>>
      tpu.wait_indirect_dma semaphore(%arg12 : memref<!tpu.dma_semaphore, #tpu.memory_space<semaphore_mem>>) src(%arg9 : memref<128x64xf32, #tpu.memory_space<vmem>>) dst(%dma_wait3A_1032 : memref<10240x64xf32, #tpu.memory_space<vmem_shared>>)
      %dma_start3A_1033 = arith.constant 12 : i32
      %dma_start3A_1034 = arith.constant 0 : i32
      %dma_start3A_1035 = tpu.memref_slice %arg6[%dma_start3A_1033, %dma_start3A_1034] : memref<16x128xi32, #tpu.memory_space<vmem>> -> memref<1x128xi32, #tpu.memory_space<vmem>>
      %dma_start3A_1036 = tpu.memref_squeeze %dma_start3A_1035 : memref<1x128xi32, #tpu.memory_space<vmem>> -> memref<128xi32, #tpu.memory_space<vmem>>
      %dma_start3A_1037 = arith.constant 0 : i32
      %dma_start3A_1038 = arith.constant 0 : i32
      %dma_start3A_1039 = tpu.memref_slice %arg18[%dma_start3A_1037, %dma_start3A_1038] : memref<10240x64xf32, #tpu.memory_space<vmem_shared>> -> memref<10240x64xf32, #tpu.memory_space<vmem_shared>>
      tpu.enqueue_indirect_dma source(%dma_start3A_1039 : memref<10240x64xf32, #tpu.memory_space<vmem_shared>>) target(%arg9 : memref<128x64xf32, #tpu.memory_space<vmem>>) offsets(%dma_start3A_1036 : memref<128xi32, #tpu.memory_space<vmem>>) semaphore(%arg15 : memref<!tpu.dma_semaphore, #tpu.memory_space<semaphore_mem>>)
      %dma_wait3A_1040 = arith.constant 0 : i32
      %dma_wait3A_1041 = arith.constant 0 : i32
      %dma_wait3A_1042 = tpu.memref_slice %arg18[%dma_wait3A_1040, %dma_wait3A_1041] : memref<10240x64xf32, #tpu.memory_space<vmem_shared>> -> memref<128x64xf32, #tpu.memory_space<vmem_shared>>
      %dma_wait3A_1043 = arith.constant 0 : i32
      %dma_wait3A_1044 = arith.constant 0 : i32
      %dma_wait3A_1045 = tpu.memref_slice %arg18[%dma_wait3A_1043, %dma_wait3A_1044] : memref<10240x64xf32, #tpu.memory_space<vmem_shared>> -> memref<128x64xf32, #tpu.memory_space<vmem_shared>>
      tpu.wait_dma2 semaphore(%arg16 : memref<!tpu.dma_semaphore, #tpu.memory_space<semaphore_mem>>) src(%dma_wait3A_1045 : memref<128x64xf32, #tpu.memory_space<vmem_shared>>) dst(%arg10 : memref<128x64xf32, #tpu.memory_space<vmem>>)
      %dma_start3A_1046 = arith.constant 26 : i32
      %dma_start3A_1047 = arith.constant 0 : i32
      %dma_start3A_1048 = tpu.memref_slice %arg7[%dma_start3A_1046, %dma_start3A_1047] : memref<32x128xi32, #tpu.memory_space<vmem>> -> memref<1x128xi32, #tpu.memory_space<vmem>>
      %dma_start3A_1049 = tpu.memref_squeeze %dma_start3A_1048 : memref<1x128xi32, #tpu.memory_space<vmem>> -> memref<128xi32, #tpu.memory_space<vmem>>
      %dma_start3A_1050 = arith.constant 0 : i32
      %dma_start3A_1051 = arith.constant 0 : i32
      %dma_start3A_1052 = tpu.memref_slice %arg19[%dma_start3A_1050, %dma_start3A_1051] : memref<10240x64xf32, #tpu.memory_space<vmem_shared>> -> memref<10240x64xf32, #tpu.memory_space<vmem_shared>>
      tpu.enqueue_indirect_dma source(%arg10 : memref<128x64xf32, #tpu.memory_space<vmem>>) target(%dma_start3A_1052 : memref<10240x64xf32, #tpu.memory_space<vmem_shared>>) offsets(%dma_start3A_1049 : memref<128xi32, #tpu.memory_space<vmem>>) semaphore(%arg13 : memref<!tpu.dma_semaphore, #tpu.memory_space<semaphore_mem>>) {add = true}
      %dma_wait3A_1053 = arith.constant 0 : i32
      %dma_wait3A_1054 = arith.constant 0 : i32
      %dma_wait3A_1055 = tpu.memref_slice %arg8[%dma_wait3A_1053, %dma_wait3A_1054] : memref<1x128xi32, #tpu.memory_space<vmem>> -> memref<1x128xi32, #tpu.memory_space<vmem>>
      %dma_wait3A_1056 = tpu.memref_squeeze %dma_wait3A_1055 : memref<1x128xi32, #tpu.memory_space<vmem>> -> memref<128xi32, #tpu.memory_space<vmem>>
      %dma_wait3A_1057 = arith.constant 0 : i32
      %dma_wait3A_1058 = arith.constant 0 : i32
      %dma_wait3A_1059 = tpu.memref_slice %arg19[%dma_wait3A_1057, %dma_wait3A_1058] : memref<10240x64xf32, #tpu.memory_space<vmem_shared>> -> memref<10240x64xf32, #tpu.memory_space<vmem_shared>>
      tpu.wait_indirect_dma semaphore(%arg13 : memref<!tpu.dma_semaphore, #tpu.memory_space<semaphore_mem>>) src(%arg10 : memref<128x64xf32, #tpu.memory_space<vmem>>) dst(%dma_wait3A_1059 : memref<10240x64xf32, #tpu.memory_space<vmem_shared>>)
      %dma_start3A_1060 = arith.constant 13 : i32
      %dma_start3A_1061 = arith.constant 0 : i32
      %dma_start3A_1062 = tpu.memref_slice %arg6[%dma_start3A_1060, %dma_start3A_1061] : memref<16x128xi32, #tpu.memory_space<vmem>> -> memref<1x128xi32, #tpu.memory_space<vmem>>
      %dma_start3A_1063 = tpu.memref_squeeze %dma_start3A_1062 : memref<1x128xi32, #tpu.memory_space<vmem>> -> memref<128xi32, #tpu.memory_space<vmem>>
      %dma_start3A_1064 = arith.constant 0 : i32
      %dma_start3A_1065 = arith.constant 0 : i32
      %dma_start3A_1066 = tpu.memref_slice %arg18[%dma_start3A_1064, %dma_start3A_1065] : memref<10240x64xf32, #tpu.memory_space<vmem_shared>> -> memref<10240x64xf32, #tpu.memory_space<vmem_shared>>
      tpu.enqueue_indirect_dma source(%dma_start3A_1066 : memref<10240x64xf32, #tpu.memory_space<vmem_shared>>) target(%arg10 : memref<128x64xf32, #tpu.memory_space<vmem>>) offsets(%dma_start3A_1063 : memref<128xi32, #tpu.memory_space<vmem>>) semaphore(%arg16 : memref<!tpu.dma_semaphore, #tpu.memory_space<semaphore_mem>>)
      %dma_wait3A_1067 = arith.constant 0 : i32
      %dma_wait3A_1068 = arith.constant 0 : i32
      %dma_wait3A_1069 = tpu.memref_slice %arg18[%dma_wait3A_1067, %dma_wait3A_1068] : memref<10240x64xf32, #tpu.memory_space<vmem_shared>> -> memref<128x64xf32, #tpu.memory_space<vmem_shared>>
      %dma_wait3A_1070 = arith.constant 0 : i32
      %dma_wait3A_1071 = arith.constant 0 : i32
      %dma_wait3A_1072 = tpu.memref_slice %arg18[%dma_wait3A_1070, %dma_wait3A_1071] : memref<10240x64xf32, #tpu.memory_space<vmem_shared>> -> memref<128x64xf32, #tpu.memory_space<vmem_shared>>
      tpu.wait_dma2 semaphore(%arg17 : memref<!tpu.dma_semaphore, #tpu.memory_space<semaphore_mem>>) src(%dma_wait3A_1072 : memref<128x64xf32, #tpu.memory_space<vmem_shared>>) dst(%arg11 : memref<128x64xf32, #tpu.memory_space<vmem>>)
      %dma_start3A_1073 = arith.constant 27 : i32
      %dma_start3A_1074 = arith.constant 0 : i32
      %dma_start3A_1075 = tpu.memref_slice %arg7[%dma_start3A_1073, %dma_start3A_1074] : memref<32x128xi32, #tpu.memory_space<vmem>> -> memref<1x128xi32, #tpu.memory_space<vmem>>
      %dma_start3A_1076 = tpu.memref_squeeze %dma_start3A_1075 : memref<1x128xi32, #tpu.memory_space<vmem>> -> memref<128xi32, #tpu.memory_space<vmem>>
      %dma_start3A_1077 = arith.constant 0 : i32
      %dma_start3A_1078 = arith.constant 0 : i32
      %dma_start3A_1079 = tpu.memref_slice %arg19[%dma_start3A_1077, %dma_start3A_1078] : memref<10240x64xf32, #tpu.memory_space<vmem_shared>> -> memref<10240x64xf32, #tpu.memory_space<vmem_shared>>
      tpu.enqueue_indirect_dma source(%arg11 : memref<128x64xf32, #tpu.memory_space<vmem>>) target(%dma_start3A_1079 : memref<10240x64xf32, #tpu.memory_space<vmem_shared>>) offsets(%dma_start3A_1076 : memref<128xi32, #tpu.memory_space<vmem>>) semaphore(%arg14 : memref<!tpu.dma_semaphore, #tpu.memory_space<semaphore_mem>>) {add = true}
      %dma_wait3A_1080 = arith.constant 0 : i32
      %dma_wait3A_1081 = arith.constant 0 : i32
      %dma_wait3A_1082 = tpu.memref_slice %arg8[%dma_wait3A_1080, %dma_wait3A_1081] : memref<1x128xi32, #tpu.memory_space<vmem>> -> memref<1x128xi32, #tpu.memory_space<vmem>>
      %dma_wait3A_1083 = tpu.memref_squeeze %dma_wait3A_1082 : memref<1x128xi32, #tpu.memory_space<vmem>> -> memref<128xi32, #tpu.memory_space<vmem>>
      %dma_wait3A_1084 = arith.constant 0 : i32
      %dma_wait3A_1085 = arith.constant 0 : i32
      %dma_wait3A_1086 = tpu.memref_slice %arg19[%dma_wait3A_1084, %dma_wait3A_1085] : memref<10240x64xf32, #tpu.memory_space<vmem_shared>> -> memref<10240x64xf32, #tpu.memory_space<vmem_shared>>
      tpu.wait_indirect_dma semaphore(%arg14 : memref<!tpu.dma_semaphore, #tpu.memory_space<semaphore_mem>>) src(%arg11 : memref<128x64xf32, #tpu.memory_space<vmem>>) dst(%dma_wait3A_1086 : memref<10240x64xf32, #tpu.memory_space<vmem_shared>>)
      %dma_start3A_1087 = arith.constant 14 : i32
      %dma_start3A_1088 = arith.constant 0 : i32
      %dma_start3A_1089 = tpu.memref_slice %arg6[%dma_start3A_1087, %dma_start3A_1088] : memref<16x128xi32, #tpu.memory_space<vmem>> -> memref<1x128xi32, #tpu.memory_space<vmem>>
      %dma_start3A_1090 = tpu.memref_squeeze %dma_start3A_1089 : memref<1x128xi32, #tpu.memory_space<vmem>> -> memref<128xi32, #tpu.memory_space<vmem>>
      %dma_start3A_1091 = arith.constant 0 : i32
      %dma_start3A_1092 = arith.constant 0 : i32
      %dma_start3A_1093 = tpu.memref_slice %arg18[%dma_start3A_1091, %dma_start3A_1092] : memref<10240x64xf32, #tpu.memory_space<vmem_shared>> -> memref<10240x64xf32, #tpu.memory_space<vmem_shared>>
      tpu.enqueue_indirect_dma source(%dma_start3A_1093 : memref<10240x64xf32, #tpu.memory_space<vmem_shared>>) target(%arg11 : memref<128x64xf32, #tpu.memory_space<vmem>>) offsets(%dma_start3A_1090 : memref<128xi32, #tpu.memory_space<vmem>>) semaphore(%arg17 : memref<!tpu.dma_semaphore, #tpu.memory_space<semaphore_mem>>)
      %dma_wait3A_1094 = arith.constant 0 : i32
      %dma_wait3A_1095 = arith.constant 0 : i32
      %dma_wait3A_1096 = tpu.memref_slice %arg18[%dma_wait3A_1094, %dma_wait3A_1095] : memref<10240x64xf32, #tpu.memory_space<vmem_shared>> -> memref<128x64xf32, #tpu.memory_space<vmem_shared>>
      %dma_wait3A_1097 = arith.constant 0 : i32
      %dma_wait3A_1098 = arith.constant 0 : i32
      %dma_wait3A_1099 = tpu.memref_slice %arg18[%dma_wait3A_1097, %dma_wait3A_1098] : memref<10240x64xf32, #tpu.memory_space<vmem_shared>> -> memref<128x64xf32, #tpu.memory_space<vmem_shared>>
      tpu.wait_dma2 semaphore(%arg15 : memref<!tpu.dma_semaphore, #tpu.memory_space<semaphore_mem>>) src(%dma_wait3A_1099 : memref<128x64xf32, #tpu.memory_space<vmem_shared>>) dst(%arg9 : memref<128x64xf32, #tpu.memory_space<vmem>>)
      %dma_start3A_1100 = arith.constant 28 : i32
      %dma_start3A_1101 = arith.constant 0 : i32
      %dma_start3A_1102 = tpu.memref_slice %arg7[%dma_start3A_1100, %dma_start3A_1101] : memref<32x128xi32, #tpu.memory_space<vmem>> -> memref<1x128xi32, #tpu.memory_space<vmem>>
      %dma_start3A_1103 = tpu.memref_squeeze %dma_start3A_1102 : memref<1x128xi32, #tpu.memory_space<vmem>> -> memref<128xi32, #tpu.memory_space<vmem>>
      %dma_start3A_1104 = arith.constant 0 : i32
      %dma_start3A_1105 = arith.constant 0 : i32
      %dma_start3A_1106 = tpu.memref_slice %arg19[%dma_start3A_1104, %dma_start3A_1105] : memref<10240x64xf32, #tpu.memory_space<vmem_shared>> -> memref<10240x64xf32, #tpu.memory_space<vmem_shared>>
      tpu.enqueue_indirect_dma source(%arg9 : memref<128x64xf32, #tpu.memory_space<vmem>>) target(%dma_start3A_1106 : memref<10240x64xf32, #tpu.memory_space<vmem_shared>>) offsets(%dma_start3A_1103 : memref<128xi32, #tpu.memory_space<vmem>>) semaphore(%arg12 : memref<!tpu.dma_semaphore, #tpu.memory_space<semaphore_mem>>) {add = true}
      %dma_wait3A_1107 = arith.constant 0 : i32
      %dma_wait3A_1108 = arith.constant 0 : i32
      %dma_wait3A_1109 = tpu.memref_slice %arg8[%dma_wait3A_1107, %dma_wait3A_1108] : memref<1x128xi32, #tpu.memory_space<vmem>> -> memref<1x128xi32, #tpu.memory_space<vmem>>
      %dma_wait3A_1110 = tpu.memref_squeeze %dma_wait3A_1109 : memref<1x128xi32, #tpu.memory_space<vmem>> -> memref<128xi32, #tpu.memory_space<vmem>>
      %dma_wait3A_1111 = arith.constant 0 : i32
      %dma_wait3A_1112 = arith.constant 0 : i32
      %dma_wait3A_1113 = tpu.memref_slice %arg19[%dma_wait3A_1111, %dma_wait3A_1112] : memref<10240x64xf32, #tpu.memory_space<vmem_shared>> -> memref<10240x64xf32, #tpu.memory_space<vmem_shared>>
      tpu.wait_indirect_dma semaphore(%arg12 : memref<!tpu.dma_semaphore, #tpu.memory_space<semaphore_mem>>) src(%arg9 : memref<128x64xf32, #tpu.memory_space<vmem>>) dst(%dma_wait3A_1113 : memref<10240x64xf32, #tpu.memory_space<vmem_shared>>)
      %dma_start3A_1114 = arith.constant 15 : i32
      %dma_start3A_1115 = arith.constant 0 : i32
      %dma_start3A_1116 = tpu.memref_slice %arg6[%dma_start3A_1114, %dma_start3A_1115] : memref<16x128xi32, #tpu.memory_space<vmem>> -> memref<1x128xi32, #tpu.memory_space<vmem>>
      %dma_start3A_1117 = tpu.memref_squeeze %dma_start3A_1116 : memref<1x128xi32, #tpu.memory_space<vmem>> -> memref<128xi32, #tpu.memory_space<vmem>>
      %dma_start3A_1118 = arith.constant 0 : i32
      %dma_start3A_1119 = arith.constant 0 : i32
      %dma_start3A_1120 = tpu.memref_slice %arg18[%dma_start3A_1118, %dma_start3A_1119] : memref<10240x64xf32, #tpu.memory_space<vmem_shared>> -> memref<10240x64xf32, #tpu.memory_space<vmem_shared>>
      tpu.enqueue_indirect_dma source(%dma_start3A_1120 : memref<10240x64xf32, #tpu.memory_space<vmem_shared>>) target(%arg9 : memref<128x64xf32, #tpu.memory_space<vmem>>) offsets(%dma_start3A_1117 : memref<128xi32, #tpu.memory_space<vmem>>) semaphore(%arg15 : memref<!tpu.dma_semaphore, #tpu.memory_space<semaphore_mem>>)
      %dma_wait3A_1121 = arith.constant 0 : i32
      %dma_wait3A_1122 = arith.constant 0 : i32
      %dma_wait3A_1123 = tpu.memref_slice %arg18[%dma_wait3A_1121, %dma_wait3A_1122] : memref<10240x64xf32, #tpu.memory_space<vmem_shared>> -> memref<128x64xf32, #tpu.memory_space<vmem_shared>>
      %dma_wait3A_1124 = arith.constant 0 : i32
      %dma_wait3A_1125 = arith.constant 0 : i32
      %dma_wait3A_1126 = tpu.memref_slice %arg18[%dma_wait3A_1124, %dma_wait3A_1125] : memref<10240x64xf32, #tpu.memory_space<vmem_shared>> -> memref<128x64xf32, #tpu.memory_space<vmem_shared>>
      tpu.wait_dma2 semaphore(%arg16 : memref<!tpu.dma_semaphore, #tpu.memory_space<semaphore_mem>>) src(%dma_wait3A_1126 : memref<128x64xf32, #tpu.memory_space<vmem_shared>>) dst(%arg10 : memref<128x64xf32, #tpu.memory_space<vmem>>)
      %dma_start3A_1127 = arith.constant 29 : i32
      %dma_start3A_1128 = arith.constant 0 : i32
      %dma_start3A_1129 = tpu.memref_slice %arg7[%dma_start3A_1127, %dma_start3A_1128] : memref<32x128xi32, #tpu.memory_space<vmem>> -> memref<1x128xi32, #tpu.memory_space<vmem>>
      %dma_start3A_1130 = tpu.memref_squeeze %dma_start3A_1129 : memref<1x128xi32, #tpu.memory_space<vmem>> -> memref<128xi32, #tpu.memory_space<vmem>>
      %dma_start3A_1131 = arith.constant 0 : i32
      %dma_start3A_1132 = arith.constant 0 : i32
      %dma_start3A_1133 = tpu.memref_slice %arg19[%dma_start3A_1131, %dma_start3A_1132] : memref<10240x64xf32, #tpu.memory_space<vmem_shared>> -> memref<10240x64xf32, #tpu.memory_space<vmem_shared>>
      tpu.enqueue_indirect_dma source(%arg10 : memref<128x64xf32, #tpu.memory_space<vmem>>) target(%dma_start3A_1133 : memref<10240x64xf32, #tpu.memory_space<vmem_shared>>) offsets(%dma_start3A_1130 : memref<128xi32, #tpu.memory_space<vmem>>) semaphore(%arg13 : memref<!tpu.dma_semaphore, #tpu.memory_space<semaphore_mem>>) {add = true}
      %dma_wait3A_1134 = arith.constant 0 : i32
      %dma_wait3A_1135 = arith.constant 0 : i32
      %dma_wait3A_1136 = tpu.memref_slice %arg18[%dma_wait3A_1134, %dma_wait3A_1135] : memref<10240x64xf32, #tpu.memory_space<vmem_shared>> -> memref<128x64xf32, #tpu.memory_space<vmem_shared>>
      %dma_wait3A_1137 = arith.constant 0 : i32
      %dma_wait3A_1138 = arith.constant 0 : i32
      %dma_wait3A_1139 = tpu.memref_slice %arg18[%dma_wait3A_1137, %dma_wait3A_1138] : memref<10240x64xf32, #tpu.memory_space<vmem_shared>> -> memref<128x64xf32, #tpu.memory_space<vmem_shared>>
      tpu.wait_dma2 semaphore(%arg17 : memref<!tpu.dma_semaphore, #tpu.memory_space<semaphore_mem>>) src(%dma_wait3A_1139 : memref<128x64xf32, #tpu.memory_space<vmem_shared>>) dst(%arg11 : memref<128x64xf32, #tpu.memory_space<vmem>>)
      %dma_start3A_1140 = arith.constant 30 : i32
      %dma_start3A_1141 = arith.constant 0 : i32
      %dma_start3A_1142 = tpu.memref_slice %arg7[%dma_start3A_1140, %dma_start3A_1141] : memref<32x128xi32, #tpu.memory_space<vmem>> -> memref<1x128xi32, #tpu.memory_space<vmem>>
      %dma_start3A_1143 = tpu.memref_squeeze %dma_start3A_1142 : memref<1x128xi32, #tpu.memory_space<vmem>> -> memref<128xi32, #tpu.memory_space<vmem>>
      %dma_start3A_1144 = arith.constant 0 : i32
      %dma_start3A_1145 = arith.constant 0 : i32
      %dma_start3A_1146 = tpu.memref_slice %arg19[%dma_start3A_1144, %dma_start3A_1145] : memref<10240x64xf32, #tpu.memory_space<vmem_shared>> -> memref<10240x64xf32, #tpu.memory_space<vmem_shared>>
      tpu.enqueue_indirect_dma source(%arg11 : memref<128x64xf32, #tpu.memory_space<vmem>>) target(%dma_start3A_1146 : memref<10240x64xf32, #tpu.memory_space<vmem_shared>>) offsets(%dma_start3A_1143 : memref<128xi32, #tpu.memory_space<vmem>>) semaphore(%arg14 : memref<!tpu.dma_semaphore, #tpu.memory_space<semaphore_mem>>) {add = true}
      %dma_wait3A_1147 = arith.constant 0 : i32
      %dma_wait3A_1148 = arith.constant 0 : i32
      %dma_wait3A_1149 = tpu.memref_slice %arg18[%dma_wait3A_1147, %dma_wait3A_1148] : memref<10240x64xf32, #tpu.memory_space<vmem_shared>> -> memref<128x64xf32, #tpu.memory_space<vmem_shared>>
      %dma_wait3A_1150 = arith.constant 0 : i32
      %dma_wait3A_1151 = arith.constant 0 : i32
      %dma_wait3A_1152 = tpu.memref_slice %arg18[%dma_wait3A_1150, %dma_wait3A_1151] : memref<10240x64xf32, #tpu.memory_space<vmem_shared>> -> memref<128x64xf32, #tpu.memory_space<vmem_shared>>
      tpu.wait_dma2 semaphore(%arg15 : memref<!tpu.dma_semaphore, #tpu.memory_space<semaphore_mem>>) src(%dma_wait3A_1152 : memref<128x64xf32, #tpu.memory_space<vmem_shared>>) dst(%arg9 : memref<128x64xf32, #tpu.memory_space<vmem>>)
      %dma_start3A_1153 = arith.constant 31 : i32
      %dma_start3A_1154 = arith.constant 0 : i32
      %dma_start3A_1155 = tpu.memref_slice %arg7[%dma_start3A_1153, %dma_start3A_1154] : memref<32x128xi32, #tpu.memory_space<vmem>> -> memref<1x128xi32, #tpu.memory_space<vmem>>
      %dma_start3A_1156 = tpu.memref_squeeze %dma_start3A_1155 : memref<1x128xi32, #tpu.memory_space<vmem>> -> memref<128xi32, #tpu.memory_space<vmem>>
      %dma_start3A_1157 = arith.constant 0 : i32
      %dma_start3A_1158 = arith.constant 0 : i32
      %dma_start3A_1159 = tpu.memref_slice %arg19[%dma_start3A_1157, %dma_start3A_1158] : memref<10240x64xf32, #tpu.memory_space<vmem_shared>> -> memref<10240x64xf32, #tpu.memory_space<vmem_shared>>
      tpu.enqueue_indirect_dma source(%arg9 : memref<128x64xf32, #tpu.memory_space<vmem>>) target(%dma_start3A_1159 : memref<10240x64xf32, #tpu.memory_space<vmem_shared>>) offsets(%dma_start3A_1156 : memref<128xi32, #tpu.memory_space<vmem>>) semaphore(%arg12 : memref<!tpu.dma_semaphore, #tpu.memory_space<semaphore_mem>>) {add = true}
    }
    %scan3A_169 = arith.constant 5 : i32
    %dma_wait3A_170 = arith.constant 0 : i32
    %dma_wait3A_171 = arith.constant 0 : i32
    %dma_wait3A_172 = tpu.memref_slice %arg8[%dma_wait3A_170, %dma_wait3A_171] : memref<1x128xi32, #tpu.memory_space<vmem>> -> memref<1x128xi32, #tpu.memory_space<vmem>>
    %dma_wait3A_173 = tpu.memref_squeeze %dma_wait3A_172 : memref<1x128xi32, #tpu.memory_space<vmem>> -> memref<128xi32, #tpu.memory_space<vmem>>
    %dma_wait3A_174 = arith.constant 0 : i32
    %dma_wait3A_175 = arith.constant 0 : i32
    %dma_wait3A_176 = tpu.memref_slice %arg19[%dma_wait3A_174, %dma_wait3A_175] : memref<10240x64xf32, #tpu.memory_space<vmem_shared>> -> memref<10240x64xf32, #tpu.memory_space<vmem_shared>>
    tpu.wait_indirect_dma semaphore(%arg12 : memref<!tpu.dma_semaphore, #tpu.memory_space<semaphore_mem>>) src(%arg9 : memref<128x64xf32, #tpu.memory_space<vmem>>) dst(%dma_wait3A_176 : memref<10240x64xf32, #tpu.memory_space<vmem_shared>>)
    %dma_wait3A_177 = arith.constant 0 : i32
    %dma_wait3A_178 = arith.constant 0 : i32
    %dma_wait3A_179 = tpu.memref_slice %arg8[%dma_wait3A_177, %dma_wait3A_178] : memref<1x128xi32, #tpu.memory_space<vmem>> -> memref<1x128xi32, #tpu.memory_space<vmem>>
    %dma_wait3A_180 = tpu.memref_squeeze %dma_wait3A_179 : memref<1x128xi32, #tpu.memory_space<vmem>> -> memref<128xi32, #tpu.memory_space<vmem>>
    %dma_wait3A_181 = arith.constant 0 : i32
    %dma_wait3A_182 = arith.constant 0 : i32
    %dma_wait3A_183 = tpu.memref_slice %arg19[%dma_wait3A_181, %dma_wait3A_182] : memref<10240x64xf32, #tpu.memory_space<vmem_shared>> -> memref<10240x64xf32, #tpu.memory_space<vmem_shared>>
    tpu.wait_indirect_dma semaphore(%arg13 : memref<!tpu.dma_semaphore, #tpu.memory_space<semaphore_mem>>) src(%arg10 : memref<128x64xf32, #tpu.memory_space<vmem>>) dst(%dma_wait3A_183 : memref<10240x64xf32, #tpu.memory_space<vmem_shared>>)
    %dma_wait3A_184 = arith.constant 0 : i32
    %dma_wait3A_185 = arith.constant 0 : i32
    %dma_wait3A_186 = tpu.memref_slice %arg8[%dma_wait3A_184, %dma_wait3A_185] : memref<1x128xi32, #tpu.memory_space<vmem>> -> memref<1x128xi32, #tpu.memory_space<vmem>>
    %dma_wait3A_187 = tpu.memref_squeeze %dma_wait3A_186 : memref<1x128xi32, #tpu.memory_space<vmem>> -> memref<128xi32, #tpu.memory_space<vmem>>
    %dma_wait3A_188 = arith.constant 0 : i32
    %dma_wait3A_189 = arith.constant 0 : i32
    %dma_wait3A_190 = tpu.memref_slice %arg19[%dma_wait3A_188, %dma_wait3A_189] : memref<10240x64xf32, #tpu.memory_space<vmem_shared>> -> memref<10240x64xf32, #tpu.memory_space<vmem_shared>>
    tpu.wait_indirect_dma semaphore(%arg14 : memref<!tpu.dma_semaphore, #tpu.memory_space<semaphore_mem>>) src(%arg11 : memref<128x64xf32, #tpu.memory_space<vmem>>) dst(%dma_wait3A_190 : memref<10240x64xf32, #tpu.memory_space<vmem_shared>>)
    %barrier3A_191 = arith.constant 0 : index
    tpu.barrier barrier_id(%barrier3A_191)
    %mul3A_192 = arith.constant 640 : i32
    %mul3A_193 = arith.muli %arg1, %mul3A_192 : i32
    %add3A_194 = arith.constant 0 : i32
    %add3A_195 = arith.addi %mul3A_193, %add3A_194 : i32
    "tpu.region"() ({
      %run_scoped3A = tpu.sem_alloc : memref<!tpu.dma_semaphore, #tpu.memory_space<semaphore_mem>>
      %dma_start3A_277 = arith.constant 0 : i32
      %dma_start3A_278 = tpu.memref_slice %arg19[%add3A_195, %dma_start3A_277] : memref<10240x64xf32, #tpu.memory_space<vmem_shared>> -> memref<128x64xf32, #tpu.memory_space<vmem_shared>>
      %dma_start3A_279 = arith.constant 0 : i32
      %dma_start3A_280 = tpu.memref_slice %arg19[%add3A_195, %dma_start3A_279] : memref<10240x64xf32, #tpu.memory_space<vmem_shared>> -> memref<128x64xf32, #tpu.memory_space<vmem_shared>>
      tpu.enqueue_dma source(%dma_start3A_280 : memref<128x64xf32, #tpu.memory_space<vmem_shared>>) target(%arg9 : memref<128x64xf32, #tpu.memory_space<vmem>>) target_semaphore(%run_scoped3A : memref<!tpu.dma_semaphore, #tpu.memory_space<semaphore_mem>>)
      %dma_wait3A_281 = arith.constant 0 : i32
      %dma_wait3A_282 = tpu.memref_slice %arg19[%add3A_195, %dma_wait3A_281] : memref<10240x64xf32, #tpu.memory_space<vmem_shared>> -> memref<128x64xf32, #tpu.memory_space<vmem_shared>>
      %dma_wait3A_283 = arith.constant 0 : i32
      %dma_wait3A_284 = tpu.memref_slice %arg19[%add3A_195, %dma_wait3A_283] : memref<10240x64xf32, #tpu.memory_space<vmem_shared>> -> memref<128x64xf32, #tpu.memory_space<vmem_shared>>
      tpu.wait_dma2 semaphore(%run_scoped3A : memref<!tpu.dma_semaphore, #tpu.memory_space<semaphore_mem>>) src(%dma_wait3A_284 : memref<128x64xf32, #tpu.memory_space<vmem_shared>>) dst(%arg9 : memref<128x64xf32, #tpu.memory_space<vmem>>)
      tpu.yield
    }) : () -> ()
    %mul3A_196 = arith.constant 10240 : i32
    %mul3A_197 = arith.muli %arg0, %mul3A_196 : i32
    %add3A_198 = arith.addi %mul3A_197, %add3A_195 : i32
    %dma_start3A_199 = arith.constant 0 : i32
    %dma_start3A_200 = tpu.memref_slice %arg5[%add3A_198, %dma_start3A_199] : memref<20480x64xf32, #tpu.memory_space<hbm>> -> memref<128x64xf32, #tpu.memory_space<hbm>>
    %dma_start3A_201 = arith.constant 0 : i32
    %dma_start3A_202 = tpu.memref_slice %arg5[%add3A_198, %dma_start3A_201] : memref<20480x64xf32, #tpu.memory_space<hbm>> -> memref<128x64xf32, #tpu.memory_space<hbm>>
    tpu.enqueue_dma source(%arg9 : memref<128x64xf32, #tpu.memory_space<vmem>>) target(%dma_start3A_202 : memref<128x64xf32, #tpu.memory_space<hbm>>) target_semaphore(%arg15 : memref<!tpu.dma_semaphore, #tpu.memory_space<semaphore_mem>>)
    %mul3A_203 = arith.constant 640 : i32
    %mul3A_204 = arith.muli %arg1, %mul3A_203 : i32
    %add3A_205 = arith.constant 128 : i32
    %add3A_206 = arith.addi %mul3A_204, %add3A_205 : i32
    "tpu.region"() ({
      %run_scoped3A = tpu.sem_alloc : memref<!tpu.dma_semaphore, #tpu.memory_space<semaphore_mem>>
      %dma_start3A_277 = arith.constant 0 : i32
      %dma_start3A_278 = tpu.memref_slice %arg19[%add3A_206, %dma_start3A_277] : memref<10240x64xf32, #tpu.memory_space<vmem_shared>> -> memref<128x64xf32, #tpu.memory_space<vmem_shared>>
      %dma_start3A_279 = arith.constant 0 : i32
      %dma_start3A_280 = tpu.memref_slice %arg19[%add3A_206, %dma_start3A_279] : memref<10240x64xf32, #tpu.memory_space<vmem_shared>> -> memref<128x64xf32, #tpu.memory_space<vmem_shared>>
      tpu.enqueue_dma source(%dma_start3A_280 : memref<128x64xf32, #tpu.memory_space<vmem_shared>>) target(%arg10 : memref<128x64xf32, #tpu.memory_space<vmem>>) target_semaphore(%run_scoped3A : memref<!tpu.dma_semaphore, #tpu.memory_space<semaphore_mem>>)
      %dma_wait3A_281 = arith.constant 0 : i32
      %dma_wait3A_282 = tpu.memref_slice %arg19[%add3A_206, %dma_wait3A_281] : memref<10240x64xf32, #tpu.memory_space<vmem_shared>> -> memref<128x64xf32, #tpu.memory_space<vmem_shared>>
      %dma_wait3A_283 = arith.constant 0 : i32
      %dma_wait3A_284 = tpu.memref_slice %arg19[%add3A_206, %dma_wait3A_283] : memref<10240x64xf32, #tpu.memory_space<vmem_shared>> -> memref<128x64xf32, #tpu.memory_space<vmem_shared>>
      tpu.wait_dma2 semaphore(%run_scoped3A : memref<!tpu.dma_semaphore, #tpu.memory_space<semaphore_mem>>) src(%dma_wait3A_284 : memref<128x64xf32, #tpu.memory_space<vmem_shared>>) dst(%arg10 : memref<128x64xf32, #tpu.memory_space<vmem>>)
      tpu.yield
    }) : () -> ()
    %mul3A_207 = arith.constant 10240 : i32
    %mul3A_208 = arith.muli %arg0, %mul3A_207 : i32
    %add3A_209 = arith.addi %mul3A_208, %add3A_206 : i32
    %dma_start3A_210 = arith.constant 0 : i32
    %dma_start3A_211 = tpu.memref_slice %arg5[%add3A_209, %dma_start3A_210] : memref<20480x64xf32, #tpu.memory_space<hbm>> -> memref<128x64xf32, #tpu.memory_space<hbm>>
    %dma_start3A_212 = arith.constant 0 : i32
    %dma_start3A_213 = tpu.memref_slice %arg5[%add3A_209, %dma_start3A_212] : memref<20480x64xf32, #tpu.memory_space<hbm>> -> memref<128x64xf32, #tpu.memory_space<hbm>>
    tpu.enqueue_dma source(%arg10 : memref<128x64xf32, #tpu.memory_space<vmem>>) target(%dma_start3A_213 : memref<128x64xf32, #tpu.memory_space<hbm>>) target_semaphore(%arg16 : memref<!tpu.dma_semaphore, #tpu.memory_space<semaphore_mem>>)
    %mul3A_214 = arith.constant 640 : i32
    %mul3A_215 = arith.muli %arg1, %mul3A_214 : i32
    %add3A_216 = arith.constant 256 : i32
    %add3A_217 = arith.addi %mul3A_215, %add3A_216 : i32
    "tpu.region"() ({
      %run_scoped3A = tpu.sem_alloc : memref<!tpu.dma_semaphore, #tpu.memory_space<semaphore_mem>>
      %dma_start3A_277 = arith.constant 0 : i32
      %dma_start3A_278 = tpu.memref_slice %arg19[%add3A_217, %dma_start3A_277] : memref<10240x64xf32, #tpu.memory_space<vmem_shared>> -> memref<128x64xf32, #tpu.memory_space<vmem_shared>>
      %dma_start3A_279 = arith.constant 0 : i32
      %dma_start3A_280 = tpu.memref_slice %arg19[%add3A_217, %dma_start3A_279] : memref<10240x64xf32, #tpu.memory_space<vmem_shared>> -> memref<128x64xf32, #tpu.memory_space<vmem_shared>>
      tpu.enqueue_dma source(%dma_start3A_280 : memref<128x64xf32, #tpu.memory_space<vmem_shared>>) target(%arg11 : memref<128x64xf32, #tpu.memory_space<vmem>>) target_semaphore(%run_scoped3A : memref<!tpu.dma_semaphore, #tpu.memory_space<semaphore_mem>>)
      %dma_wait3A_281 = arith.constant 0 : i32
      %dma_wait3A_282 = tpu.memref_slice %arg19[%add3A_217, %dma_wait3A_281] : memref<10240x64xf32, #tpu.memory_space<vmem_shared>> -> memref<128x64xf32, #tpu.memory_space<vmem_shared>>
      %dma_wait3A_283 = arith.constant 0 : i32
      %dma_wait3A_284 = tpu.memref_slice %arg19[%add3A_217, %dma_wait3A_283] : memref<10240x64xf32, #tpu.memory_space<vmem_shared>> -> memref<128x64xf32, #tpu.memory_space<vmem_shared>>
      tpu.wait_dma2 semaphore(%run_scoped3A : memref<!tpu.dma_semaphore, #tpu.memory_space<semaphore_mem>>) src(%dma_wait3A_284 : memref<128x64xf32, #tpu.memory_space<vmem_shared>>) dst(%arg11 : memref<128x64xf32, #tpu.memory_space<vmem>>)
      tpu.yield
    }) : () -> ()
    %mul3A_218 = arith.constant 10240 : i32
    %mul3A_219 = arith.muli %arg0, %mul3A_218 : i32
    %add3A_220 = arith.addi %mul3A_219, %add3A_217 : i32
    %dma_start3A_221 = arith.constant 0 : i32
    %dma_start3A_222 = tpu.memref_slice %arg5[%add3A_220, %dma_start3A_221] : memref<20480x64xf32, #tpu.memory_space<hbm>> -> memref<128x64xf32, #tpu.memory_space<hbm>>
    %dma_start3A_223 = arith.constant 0 : i32
    %dma_start3A_224 = tpu.memref_slice %arg5[%add3A_220, %dma_start3A_223] : memref<20480x64xf32, #tpu.memory_space<hbm>> -> memref<128x64xf32, #tpu.memory_space<hbm>>
    tpu.enqueue_dma source(%arg11 : memref<128x64xf32, #tpu.memory_space<vmem>>) target(%dma_start3A_224 : memref<128x64xf32, #tpu.memory_space<hbm>>) target_semaphore(%arg17 : memref<!tpu.dma_semaphore, #tpu.memory_space<semaphore_mem>>)
    %mul3A_225 = arith.constant 640 : i32
    %mul3A_226 = arith.muli %arg1, %mul3A_225 : i32
    %add3A_227 = arith.constant 384 : i32
    %add3A_228 = arith.addi %mul3A_226, %add3A_227 : i32
    %mul3A_229 = arith.constant 10240 : i32
    %mul3A_230 = arith.muli %arg0, %mul3A_229 : i32
    %dma_wait3A_231 = arith.constant 0 : i32
    %dma_wait3A_232 = tpu.memref_slice %arg5[%mul3A_230, %dma_wait3A_231] : memref<20480x64xf32, #tpu.memory_space<hbm>> -> memref<128x64xf32, #tpu.memory_space<hbm>>
    %dma_wait3A_233 = arith.constant 0 : i32
    %dma_wait3A_234 = tpu.memref_slice %arg5[%mul3A_230, %dma_wait3A_233] : memref<20480x64xf32, #tpu.memory_space<hbm>> -> memref<128x64xf32, #tpu.memory_space<hbm>>
    tpu.wait_dma2 semaphore(%arg15 : memref<!tpu.dma_semaphore, #tpu.memory_space<semaphore_mem>>) src(%arg9 : memref<128x64xf32, #tpu.memory_space<vmem>>) dst(%dma_wait3A_234 : memref<128x64xf32, #tpu.memory_space<hbm>>)
    "tpu.region"() ({
      %run_scoped3A = tpu.sem_alloc : memref<!tpu.dma_semaphore, #tpu.memory_space<semaphore_mem>>
      %dma_start3A_277 = arith.constant 0 : i32
      %dma_start3A_278 = tpu.memref_slice %arg19[%add3A_228, %dma_start3A_277] : memref<10240x64xf32, #tpu.memory_space<vmem_shared>> -> memref<128x64xf32, #tpu.memory_space<vmem_shared>>
      %dma_start3A_279 = arith.constant 0 : i32
      %dma_start3A_280 = tpu.memref_slice %arg19[%add3A_228, %dma_start3A_279] : memref<10240x64xf32, #tpu.memory_space<vmem_shared>> -> memref<128x64xf32, #tpu.memory_space<vmem_shared>>
      tpu.enqueue_dma source(%dma_start3A_280 : memref<128x64xf32, #tpu.memory_space<vmem_shared>>) target(%arg9 : memref<128x64xf32, #tpu.memory_space<vmem>>) target_semaphore(%run_scoped3A : memref<!tpu.dma_semaphore, #tpu.memory_space<semaphore_mem>>)
      %dma_wait3A_281 = arith.constant 0 : i32
      %dma_wait3A_282 = tpu.memref_slice %arg19[%add3A_228, %dma_wait3A_281] : memref<10240x64xf32, #tpu.memory_space<vmem_shared>> -> memref<128x64xf32, #tpu.memory_space<vmem_shared>>
      %dma_wait3A_283 = arith.constant 0 : i32
      %dma_wait3A_284 = tpu.memref_slice %arg19[%add3A_228, %dma_wait3A_283] : memref<10240x64xf32, #tpu.memory_space<vmem_shared>> -> memref<128x64xf32, #tpu.memory_space<vmem_shared>>
      tpu.wait_dma2 semaphore(%run_scoped3A : memref<!tpu.dma_semaphore, #tpu.memory_space<semaphore_mem>>) src(%dma_wait3A_284 : memref<128x64xf32, #tpu.memory_space<vmem_shared>>) dst(%arg9 : memref<128x64xf32, #tpu.memory_space<vmem>>)
      tpu.yield
    }) : () -> ()
    %mul3A_235 = arith.constant 10240 : i32
    %mul3A_236 = arith.muli %arg0, %mul3A_235 : i32
    %add3A_237 = arith.addi %mul3A_236, %add3A_228 : i32
    %dma_start3A_238 = arith.constant 0 : i32
    %dma_start3A_239 = tpu.memref_slice %arg5[%add3A_237, %dma_start3A_238] : memref<20480x64xf32, #tpu.memory_space<hbm>> -> memref<128x64xf32, #tpu.memory_space<hbm>>
    %dma_start3A_240 = arith.constant 0 : i32
    %dma_start3A_241 = tpu.memref_slice %arg5[%add3A_237, %dma_start3A_240] : memref<20480x64xf32, #tpu.memory_space<hbm>> -> memref<128x64xf32, #tpu.memory_space<hbm>>
    tpu.enqueue_dma source(%arg9 : memref<128x64xf32, #tpu.memory_space<vmem>>) target(%dma_start3A_241 : memref<128x64xf32, #tpu.memory_space<hbm>>) target_semaphore(%arg15 : memref<!tpu.dma_semaphore, #tpu.memory_space<semaphore_mem>>)
    %mul3A_242 = arith.constant 640 : i32
    %mul3A_243 = arith.muli %arg1, %mul3A_242 : i32
    %add3A_244 = arith.constant 512 : i32
    %add3A_245 = arith.addi %mul3A_243, %add3A_244 : i32
    %mul3A_246 = arith.constant 10240 : i32
    %mul3A_247 = arith.muli %arg0, %mul3A_246 : i32
    %dma_wait3A_248 = arith.constant 0 : i32
    %dma_wait3A_249 = tpu.memref_slice %arg5[%mul3A_247, %dma_wait3A_248] : memref<20480x64xf32, #tpu.memory_space<hbm>> -> memref<128x64xf32, #tpu.memory_space<hbm>>
    %dma_wait3A_250 = arith.constant 0 : i32
    %dma_wait3A_251 = tpu.memref_slice %arg5[%mul3A_247, %dma_wait3A_250] : memref<20480x64xf32, #tpu.memory_space<hbm>> -> memref<128x64xf32, #tpu.memory_space<hbm>>
    tpu.wait_dma2 semaphore(%arg16 : memref<!tpu.dma_semaphore, #tpu.memory_space<semaphore_mem>>) src(%arg10 : memref<128x64xf32, #tpu.memory_space<vmem>>) dst(%dma_wait3A_251 : memref<128x64xf32, #tpu.memory_space<hbm>>)
    "tpu.region"() ({
      %run_scoped3A = tpu.sem_alloc : memref<!tpu.dma_semaphore, #tpu.memory_space<semaphore_mem>>
      %dma_start3A_277 = arith.constant 0 : i32
      %dma_start3A_278 = tpu.memref_slice %arg19[%add3A_245, %dma_start3A_277] : memref<10240x64xf32, #tpu.memory_space<vmem_shared>> -> memref<128x64xf32, #tpu.memory_space<vmem_shared>>
      %dma_start3A_279 = arith.constant 0 : i32
      %dma_start3A_280 = tpu.memref_slice %arg19[%add3A_245, %dma_start3A_279] : memref<10240x64xf32, #tpu.memory_space<vmem_shared>> -> memref<128x64xf32, #tpu.memory_space<vmem_shared>>
      tpu.enqueue_dma source(%dma_start3A_280 : memref<128x64xf32, #tpu.memory_space<vmem_shared>>) target(%arg10 : memref<128x64xf32, #tpu.memory_space<vmem>>) target_semaphore(%run_scoped3A : memref<!tpu.dma_semaphore, #tpu.memory_space<semaphore_mem>>)
      %dma_wait3A_281 = arith.constant 0 : i32
      %dma_wait3A_282 = tpu.memref_slice %arg19[%add3A_245, %dma_wait3A_281] : memref<10240x64xf32, #tpu.memory_space<vmem_shared>> -> memref<128x64xf32, #tpu.memory_space<vmem_shared>>
      %dma_wait3A_283 = arith.constant 0 : i32
      %dma_wait3A_284 = tpu.memref_slice %arg19[%add3A_245, %dma_wait3A_283] : memref<10240x64xf32, #tpu.memory_space<vmem_shared>> -> memref<128x64xf32, #tpu.memory_space<vmem_shared>>
      tpu.wait_dma2 semaphore(%run_scoped3A : memref<!tpu.dma_semaphore, #tpu.memory_space<semaphore_mem>>) src(%dma_wait3A_284 : memref<128x64xf32, #tpu.memory_space<vmem_shared>>) dst(%arg10 : memref<128x64xf32, #tpu.memory_space<vmem>>)
      tpu.yield
    }) : () -> ()
    %mul3A_252 = arith.constant 10240 : i32
    %mul3A_253 = arith.muli %arg0, %mul3A_252 : i32
    %add3A_254 = arith.addi %mul3A_253, %add3A_245 : i32
    %dma_start3A_255 = arith.constant 0 : i32
    %dma_start3A_256 = tpu.memref_slice %arg5[%add3A_254, %dma_start3A_255] : memref<20480x64xf32, #tpu.memory_space<hbm>> -> memref<128x64xf32, #tpu.memory_space<hbm>>
    %dma_start3A_257 = arith.constant 0 : i32
    %dma_start3A_258 = tpu.memref_slice %arg5[%add3A_254, %dma_start3A_257] : memref<20480x64xf32, #tpu.memory_space<hbm>> -> memref<128x64xf32, #tpu.memory_space<hbm>>
    tpu.enqueue_dma source(%arg10 : memref<128x64xf32, #tpu.memory_space<vmem>>) target(%dma_start3A_258 : memref<128x64xf32, #tpu.memory_space<hbm>>) target_semaphore(%arg16 : memref<!tpu.dma_semaphore, #tpu.memory_space<semaphore_mem>>)
    %mul3A_259 = arith.constant 10240 : i32
    %mul3A_260 = arith.muli %arg0, %mul3A_259 : i32
    %dma_wait3A_261 = arith.constant 0 : i32
    %dma_wait3A_262 = tpu.memref_slice %arg5[%mul3A_260, %dma_wait3A_261] : memref<20480x64xf32, #tpu.memory_space<hbm>> -> memref<128x64xf32, #tpu.memory_space<hbm>>
    %dma_wait3A_263 = arith.constant 0 : i32
    %dma_wait3A_264 = tpu.memref_slice %arg5[%mul3A_260, %dma_wait3A_263] : memref<20480x64xf32, #tpu.memory_space<hbm>> -> memref<128x64xf32, #tpu.memory_space<hbm>>
    tpu.wait_dma2 semaphore(%arg15 : memref<!tpu.dma_semaphore, #tpu.memory_space<semaphore_mem>>) src(%arg9 : memref<128x64xf32, #tpu.memory_space<vmem>>) dst(%dma_wait3A_264 : memref<128x64xf32, #tpu.memory_space<hbm>>)
    %mul3A_265 = arith.constant 10240 : i32
    %mul3A_266 = arith.muli %arg0, %mul3A_265 : i32
    %dma_wait3A_267 = arith.constant 0 : i32
    %dma_wait3A_268 = tpu.memref_slice %arg5[%mul3A_266, %dma_wait3A_267] : memref<20480x64xf32, #tpu.memory_space<hbm>> -> memref<128x64xf32, #tpu.memory_space<hbm>>
    %dma_wait3A_269 = arith.constant 0 : i32
    %dma_wait3A_270 = tpu.memref_slice %arg5[%mul3A_266, %dma_wait3A_269] : memref<20480x64xf32, #tpu.memory_space<hbm>> -> memref<128x64xf32, #tpu.memory_space<hbm>>
    tpu.wait_dma2 semaphore(%arg16 : memref<!tpu.dma_semaphore, #tpu.memory_space<semaphore_mem>>) src(%arg10 : memref<128x64xf32, #tpu.memory_space<vmem>>) dst(%dma_wait3A_270 : memref<128x64xf32, #tpu.memory_space<hbm>>)
    %mul3A_271 = arith.constant 10240 : i32
    %mul3A_272 = arith.muli %arg0, %mul3A_271 : i32
    %dma_wait3A_273 = arith.constant 0 : i32
    %dma_wait3A_274 = tpu.memref_slice %arg5[%mul3A_272, %dma_wait3A_273] : memref<20480x64xf32, #tpu.memory_space<hbm>> -> memref<128x64xf32, #tpu.memory_space<hbm>>
    %dma_wait3A_275 = arith.constant 0 : i32
    %dma_wait3A_276 = tpu.memref_slice %arg5[%mul3A_272, %dma_wait3A_275] : memref<20480x64xf32, #tpu.memory_space<hbm>> -> memref<128x64xf32, #tpu.memory_space<hbm>>
    tpu.wait_dma2 semaphore(%arg17 : memref<!tpu.dma_semaphore, #tpu.memory_space<semaphore_mem>>) src(%arg11 : memref<128x64xf32, #tpu.memory_space<vmem>>) dst(%dma_wait3A_276 : memref<128x64xf32, #tpu.memory_space<hbm>>)
    return
  }
}

#map = affine_map<(d0, d1) -> (0, 0, 0)>
#map1 = affine_map<(d0, d1) -> (0)>
module attributes {stable_mosaic.version = 14 : i64} {
  func.func @_deg_body(%arg0: i32, %arg1: i32, %arg2: memref<32x80x128xi32, #tpu.memory_space<hbm>>, %arg3: memref<20480xf32, #tpu.memory_space<hbm>>, %arg4: memref<80x128xi32, #tpu.memory_space<vmem>>, %arg5: memref<128xf32, #tpu.memory_space<vmem>>, %arg6: memref<640xf32, #tpu.memory_space<vmem>>, %arg7: memref<640xf32, #tpu.memory_space<vmem>>, %arg8: memref<163840xf32, #tpu.memory_space<vmem_shared>>) attributes {dimension_semantics = [#tpu.dimension_semantics<core_parallel>, #tpu.dimension_semantics<subcore_parallel>], iteration_bounds = array<i64: 2, 16>, scalar_prefetch = 0 : i64, scratch_operands = 5 : i64, tpu.core_type = #tpu.core_type<sc_vector_subcore>, window_params = [{transform_indices = #map}, {transform_indices = #map1}]} {
    %mul3A = arith.constant 16 : i32
    %mul3A_0 = arith.muli %arg0, %mul3A : i32
    %add3A = arith.addi %mul3A_0, %arg1 : i32
    %scan3A = arith.constant 0 : i32
    %scan3A_1 = arith.constant 40 : i32
    %scan3A_2 = arith.addi %scan3A, %scan3A_1 : i32
    %scan3A_3 = arith.constant 1 : i32
    scf.for %scan3A_236 = %scan3A to %scan3A_2 step %scan3A_3  : i32 {
      %mul3A_237 = arith.constant 1 : i32
      %mul3A_238 = arith.muli %scan3A_236, %mul3A_237 : i32
      %add3A_239 = arith.constant 0 : i32
      %add3A_240 = arith.addi %add3A_239, %mul3A_238 : i32
      %broadcast_in_dim3A = arith.constant 0.000000e+00 : f32
      %broadcast_in_dim3A_241 = vector.broadcast %broadcast_in_dim3A : f32 to vector<16xf32>
      %mul3A_242 = arith.constant 16 : i32
      %mul3A_243 = arith.muli %add3A_240, %mul3A_242 : i32
      %swap3A = arith.index_cast %mul3A_243 : i32 to index
      %swap3A_244 = tpu.vector_load %arg6[%swap3A] {strides = array<i32>} : memref<640xf32, #tpu.memory_space<vmem>>, vector<16xf32>,
      %swap3A_245 = vector.shape_cast %swap3A_244 : vector<16xf32> to vector<16xf32>
      %swap3A_246 = vector.shape_cast %broadcast_in_dim3A_241 : vector<16xf32> to vector<16xf32>
      tpu.vector_store %arg6[%swap3A], %swap3A_246 {strides = array<i32>} : memref<640xf32, #tpu.memory_space<vmem>>, vector<16xf32>,
      %mul3A_247 = arith.constant 16 : i32
      %mul3A_248 = arith.muli %add3A_240, %mul3A_247 : i32
      %swap3A_249 = arith.index_cast %mul3A_248 : i32 to index
      %swap3A_250 = tpu.vector_load %arg7[%swap3A_249] {strides = array<i32>} : memref<640xf32, #tpu.memory_space<vmem>>, vector<16xf32>,
      %swap3A_251 = vector.shape_cast %swap3A_250 : vector<16xf32> to vector<16xf32>
      %swap3A_252 = vector.shape_cast %broadcast_in_dim3A_241 : vector<16xf32> to vector<16xf32>
      tpu.vector_store %arg7[%swap3A_249], %swap3A_252 {strides = array<i32>} : memref<640xf32, #tpu.memory_space<vmem>>, vector<16xf32>,
    }
    %scan3A_4 = arith.constant 40 : i32
    %scan3A_5 = arith.constant 0 : i32
    %scan3A_6 = arith.constant 8 : i32
    %scan3A_7 = arith.addi %scan3A_5, %scan3A_6 : i32
    %scan3A_8 = arith.constant 1 : i32
    scf.for %scan3A_236 = %scan3A_5 to %scan3A_7 step %scan3A_8  : i32 {
      %mul3A_237 = arith.constant 1 : i32
      %mul3A_238 = arith.muli %scan3A_236, %mul3A_237 : i32
      %add3A_239 = arith.constant 0 : i32
      %add3A_240 = arith.addi %add3A_239, %mul3A_238 : i32
      %broadcast_in_dim3A = arith.constant 1.000000e+00 : f32
      %broadcast_in_dim3A_241 = vector.broadcast %broadcast_in_dim3A : f32 to vector<16xf32>
      %mul3A_242 = arith.constant 16 : i32
      %mul3A_243 = arith.muli %add3A_240, %mul3A_242 : i32
      %swap3A = arith.index_cast %mul3A_243 : i32 to index
      %swap3A_244 = tpu.vector_load %arg5[%swap3A] {strides = array<i32>} : memref<128xf32, #tpu.memory_space<vmem>>, vector<16xf32>,
      %swap3A_245 = vector.shape_cast %swap3A_244 : vector<16xf32> to vector<16xf32>
      %swap3A_246 = vector.shape_cast %broadcast_in_dim3A_241 : vector<16xf32> to vector<16xf32>
      tpu.vector_store %arg5[%swap3A], %swap3A_246 {strides = array<i32>} : memref<128xf32, #tpu.memory_space<vmem>>, vector<16xf32>,
    }
    %scan3A_9 = arith.constant 8 : i32
    %mul3A_10 = arith.constant 640 : i32
    %mul3A_11 = arith.muli %arg1, %mul3A_10 : i32
    %add3A_12 = arith.constant 0 : i32
    %add3A_13 = arith.addi %add3A_12, %mul3A_11 : i32
    "tpu.region"() ({
      %run_scoped3A = tpu.sem_alloc : memref<!tpu.dma_semaphore, #tpu.memory_space<semaphore_mem>>
      %dma_start3A = tpu.memref_slice %arg8[%add3A_13] : memref<163840xf32, #tpu.memory_space<vmem_shared>> -> memref<640xf32, #tpu.memory_space<vmem_shared>>
      %dma_start3A_236 = tpu.memref_slice %arg8[%add3A_13] : memref<163840xf32, #tpu.memory_space<vmem_shared>> -> memref<640xf32, #tpu.memory_space<vmem_shared>>
      tpu.enqueue_dma source(%arg6 : memref<640xf32, #tpu.memory_space<vmem>>) target(%dma_start3A_236 : memref<640xf32, #tpu.memory_space<vmem_shared>>) target_semaphore(%run_scoped3A : memref<!tpu.dma_semaphore, #tpu.memory_space<semaphore_mem>>)
      %dma_wait3A = tpu.memref_slice %arg8[%add3A_13] : memref<163840xf32, #tpu.memory_space<vmem_shared>> -> memref<640xf32, #tpu.memory_space<vmem_shared>>
      %dma_wait3A_237 = tpu.memref_slice %arg8[%add3A_13] : memref<163840xf32, #tpu.memory_space<vmem_shared>> -> memref<640xf32, #tpu.memory_space<vmem_shared>>
      tpu.wait_dma2 semaphore(%run_scoped3A : memref<!tpu.dma_semaphore, #tpu.memory_space<semaphore_mem>>) src(%arg6 : memref<640xf32, #tpu.memory_space<vmem>>) dst(%dma_wait3A_237 : memref<640xf32, #tpu.memory_space<vmem_shared>>)
      tpu.yield
    }) : () -> ()
    %mul3A_14 = arith.constant 640 : i32
    %mul3A_15 = arith.muli %arg1, %mul3A_14 : i32
    %add3A_16 = arith.constant 10240 : i32
    %add3A_17 = arith.addi %add3A_16, %mul3A_15 : i32
    "tpu.region"() ({
      %run_scoped3A = tpu.sem_alloc : memref<!tpu.dma_semaphore, #tpu.memory_space<semaphore_mem>>
      %dma_start3A = tpu.memref_slice %arg8[%add3A_17] : memref<163840xf32, #tpu.memory_space<vmem_shared>> -> memref<640xf32, #tpu.memory_space<vmem_shared>>
      %dma_start3A_236 = tpu.memref_slice %arg8[%add3A_17] : memref<163840xf32, #tpu.memory_space<vmem_shared>> -> memref<640xf32, #tpu.memory_space<vmem_shared>>
      tpu.enqueue_dma source(%arg6 : memref<640xf32, #tpu.memory_space<vmem>>) target(%dma_start3A_236 : memref<640xf32, #tpu.memory_space<vmem_shared>>) target_semaphore(%run_scoped3A : memref<!tpu.dma_semaphore, #tpu.memory_space<semaphore_mem>>)
      %dma_wait3A = tpu.memref_slice %arg8[%add3A_17] : memref<163840xf32, #tpu.memory_space<vmem_shared>> -> memref<640xf32, #tpu.memory_space<vmem_shared>>
      %dma_wait3A_237 = tpu.memref_slice %arg8[%add3A_17] : memref<163840xf32, #tpu.memory_space<vmem_shared>> -> memref<640xf32, #tpu.memory_space<vmem_shared>>
      tpu.wait_dma2 semaphore(%run_scoped3A : memref<!tpu.dma_semaphore, #tpu.memory_space<semaphore_mem>>) src(%arg6 : memref<640xf32, #tpu.memory_space<vmem>>) dst(%dma_wait3A_237 : memref<640xf32, #tpu.memory_space<vmem_shared>>)
      tpu.yield
    }) : () -> ()
    %mul3A_18 = arith.constant 640 : i32
    %mul3A_19 = arith.muli %arg1, %mul3A_18 : i32
    %add3A_20 = arith.constant 20480 : i32
    %add3A_21 = arith.addi %add3A_20, %mul3A_19 : i32
    "tpu.region"() ({
      %run_scoped3A = tpu.sem_alloc : memref<!tpu.dma_semaphore, #tpu.memory_space<semaphore_mem>>
      %dma_start3A = tpu.memref_slice %arg8[%add3A_21] : memref<163840xf32, #tpu.memory_space<vmem_shared>> -> memref<640xf32, #tpu.memory_space<vmem_shared>>
      %dma_start3A_236 = tpu.memref_slice %arg8[%add3A_21] : memref<163840xf32, #tpu.memory_space<vmem_shared>> -> memref<640xf32, #tpu.memory_space<vmem_shared>>
      tpu.enqueue_dma source(%arg6 : memref<640xf32, #tpu.memory_space<vmem>>) target(%dma_start3A_236 : memref<640xf32, #tpu.memory_space<vmem_shared>>) target_semaphore(%run_scoped3A : memref<!tpu.dma_semaphore, #tpu.memory_space<semaphore_mem>>)
      %dma_wait3A = tpu.memref_slice %arg8[%add3A_21] : memref<163840xf32, #tpu.memory_space<vmem_shared>> -> memref<640xf32, #tpu.memory_space<vmem_shared>>
      %dma_wait3A_237 = tpu.memref_slice %arg8[%add3A_21] : memref<163840xf32, #tpu.memory_space<vmem_shared>> -> memref<640xf32, #tpu.memory_space<vmem_shared>>
      tpu.wait_dma2 semaphore(%run_scoped3A : memref<!tpu.dma_semaphore, #tpu.memory_space<semaphore_mem>>) src(%arg6 : memref<640xf32, #tpu.memory_space<vmem>>) dst(%dma_wait3A_237 : memref<640xf32, #tpu.memory_space<vmem_shared>>)
      tpu.yield
    }) : () -> ()
    %mul3A_22 = arith.constant 640 : i32
    %mul3A_23 = arith.muli %arg1, %mul3A_22 : i32
    %add3A_24 = arith.constant 30720 : i32
    %add3A_25 = arith.addi %add3A_24, %mul3A_23 : i32
    "tpu.region"() ({
      %run_scoped3A = tpu.sem_alloc : memref<!tpu.dma_semaphore, #tpu.memory_space<semaphore_mem>>
      %dma_start3A = tpu.memref_slice %arg8[%add3A_25] : memref<163840xf32, #tpu.memory_space<vmem_shared>> -> memref<640xf32, #tpu.memory_space<vmem_shared>>
      %dma_start3A_236 = tpu.memref_slice %arg8[%add3A_25] : memref<163840xf32, #tpu.memory_space<vmem_shared>> -> memref<640xf32, #tpu.memory_space<vmem_shared>>
      tpu.enqueue_dma source(%arg6 : memref<640xf32, #tpu.memory_space<vmem>>) target(%dma_start3A_236 : memref<640xf32, #tpu.memory_space<vmem_shared>>) target_semaphore(%run_scoped3A : memref<!tpu.dma_semaphore, #tpu.memory_space<semaphore_mem>>)
      %dma_wait3A = tpu.memref_slice %arg8[%add3A_25] : memref<163840xf32, #tpu.memory_space<vmem_shared>> -> memref<640xf32, #tpu.memory_space<vmem_shared>>
      %dma_wait3A_237 = tpu.memref_slice %arg8[%add3A_25] : memref<163840xf32, #tpu.memory_space<vmem_shared>> -> memref<640xf32, #tpu.memory_space<vmem_shared>>
      tpu.wait_dma2 semaphore(%run_scoped3A : memref<!tpu.dma_semaphore, #tpu.memory_space<semaphore_mem>>) src(%arg6 : memref<640xf32, #tpu.memory_space<vmem>>) dst(%dma_wait3A_237 : memref<640xf32, #tpu.memory_space<vmem_shared>>)
      tpu.yield
    }) : () -> ()
    %mul3A_26 = arith.constant 640 : i32
    %mul3A_27 = arith.muli %arg1, %mul3A_26 : i32
    %add3A_28 = arith.constant 40960 : i32
    %add3A_29 = arith.addi %add3A_28, %mul3A_27 : i32
    "tpu.region"() ({
      %run_scoped3A = tpu.sem_alloc : memref<!tpu.dma_semaphore, #tpu.memory_space<semaphore_mem>>
      %dma_start3A = tpu.memref_slice %arg8[%add3A_29] : memref<163840xf32, #tpu.memory_space<vmem_shared>> -> memref<640xf32, #tpu.memory_space<vmem_shared>>
      %dma_start3A_236 = tpu.memref_slice %arg8[%add3A_29] : memref<163840xf32, #tpu.memory_space<vmem_shared>> -> memref<640xf32, #tpu.memory_space<vmem_shared>>
      tpu.enqueue_dma source(%arg6 : memref<640xf32, #tpu.memory_space<vmem>>) target(%dma_start3A_236 : memref<640xf32, #tpu.memory_space<vmem_shared>>) target_semaphore(%run_scoped3A : memref<!tpu.dma_semaphore, #tpu.memory_space<semaphore_mem>>)
      %dma_wait3A = tpu.memref_slice %arg8[%add3A_29] : memref<163840xf32, #tpu.memory_space<vmem_shared>> -> memref<640xf32, #tpu.memory_space<vmem_shared>>
      %dma_wait3A_237 = tpu.memref_slice %arg8[%add3A_29] : memref<163840xf32, #tpu.memory_space<vmem_shared>> -> memref<640xf32, #tpu.memory_space<vmem_shared>>
      tpu.wait_dma2 semaphore(%run_scoped3A : memref<!tpu.dma_semaphore, #tpu.memory_space<semaphore_mem>>) src(%arg6 : memref<640xf32, #tpu.memory_space<vmem>>) dst(%dma_wait3A_237 : memref<640xf32, #tpu.memory_space<vmem_shared>>)
      tpu.yield
    }) : () -> ()
    %mul3A_30 = arith.constant 640 : i32
    %mul3A_31 = arith.muli %arg1, %mul3A_30 : i32
    %add3A_32 = arith.constant 51200 : i32
    %add3A_33 = arith.addi %add3A_32, %mul3A_31 : i32
    "tpu.region"() ({
      %run_scoped3A = tpu.sem_alloc : memref<!tpu.dma_semaphore, #tpu.memory_space<semaphore_mem>>
      %dma_start3A = tpu.memref_slice %arg8[%add3A_33] : memref<163840xf32, #tpu.memory_space<vmem_shared>> -> memref<640xf32, #tpu.memory_space<vmem_shared>>
      %dma_start3A_236 = tpu.memref_slice %arg8[%add3A_33] : memref<163840xf32, #tpu.memory_space<vmem_shared>> -> memref<640xf32, #tpu.memory_space<vmem_shared>>
      tpu.enqueue_dma source(%arg6 : memref<640xf32, #tpu.memory_space<vmem>>) target(%dma_start3A_236 : memref<640xf32, #tpu.memory_space<vmem_shared>>) target_semaphore(%run_scoped3A : memref<!tpu.dma_semaphore, #tpu.memory_space<semaphore_mem>>)
      %dma_wait3A = tpu.memref_slice %arg8[%add3A_33] : memref<163840xf32, #tpu.memory_space<vmem_shared>> -> memref<640xf32, #tpu.memory_space<vmem_shared>>
      %dma_wait3A_237 = tpu.memref_slice %arg8[%add3A_33] : memref<163840xf32, #tpu.memory_space<vmem_shared>> -> memref<640xf32, #tpu.memory_space<vmem_shared>>
      tpu.wait_dma2 semaphore(%run_scoped3A : memref<!tpu.dma_semaphore, #tpu.memory_space<semaphore_mem>>) src(%arg6 : memref<640xf32, #tpu.memory_space<vmem>>) dst(%dma_wait3A_237 : memref<640xf32, #tpu.memory_space<vmem_shared>>)
      tpu.yield
    }) : () -> ()
    %mul3A_34 = arith.constant 640 : i32
    %mul3A_35 = arith.muli %arg1, %mul3A_34 : i32
    %add3A_36 = arith.constant 61440 : i32
    %add3A_37 = arith.addi %add3A_36, %mul3A_35 : i32
    "tpu.region"() ({
      %run_scoped3A = tpu.sem_alloc : memref<!tpu.dma_semaphore, #tpu.memory_space<semaphore_mem>>
      %dma_start3A = tpu.memref_slice %arg8[%add3A_37] : memref<163840xf32, #tpu.memory_space<vmem_shared>> -> memref<640xf32, #tpu.memory_space<vmem_shared>>
      %dma_start3A_236 = tpu.memref_slice %arg8[%add3A_37] : memref<163840xf32, #tpu.memory_space<vmem_shared>> -> memref<640xf32, #tpu.memory_space<vmem_shared>>
      tpu.enqueue_dma source(%arg6 : memref<640xf32, #tpu.memory_space<vmem>>) target(%dma_start3A_236 : memref<640xf32, #tpu.memory_space<vmem_shared>>) target_semaphore(%run_scoped3A : memref<!tpu.dma_semaphore, #tpu.memory_space<semaphore_mem>>)
      %dma_wait3A = tpu.memref_slice %arg8[%add3A_37] : memref<163840xf32, #tpu.memory_space<vmem_shared>> -> memref<640xf32, #tpu.memory_space<vmem_shared>>
      %dma_wait3A_237 = tpu.memref_slice %arg8[%add3A_37] : memref<163840xf32, #tpu.memory_space<vmem_shared>> -> memref<640xf32, #tpu.memory_space<vmem_shared>>
      tpu.wait_dma2 semaphore(%run_scoped3A : memref<!tpu.dma_semaphore, #tpu.memory_space<semaphore_mem>>) src(%arg6 : memref<640xf32, #tpu.memory_space<vmem>>) dst(%dma_wait3A_237 : memref<640xf32, #tpu.memory_space<vmem_shared>>)
      tpu.yield
    }) : () -> ()
    %mul3A_38 = arith.constant 640 : i32
    %mul3A_39 = arith.muli %arg1, %mul3A_38 : i32
    %add3A_40 = arith.constant 71680 : i32
    %add3A_41 = arith.addi %add3A_40, %mul3A_39 : i32
    "tpu.region"() ({
      %run_scoped3A = tpu.sem_alloc : memref<!tpu.dma_semaphore, #tpu.memory_space<semaphore_mem>>
      %dma_start3A = tpu.memref_slice %arg8[%add3A_41] : memref<163840xf32, #tpu.memory_space<vmem_shared>> -> memref<640xf32, #tpu.memory_space<vmem_shared>>
      %dma_start3A_236 = tpu.memref_slice %arg8[%add3A_41] : memref<163840xf32, #tpu.memory_space<vmem_shared>> -> memref<640xf32, #tpu.memory_space<vmem_shared>>
      tpu.enqueue_dma source(%arg6 : memref<640xf32, #tpu.memory_space<vmem>>) target(%dma_start3A_236 : memref<640xf32, #tpu.memory_space<vmem_shared>>) target_semaphore(%run_scoped3A : memref<!tpu.dma_semaphore, #tpu.memory_space<semaphore_mem>>)
      %dma_wait3A = tpu.memref_slice %arg8[%add3A_41] : memref<163840xf32, #tpu.memory_space<vmem_shared>> -> memref<640xf32, #tpu.memory_space<vmem_shared>>
      %dma_wait3A_237 = tpu.memref_slice %arg8[%add3A_41] : memref<163840xf32, #tpu.memory_space<vmem_shared>> -> memref<640xf32, #tpu.memory_space<vmem_shared>>
      tpu.wait_dma2 semaphore(%run_scoped3A : memref<!tpu.dma_semaphore, #tpu.memory_space<semaphore_mem>>) src(%arg6 : memref<640xf32, #tpu.memory_space<vmem>>) dst(%dma_wait3A_237 : memref<640xf32, #tpu.memory_space<vmem_shared>>)
      tpu.yield
    }) : () -> ()
    %mul3A_42 = arith.constant 640 : i32
    %mul3A_43 = arith.muli %arg1, %mul3A_42 : i32
    %add3A_44 = arith.constant 81920 : i32
    %add3A_45 = arith.addi %add3A_44, %mul3A_43 : i32
    "tpu.region"() ({
      %run_scoped3A = tpu.sem_alloc : memref<!tpu.dma_semaphore, #tpu.memory_space<semaphore_mem>>
      %dma_start3A = tpu.memref_slice %arg8[%add3A_45] : memref<163840xf32, #tpu.memory_space<vmem_shared>> -> memref<640xf32, #tpu.memory_space<vmem_shared>>
      %dma_start3A_236 = tpu.memref_slice %arg8[%add3A_45] : memref<163840xf32, #tpu.memory_space<vmem_shared>> -> memref<640xf32, #tpu.memory_space<vmem_shared>>
      tpu.enqueue_dma source(%arg6 : memref<640xf32, #tpu.memory_space<vmem>>) target(%dma_start3A_236 : memref<640xf32, #tpu.memory_space<vmem_shared>>) target_semaphore(%run_scoped3A : memref<!tpu.dma_semaphore, #tpu.memory_space<semaphore_mem>>)
      %dma_wait3A = tpu.memref_slice %arg8[%add3A_45] : memref<163840xf32, #tpu.memory_space<vmem_shared>> -> memref<640xf32, #tpu.memory_space<vmem_shared>>
      %dma_wait3A_237 = tpu.memref_slice %arg8[%add3A_45] : memref<163840xf32, #tpu.memory_space<vmem_shared>> -> memref<640xf32, #tpu.memory_space<vmem_shared>>
      tpu.wait_dma2 semaphore(%run_scoped3A : memref<!tpu.dma_semaphore, #tpu.memory_space<semaphore_mem>>) src(%arg6 : memref<640xf32, #tpu.memory_space<vmem>>) dst(%dma_wait3A_237 : memref<640xf32, #tpu.memory_space<vmem_shared>>)
      tpu.yield
    }) : () -> ()
    %mul3A_46 = arith.constant 640 : i32
    %mul3A_47 = arith.muli %arg1, %mul3A_46 : i32
    %add3A_48 = arith.constant 92160 : i32
    %add3A_49 = arith.addi %add3A_48, %mul3A_47 : i32
    "tpu.region"() ({
      %run_scoped3A = tpu.sem_alloc : memref<!tpu.dma_semaphore, #tpu.memory_space<semaphore_mem>>
      %dma_start3A = tpu.memref_slice %arg8[%add3A_49] : memref<163840xf32, #tpu.memory_space<vmem_shared>> -> memref<640xf32, #tpu.memory_space<vmem_shared>>
      %dma_start3A_236 = tpu.memref_slice %arg8[%add3A_49] : memref<163840xf32, #tpu.memory_space<vmem_shared>> -> memref<640xf32, #tpu.memory_space<vmem_shared>>
      tpu.enqueue_dma source(%arg6 : memref<640xf32, #tpu.memory_space<vmem>>) target(%dma_start3A_236 : memref<640xf32, #tpu.memory_space<vmem_shared>>) target_semaphore(%run_scoped3A : memref<!tpu.dma_semaphore, #tpu.memory_space<semaphore_mem>>)
      %dma_wait3A = tpu.memref_slice %arg8[%add3A_49] : memref<163840xf32, #tpu.memory_space<vmem_shared>> -> memref<640xf32, #tpu.memory_space<vmem_shared>>
      %dma_wait3A_237 = tpu.memref_slice %arg8[%add3A_49] : memref<163840xf32, #tpu.memory_space<vmem_shared>> -> memref<640xf32, #tpu.memory_space<vmem_shared>>
      tpu.wait_dma2 semaphore(%run_scoped3A : memref<!tpu.dma_semaphore, #tpu.memory_space<semaphore_mem>>) src(%arg6 : memref<640xf32, #tpu.memory_space<vmem>>) dst(%dma_wait3A_237 : memref<640xf32, #tpu.memory_space<vmem_shared>>)
      tpu.yield
    }) : () -> ()
    %mul3A_50 = arith.constant 640 : i32
    %mul3A_51 = arith.muli %arg1, %mul3A_50 : i32
    %add3A_52 = arith.constant 102400 : i32
    %add3A_53 = arith.addi %add3A_52, %mul3A_51 : i32
    "tpu.region"() ({
      %run_scoped3A = tpu.sem_alloc : memref<!tpu.dma_semaphore, #tpu.memory_space<semaphore_mem>>
      %dma_start3A = tpu.memref_slice %arg8[%add3A_53] : memref<163840xf32, #tpu.memory_space<vmem_shared>> -> memref<640xf32, #tpu.memory_space<vmem_shared>>
      %dma_start3A_236 = tpu.memref_slice %arg8[%add3A_53] : memref<163840xf32, #tpu.memory_space<vmem_shared>> -> memref<640xf32, #tpu.memory_space<vmem_shared>>
      tpu.enqueue_dma source(%arg6 : memref<640xf32, #tpu.memory_space<vmem>>) target(%dma_start3A_236 : memref<640xf32, #tpu.memory_space<vmem_shared>>) target_semaphore(%run_scoped3A : memref<!tpu.dma_semaphore, #tpu.memory_space<semaphore_mem>>)
      %dma_wait3A = tpu.memref_slice %arg8[%add3A_53] : memref<163840xf32, #tpu.memory_space<vmem_shared>> -> memref<640xf32, #tpu.memory_space<vmem_shared>>
      %dma_wait3A_237 = tpu.memref_slice %arg8[%add3A_53] : memref<163840xf32, #tpu.memory_space<vmem_shared>> -> memref<640xf32, #tpu.memory_space<vmem_shared>>
      tpu.wait_dma2 semaphore(%run_scoped3A : memref<!tpu.dma_semaphore, #tpu.memory_space<semaphore_mem>>) src(%arg6 : memref<640xf32, #tpu.memory_space<vmem>>) dst(%dma_wait3A_237 : memref<640xf32, #tpu.memory_space<vmem_shared>>)
      tpu.yield
    }) : () -> ()
    %mul3A_54 = arith.constant 640 : i32
    %mul3A_55 = arith.muli %arg1, %mul3A_54 : i32
    %add3A_56 = arith.constant 112640 : i32
    %add3A_57 = arith.addi %add3A_56, %mul3A_55 : i32
    "tpu.region"() ({
      %run_scoped3A = tpu.sem_alloc : memref<!tpu.dma_semaphore, #tpu.memory_space<semaphore_mem>>
      %dma_start3A = tpu.memref_slice %arg8[%add3A_57] : memref<163840xf32, #tpu.memory_space<vmem_shared>> -> memref<640xf32, #tpu.memory_space<vmem_shared>>
      %dma_start3A_236 = tpu.memref_slice %arg8[%add3A_57] : memref<163840xf32, #tpu.memory_space<vmem_shared>> -> memref<640xf32, #tpu.memory_space<vmem_shared>>
      tpu.enqueue_dma source(%arg6 : memref<640xf32, #tpu.memory_space<vmem>>) target(%dma_start3A_236 : memref<640xf32, #tpu.memory_space<vmem_shared>>) target_semaphore(%run_scoped3A : memref<!tpu.dma_semaphore, #tpu.memory_space<semaphore_mem>>)
      %dma_wait3A = tpu.memref_slice %arg8[%add3A_57] : memref<163840xf32, #tpu.memory_space<vmem_shared>> -> memref<640xf32, #tpu.memory_space<vmem_shared>>
      %dma_wait3A_237 = tpu.memref_slice %arg8[%add3A_57] : memref<163840xf32, #tpu.memory_space<vmem_shared>> -> memref<640xf32, #tpu.memory_space<vmem_shared>>
      tpu.wait_dma2 semaphore(%run_scoped3A : memref<!tpu.dma_semaphore, #tpu.memory_space<semaphore_mem>>) src(%arg6 : memref<640xf32, #tpu.memory_space<vmem>>) dst(%dma_wait3A_237 : memref<640xf32, #tpu.memory_space<vmem_shared>>)
      tpu.yield
    }) : () -> ()
    %mul3A_58 = arith.constant 640 : i32
    %mul3A_59 = arith.muli %arg1, %mul3A_58 : i32
    %add3A_60 = arith.constant 122880 : i32
    %add3A_61 = arith.addi %add3A_60, %mul3A_59 : i32
    "tpu.region"() ({
      %run_scoped3A = tpu.sem_alloc : memref<!tpu.dma_semaphore, #tpu.memory_space<semaphore_mem>>
      %dma_start3A = tpu.memref_slice %arg8[%add3A_61] : memref<163840xf32, #tpu.memory_space<vmem_shared>> -> memref<640xf32, #tpu.memory_space<vmem_shared>>
      %dma_start3A_236 = tpu.memref_slice %arg8[%add3A_61] : memref<163840xf32, #tpu.memory_space<vmem_shared>> -> memref<640xf32, #tpu.memory_space<vmem_shared>>
      tpu.enqueue_dma source(%arg6 : memref<640xf32, #tpu.memory_space<vmem>>) target(%dma_start3A_236 : memref<640xf32, #tpu.memory_space<vmem_shared>>) target_semaphore(%run_scoped3A : memref<!tpu.dma_semaphore, #tpu.memory_space<semaphore_mem>>)
      %dma_wait3A = tpu.memref_slice %arg8[%add3A_61] : memref<163840xf32, #tpu.memory_space<vmem_shared>> -> memref<640xf32, #tpu.memory_space<vmem_shared>>
      %dma_wait3A_237 = tpu.memref_slice %arg8[%add3A_61] : memref<163840xf32, #tpu.memory_space<vmem_shared>> -> memref<640xf32, #tpu.memory_space<vmem_shared>>
      tpu.wait_dma2 semaphore(%run_scoped3A : memref<!tpu.dma_semaphore, #tpu.memory_space<semaphore_mem>>) src(%arg6 : memref<640xf32, #tpu.memory_space<vmem>>) dst(%dma_wait3A_237 : memref<640xf32, #tpu.memory_space<vmem_shared>>)
      tpu.yield
    }) : () -> ()
    %mul3A_62 = arith.constant 640 : i32
    %mul3A_63 = arith.muli %arg1, %mul3A_62 : i32
    %add3A_64 = arith.constant 133120 : i32
    %add3A_65 = arith.addi %add3A_64, %mul3A_63 : i32
    "tpu.region"() ({
      %run_scoped3A = tpu.sem_alloc : memref<!tpu.dma_semaphore, #tpu.memory_space<semaphore_mem>>
      %dma_start3A = tpu.memref_slice %arg8[%add3A_65] : memref<163840xf32, #tpu.memory_space<vmem_shared>> -> memref<640xf32, #tpu.memory_space<vmem_shared>>
      %dma_start3A_236 = tpu.memref_slice %arg8[%add3A_65] : memref<163840xf32, #tpu.memory_space<vmem_shared>> -> memref<640xf32, #tpu.memory_space<vmem_shared>>
      tpu.enqueue_dma source(%arg6 : memref<640xf32, #tpu.memory_space<vmem>>) target(%dma_start3A_236 : memref<640xf32, #tpu.memory_space<vmem_shared>>) target_semaphore(%run_scoped3A : memref<!tpu.dma_semaphore, #tpu.memory_space<semaphore_mem>>)
      %dma_wait3A = tpu.memref_slice %arg8[%add3A_65] : memref<163840xf32, #tpu.memory_space<vmem_shared>> -> memref<640xf32, #tpu.memory_space<vmem_shared>>
      %dma_wait3A_237 = tpu.memref_slice %arg8[%add3A_65] : memref<163840xf32, #tpu.memory_space<vmem_shared>> -> memref<640xf32, #tpu.memory_space<vmem_shared>>
      tpu.wait_dma2 semaphore(%run_scoped3A : memref<!tpu.dma_semaphore, #tpu.memory_space<semaphore_mem>>) src(%arg6 : memref<640xf32, #tpu.memory_space<vmem>>) dst(%dma_wait3A_237 : memref<640xf32, #tpu.memory_space<vmem_shared>>)
      tpu.yield
    }) : () -> ()
    %mul3A_66 = arith.constant 640 : i32
    %mul3A_67 = arith.muli %arg1, %mul3A_66 : i32
    %add3A_68 = arith.constant 143360 : i32
    %add3A_69 = arith.addi %add3A_68, %mul3A_67 : i32
    "tpu.region"() ({
      %run_scoped3A = tpu.sem_alloc : memref<!tpu.dma_semaphore, #tpu.memory_space<semaphore_mem>>
      %dma_start3A = tpu.memref_slice %arg8[%add3A_69] : memref<163840xf32, #tpu.memory_space<vmem_shared>> -> memref<640xf32, #tpu.memory_space<vmem_shared>>
      %dma_start3A_236 = tpu.memref_slice %arg8[%add3A_69] : memref<163840xf32, #tpu.memory_space<vmem_shared>> -> memref<640xf32, #tpu.memory_space<vmem_shared>>
      tpu.enqueue_dma source(%arg6 : memref<640xf32, #tpu.memory_space<vmem>>) target(%dma_start3A_236 : memref<640xf32, #tpu.memory_space<vmem_shared>>) target_semaphore(%run_scoped3A : memref<!tpu.dma_semaphore, #tpu.memory_space<semaphore_mem>>)
      %dma_wait3A = tpu.memref_slice %arg8[%add3A_69] : memref<163840xf32, #tpu.memory_space<vmem_shared>> -> memref<640xf32, #tpu.memory_space<vmem_shared>>
      %dma_wait3A_237 = tpu.memref_slice %arg8[%add3A_69] : memref<163840xf32, #tpu.memory_space<vmem_shared>> -> memref<640xf32, #tpu.memory_space<vmem_shared>>
      tpu.wait_dma2 semaphore(%run_scoped3A : memref<!tpu.dma_semaphore, #tpu.memory_space<semaphore_mem>>) src(%arg6 : memref<640xf32, #tpu.memory_space<vmem>>) dst(%dma_wait3A_237 : memref<640xf32, #tpu.memory_space<vmem_shared>>)
      tpu.yield
    }) : () -> ()
    %mul3A_70 = arith.constant 640 : i32
    %mul3A_71 = arith.muli %arg1, %mul3A_70 : i32
    %add3A_72 = arith.constant 153600 : i32
    %add3A_73 = arith.addi %add3A_72, %mul3A_71 : i32
    "tpu.region"() ({
      %run_scoped3A = tpu.sem_alloc : memref<!tpu.dma_semaphore, #tpu.memory_space<semaphore_mem>>
      %dma_start3A = tpu.memref_slice %arg8[%add3A_73] : memref<163840xf32, #tpu.memory_space<vmem_shared>> -> memref<640xf32, #tpu.memory_space<vmem_shared>>
      %dma_start3A_236 = tpu.memref_slice %arg8[%add3A_73] : memref<163840xf32, #tpu.memory_space<vmem_shared>> -> memref<640xf32, #tpu.memory_space<vmem_shared>>
      tpu.enqueue_dma source(%arg6 : memref<640xf32, #tpu.memory_space<vmem>>) target(%dma_start3A_236 : memref<640xf32, #tpu.memory_space<vmem_shared>>) target_semaphore(%run_scoped3A : memref<!tpu.dma_semaphore, #tpu.memory_space<semaphore_mem>>)
      %dma_wait3A = tpu.memref_slice %arg8[%add3A_73] : memref<163840xf32, #tpu.memory_space<vmem_shared>> -> memref<640xf32, #tpu.memory_space<vmem_shared>>
      %dma_wait3A_237 = tpu.memref_slice %arg8[%add3A_73] : memref<163840xf32, #tpu.memory_space<vmem_shared>> -> memref<640xf32, #tpu.memory_space<vmem_shared>>
      tpu.wait_dma2 semaphore(%run_scoped3A : memref<!tpu.dma_semaphore, #tpu.memory_space<semaphore_mem>>) src(%arg6 : memref<640xf32, #tpu.memory_space<vmem>>) dst(%dma_wait3A_237 : memref<640xf32, #tpu.memory_space<vmem_shared>>)
      tpu.yield
    }) : () -> ()
    "tpu.region"() ({
      %run_scoped3A = tpu.sem_alloc : memref<!tpu.dma_semaphore, #tpu.memory_space<semaphore_mem>>
      %dma_start3A = arith.constant 0 : i32
      %dma_start3A_236 = arith.constant 0 : i32
      %dma_start3A_237 = tpu.memref_slice %arg2[%add3A, %dma_start3A, %dma_start3A_236] : memref<32x80x128xi32, #tpu.memory_space<hbm>> -> memref<1x80x128xi32, #tpu.memory_space<hbm>>
      %dma_start3A_238 = tpu.memref_squeeze %dma_start3A_237 : memref<1x80x128xi32, #tpu.memory_space<hbm>> -> memref<80x128xi32, #tpu.memory_space<hbm>>
      %dma_start3A_239 = arith.constant 0 : i32
      %dma_start3A_240 = arith.constant 0 : i32
      %dma_start3A_241 = tpu.memref_slice %arg2[%add3A, %dma_start3A_239, %dma_start3A_240] : memref<32x80x128xi32, #tpu.memory_space<hbm>> -> memref<1x80x128xi32, #tpu.memory_space<hbm>>
      %dma_start3A_242 = tpu.memref_squeeze %dma_start3A_241 : memref<1x80x128xi32, #tpu.memory_space<hbm>> -> memref<80x128xi32, #tpu.memory_space<hbm>>
      tpu.enqueue_dma source(%dma_start3A_242 : memref<80x128xi32, #tpu.memory_space<hbm>>) target(%arg4 : memref<80x128xi32, #tpu.memory_space<vmem>>) target_semaphore(%run_scoped3A : memref<!tpu.dma_semaphore, #tpu.memory_space<semaphore_mem>>)
      %dma_wait3A = arith.constant 0 : i32
      %dma_wait3A_243 = arith.constant 0 : i32
      %dma_wait3A_244 = tpu.memref_slice %arg2[%add3A, %dma_wait3A, %dma_wait3A_243] : memref<32x80x128xi32, #tpu.memory_space<hbm>> -> memref<1x80x128xi32, #tpu.memory_space<hbm>>
      %dma_wait3A_245 = tpu.memref_squeeze %dma_wait3A_244 : memref<1x80x128xi32, #tpu.memory_space<hbm>> -> memref<80x128xi32, #tpu.memory_space<hbm>>
      %dma_wait3A_246 = arith.constant 0 : i32
      %dma_wait3A_247 = arith.constant 0 : i32
      %dma_wait3A_248 = tpu.memref_slice %arg2[%add3A, %dma_wait3A_246, %dma_wait3A_247] : memref<32x80x128xi32, #tpu.memory_space<hbm>> -> memref<1x80x128xi32, #tpu.memory_space<hbm>>
      %dma_wait3A_249 = tpu.memref_squeeze %dma_wait3A_248 : memref<1x80x128xi32, #tpu.memory_space<hbm>> -> memref<80x128xi32, #tpu.memory_space<hbm>>
      tpu.wait_dma2 semaphore(%run_scoped3A : memref<!tpu.dma_semaphore, #tpu.memory_space<semaphore_mem>>) src(%dma_wait3A_249 : memref<80x128xi32, #tpu.memory_space<hbm>>) dst(%arg4 : memref<80x128xi32, #tpu.memory_space<vmem>>)
      tpu.yield
    }) : () -> ()
    %mul3A_74 = arith.constant 10240 : i32
    %mul3A_75 = arith.muli %arg1, %mul3A_74 : i32
    %scan3A_76 = arith.constant 0 : i32
    %scan3A_77 = arith.constant 80 : i32
    %scan3A_78 = arith.addi %scan3A_76, %scan3A_77 : i32
    %scan3A_79 = arith.constant 1 : i32
    scf.for %scan3A_236 = %scan3A_76 to %scan3A_78 step %scan3A_79  : i32 {
      %mul3A_237 = arith.constant 1 : i32
      %mul3A_238 = arith.muli %scan3A_236, %mul3A_237 : i32
      %add3A_239 = arith.constant 0 : i32
      %add3A_240 = arith.addi %add3A_239, %mul3A_238 : i32
      %get3A = arith.index_cast %add3A_240 : i32 to index
      %get3A_241 = arith.constant 0 : index
      %get3A_242 = tpu.vector_load %arg4[%get3A, %get3A_241] {strides = array<i32>} : memref<80x128xi32, #tpu.memory_space<vmem>>, vector<1x16xi32>,
      %get3A_243 = vector.shape_cast %get3A_242 : vector<1x16xi32> to vector<16xi32>
      %add3A_244 = vector.broadcast %mul3A_75 : i32 to vector<16xi32>
      %add3A_245 = arith.addi %get3A_243, %add3A_244 : vector<16xi32>
      %swap3A = arith.index_cast %add3A_240 : i32 to index
      %swap3A_246 = arith.constant 0 : index
      %swap3A_247 = tpu.vector_load %arg4[%swap3A, %swap3A_246] {strides = array<i32>} : memref<80x128xi32, #tpu.memory_space<vmem>>, vector<1x16xi32>,
      %swap3A_248 = vector.shape_cast %swap3A_247 : vector<1x16xi32> to vector<16xi32>
      %swap3A_249 = vector.shape_cast %add3A_245 : vector<16xi32> to vector<1x16xi32>
      tpu.vector_store %arg4[%swap3A, %swap3A_246], %swap3A_249 {strides = array<i32>} : memref<80x128xi32, #tpu.memory_space<vmem>>, vector<1x16xi32>,
      %get3A_250 = arith.index_cast %add3A_240 : i32 to index
      %get3A_251 = arith.constant 16 : index
      %get3A_252 = tpu.vector_load %arg4[%get3A_250, %get3A_251] {strides = array<i32>} : memref<80x128xi32, #tpu.memory_space<vmem>>, vector<1x16xi32>,
      %get3A_253 = vector.shape_cast %get3A_252 : vector<1x16xi32> to vector<16xi32>
      %add3A_254 = vector.broadcast %mul3A_75 : i32 to vector<16xi32>
      %add3A_255 = arith.addi %get3A_253, %add3A_254 : vector<16xi32>
      %swap3A_256 = arith.index_cast %add3A_240 : i32 to index
      %swap3A_257 = arith.constant 16 : index
      %swap3A_258 = tpu.vector_load %arg4[%swap3A_256, %swap3A_257] {strides = array<i32>} : memref<80x128xi32, #tpu.memory_space<vmem>>, vector<1x16xi32>,
      %swap3A_259 = vector.shape_cast %swap3A_258 : vector<1x16xi32> to vector<16xi32>
      %swap3A_260 = vector.shape_cast %add3A_255 : vector<16xi32> to vector<1x16xi32>
      tpu.vector_store %arg4[%swap3A_256, %swap3A_257], %swap3A_260 {strides = array<i32>} : memref<80x128xi32, #tpu.memory_space<vmem>>, vector<1x16xi32>,
      %get3A_261 = arith.index_cast %add3A_240 : i32 to index
      %get3A_262 = arith.constant 32 : index
      %get3A_263 = tpu.vector_load %arg4[%get3A_261, %get3A_262] {strides = array<i32>} : memref<80x128xi32, #tpu.memory_space<vmem>>, vector<1x16xi32>,
      %get3A_264 = vector.shape_cast %get3A_263 : vector<1x16xi32> to vector<16xi32>
      %add3A_265 = vector.broadcast %mul3A_75 : i32 to vector<16xi32>
      %add3A_266 = arith.addi %get3A_264, %add3A_265 : vector<16xi32>
      %swap3A_267 = arith.index_cast %add3A_240 : i32 to index
      %swap3A_268 = arith.constant 32 : index
      %swap3A_269 = tpu.vector_load %arg4[%swap3A_267, %swap3A_268] {strides = array<i32>} : memref<80x128xi32, #tpu.memory_space<vmem>>, vector<1x16xi32>,
      %swap3A_270 = vector.shape_cast %swap3A_269 : vector<1x16xi32> to vector<16xi32>
      %swap3A_271 = vector.shape_cast %add3A_266 : vector<16xi32> to vector<1x16xi32>
      tpu.vector_store %arg4[%swap3A_267, %swap3A_268], %swap3A_271 {strides = array<i32>} : memref<80x128xi32, #tpu.memory_space<vmem>>, vector<1x16xi32>,
      %get3A_272 = arith.index_cast %add3A_240 : i32 to index
      %get3A_273 = arith.constant 48 : index
      %get3A_274 = tpu.vector_load %arg4[%get3A_272, %get3A_273] {strides = array<i32>} : memref<80x128xi32, #tpu.memory_space<vmem>>, vector<1x16xi32>,
      %get3A_275 = vector.shape_cast %get3A_274 : vector<1x16xi32> to vector<16xi32>
      %add3A_276 = vector.broadcast %mul3A_75 : i32 to vector<16xi32>
      %add3A_277 = arith.addi %get3A_275, %add3A_276 : vector<16xi32>
      %swap3A_278 = arith.index_cast %add3A_240 : i32 to index
      %swap3A_279 = arith.constant 48 : index
      %swap3A_280 = tpu.vector_load %arg4[%swap3A_278, %swap3A_279] {strides = array<i32>} : memref<80x128xi32, #tpu.memory_space<vmem>>, vector<1x16xi32>,
      %swap3A_281 = vector.shape_cast %swap3A_280 : vector<1x16xi32> to vector<16xi32>
      %swap3A_282 = vector.shape_cast %add3A_277 : vector<16xi32> to vector<1x16xi32>
      tpu.vector_store %arg4[%swap3A_278, %swap3A_279], %swap3A_282 {strides = array<i32>} : memref<80x128xi32, #tpu.memory_space<vmem>>, vector<1x16xi32>,
      %get3A_283 = arith.index_cast %add3A_240 : i32 to index
      %get3A_284 = arith.constant 64 : index
      %get3A_285 = tpu.vector_load %arg4[%get3A_283, %get3A_284] {strides = array<i32>} : memref<80x128xi32, #tpu.memory_space<vmem>>, vector<1x16xi32>,
      %get3A_286 = vector.shape_cast %get3A_285 : vector<1x16xi32> to vector<16xi32>
      %add3A_287 = vector.broadcast %mul3A_75 : i32 to vector<16xi32>
      %add3A_288 = arith.addi %get3A_286, %add3A_287 : vector<16xi32>
      %swap3A_289 = arith.index_cast %add3A_240 : i32 to index
      %swap3A_290 = arith.constant 64 : index
      %swap3A_291 = tpu.vector_load %arg4[%swap3A_289, %swap3A_290] {strides = array<i32>} : memref<80x128xi32, #tpu.memory_space<vmem>>, vector<1x16xi32>,
      %swap3A_292 = vector.shape_cast %swap3A_291 : vector<1x16xi32> to vector<16xi32>
      %swap3A_293 = vector.shape_cast %add3A_288 : vector<16xi32> to vector<1x16xi32>
      tpu.vector_store %arg4[%swap3A_289, %swap3A_290], %swap3A_293 {strides = array<i32>} : memref<80x128xi32, #tpu.memory_space<vmem>>, vector<1x16xi32>,
      %get3A_294 = arith.index_cast %add3A_240 : i32 to index
      %get3A_295 = arith.constant 80 : index
      %get3A_296 = tpu.vector_load %arg4[%get3A_294, %get3A_295] {strides = array<i32>} : memref<80x128xi32, #tpu.memory_space<vmem>>, vector<1x16xi32>,
      %get3A_297 = vector.shape_cast %get3A_296 : vector<1x16xi32> to vector<16xi32>
      %add3A_298 = vector.broadcast %mul3A_75 : i32 to vector<16xi32>
      %add3A_299 = arith.addi %get3A_297, %add3A_298 : vector<16xi32>
      %swap3A_300 = arith.index_cast %add3A_240 : i32 to index
      %swap3A_301 = arith.constant 80 : index
      %swap3A_302 = tpu.vector_load %arg4[%swap3A_300, %swap3A_301] {strides = array<i32>} : memref<80x128xi32, #tpu.memory_space<vmem>>, vector<1x16xi32>,
      %swap3A_303 = vector.shape_cast %swap3A_302 : vector<1x16xi32> to vector<16xi32>
      %swap3A_304 = vector.shape_cast %add3A_299 : vector<16xi32> to vector<1x16xi32>
      tpu.vector_store %arg4[%swap3A_300, %swap3A_301], %swap3A_304 {strides = array<i32>} : memref<80x128xi32, #tpu.memory_space<vmem>>, vector<1x16xi32>,
      %get3A_305 = arith.index_cast %add3A_240 : i32 to index
      %get3A_306 = arith.constant 96 : index
      %get3A_307 = tpu.vector_load %arg4[%get3A_305, %get3A_306] {strides = array<i32>} : memref<80x128xi32, #tpu.memory_space<vmem>>, vector<1x16xi32>,
      %get3A_308 = vector.shape_cast %get3A_307 : vector<1x16xi32> to vector<16xi32>
      %add3A_309 = vector.broadcast %mul3A_75 : i32 to vector<16xi32>
      %add3A_310 = arith.addi %get3A_308, %add3A_309 : vector<16xi32>
      %swap3A_311 = arith.index_cast %add3A_240 : i32 to index
      %swap3A_312 = arith.constant 96 : index
      %swap3A_313 = tpu.vector_load %arg4[%swap3A_311, %swap3A_312] {strides = array<i32>} : memref<80x128xi32, #tpu.memory_space<vmem>>, vector<1x16xi32>,
      %swap3A_314 = vector.shape_cast %swap3A_313 : vector<1x16xi32> to vector<16xi32>
      %swap3A_315 = vector.shape_cast %add3A_310 : vector<16xi32> to vector<1x16xi32>
      tpu.vector_store %arg4[%swap3A_311, %swap3A_312], %swap3A_315 {strides = array<i32>} : memref<80x128xi32, #tpu.memory_space<vmem>>, vector<1x16xi32>,
      %get3A_316 = arith.index_cast %add3A_240 : i32 to index
      %get3A_317 = arith.constant 112 : index
      %get3A_318 = tpu.vector_load %arg4[%get3A_316, %get3A_317] {strides = array<i32>} : memref<80x128xi32, #tpu.memory_space<vmem>>, vector<1x16xi32>,
      %get3A_319 = vector.shape_cast %get3A_318 : vector<1x16xi32> to vector<16xi32>
      %add3A_320 = vector.broadcast %mul3A_75 : i32 to vector<16xi32>
      %add3A_321 = arith.addi %get3A_319, %add3A_320 : vector<16xi32>
      %swap3A_322 = arith.index_cast %add3A_240 : i32 to index
      %swap3A_323 = arith.constant 112 : index
      %swap3A_324 = tpu.vector_load %arg4[%swap3A_322, %swap3A_323] {strides = array<i32>} : memref<80x128xi32, #tpu.memory_space<vmem>>, vector<1x16xi32>,
      %swap3A_325 = vector.shape_cast %swap3A_324 : vector<1x16xi32> to vector<16xi32>
      %swap3A_326 = vector.shape_cast %add3A_321 : vector<16xi32> to vector<1x16xi32>
      tpu.vector_store %arg4[%swap3A_322, %swap3A_323], %swap3A_326 {strides = array<i32>} : memref<80x128xi32, #tpu.memory_space<vmem>>, vector<1x16xi32>,
    }
    %scan3A_80 = arith.constant 80 : i32
    %barrier3A = arith.constant 0 : index
    tpu.barrier barrier_id(%barrier3A)
    %scan3A_81 = arith.constant 0 : i32
    %scan3A_82 = arith.constant 80 : i32
    %scan3A_83 = arith.addi %scan3A_81, %scan3A_82 : i32
    %scan3A_84 = arith.constant 1 : i32
    scf.for %scan3A_236 = %scan3A_81 to %scan3A_83 step %scan3A_84  : i32 {
      %mul3A_237 = arith.constant 1 : i32
      %mul3A_238 = arith.muli %scan3A_236, %mul3A_237 : i32
      %add3A_239 = arith.constant 0 : i32
      %add3A_240 = arith.addi %add3A_239, %mul3A_238 : i32
      "tpu.region"() ({
        %run_scoped3A = tpu.sem_alloc : memref<!tpu.dma_semaphore, #tpu.memory_space<semaphore_mem>>
        %dma_start3A = arith.constant 0 : i32
        %dma_start3A_241 = tpu.memref_slice %arg4[%add3A_240, %dma_start3A] : memref<80x128xi32, #tpu.memory_space<vmem>> -> memref<1x128xi32, #tpu.memory_space<vmem>>
        %dma_start3A_242 = tpu.memref_squeeze %dma_start3A_241 : memref<1x128xi32, #tpu.memory_space<vmem>> -> memref<128xi32, #tpu.memory_space<vmem>>
        %dma_start3A_243 = arith.constant 0 : i32
        %dma_start3A_244 = tpu.memref_slice %arg8[%dma_start3A_243] : memref<163840xf32, #tpu.memory_space<vmem_shared>> -> memref<163840xf32, #tpu.memory_space<vmem_shared>>
        tpu.enqueue_indirect_dma source(%arg5 : memref<128xf32, #tpu.memory_space<vmem>>) target(%dma_start3A_244 : memref<163840xf32, #tpu.memory_space<vmem_shared>>) offsets(%dma_start3A_242 : memref<128xi32, #tpu.memory_space<vmem>>) semaphore(%run_scoped3A : memref<!tpu.dma_semaphore, #tpu.memory_space<semaphore_mem>>) {add = true}
        %dma_wait3A = arith.constant 0 : i32
        %dma_wait3A_245 = tpu.memref_slice %arg4[%add3A_240, %dma_wait3A] : memref<80x128xi32, #tpu.memory_space<vmem>> -> memref<1x128xi32, #tpu.memory_space<vmem>>
        %dma_wait3A_246 = tpu.memref_squeeze %dma_wait3A_245 : memref<1x128xi32, #tpu.memory_space<vmem>> -> memref<128xi32, #tpu.memory_space<vmem>>
        %dma_wait3A_247 = arith.constant 0 : i32
        %dma_wait3A_248 = tpu.memref_slice %arg8[%dma_wait3A_247] : memref<163840xf32, #tpu.memory_space<vmem_shared>> -> memref<163840xf32, #tpu.memory_space<vmem_shared>>
        tpu.wait_indirect_dma semaphore(%run_scoped3A : memref<!tpu.dma_semaphore, #tpu.memory_space<semaphore_mem>>) src(%arg5 : memref<128xf32, #tpu.memory_space<vmem>>) dst(%dma_wait3A_248 : memref<163840xf32, #tpu.memory_space<vmem_shared>>)
        tpu.yield
      }) : () -> ()
    }
    %scan3A_85 = arith.constant 80 : i32
    %barrier3A_86 = arith.constant 0 : index
    tpu.barrier barrier_id(%barrier3A_86)
    %mul3A_87 = arith.constant 640 : i32
    %mul3A_88 = arith.muli %arg1, %mul3A_87 : i32
    %add3A_89 = arith.constant 0 : i32
    %add3A_90 = arith.addi %add3A_89, %mul3A_88 : i32
    "tpu.region"() ({
      %run_scoped3A = tpu.sem_alloc : memref<!tpu.dma_semaphore, #tpu.memory_space<semaphore_mem>>
      %dma_start3A = tpu.memref_slice %arg8[%add3A_90] : memref<163840xf32, #tpu.memory_space<vmem_shared>> -> memref<640xf32, #tpu.memory_space<vmem_shared>>
      %dma_start3A_236 = tpu.memref_slice %arg8[%add3A_90] : memref<163840xf32, #tpu.memory_space<vmem_shared>> -> memref<640xf32, #tpu.memory_space<vmem_shared>>
      tpu.enqueue_dma source(%dma_start3A_236 : memref<640xf32, #tpu.memory_space<vmem_shared>>) target(%arg6 : memref<640xf32, #tpu.memory_space<vmem>>) target_semaphore(%run_scoped3A : memref<!tpu.dma_semaphore, #tpu.memory_space<semaphore_mem>>)
      %dma_wait3A = tpu.memref_slice %arg8[%add3A_90] : memref<163840xf32, #tpu.memory_space<vmem_shared>> -> memref<640xf32, #tpu.memory_space<vmem_shared>>
      %dma_wait3A_237 = tpu.memref_slice %arg8[%add3A_90] : memref<163840xf32, #tpu.memory_space<vmem_shared>> -> memref<640xf32, #tpu.memory_space<vmem_shared>>
      tpu.wait_dma2 semaphore(%run_scoped3A : memref<!tpu.dma_semaphore, #tpu.memory_space<semaphore_mem>>) src(%dma_wait3A_237 : memref<640xf32, #tpu.memory_space<vmem_shared>>) dst(%arg6 : memref<640xf32, #tpu.memory_space<vmem>>)
      tpu.yield
    }) : () -> ()
    %scan3A_91 = arith.constant 0 : i32
    %scan3A_92 = arith.constant 40 : i32
    %scan3A_93 = arith.addi %scan3A_91, %scan3A_92 : i32
    %scan3A_94 = arith.constant 1 : i32
    scf.for %scan3A_236 = %scan3A_91 to %scan3A_93 step %scan3A_94  : i32 {
      %mul3A_237 = arith.constant 1 : i32
      %mul3A_238 = arith.muli %scan3A_236, %mul3A_237 : i32
      %add3A_239 = arith.constant 0 : i32
      %add3A_240 = arith.addi %add3A_239, %mul3A_238 : i32
      %mul3A_241 = arith.constant 16 : i32
      %mul3A_242 = arith.muli %add3A_240, %mul3A_241 : i32
      %get3A = arith.index_cast %mul3A_242 : i32 to index
      %get3A_243 = tpu.vector_load %arg7[%get3A] {strides = array<i32>} : memref<640xf32, #tpu.memory_space<vmem>>, vector<16xf32>,
      %get3A_244 = vector.shape_cast %get3A_243 : vector<16xf32> to vector<16xf32>
      %get3A_245 = arith.index_cast %mul3A_242 : i32 to index
      %get3A_246 = tpu.vector_load %arg6[%get3A_245] {strides = array<i32>} : memref<640xf32, #tpu.memory_space<vmem>>, vector<16xf32>,
      %get3A_247 = vector.shape_cast %get3A_246 : vector<16xf32> to vector<16xf32>
      %add3A_248 = arith.addf %get3A_244, %get3A_247 : vector<16xf32>
      %swap3A = arith.index_cast %mul3A_242 : i32 to index
      %swap3A_249 = tpu.vector_load %arg7[%swap3A] {strides = array<i32>} : memref<640xf32, #tpu.memory_space<vmem>>, vector<16xf32>,
      %swap3A_250 = vector.shape_cast %swap3A_249 : vector<16xf32> to vector<16xf32>
      %swap3A_251 = vector.shape_cast %add3A_248 : vector<16xf32> to vector<16xf32>
      tpu.vector_store %arg7[%swap3A], %swap3A_251 {strides = array<i32>} : memref<640xf32, #tpu.memory_space<vmem>>, vector<16xf32>,
    }
    %scan3A_95 = arith.constant 40 : i32
    %mul3A_96 = arith.constant 640 : i32
    %mul3A_97 = arith.muli %arg1, %mul3A_96 : i32
    %add3A_98 = arith.constant 10240 : i32
    %add3A_99 = arith.addi %add3A_98, %mul3A_97 : i32
    "tpu.region"() ({
      %run_scoped3A = tpu.sem_alloc : memref<!tpu.dma_semaphore, #tpu.memory_space<semaphore_mem>>
      %dma_start3A = tpu.memref_slice %arg8[%add3A_99] : memref<163840xf32, #tpu.memory_space<vmem_shared>> -> memref<640xf32, #tpu.memory_space<vmem_shared>>
      %dma_start3A_236 = tpu.memref_slice %arg8[%add3A_99] : memref<163840xf32, #tpu.memory_space<vmem_shared>> -> memref<640xf32, #tpu.memory_space<vmem_shared>>
      tpu.enqueue_dma source(%dma_start3A_236 : memref<640xf32, #tpu.memory_space<vmem_shared>>) target(%arg6 : memref<640xf32, #tpu.memory_space<vmem>>) target_semaphore(%run_scoped3A : memref<!tpu.dma_semaphore, #tpu.memory_space<semaphore_mem>>)
      %dma_wait3A = tpu.memref_slice %arg8[%add3A_99] : memref<163840xf32, #tpu.memory_space<vmem_shared>> -> memref<640xf32, #tpu.memory_space<vmem_shared>>
      %dma_wait3A_237 = tpu.memref_slice %arg8[%add3A_99] : memref<163840xf32, #tpu.memory_space<vmem_shared>> -> memref<640xf32, #tpu.memory_space<vmem_shared>>
      tpu.wait_dma2 semaphore(%run_scoped3A : memref<!tpu.dma_semaphore, #tpu.memory_space<semaphore_mem>>) src(%dma_wait3A_237 : memref<640xf32, #tpu.memory_space<vmem_shared>>) dst(%arg6 : memref<640xf32, #tpu.memory_space<vmem>>)
      tpu.yield
    }) : () -> ()
    %scan3A_100 = arith.constant 0 : i32
    %scan3A_101 = arith.constant 40 : i32
    %scan3A_102 = arith.addi %scan3A_100, %scan3A_101 : i32
    %scan3A_103 = arith.constant 1 : i32
    scf.for %scan3A_236 = %scan3A_100 to %scan3A_102 step %scan3A_103  : i32 {
      %mul3A_237 = arith.constant 1 : i32
      %mul3A_238 = arith.muli %scan3A_236, %mul3A_237 : i32
      %add3A_239 = arith.constant 0 : i32
      %add3A_240 = arith.addi %add3A_239, %mul3A_238 : i32
      %mul3A_241 = arith.constant 16 : i32
      %mul3A_242 = arith.muli %add3A_240, %mul3A_241 : i32
      %get3A = arith.index_cast %mul3A_242 : i32 to index
      %get3A_243 = tpu.vector_load %arg7[%get3A] {strides = array<i32>} : memref<640xf32, #tpu.memory_space<vmem>>, vector<16xf32>,
      %get3A_244 = vector.shape_cast %get3A_243 : vector<16xf32> to vector<16xf32>
      %get3A_245 = arith.index_cast %mul3A_242 : i32 to index
      %get3A_246 = tpu.vector_load %arg6[%get3A_245] {strides = array<i32>} : memref<640xf32, #tpu.memory_space<vmem>>, vector<16xf32>,
      %get3A_247 = vector.shape_cast %get3A_246 : vector<16xf32> to vector<16xf32>
      %add3A_248 = arith.addf %get3A_244, %get3A_247 : vector<16xf32>
      %swap3A = arith.index_cast %mul3A_242 : i32 to index
      %swap3A_249 = tpu.vector_load %arg7[%swap3A] {strides = array<i32>} : memref<640xf32, #tpu.memory_space<vmem>>, vector<16xf32>,
      %swap3A_250 = vector.shape_cast %swap3A_249 : vector<16xf32> to vector<16xf32>
      %swap3A_251 = vector.shape_cast %add3A_248 : vector<16xf32> to vector<16xf32>
      tpu.vector_store %arg7[%swap3A], %swap3A_251 {strides = array<i32>} : memref<640xf32, #tpu.memory_space<vmem>>, vector<16xf32>,
    }
    %scan3A_104 = arith.constant 40 : i32
    %mul3A_105 = arith.constant 640 : i32
    %mul3A_106 = arith.muli %arg1, %mul3A_105 : i32
    %add3A_107 = arith.constant 20480 : i32
    %add3A_108 = arith.addi %add3A_107, %mul3A_106 : i32
    "tpu.region"() ({
      %run_scoped3A = tpu.sem_alloc : memref<!tpu.dma_semaphore, #tpu.memory_space<semaphore_mem>>
      %dma_start3A = tpu.memref_slice %arg8[%add3A_108] : memref<163840xf32, #tpu.memory_space<vmem_shared>> -> memref<640xf32, #tpu.memory_space<vmem_shared>>
      %dma_start3A_236 = tpu.memref_slice %arg8[%add3A_108] : memref<163840xf32, #tpu.memory_space<vmem_shared>> -> memref<640xf32, #tpu.memory_space<vmem_shared>>
      tpu.enqueue_dma source(%dma_start3A_236 : memref<640xf32, #tpu.memory_space<vmem_shared>>) target(%arg6 : memref<640xf32, #tpu.memory_space<vmem>>) target_semaphore(%run_scoped3A : memref<!tpu.dma_semaphore, #tpu.memory_space<semaphore_mem>>)
      %dma_wait3A = tpu.memref_slice %arg8[%add3A_108] : memref<163840xf32, #tpu.memory_space<vmem_shared>> -> memref<640xf32, #tpu.memory_space<vmem_shared>>
      %dma_wait3A_237 = tpu.memref_slice %arg8[%add3A_108] : memref<163840xf32, #tpu.memory_space<vmem_shared>> -> memref<640xf32, #tpu.memory_space<vmem_shared>>
      tpu.wait_dma2 semaphore(%run_scoped3A : memref<!tpu.dma_semaphore, #tpu.memory_space<semaphore_mem>>) src(%dma_wait3A_237 : memref<640xf32, #tpu.memory_space<vmem_shared>>) dst(%arg6 : memref<640xf32, #tpu.memory_space<vmem>>)
      tpu.yield
    }) : () -> ()
    %scan3A_109 = arith.constant 0 : i32
    %scan3A_110 = arith.constant 40 : i32
    %scan3A_111 = arith.addi %scan3A_109, %scan3A_110 : i32
    %scan3A_112 = arith.constant 1 : i32
    scf.for %scan3A_236 = %scan3A_109 to %scan3A_111 step %scan3A_112  : i32 {
      %mul3A_237 = arith.constant 1 : i32
      %mul3A_238 = arith.muli %scan3A_236, %mul3A_237 : i32
      %add3A_239 = arith.constant 0 : i32
      %add3A_240 = arith.addi %add3A_239, %mul3A_238 : i32
      %mul3A_241 = arith.constant 16 : i32
      %mul3A_242 = arith.muli %add3A_240, %mul3A_241 : i32
      %get3A = arith.index_cast %mul3A_242 : i32 to index
      %get3A_243 = tpu.vector_load %arg7[%get3A] {strides = array<i32>} : memref<640xf32, #tpu.memory_space<vmem>>, vector<16xf32>,
      %get3A_244 = vector.shape_cast %get3A_243 : vector<16xf32> to vector<16xf32>
      %get3A_245 = arith.index_cast %mul3A_242 : i32 to index
      %get3A_246 = tpu.vector_load %arg6[%get3A_245] {strides = array<i32>} : memref<640xf32, #tpu.memory_space<vmem>>, vector<16xf32>,
      %get3A_247 = vector.shape_cast %get3A_246 : vector<16xf32> to vector<16xf32>
      %add3A_248 = arith.addf %get3A_244, %get3A_247 : vector<16xf32>
      %swap3A = arith.index_cast %mul3A_242 : i32 to index
      %swap3A_249 = tpu.vector_load %arg7[%swap3A] {strides = array<i32>} : memref<640xf32, #tpu.memory_space<vmem>>, vector<16xf32>,
      %swap3A_250 = vector.shape_cast %swap3A_249 : vector<16xf32> to vector<16xf32>
      %swap3A_251 = vector.shape_cast %add3A_248 : vector<16xf32> to vector<16xf32>
      tpu.vector_store %arg7[%swap3A], %swap3A_251 {strides = array<i32>} : memref<640xf32, #tpu.memory_space<vmem>>, vector<16xf32>,
    }
    %scan3A_113 = arith.constant 40 : i32
    %mul3A_114 = arith.constant 640 : i32
    %mul3A_115 = arith.muli %arg1, %mul3A_114 : i32
    %add3A_116 = arith.constant 30720 : i32
    %add3A_117 = arith.addi %add3A_116, %mul3A_115 : i32
    "tpu.region"() ({
      %run_scoped3A = tpu.sem_alloc : memref<!tpu.dma_semaphore, #tpu.memory_space<semaphore_mem>>
      %dma_start3A = tpu.memref_slice %arg8[%add3A_117] : memref<163840xf32, #tpu.memory_space<vmem_shared>> -> memref<640xf32, #tpu.memory_space<vmem_shared>>
      %dma_start3A_236 = tpu.memref_slice %arg8[%add3A_117] : memref<163840xf32, #tpu.memory_space<vmem_shared>> -> memref<640xf32, #tpu.memory_space<vmem_shared>>
      tpu.enqueue_dma source(%dma_start3A_236 : memref<640xf32, #tpu.memory_space<vmem_shared>>) target(%arg6 : memref<640xf32, #tpu.memory_space<vmem>>) target_semaphore(%run_scoped3A : memref<!tpu.dma_semaphore, #tpu.memory_space<semaphore_mem>>)
      %dma_wait3A = tpu.memref_slice %arg8[%add3A_117] : memref<163840xf32, #tpu.memory_space<vmem_shared>> -> memref<640xf32, #tpu.memory_space<vmem_shared>>
      %dma_wait3A_237 = tpu.memref_slice %arg8[%add3A_117] : memref<163840xf32, #tpu.memory_space<vmem_shared>> -> memref<640xf32, #tpu.memory_space<vmem_shared>>
      tpu.wait_dma2 semaphore(%run_scoped3A : memref<!tpu.dma_semaphore, #tpu.memory_space<semaphore_mem>>) src(%dma_wait3A_237 : memref<640xf32, #tpu.memory_space<vmem_shared>>) dst(%arg6 : memref<640xf32, #tpu.memory_space<vmem>>)
      tpu.yield
    }) : () -> ()
    %scan3A_118 = arith.constant 0 : i32
    %scan3A_119 = arith.constant 40 : i32
    %scan3A_120 = arith.addi %scan3A_118, %scan3A_119 : i32
    %scan3A_121 = arith.constant 1 : i32
    scf.for %scan3A_236 = %scan3A_118 to %scan3A_120 step %scan3A_121  : i32 {
      %mul3A_237 = arith.constant 1 : i32
      %mul3A_238 = arith.muli %scan3A_236, %mul3A_237 : i32
      %add3A_239 = arith.constant 0 : i32
      %add3A_240 = arith.addi %add3A_239, %mul3A_238 : i32
      %mul3A_241 = arith.constant 16 : i32
      %mul3A_242 = arith.muli %add3A_240, %mul3A_241 : i32
      %get3A = arith.index_cast %mul3A_242 : i32 to index
      %get3A_243 = tpu.vector_load %arg7[%get3A] {strides = array<i32>} : memref<640xf32, #tpu.memory_space<vmem>>, vector<16xf32>,
      %get3A_244 = vector.shape_cast %get3A_243 : vector<16xf32> to vector<16xf32>
      %get3A_245 = arith.index_cast %mul3A_242 : i32 to index
      %get3A_246 = tpu.vector_load %arg6[%get3A_245] {strides = array<i32>} : memref<640xf32, #tpu.memory_space<vmem>>, vector<16xf32>,
      %get3A_247 = vector.shape_cast %get3A_246 : vector<16xf32> to vector<16xf32>
      %add3A_248 = arith.addf %get3A_244, %get3A_247 : vector<16xf32>
      %swap3A = arith.index_cast %mul3A_242 : i32 to index
      %swap3A_249 = tpu.vector_load %arg7[%swap3A] {strides = array<i32>} : memref<640xf32, #tpu.memory_space<vmem>>, vector<16xf32>,
      %swap3A_250 = vector.shape_cast %swap3A_249 : vector<16xf32> to vector<16xf32>
      %swap3A_251 = vector.shape_cast %add3A_248 : vector<16xf32> to vector<16xf32>
      tpu.vector_store %arg7[%swap3A], %swap3A_251 {strides = array<i32>} : memref<640xf32, #tpu.memory_space<vmem>>, vector<16xf32>,
    }
    %scan3A_122 = arith.constant 40 : i32
    %mul3A_123 = arith.constant 640 : i32
    %mul3A_124 = arith.muli %arg1, %mul3A_123 : i32
    %add3A_125 = arith.constant 40960 : i32
    %add3A_126 = arith.addi %add3A_125, %mul3A_124 : i32
    "tpu.region"() ({
      %run_scoped3A = tpu.sem_alloc : memref<!tpu.dma_semaphore, #tpu.memory_space<semaphore_mem>>
      %dma_start3A = tpu.memref_slice %arg8[%add3A_126] : memref<163840xf32, #tpu.memory_space<vmem_shared>> -> memref<640xf32, #tpu.memory_space<vmem_shared>>
      %dma_start3A_236 = tpu.memref_slice %arg8[%add3A_126] : memref<163840xf32, #tpu.memory_space<vmem_shared>> -> memref<640xf32, #tpu.memory_space<vmem_shared>>
      tpu.enqueue_dma source(%dma_start3A_236 : memref<640xf32, #tpu.memory_space<vmem_shared>>) target(%arg6 : memref<640xf32, #tpu.memory_space<vmem>>) target_semaphore(%run_scoped3A : memref<!tpu.dma_semaphore, #tpu.memory_space<semaphore_mem>>)
      %dma_wait3A = tpu.memref_slice %arg8[%add3A_126] : memref<163840xf32, #tpu.memory_space<vmem_shared>> -> memref<640xf32, #tpu.memory_space<vmem_shared>>
      %dma_wait3A_237 = tpu.memref_slice %arg8[%add3A_126] : memref<163840xf32, #tpu.memory_space<vmem_shared>> -> memref<640xf32, #tpu.memory_space<vmem_shared>>
      tpu.wait_dma2 semaphore(%run_scoped3A : memref<!tpu.dma_semaphore, #tpu.memory_space<semaphore_mem>>) src(%dma_wait3A_237 : memref<640xf32, #tpu.memory_space<vmem_shared>>) dst(%arg6 : memref<640xf32, #tpu.memory_space<vmem>>)
      tpu.yield
    }) : () -> ()
    %scan3A_127 = arith.constant 0 : i32
    %scan3A_128 = arith.constant 40 : i32
    %scan3A_129 = arith.addi %scan3A_127, %scan3A_128 : i32
    %scan3A_130 = arith.constant 1 : i32
    scf.for %scan3A_236 = %scan3A_127 to %scan3A_129 step %scan3A_130  : i32 {
      %mul3A_237 = arith.constant 1 : i32
      %mul3A_238 = arith.muli %scan3A_236, %mul3A_237 : i32
      %add3A_239 = arith.constant 0 : i32
      %add3A_240 = arith.addi %add3A_239, %mul3A_238 : i32
      %mul3A_241 = arith.constant 16 : i32
      %mul3A_242 = arith.muli %add3A_240, %mul3A_241 : i32
      %get3A = arith.index_cast %mul3A_242 : i32 to index
      %get3A_243 = tpu.vector_load %arg7[%get3A] {strides = array<i32>} : memref<640xf32, #tpu.memory_space<vmem>>, vector<16xf32>,
      %get3A_244 = vector.shape_cast %get3A_243 : vector<16xf32> to vector<16xf32>
      %get3A_245 = arith.index_cast %mul3A_242 : i32 to index
      %get3A_246 = tpu.vector_load %arg6[%get3A_245] {strides = array<i32>} : memref<640xf32, #tpu.memory_space<vmem>>, vector<16xf32>,
      %get3A_247 = vector.shape_cast %get3A_246 : vector<16xf32> to vector<16xf32>
      %add3A_248 = arith.addf %get3A_244, %get3A_247 : vector<16xf32>
      %swap3A = arith.index_cast %mul3A_242 : i32 to index
      %swap3A_249 = tpu.vector_load %arg7[%swap3A] {strides = array<i32>} : memref<640xf32, #tpu.memory_space<vmem>>, vector<16xf32>,
      %swap3A_250 = vector.shape_cast %swap3A_249 : vector<16xf32> to vector<16xf32>
      %swap3A_251 = vector.shape_cast %add3A_248 : vector<16xf32> to vector<16xf32>
      tpu.vector_store %arg7[%swap3A], %swap3A_251 {strides = array<i32>} : memref<640xf32, #tpu.memory_space<vmem>>, vector<16xf32>,
    }
    %scan3A_131 = arith.constant 40 : i32
    %mul3A_132 = arith.constant 640 : i32
    %mul3A_133 = arith.muli %arg1, %mul3A_132 : i32
    %add3A_134 = arith.constant 51200 : i32
    %add3A_135 = arith.addi %add3A_134, %mul3A_133 : i32
    "tpu.region"() ({
      %run_scoped3A = tpu.sem_alloc : memref<!tpu.dma_semaphore, #tpu.memory_space<semaphore_mem>>
      %dma_start3A = tpu.memref_slice %arg8[%add3A_135] : memref<163840xf32, #tpu.memory_space<vmem_shared>> -> memref<640xf32, #tpu.memory_space<vmem_shared>>
      %dma_start3A_236 = tpu.memref_slice %arg8[%add3A_135] : memref<163840xf32, #tpu.memory_space<vmem_shared>> -> memref<640xf32, #tpu.memory_space<vmem_shared>>
      tpu.enqueue_dma source(%dma_start3A_236 : memref<640xf32, #tpu.memory_space<vmem_shared>>) target(%arg6 : memref<640xf32, #tpu.memory_space<vmem>>) target_semaphore(%run_scoped3A : memref<!tpu.dma_semaphore, #tpu.memory_space<semaphore_mem>>)
      %dma_wait3A = tpu.memref_slice %arg8[%add3A_135] : memref<163840xf32, #tpu.memory_space<vmem_shared>> -> memref<640xf32, #tpu.memory_space<vmem_shared>>
      %dma_wait3A_237 = tpu.memref_slice %arg8[%add3A_135] : memref<163840xf32, #tpu.memory_space<vmem_shared>> -> memref<640xf32, #tpu.memory_space<vmem_shared>>
      tpu.wait_dma2 semaphore(%run_scoped3A : memref<!tpu.dma_semaphore, #tpu.memory_space<semaphore_mem>>) src(%dma_wait3A_237 : memref<640xf32, #tpu.memory_space<vmem_shared>>) dst(%arg6 : memref<640xf32, #tpu.memory_space<vmem>>)
      tpu.yield
    }) : () -> ()
    %scan3A_136 = arith.constant 0 : i32
    %scan3A_137 = arith.constant 40 : i32
    %scan3A_138 = arith.addi %scan3A_136, %scan3A_137 : i32
    %scan3A_139 = arith.constant 1 : i32
    scf.for %scan3A_236 = %scan3A_136 to %scan3A_138 step %scan3A_139  : i32 {
      %mul3A_237 = arith.constant 1 : i32
      %mul3A_238 = arith.muli %scan3A_236, %mul3A_237 : i32
      %add3A_239 = arith.constant 0 : i32
      %add3A_240 = arith.addi %add3A_239, %mul3A_238 : i32
      %mul3A_241 = arith.constant 16 : i32
      %mul3A_242 = arith.muli %add3A_240, %mul3A_241 : i32
      %get3A = arith.index_cast %mul3A_242 : i32 to index
      %get3A_243 = tpu.vector_load %arg7[%get3A] {strides = array<i32>} : memref<640xf32, #tpu.memory_space<vmem>>, vector<16xf32>,
      %get3A_244 = vector.shape_cast %get3A_243 : vector<16xf32> to vector<16xf32>
      %get3A_245 = arith.index_cast %mul3A_242 : i32 to index
      %get3A_246 = tpu.vector_load %arg6[%get3A_245] {strides = array<i32>} : memref<640xf32, #tpu.memory_space<vmem>>, vector<16xf32>,
      %get3A_247 = vector.shape_cast %get3A_246 : vector<16xf32> to vector<16xf32>
      %add3A_248 = arith.addf %get3A_244, %get3A_247 : vector<16xf32>
      %swap3A = arith.index_cast %mul3A_242 : i32 to index
      %swap3A_249 = tpu.vector_load %arg7[%swap3A] {strides = array<i32>} : memref<640xf32, #tpu.memory_space<vmem>>, vector<16xf32>,
      %swap3A_250 = vector.shape_cast %swap3A_249 : vector<16xf32> to vector<16xf32>
      %swap3A_251 = vector.shape_cast %add3A_248 : vector<16xf32> to vector<16xf32>
      tpu.vector_store %arg7[%swap3A], %swap3A_251 {strides = array<i32>} : memref<640xf32, #tpu.memory_space<vmem>>, vector<16xf32>,
    }
    %scan3A_140 = arith.constant 40 : i32
    %mul3A_141 = arith.constant 640 : i32
    %mul3A_142 = arith.muli %arg1, %mul3A_141 : i32
    %add3A_143 = arith.constant 61440 : i32
    %add3A_144 = arith.addi %add3A_143, %mul3A_142 : i32
    "tpu.region"() ({
      %run_scoped3A = tpu.sem_alloc : memref<!tpu.dma_semaphore, #tpu.memory_space<semaphore_mem>>
      %dma_start3A = tpu.memref_slice %arg8[%add3A_144] : memref<163840xf32, #tpu.memory_space<vmem_shared>> -> memref<640xf32, #tpu.memory_space<vmem_shared>>
      %dma_start3A_236 = tpu.memref_slice %arg8[%add3A_144] : memref<163840xf32, #tpu.memory_space<vmem_shared>> -> memref<640xf32, #tpu.memory_space<vmem_shared>>
      tpu.enqueue_dma source(%dma_start3A_236 : memref<640xf32, #tpu.memory_space<vmem_shared>>) target(%arg6 : memref<640xf32, #tpu.memory_space<vmem>>) target_semaphore(%run_scoped3A : memref<!tpu.dma_semaphore, #tpu.memory_space<semaphore_mem>>)
      %dma_wait3A = tpu.memref_slice %arg8[%add3A_144] : memref<163840xf32, #tpu.memory_space<vmem_shared>> -> memref<640xf32, #tpu.memory_space<vmem_shared>>
      %dma_wait3A_237 = tpu.memref_slice %arg8[%add3A_144] : memref<163840xf32, #tpu.memory_space<vmem_shared>> -> memref<640xf32, #tpu.memory_space<vmem_shared>>
      tpu.wait_dma2 semaphore(%run_scoped3A : memref<!tpu.dma_semaphore, #tpu.memory_space<semaphore_mem>>) src(%dma_wait3A_237 : memref<640xf32, #tpu.memory_space<vmem_shared>>) dst(%arg6 : memref<640xf32, #tpu.memory_space<vmem>>)
      tpu.yield
    }) : () -> ()
    %scan3A_145 = arith.constant 0 : i32
    %scan3A_146 = arith.constant 40 : i32
    %scan3A_147 = arith.addi %scan3A_145, %scan3A_146 : i32
    %scan3A_148 = arith.constant 1 : i32
    scf.for %scan3A_236 = %scan3A_145 to %scan3A_147 step %scan3A_148  : i32 {
      %mul3A_237 = arith.constant 1 : i32
      %mul3A_238 = arith.muli %scan3A_236, %mul3A_237 : i32
      %add3A_239 = arith.constant 0 : i32
      %add3A_240 = arith.addi %add3A_239, %mul3A_238 : i32
      %mul3A_241 = arith.constant 16 : i32
      %mul3A_242 = arith.muli %add3A_240, %mul3A_241 : i32
      %get3A = arith.index_cast %mul3A_242 : i32 to index
      %get3A_243 = tpu.vector_load %arg7[%get3A] {strides = array<i32>} : memref<640xf32, #tpu.memory_space<vmem>>, vector<16xf32>,
      %get3A_244 = vector.shape_cast %get3A_243 : vector<16xf32> to vector<16xf32>
      %get3A_245 = arith.index_cast %mul3A_242 : i32 to index
      %get3A_246 = tpu.vector_load %arg6[%get3A_245] {strides = array<i32>} : memref<640xf32, #tpu.memory_space<vmem>>, vector<16xf32>,
      %get3A_247 = vector.shape_cast %get3A_246 : vector<16xf32> to vector<16xf32>
      %add3A_248 = arith.addf %get3A_244, %get3A_247 : vector<16xf32>
      %swap3A = arith.index_cast %mul3A_242 : i32 to index
      %swap3A_249 = tpu.vector_load %arg7[%swap3A] {strides = array<i32>} : memref<640xf32, #tpu.memory_space<vmem>>, vector<16xf32>,
      %swap3A_250 = vector.shape_cast %swap3A_249 : vector<16xf32> to vector<16xf32>
      %swap3A_251 = vector.shape_cast %add3A_248 : vector<16xf32> to vector<16xf32>
      tpu.vector_store %arg7[%swap3A], %swap3A_251 {strides = array<i32>} : memref<640xf32, #tpu.memory_space<vmem>>, vector<16xf32>,
    }
    %scan3A_149 = arith.constant 40 : i32
    %mul3A_150 = arith.constant 640 : i32
    %mul3A_151 = arith.muli %arg1, %mul3A_150 : i32
    %add3A_152 = arith.constant 71680 : i32
    %add3A_153 = arith.addi %add3A_152, %mul3A_151 : i32
    "tpu.region"() ({
      %run_scoped3A = tpu.sem_alloc : memref<!tpu.dma_semaphore, #tpu.memory_space<semaphore_mem>>
      %dma_start3A = tpu.memref_slice %arg8[%add3A_153] : memref<163840xf32, #tpu.memory_space<vmem_shared>> -> memref<640xf32, #tpu.memory_space<vmem_shared>>
      %dma_start3A_236 = tpu.memref_slice %arg8[%add3A_153] : memref<163840xf32, #tpu.memory_space<vmem_shared>> -> memref<640xf32, #tpu.memory_space<vmem_shared>>
      tpu.enqueue_dma source(%dma_start3A_236 : memref<640xf32, #tpu.memory_space<vmem_shared>>) target(%arg6 : memref<640xf32, #tpu.memory_space<vmem>>) target_semaphore(%run_scoped3A : memref<!tpu.dma_semaphore, #tpu.memory_space<semaphore_mem>>)
      %dma_wait3A = tpu.memref_slice %arg8[%add3A_153] : memref<163840xf32, #tpu.memory_space<vmem_shared>> -> memref<640xf32, #tpu.memory_space<vmem_shared>>
      %dma_wait3A_237 = tpu.memref_slice %arg8[%add3A_153] : memref<163840xf32, #tpu.memory_space<vmem_shared>> -> memref<640xf32, #tpu.memory_space<vmem_shared>>
      tpu.wait_dma2 semaphore(%run_scoped3A : memref<!tpu.dma_semaphore, #tpu.memory_space<semaphore_mem>>) src(%dma_wait3A_237 : memref<640xf32, #tpu.memory_space<vmem_shared>>) dst(%arg6 : memref<640xf32, #tpu.memory_space<vmem>>)
      tpu.yield
    }) : () -> ()
    %scan3A_154 = arith.constant 0 : i32
    %scan3A_155 = arith.constant 40 : i32
    %scan3A_156 = arith.addi %scan3A_154, %scan3A_155 : i32
    %scan3A_157 = arith.constant 1 : i32
    scf.for %scan3A_236 = %scan3A_154 to %scan3A_156 step %scan3A_157  : i32 {
      %mul3A_237 = arith.constant 1 : i32
      %mul3A_238 = arith.muli %scan3A_236, %mul3A_237 : i32
      %add3A_239 = arith.constant 0 : i32
      %add3A_240 = arith.addi %add3A_239, %mul3A_238 : i32
      %mul3A_241 = arith.constant 16 : i32
      %mul3A_242 = arith.muli %add3A_240, %mul3A_241 : i32
      %get3A = arith.index_cast %mul3A_242 : i32 to index
      %get3A_243 = tpu.vector_load %arg7[%get3A] {strides = array<i32>} : memref<640xf32, #tpu.memory_space<vmem>>, vector<16xf32>,
      %get3A_244 = vector.shape_cast %get3A_243 : vector<16xf32> to vector<16xf32>
      %get3A_245 = arith.index_cast %mul3A_242 : i32 to index
      %get3A_246 = tpu.vector_load %arg6[%get3A_245] {strides = array<i32>} : memref<640xf32, #tpu.memory_space<vmem>>, vector<16xf32>,
      %get3A_247 = vector.shape_cast %get3A_246 : vector<16xf32> to vector<16xf32>
      %add3A_248 = arith.addf %get3A_244, %get3A_247 : vector<16xf32>
      %swap3A = arith.index_cast %mul3A_242 : i32 to index
      %swap3A_249 = tpu.vector_load %arg7[%swap3A] {strides = array<i32>} : memref<640xf32, #tpu.memory_space<vmem>>, vector<16xf32>,
      %swap3A_250 = vector.shape_cast %swap3A_249 : vector<16xf32> to vector<16xf32>
      %swap3A_251 = vector.shape_cast %add3A_248 : vector<16xf32> to vector<16xf32>
      tpu.vector_store %arg7[%swap3A], %swap3A_251 {strides = array<i32>} : memref<640xf32, #tpu.memory_space<vmem>>, vector<16xf32>,
    }
    %scan3A_158 = arith.constant 40 : i32
    %mul3A_159 = arith.constant 640 : i32
    %mul3A_160 = arith.muli %arg1, %mul3A_159 : i32
    %add3A_161 = arith.constant 81920 : i32
    %add3A_162 = arith.addi %add3A_161, %mul3A_160 : i32
    "tpu.region"() ({
      %run_scoped3A = tpu.sem_alloc : memref<!tpu.dma_semaphore, #tpu.memory_space<semaphore_mem>>
      %dma_start3A = tpu.memref_slice %arg8[%add3A_162] : memref<163840xf32, #tpu.memory_space<vmem_shared>> -> memref<640xf32, #tpu.memory_space<vmem_shared>>
      %dma_start3A_236 = tpu.memref_slice %arg8[%add3A_162] : memref<163840xf32, #tpu.memory_space<vmem_shared>> -> memref<640xf32, #tpu.memory_space<vmem_shared>>
      tpu.enqueue_dma source(%dma_start3A_236 : memref<640xf32, #tpu.memory_space<vmem_shared>>) target(%arg6 : memref<640xf32, #tpu.memory_space<vmem>>) target_semaphore(%run_scoped3A : memref<!tpu.dma_semaphore, #tpu.memory_space<semaphore_mem>>)
      %dma_wait3A = tpu.memref_slice %arg8[%add3A_162] : memref<163840xf32, #tpu.memory_space<vmem_shared>> -> memref<640xf32, #tpu.memory_space<vmem_shared>>
      %dma_wait3A_237 = tpu.memref_slice %arg8[%add3A_162] : memref<163840xf32, #tpu.memory_space<vmem_shared>> -> memref<640xf32, #tpu.memory_space<vmem_shared>>
      tpu.wait_dma2 semaphore(%run_scoped3A : memref<!tpu.dma_semaphore, #tpu.memory_space<semaphore_mem>>) src(%dma_wait3A_237 : memref<640xf32, #tpu.memory_space<vmem_shared>>) dst(%arg6 : memref<640xf32, #tpu.memory_space<vmem>>)
      tpu.yield
    }) : () -> ()
    %scan3A_163 = arith.constant 0 : i32
    %scan3A_164 = arith.constant 40 : i32
    %scan3A_165 = arith.addi %scan3A_163, %scan3A_164 : i32
    %scan3A_166 = arith.constant 1 : i32
    scf.for %scan3A_236 = %scan3A_163 to %scan3A_165 step %scan3A_166  : i32 {
      %mul3A_237 = arith.constant 1 : i32
      %mul3A_238 = arith.muli %scan3A_236, %mul3A_237 : i32
      %add3A_239 = arith.constant 0 : i32
      %add3A_240 = arith.addi %add3A_239, %mul3A_238 : i32
      %mul3A_241 = arith.constant 16 : i32
      %mul3A_242 = arith.muli %add3A_240, %mul3A_241 : i32
      %get3A = arith.index_cast %mul3A_242 : i32 to index
      %get3A_243 = tpu.vector_load %arg7[%get3A] {strides = array<i32>} : memref<640xf32, #tpu.memory_space<vmem>>, vector<16xf32>,
      %get3A_244 = vector.shape_cast %get3A_243 : vector<16xf32> to vector<16xf32>
      %get3A_245 = arith.index_cast %mul3A_242 : i32 to index
      %get3A_246 = tpu.vector_load %arg6[%get3A_245] {strides = array<i32>} : memref<640xf32, #tpu.memory_space<vmem>>, vector<16xf32>,
      %get3A_247 = vector.shape_cast %get3A_246 : vector<16xf32> to vector<16xf32>
      %add3A_248 = arith.addf %get3A_244, %get3A_247 : vector<16xf32>
      %swap3A = arith.index_cast %mul3A_242 : i32 to index
      %swap3A_249 = tpu.vector_load %arg7[%swap3A] {strides = array<i32>} : memref<640xf32, #tpu.memory_space<vmem>>, vector<16xf32>,
      %swap3A_250 = vector.shape_cast %swap3A_249 : vector<16xf32> to vector<16xf32>
      %swap3A_251 = vector.shape_cast %add3A_248 : vector<16xf32> to vector<16xf32>
      tpu.vector_store %arg7[%swap3A], %swap3A_251 {strides = array<i32>} : memref<640xf32, #tpu.memory_space<vmem>>, vector<16xf32>,
    }
    %scan3A_167 = arith.constant 40 : i32
    %mul3A_168 = arith.constant 640 : i32
    %mul3A_169 = arith.muli %arg1, %mul3A_168 : i32
    %add3A_170 = arith.constant 92160 : i32
    %add3A_171 = arith.addi %add3A_170, %mul3A_169 : i32
    "tpu.region"() ({
      %run_scoped3A = tpu.sem_alloc : memref<!tpu.dma_semaphore, #tpu.memory_space<semaphore_mem>>
      %dma_start3A = tpu.memref_slice %arg8[%add3A_171] : memref<163840xf32, #tpu.memory_space<vmem_shared>> -> memref<640xf32, #tpu.memory_space<vmem_shared>>
      %dma_start3A_236 = tpu.memref_slice %arg8[%add3A_171] : memref<163840xf32, #tpu.memory_space<vmem_shared>> -> memref<640xf32, #tpu.memory_space<vmem_shared>>
      tpu.enqueue_dma source(%dma_start3A_236 : memref<640xf32, #tpu.memory_space<vmem_shared>>) target(%arg6 : memref<640xf32, #tpu.memory_space<vmem>>) target_semaphore(%run_scoped3A : memref<!tpu.dma_semaphore, #tpu.memory_space<semaphore_mem>>)
      %dma_wait3A = tpu.memref_slice %arg8[%add3A_171] : memref<163840xf32, #tpu.memory_space<vmem_shared>> -> memref<640xf32, #tpu.memory_space<vmem_shared>>
      %dma_wait3A_237 = tpu.memref_slice %arg8[%add3A_171] : memref<163840xf32, #tpu.memory_space<vmem_shared>> -> memref<640xf32, #tpu.memory_space<vmem_shared>>
      tpu.wait_dma2 semaphore(%run_scoped3A : memref<!tpu.dma_semaphore, #tpu.memory_space<semaphore_mem>>) src(%dma_wait3A_237 : memref<640xf32, #tpu.memory_space<vmem_shared>>) dst(%arg6 : memref<640xf32, #tpu.memory_space<vmem>>)
      tpu.yield
    }) : () -> ()
    %scan3A_172 = arith.constant 0 : i32
    %scan3A_173 = arith.constant 40 : i32
    %scan3A_174 = arith.addi %scan3A_172, %scan3A_173 : i32
    %scan3A_175 = arith.constant 1 : i32
    scf.for %scan3A_236 = %scan3A_172 to %scan3A_174 step %scan3A_175  : i32 {
      %mul3A_237 = arith.constant 1 : i32
      %mul3A_238 = arith.muli %scan3A_236, %mul3A_237 : i32
      %add3A_239 = arith.constant 0 : i32
      %add3A_240 = arith.addi %add3A_239, %mul3A_238 : i32
      %mul3A_241 = arith.constant 16 : i32
      %mul3A_242 = arith.muli %add3A_240, %mul3A_241 : i32
      %get3A = arith.index_cast %mul3A_242 : i32 to index
      %get3A_243 = tpu.vector_load %arg7[%get3A] {strides = array<i32>} : memref<640xf32, #tpu.memory_space<vmem>>, vector<16xf32>,
      %get3A_244 = vector.shape_cast %get3A_243 : vector<16xf32> to vector<16xf32>
      %get3A_245 = arith.index_cast %mul3A_242 : i32 to index
      %get3A_246 = tpu.vector_load %arg6[%get3A_245] {strides = array<i32>} : memref<640xf32, #tpu.memory_space<vmem>>, vector<16xf32>,
      %get3A_247 = vector.shape_cast %get3A_246 : vector<16xf32> to vector<16xf32>
      %add3A_248 = arith.addf %get3A_244, %get3A_247 : vector<16xf32>
      %swap3A = arith.index_cast %mul3A_242 : i32 to index
      %swap3A_249 = tpu.vector_load %arg7[%swap3A] {strides = array<i32>} : memref<640xf32, #tpu.memory_space<vmem>>, vector<16xf32>,
      %swap3A_250 = vector.shape_cast %swap3A_249 : vector<16xf32> to vector<16xf32>
      %swap3A_251 = vector.shape_cast %add3A_248 : vector<16xf32> to vector<16xf32>
      tpu.vector_store %arg7[%swap3A], %swap3A_251 {strides = array<i32>} : memref<640xf32, #tpu.memory_space<vmem>>, vector<16xf32>,
    }
    %scan3A_176 = arith.constant 40 : i32
    %mul3A_177 = arith.constant 640 : i32
    %mul3A_178 = arith.muli %arg1, %mul3A_177 : i32
    %add3A_179 = arith.constant 102400 : i32
    %add3A_180 = arith.addi %add3A_179, %mul3A_178 : i32
    "tpu.region"() ({
      %run_scoped3A = tpu.sem_alloc : memref<!tpu.dma_semaphore, #tpu.memory_space<semaphore_mem>>
      %dma_start3A = tpu.memref_slice %arg8[%add3A_180] : memref<163840xf32, #tpu.memory_space<vmem_shared>> -> memref<640xf32, #tpu.memory_space<vmem_shared>>
      %dma_start3A_236 = tpu.memref_slice %arg8[%add3A_180] : memref<163840xf32, #tpu.memory_space<vmem_shared>> -> memref<640xf32, #tpu.memory_space<vmem_shared>>
      tpu.enqueue_dma source(%dma_start3A_236 : memref<640xf32, #tpu.memory_space<vmem_shared>>) target(%arg6 : memref<640xf32, #tpu.memory_space<vmem>>) target_semaphore(%run_scoped3A : memref<!tpu.dma_semaphore, #tpu.memory_space<semaphore_mem>>)
      %dma_wait3A = tpu.memref_slice %arg8[%add3A_180] : memref<163840xf32, #tpu.memory_space<vmem_shared>> -> memref<640xf32, #tpu.memory_space<vmem_shared>>
      %dma_wait3A_237 = tpu.memref_slice %arg8[%add3A_180] : memref<163840xf32, #tpu.memory_space<vmem_shared>> -> memref<640xf32, #tpu.memory_space<vmem_shared>>
      tpu.wait_dma2 semaphore(%run_scoped3A : memref<!tpu.dma_semaphore, #tpu.memory_space<semaphore_mem>>) src(%dma_wait3A_237 : memref<640xf32, #tpu.memory_space<vmem_shared>>) dst(%arg6 : memref<640xf32, #tpu.memory_space<vmem>>)
      tpu.yield
    }) : () -> ()
    %scan3A_181 = arith.constant 0 : i32
    %scan3A_182 = arith.constant 40 : i32
    %scan3A_183 = arith.addi %scan3A_181, %scan3A_182 : i32
    %scan3A_184 = arith.constant 1 : i32
    scf.for %scan3A_236 = %scan3A_181 to %scan3A_183 step %scan3A_184  : i32 {
      %mul3A_237 = arith.constant 1 : i32
      %mul3A_238 = arith.muli %scan3A_236, %mul3A_237 : i32
      %add3A_239 = arith.constant 0 : i32
      %add3A_240 = arith.addi %add3A_239, %mul3A_238 : i32
      %mul3A_241 = arith.constant 16 : i32
      %mul3A_242 = arith.muli %add3A_240, %mul3A_241 : i32
      %get3A = arith.index_cast %mul3A_242 : i32 to index
      %get3A_243 = tpu.vector_load %arg7[%get3A] {strides = array<i32>} : memref<640xf32, #tpu.memory_space<vmem>>, vector<16xf32>,
      %get3A_244 = vector.shape_cast %get3A_243 : vector<16xf32> to vector<16xf32>
      %get3A_245 = arith.index_cast %mul3A_242 : i32 to index
      %get3A_246 = tpu.vector_load %arg6[%get3A_245] {strides = array<i32>} : memref<640xf32, #tpu.memory_space<vmem>>, vector<16xf32>,
      %get3A_247 = vector.shape_cast %get3A_246 : vector<16xf32> to vector<16xf32>
      %add3A_248 = arith.addf %get3A_244, %get3A_247 : vector<16xf32>
      %swap3A = arith.index_cast %mul3A_242 : i32 to index
      %swap3A_249 = tpu.vector_load %arg7[%swap3A] {strides = array<i32>} : memref<640xf32, #tpu.memory_space<vmem>>, vector<16xf32>,
      %swap3A_250 = vector.shape_cast %swap3A_249 : vector<16xf32> to vector<16xf32>
      %swap3A_251 = vector.shape_cast %add3A_248 : vector<16xf32> to vector<16xf32>
      tpu.vector_store %arg7[%swap3A], %swap3A_251 {strides = array<i32>} : memref<640xf32, #tpu.memory_space<vmem>>, vector<16xf32>,
    }
    %scan3A_185 = arith.constant 40 : i32
    %mul3A_186 = arith.constant 640 : i32
    %mul3A_187 = arith.muli %arg1, %mul3A_186 : i32
    %add3A_188 = arith.constant 112640 : i32
    %add3A_189 = arith.addi %add3A_188, %mul3A_187 : i32
    "tpu.region"() ({
      %run_scoped3A = tpu.sem_alloc : memref<!tpu.dma_semaphore, #tpu.memory_space<semaphore_mem>>
      %dma_start3A = tpu.memref_slice %arg8[%add3A_189] : memref<163840xf32, #tpu.memory_space<vmem_shared>> -> memref<640xf32, #tpu.memory_space<vmem_shared>>
      %dma_start3A_236 = tpu.memref_slice %arg8[%add3A_189] : memref<163840xf32, #tpu.memory_space<vmem_shared>> -> memref<640xf32, #tpu.memory_space<vmem_shared>>
      tpu.enqueue_dma source(%dma_start3A_236 : memref<640xf32, #tpu.memory_space<vmem_shared>>) target(%arg6 : memref<640xf32, #tpu.memory_space<vmem>>) target_semaphore(%run_scoped3A : memref<!tpu.dma_semaphore, #tpu.memory_space<semaphore_mem>>)
      %dma_wait3A = tpu.memref_slice %arg8[%add3A_189] : memref<163840xf32, #tpu.memory_space<vmem_shared>> -> memref<640xf32, #tpu.memory_space<vmem_shared>>
      %dma_wait3A_237 = tpu.memref_slice %arg8[%add3A_189] : memref<163840xf32, #tpu.memory_space<vmem_shared>> -> memref<640xf32, #tpu.memory_space<vmem_shared>>
      tpu.wait_dma2 semaphore(%run_scoped3A : memref<!tpu.dma_semaphore, #tpu.memory_space<semaphore_mem>>) src(%dma_wait3A_237 : memref<640xf32, #tpu.memory_space<vmem_shared>>) dst(%arg6 : memref<640xf32, #tpu.memory_space<vmem>>)
      tpu.yield
    }) : () -> ()
    %scan3A_190 = arith.constant 0 : i32
    %scan3A_191 = arith.constant 40 : i32
    %scan3A_192 = arith.addi %scan3A_190, %scan3A_191 : i32
    %scan3A_193 = arith.constant 1 : i32
    scf.for %scan3A_236 = %scan3A_190 to %scan3A_192 step %scan3A_193  : i32 {
      %mul3A_237 = arith.constant 1 : i32
      %mul3A_238 = arith.muli %scan3A_236, %mul3A_237 : i32
      %add3A_239 = arith.constant 0 : i32
      %add3A_240 = arith.addi %add3A_239, %mul3A_238 : i32
      %mul3A_241 = arith.constant 16 : i32
      %mul3A_242 = arith.muli %add3A_240, %mul3A_241 : i32
      %get3A = arith.index_cast %mul3A_242 : i32 to index
      %get3A_243 = tpu.vector_load %arg7[%get3A] {strides = array<i32>} : memref<640xf32, #tpu.memory_space<vmem>>, vector<16xf32>,
      %get3A_244 = vector.shape_cast %get3A_243 : vector<16xf32> to vector<16xf32>
      %get3A_245 = arith.index_cast %mul3A_242 : i32 to index
      %get3A_246 = tpu.vector_load %arg6[%get3A_245] {strides = array<i32>} : memref<640xf32, #tpu.memory_space<vmem>>, vector<16xf32>,
      %get3A_247 = vector.shape_cast %get3A_246 : vector<16xf32> to vector<16xf32>
      %add3A_248 = arith.addf %get3A_244, %get3A_247 : vector<16xf32>
      %swap3A = arith.index_cast %mul3A_242 : i32 to index
      %swap3A_249 = tpu.vector_load %arg7[%swap3A] {strides = array<i32>} : memref<640xf32, #tpu.memory_space<vmem>>, vector<16xf32>,
      %swap3A_250 = vector.shape_cast %swap3A_249 : vector<16xf32> to vector<16xf32>
      %swap3A_251 = vector.shape_cast %add3A_248 : vector<16xf32> to vector<16xf32>
      tpu.vector_store %arg7[%swap3A], %swap3A_251 {strides = array<i32>} : memref<640xf32, #tpu.memory_space<vmem>>, vector<16xf32>,
    }
    %scan3A_194 = arith.constant 40 : i32
    %mul3A_195 = arith.constant 640 : i32
    %mul3A_196 = arith.muli %arg1, %mul3A_195 : i32
    %add3A_197 = arith.constant 122880 : i32
    %add3A_198 = arith.addi %add3A_197, %mul3A_196 : i32
    "tpu.region"() ({
      %run_scoped3A = tpu.sem_alloc : memref<!tpu.dma_semaphore, #tpu.memory_space<semaphore_mem>>
      %dma_start3A = tpu.memref_slice %arg8[%add3A_198] : memref<163840xf32, #tpu.memory_space<vmem_shared>> -> memref<640xf32, #tpu.memory_space<vmem_shared>>
      %dma_start3A_236 = tpu.memref_slice %arg8[%add3A_198] : memref<163840xf32, #tpu.memory_space<vmem_shared>> -> memref<640xf32, #tpu.memory_space<vmem_shared>>
      tpu.enqueue_dma source(%dma_start3A_236 : memref<640xf32, #tpu.memory_space<vmem_shared>>) target(%arg6 : memref<640xf32, #tpu.memory_space<vmem>>) target_semaphore(%run_scoped3A : memref<!tpu.dma_semaphore, #tpu.memory_space<semaphore_mem>>)
      %dma_wait3A = tpu.memref_slice %arg8[%add3A_198] : memref<163840xf32, #tpu.memory_space<vmem_shared>> -> memref<640xf32, #tpu.memory_space<vmem_shared>>
      %dma_wait3A_237 = tpu.memref_slice %arg8[%add3A_198] : memref<163840xf32, #tpu.memory_space<vmem_shared>> -> memref<640xf32, #tpu.memory_space<vmem_shared>>
      tpu.wait_dma2 semaphore(%run_scoped3A : memref<!tpu.dma_semaphore, #tpu.memory_space<semaphore_mem>>) src(%dma_wait3A_237 : memref<640xf32, #tpu.memory_space<vmem_shared>>) dst(%arg6 : memref<640xf32, #tpu.memory_space<vmem>>)
      tpu.yield
    }) : () -> ()
    %scan3A_199 = arith.constant 0 : i32
    %scan3A_200 = arith.constant 40 : i32
    %scan3A_201 = arith.addi %scan3A_199, %scan3A_200 : i32
    %scan3A_202 = arith.constant 1 : i32
    scf.for %scan3A_236 = %scan3A_199 to %scan3A_201 step %scan3A_202  : i32 {
      %mul3A_237 = arith.constant 1 : i32
      %mul3A_238 = arith.muli %scan3A_236, %mul3A_237 : i32
      %add3A_239 = arith.constant 0 : i32
      %add3A_240 = arith.addi %add3A_239, %mul3A_238 : i32
      %mul3A_241 = arith.constant 16 : i32
      %mul3A_242 = arith.muli %add3A_240, %mul3A_241 : i32
      %get3A = arith.index_cast %mul3A_242 : i32 to index
      %get3A_243 = tpu.vector_load %arg7[%get3A] {strides = array<i32>} : memref<640xf32, #tpu.memory_space<vmem>>, vector<16xf32>,
      %get3A_244 = vector.shape_cast %get3A_243 : vector<16xf32> to vector<16xf32>
      %get3A_245 = arith.index_cast %mul3A_242 : i32 to index
      %get3A_246 = tpu.vector_load %arg6[%get3A_245] {strides = array<i32>} : memref<640xf32, #tpu.memory_space<vmem>>, vector<16xf32>,
      %get3A_247 = vector.shape_cast %get3A_246 : vector<16xf32> to vector<16xf32>
      %add3A_248 = arith.addf %get3A_244, %get3A_247 : vector<16xf32>
      %swap3A = arith.index_cast %mul3A_242 : i32 to index
      %swap3A_249 = tpu.vector_load %arg7[%swap3A] {strides = array<i32>} : memref<640xf32, #tpu.memory_space<vmem>>, vector<16xf32>,
      %swap3A_250 = vector.shape_cast %swap3A_249 : vector<16xf32> to vector<16xf32>
      %swap3A_251 = vector.shape_cast %add3A_248 : vector<16xf32> to vector<16xf32>
      tpu.vector_store %arg7[%swap3A], %swap3A_251 {strides = array<i32>} : memref<640xf32, #tpu.memory_space<vmem>>, vector<16xf32>,
    }
    %scan3A_203 = arith.constant 40 : i32
    %mul3A_204 = arith.constant 640 : i32
    %mul3A_205 = arith.muli %arg1, %mul3A_204 : i32
    %add3A_206 = arith.constant 133120 : i32
    %add3A_207 = arith.addi %add3A_206, %mul3A_205 : i32
    "tpu.region"() ({
      %run_scoped3A = tpu.sem_alloc : memref<!tpu.dma_semaphore, #tpu.memory_space<semaphore_mem>>
      %dma_start3A = tpu.memref_slice %arg8[%add3A_207] : memref<163840xf32, #tpu.memory_space<vmem_shared>> -> memref<640xf32, #tpu.memory_space<vmem_shared>>
      %dma_start3A_236 = tpu.memref_slice %arg8[%add3A_207] : memref<163840xf32, #tpu.memory_space<vmem_shared>> -> memref<640xf32, #tpu.memory_space<vmem_shared>>
      tpu.enqueue_dma source(%dma_start3A_236 : memref<640xf32, #tpu.memory_space<vmem_shared>>) target(%arg6 : memref<640xf32, #tpu.memory_space<vmem>>) target_semaphore(%run_scoped3A : memref<!tpu.dma_semaphore, #tpu.memory_space<semaphore_mem>>)
      %dma_wait3A = tpu.memref_slice %arg8[%add3A_207] : memref<163840xf32, #tpu.memory_space<vmem_shared>> -> memref<640xf32, #tpu.memory_space<vmem_shared>>
      %dma_wait3A_237 = tpu.memref_slice %arg8[%add3A_207] : memref<163840xf32, #tpu.memory_space<vmem_shared>> -> memref<640xf32, #tpu.memory_space<vmem_shared>>
      tpu.wait_dma2 semaphore(%run_scoped3A : memref<!tpu.dma_semaphore, #tpu.memory_space<semaphore_mem>>) src(%dma_wait3A_237 : memref<640xf32, #tpu.memory_space<vmem_shared>>) dst(%arg6 : memref<640xf32, #tpu.memory_space<vmem>>)
      tpu.yield
    }) : () -> ()
    %scan3A_208 = arith.constant 0 : i32
    %scan3A_209 = arith.constant 40 : i32
    %scan3A_210 = arith.addi %scan3A_208, %scan3A_209 : i32
    %scan3A_211 = arith.constant 1 : i32
    scf.for %scan3A_236 = %scan3A_208 to %scan3A_210 step %scan3A_211  : i32 {
      %mul3A_237 = arith.constant 1 : i32
      %mul3A_238 = arith.muli %scan3A_236, %mul3A_237 : i32
      %add3A_239 = arith.constant 0 : i32
      %add3A_240 = arith.addi %add3A_239, %mul3A_238 : i32
      %mul3A_241 = arith.constant 16 : i32
      %mul3A_242 = arith.muli %add3A_240, %mul3A_241 : i32
      %get3A = arith.index_cast %mul3A_242 : i32 to index
      %get3A_243 = tpu.vector_load %arg7[%get3A] {strides = array<i32>} : memref<640xf32, #tpu.memory_space<vmem>>, vector<16xf32>,
      %get3A_244 = vector.shape_cast %get3A_243 : vector<16xf32> to vector<16xf32>
      %get3A_245 = arith.index_cast %mul3A_242 : i32 to index
      %get3A_246 = tpu.vector_load %arg6[%get3A_245] {strides = array<i32>} : memref<640xf32, #tpu.memory_space<vmem>>, vector<16xf32>,
      %get3A_247 = vector.shape_cast %get3A_246 : vector<16xf32> to vector<16xf32>
      %add3A_248 = arith.addf %get3A_244, %get3A_247 : vector<16xf32>
      %swap3A = arith.index_cast %mul3A_242 : i32 to index
      %swap3A_249 = tpu.vector_load %arg7[%swap3A] {strides = array<i32>} : memref<640xf32, #tpu.memory_space<vmem>>, vector<16xf32>,
      %swap3A_250 = vector.shape_cast %swap3A_249 : vector<16xf32> to vector<16xf32>
      %swap3A_251 = vector.shape_cast %add3A_248 : vector<16xf32> to vector<16xf32>
      tpu.vector_store %arg7[%swap3A], %swap3A_251 {strides = array<i32>} : memref<640xf32, #tpu.memory_space<vmem>>, vector<16xf32>,
    }
    %scan3A_212 = arith.constant 40 : i32
    %mul3A_213 = arith.constant 640 : i32
    %mul3A_214 = arith.muli %arg1, %mul3A_213 : i32
    %add3A_215 = arith.constant 143360 : i32
    %add3A_216 = arith.addi %add3A_215, %mul3A_214 : i32
    "tpu.region"() ({
      %run_scoped3A = tpu.sem_alloc : memref<!tpu.dma_semaphore, #tpu.memory_space<semaphore_mem>>
      %dma_start3A = tpu.memref_slice %arg8[%add3A_216] : memref<163840xf32, #tpu.memory_space<vmem_shared>> -> memref<640xf32, #tpu.memory_space<vmem_shared>>
      %dma_start3A_236 = tpu.memref_slice %arg8[%add3A_216] : memref<163840xf32, #tpu.memory_space<vmem_shared>> -> memref<640xf32, #tpu.memory_space<vmem_shared>>
      tpu.enqueue_dma source(%dma_start3A_236 : memref<640xf32, #tpu.memory_space<vmem_shared>>) target(%arg6 : memref<640xf32, #tpu.memory_space<vmem>>) target_semaphore(%run_scoped3A : memref<!tpu.dma_semaphore, #tpu.memory_space<semaphore_mem>>)
      %dma_wait3A = tpu.memref_slice %arg8[%add3A_216] : memref<163840xf32, #tpu.memory_space<vmem_shared>> -> memref<640xf32, #tpu.memory_space<vmem_shared>>
      %dma_wait3A_237 = tpu.memref_slice %arg8[%add3A_216] : memref<163840xf32, #tpu.memory_space<vmem_shared>> -> memref<640xf32, #tpu.memory_space<vmem_shared>>
      tpu.wait_dma2 semaphore(%run_scoped3A : memref<!tpu.dma_semaphore, #tpu.memory_space<semaphore_mem>>) src(%dma_wait3A_237 : memref<640xf32, #tpu.memory_space<vmem_shared>>) dst(%arg6 : memref<640xf32, #tpu.memory_space<vmem>>)
      tpu.yield
    }) : () -> ()
    %scan3A_217 = arith.constant 0 : i32
    %scan3A_218 = arith.constant 40 : i32
    %scan3A_219 = arith.addi %scan3A_217, %scan3A_218 : i32
    %scan3A_220 = arith.constant 1 : i32
    scf.for %scan3A_236 = %scan3A_217 to %scan3A_219 step %scan3A_220  : i32 {
      %mul3A_237 = arith.constant 1 : i32
      %mul3A_238 = arith.muli %scan3A_236, %mul3A_237 : i32
      %add3A_239 = arith.constant 0 : i32
      %add3A_240 = arith.addi %add3A_239, %mul3A_238 : i32
      %mul3A_241 = arith.constant 16 : i32
      %mul3A_242 = arith.muli %add3A_240, %mul3A_241 : i32
      %get3A = arith.index_cast %mul3A_242 : i32 to index
      %get3A_243 = tpu.vector_load %arg7[%get3A] {strides = array<i32>} : memref<640xf32, #tpu.memory_space<vmem>>, vector<16xf32>,
      %get3A_244 = vector.shape_cast %get3A_243 : vector<16xf32> to vector<16xf32>
      %get3A_245 = arith.index_cast %mul3A_242 : i32 to index
      %get3A_246 = tpu.vector_load %arg6[%get3A_245] {strides = array<i32>} : memref<640xf32, #tpu.memory_space<vmem>>, vector<16xf32>,
      %get3A_247 = vector.shape_cast %get3A_246 : vector<16xf32> to vector<16xf32>
      %add3A_248 = arith.addf %get3A_244, %get3A_247 : vector<16xf32>
      %swap3A = arith.index_cast %mul3A_242 : i32 to index
      %swap3A_249 = tpu.vector_load %arg7[%swap3A] {strides = array<i32>} : memref<640xf32, #tpu.memory_space<vmem>>, vector<16xf32>,
      %swap3A_250 = vector.shape_cast %swap3A_249 : vector<16xf32> to vector<16xf32>
      %swap3A_251 = vector.shape_cast %add3A_248 : vector<16xf32> to vector<16xf32>
      tpu.vector_store %arg7[%swap3A], %swap3A_251 {strides = array<i32>} : memref<640xf32, #tpu.memory_space<vmem>>, vector<16xf32>,
    }
    %scan3A_221 = arith.constant 40 : i32
    %mul3A_222 = arith.constant 640 : i32
    %mul3A_223 = arith.muli %arg1, %mul3A_222 : i32
    %add3A_224 = arith.constant 153600 : i32
    %add3A_225 = arith.addi %add3A_224, %mul3A_223 : i32
    "tpu.region"() ({
      %run_scoped3A = tpu.sem_alloc : memref<!tpu.dma_semaphore, #tpu.memory_space<semaphore_mem>>
      %dma_start3A = tpu.memref_slice %arg8[%add3A_225] : memref<163840xf32, #tpu.memory_space<vmem_shared>> -> memref<640xf32, #tpu.memory_space<vmem_shared>>
      %dma_start3A_236 = tpu.memref_slice %arg8[%add3A_225] : memref<163840xf32, #tpu.memory_space<vmem_shared>> -> memref<640xf32, #tpu.memory_space<vmem_shared>>
      tpu.enqueue_dma source(%dma_start3A_236 : memref<640xf32, #tpu.memory_space<vmem_shared>>) target(%arg6 : memref<640xf32, #tpu.memory_space<vmem>>) target_semaphore(%run_scoped3A : memref<!tpu.dma_semaphore, #tpu.memory_space<semaphore_mem>>)
      %dma_wait3A = tpu.memref_slice %arg8[%add3A_225] : memref<163840xf32, #tpu.memory_space<vmem_shared>> -> memref<640xf32, #tpu.memory_space<vmem_shared>>
      %dma_wait3A_237 = tpu.memref_slice %arg8[%add3A_225] : memref<163840xf32, #tpu.memory_space<vmem_shared>> -> memref<640xf32, #tpu.memory_space<vmem_shared>>
      tpu.wait_dma2 semaphore(%run_scoped3A : memref<!tpu.dma_semaphore, #tpu.memory_space<semaphore_mem>>) src(%dma_wait3A_237 : memref<640xf32, #tpu.memory_space<vmem_shared>>) dst(%arg6 : memref<640xf32, #tpu.memory_space<vmem>>)
      tpu.yield
    }) : () -> ()
    %scan3A_226 = arith.constant 0 : i32
    %scan3A_227 = arith.constant 40 : i32
    %scan3A_228 = arith.addi %scan3A_226, %scan3A_227 : i32
    %scan3A_229 = arith.constant 1 : i32
    scf.for %scan3A_236 = %scan3A_226 to %scan3A_228 step %scan3A_229  : i32 {
      %mul3A_237 = arith.constant 1 : i32
      %mul3A_238 = arith.muli %scan3A_236, %mul3A_237 : i32
      %add3A_239 = arith.constant 0 : i32
      %add3A_240 = arith.addi %add3A_239, %mul3A_238 : i32
      %mul3A_241 = arith.constant 16 : i32
      %mul3A_242 = arith.muli %add3A_240, %mul3A_241 : i32
      %get3A = arith.index_cast %mul3A_242 : i32 to index
      %get3A_243 = tpu.vector_load %arg7[%get3A] {strides = array<i32>} : memref<640xf32, #tpu.memory_space<vmem>>, vector<16xf32>,
      %get3A_244 = vector.shape_cast %get3A_243 : vector<16xf32> to vector<16xf32>
      %get3A_245 = arith.index_cast %mul3A_242 : i32 to index
      %get3A_246 = tpu.vector_load %arg6[%get3A_245] {strides = array<i32>} : memref<640xf32, #tpu.memory_space<vmem>>, vector<16xf32>,
      %get3A_247 = vector.shape_cast %get3A_246 : vector<16xf32> to vector<16xf32>
      %add3A_248 = arith.addf %get3A_244, %get3A_247 : vector<16xf32>
      %swap3A = arith.index_cast %mul3A_242 : i32 to index
      %swap3A_249 = tpu.vector_load %arg7[%swap3A] {strides = array<i32>} : memref<640xf32, #tpu.memory_space<vmem>>, vector<16xf32>,
      %swap3A_250 = vector.shape_cast %swap3A_249 : vector<16xf32> to vector<16xf32>
      %swap3A_251 = vector.shape_cast %add3A_248 : vector<16xf32> to vector<16xf32>
      tpu.vector_store %arg7[%swap3A], %swap3A_251 {strides = array<i32>} : memref<640xf32, #tpu.memory_space<vmem>>, vector<16xf32>,
    }
    %scan3A_230 = arith.constant 40 : i32
    %mul3A_231 = arith.constant 10240 : i32
    %mul3A_232 = arith.muli %arg0, %mul3A_231 : i32
    %mul3A_233 = arith.constant 640 : i32
    %mul3A_234 = arith.muli %arg1, %mul3A_233 : i32
    %add3A_235 = arith.addi %mul3A_232, %mul3A_234 : i32
    "tpu.region"() ({
      %run_scoped3A = tpu.sem_alloc : memref<!tpu.dma_semaphore, #tpu.memory_space<semaphore_mem>>
      %dma_start3A = tpu.memref_slice %arg3[%add3A_235] : memref<20480xf32, #tpu.memory_space<hbm>> -> memref<640xf32, #tpu.memory_space<hbm>>
      %dma_start3A_236 = tpu.memref_slice %arg3[%add3A_235] : memref<20480xf32, #tpu.memory_space<hbm>> -> memref<640xf32, #tpu.memory_space<hbm>>
      tpu.enqueue_dma source(%arg7 : memref<640xf32, #tpu.memory_space<vmem>>) target(%dma_start3A_236 : memref<640xf32, #tpu.memory_space<hbm>>) target_semaphore(%run_scoped3A : memref<!tpu.dma_semaphore, #tpu.memory_space<semaphore_mem>>)
      %dma_wait3A = tpu.memref_slice %arg3[%add3A_235] : memref<20480xf32, #tpu.memory_space<hbm>> -> memref<640xf32, #tpu.memory_space<hbm>>
      %dma_wait3A_237 = tpu.memref_slice %arg3[%add3A_235] : memref<20480xf32, #tpu.memory_space<hbm>> -> memref<640xf32, #tpu.memory_space<hbm>>
      tpu.wait_dma2 semaphore(%run_scoped3A : memref<!tpu.dma_semaphore, #tpu.memory_space<semaphore_mem>>) src(%arg7 : memref<640xf32, #tpu.memory_space<vmem>>) dst(%dma_wait3A_237 : memref<640xf32, #tpu.memory_space<hbm>>)
      tpu.yield
    }) : () -> ()
    return
  }
}

module attributes {stable_mosaic.version = 14 : i64} {
  func.func @_hws_body(%arg0: i32, %arg1: memref<1024x128xf32, #tpu.memory_space<vmem>>, %arg2: memref<128x128xf32, #tpu.memory_space<vmem>>, %arg3: memref<1x2x1024xf32, #tpu.memory_space<vmem>>, %arg4: memref<1024x128xf32, #tpu.memory_space<vmem>>, %arg5: memref<2x1024x64xf32, #tpu.memory_space<vmem>>) attributes {dimension_semantics = [#tpu.dimension_semantics<arbitrary>], iteration_bounds = array<i64: 10>, scalar_prefetch = 0 : i64, scratch_operands = 0 : i64, tpu.core_type = #tpu.core_type<tc>, window_params = [{transform_indices = @transform_0, window_bounds = array<i64: 1024, 128>}, {pipeline_mode = #tpu.pipeline_mode<synchronous>, transform_indices = @transform_1, window_bounds = array<i64: 128, 128>}, {transform_indices = @transform_2, window_bounds = array<i64: 1, 2, 1024>}, {transform_indices = @transform_3, window_bounds = array<i64: 1024, 128>}, {transform_indices = @transform_4, window_bounds = array<i64: 2, 1024, 64>}]} {
    %get3A = arith.constant 0 : index
    %get3A_0 = arith.constant 0 : index
    %get3A_1 = arith.constant 0 : index
    %get3A_2 = vector.load %arg3[%get3A, %get3A_0, %get3A_1] : memref<1x2x1024xf32, #tpu.memory_space<vmem>>, vector<1x2x1024xf32>
    %slice3A = vector.extract_strided_slice %get3A_2 {offsets = [0, 0, 0], sizes = [1, 1, 1024], strides = [1, 1, 1]} : vector<1x2x1024xf32> to vector<1x1x1024xf32>
    %squeeze3A = vector.shape_cast %slice3A : vector<1x1x1024xf32> to vector<1024xf32>
    %slice3A_3 = vector.extract_strided_slice %get3A_2 {offsets = [0, 1, 0], sizes = [1, 1, 1024], strides = [1, 1, 1]} : vector<1x2x1024xf32> to vector<1x1x1024xf32>
    %squeeze3A_4 = vector.shape_cast %slice3A_3 : vector<1x1x1024xf32> to vector<1024xf32>
    %add3A = arith.addf %squeeze3A, %squeeze3A_4 : vector<1024xf32>
    %add3A_5 = arith.constant 1.000000e+00 : f32
    %add3A_6 = vector.broadcast %add3A_5 : f32 to vector<1024xf32>
    %add3A_7 = arith.addf %add3A, %add3A_6 : vector<1024xf32>
    %rsqrt3A = math.rsqrt %add3A_7 : vector<1024xf32>
    %reshape3A = vector.shape_cast %rsqrt3A : vector<1024xf32> to vector<1024x1xf32>
    %get3A_8 = arith.constant 0 : index
    %get3A_9 = arith.constant 0 : index
    %get3A_10 = vector.load %arg1[%get3A_8, %get3A_9] : memref<1024x128xf32, #tpu.memory_space<vmem>>, vector<1024x128xf32>
    %get3A_11 = arith.constant 0 : index
    %get3A_12 = arith.constant 0 : index
    %get3A_13 = vector.load %arg2[%get3A_11, %get3A_12] : memref<128x128xf32, #tpu.memory_space<vmem>>, vector<128x128xf32>
    %dot_general3A = arith.constant dense<0.000000e+00> : vector<1024x128xf32>
    %dot_general3A_14 = tpu.matmul %get3A_10, %get3A_13, %dot_general3A {dimension_numbers = #tpu.dot_dimension_numbers<[1], [0], [0], [1], [0, 0, 1, 1], [], []>, transpose_lhs_hint = false} : vector<1024x128xf32>, vector<128x128xf32>, vector<1024x128xf32> -> vector<1024x128xf32>
    %mul3A = vector.broadcast %reshape3A : vector<1024x1xf32> to vector<1024x128xf32>
    %mul3A_15 = arith.mulf %dot_general3A_14, %mul3A : vector<1024x128xf32>
    %swap3A = arith.constant 0 : index
    %swap3A_16 = arith.constant 0 : index
    %swap3A_17 = vector.load %arg4[%swap3A, %swap3A_16] : memref<1024x128xf32, #tpu.memory_space<vmem>>, vector<1024x128xf32>
    tpu.vector_store %arg4[%swap3A, %swap3A_16], %mul3A_15 {strides = array<i32>} : memref<1024x128xf32, #tpu.memory_space<vmem>>, vector<1024x128xf32>,
    %slice3A_18 = vector.extract_strided_slice %mul3A_15 {offsets = [0, 0], sizes = [1024, 64], strides = [1, 1]} : vector<1024x128xf32> to vector<1024x64xf32>
    %swap3A_19 = arith.constant 0 : index
    %swap3A_20 = arith.constant 0 : index
    %swap3A_21 = arith.constant 0 : index
    %swap3A_22 = vector.load %arg5[%swap3A_19, %swap3A_20, %swap3A_21] : memref<2x1024x64xf32, #tpu.memory_space<vmem>>, vector<1x1024x64xf32>
    %swap3A_23 = vector.shape_cast %swap3A_22 : vector<1x1024x64xf32> to vector<1024x64xf32>
    %swap3A_24 = vector.shape_cast %slice3A_18 : vector<1024x64xf32> to vector<1x1024x64xf32>
    tpu.vector_store %arg5[%swap3A_19, %swap3A_20, %swap3A_21], %swap3A_24 {strides = array<i32>} : memref<2x1024x64xf32, #tpu.memory_space<vmem>>, vector<1x1024x64xf32>,
    %slice3A_25 = vector.extract_strided_slice %mul3A_15 {offsets = [0, 64], sizes = [1024, 64], strides = [1, 1]} : vector<1024x128xf32> to vector<1024x64xf32>
    %swap3A_26 = arith.constant 1 : index
    %swap3A_27 = arith.constant 0 : index
    %swap3A_28 = arith.constant 0 : index
    %swap3A_29 = vector.load %arg5[%swap3A_26, %swap3A_27, %swap3A_28] : memref<2x1024x64xf32, #tpu.memory_space<vmem>>, vector<1x1024x64xf32>
    %swap3A_30 = vector.shape_cast %swap3A_29 : vector<1x1024x64xf32> to vector<1024x64xf32>
    %swap3A_31 = vector.shape_cast %slice3A_25 : vector<1024x64xf32> to vector<1x1024x64xf32>
    tpu.vector_store %arg5[%swap3A_26, %swap3A_27, %swap3A_28], %swap3A_31 {strides = array<i32>} : memref<2x1024x64xf32, #tpu.memory_space<vmem>>, vector<1x1024x64xf32>,
    return
  }
  func.func @transform_0(%arg0: i32) -> (i32, i32) {
    %c0_i32 = arith.constant 0 : i32
    %c0_i32_0 = arith.constant 0 : i32
    return %arg0, %c0_i32 : i32, i32
  }
  func.func @transform_1(%arg0: i32) -> (i32, i32) {
    %c0_i32 = arith.constant 0 : i32
    %c0_i32_0 = arith.constant 0 : i32
    %c0_i32_1 = arith.constant 0 : i32
    return %c0_i32, %c0_i32_0 : i32, i32
  }
  func.func @transform_2(%arg0: i32) -> (i32, i32, i32) {
    %c0_i32 = arith.constant 0 : i32
    %c0_i32_0 = arith.constant 0 : i32
    %c0_i32_1 = arith.constant 0 : i32
    return %arg0, %c0_i32, %c0_i32_0 : i32, i32, i32
  }
  func.func @transform_3(%arg0: i32) -> (i32, i32) {
    %c0_i32 = arith.constant 0 : i32
    %c0_i32_0 = arith.constant 0 : i32
    return %arg0, %c0_i32 : i32, i32
  }
  func.func @transform_4(%arg0: i32) -> (i32, i32, i32) {
    %c0_i32 = arith.constant 0 : i32
    %c0_i32_0 = arith.constant 0 : i32
    %c0_i32_1 = arith.constant 0 : i32
    return %c0_i32, %arg0, %c0_i32_0 : i32, i32, i32
  }
}

module attributes {stable_mosaic.version = 14 : i64} {
  func.func @_tail_body(%arg0: i32, %arg1: memref<2x1024x64xf32, #tpu.memory_space<vmem>>, %arg2: memref<1024x128xf32, #tpu.memory_space<vmem>>, %arg3: memref<1024x128xf32, #tpu.memory_space<vmem>>, %arg4: memref<1x2x1024xf32, #tpu.memory_space<vmem>>, %arg5: memref<1x128xf32, #tpu.memory_space<vmem>>, %arg6: memref<128x512xf32, #tpu.memory_space<vmem>>, %arg7: memref<1x512xf32, #tpu.memory_space<vmem>>, %arg8: memref<512x128xf32, #tpu.memory_space<vmem>>, %arg9: memref<1x128xf32, #tpu.memory_space<vmem>>, %arg10: memref<1x128xf32, #tpu.memory_space<vmem>>, %arg11: memref<1x128xf32, #tpu.memory_space<vmem>>, %arg12: memref<1x128xf32, #tpu.memory_space<vmem>>, %arg13: memref<1x128xf32, #tpu.memory_space<vmem>>, %arg14: memref<1024x128xf32, #tpu.memory_space<vmem>>) attributes {dimension_semantics = [#tpu.dimension_semantics<arbitrary>], iteration_bounds = array<i64: 10>, scalar_prefetch = 0 : i64, scratch_operands = 0 : i64, tpu.core_type = #tpu.core_type<tc>, window_params = [{transform_indices = @transform_0, window_bounds = array<i64: 2, 1024, 64>}, {transform_indices = @transform_1, window_bounds = array<i64: 1024, 128>}, {transform_indices = @transform_2, window_bounds = array<i64: 1024, 128>}, {transform_indices = @transform_3, window_bounds = array<i64: 1, 2, 1024>}, {pipeline_mode = #tpu.pipeline_mode<synchronous>, transform_indices = @transform_4, window_bounds = array<i64: 1, 128>}, {pipeline_mode = #tpu.pipeline_mode<synchronous>, transform_indices = @transform_5, window_bounds = array<i64: 128, 512>}, {pipeline_mode = #tpu.pipeline_mode<synchronous>, transform_indices = @transform_6, window_bounds = array<i64: 1, 512>}, {pipeline_mode = #tpu.pipeline_mode<synchronous>, transform_indices = @transform_7, window_bounds = array<i64: 512, 128>}, {pipeline_mode = #tpu.pipeline_mode<synchronous>, transform_indices = @transform_8, window_bounds = array<i64: 1, 128>}, {pipeline_mode = #tpu.pipeline_mode<synchronous>, transform_indices = @transform_9, window_bounds = array<i64: 1, 128>}, {pipeline_mode = #tpu.pipeline_mode<synchronous>, transform_indices = @transform_10, window_bounds = array<i64: 1, 128>}, {pipeline_mode = #tpu.pipeline_mode<synchronous>, transform_indices = @transform_11, window_bounds = array<i64: 1, 128>}, {pipeline_mode = #tpu.pipeline_mode<synchronous>, transform_indices = @transform_12, window_bounds = array<i64: 1, 128>}, {transform_indices = @transform_13, window_bounds = array<i64: 1024, 128>}]} {
    %get3A = arith.constant 0 : index
    %get3A_0 = arith.constant 0 : index
    %get3A_1 = arith.constant 0 : index
    %get3A_2 = vector.load %arg4[%get3A, %get3A_0, %get3A_1] : memref<1x2x1024xf32, #tpu.memory_space<vmem>>, vector<1x2x1024xf32>
    %slice3A = vector.extract_strided_slice %get3A_2 {offsets = [0, 0, 0], sizes = [1, 1, 1024], strides = [1, 1, 1]} : vector<1x2x1024xf32> to vector<1x1x1024xf32>
    %squeeze3A = vector.shape_cast %slice3A : vector<1x1x1024xf32> to vector<1024xf32>
    %slice3A_3 = vector.extract_strided_slice %get3A_2 {offsets = [0, 1, 0], sizes = [1, 1, 1024], strides = [1, 1, 1]} : vector<1x2x1024xf32> to vector<1x1x1024xf32>
    %squeeze3A_4 = vector.shape_cast %slice3A_3 : vector<1x1x1024xf32> to vector<1024xf32>
    %add3A = arith.addf %squeeze3A, %squeeze3A_4 : vector<1024xf32>
    %add3A_5 = arith.constant 1.000000e+00 : f32
    %add3A_6 = vector.broadcast %add3A_5 : f32 to vector<1024xf32>
    %add3A_7 = arith.addf %add3A, %add3A_6 : vector<1024xf32>
    %rsqrt3A = math.rsqrt %add3A_7 : vector<1024xf32>
    %reshape3A = vector.shape_cast %rsqrt3A : vector<1024xf32> to vector<1024x1xf32>
    %get3A_8 = arith.constant 0 : index
    %get3A_9 = arith.constant 0 : index
    %get3A_10 = vector.load %arg2[%get3A_8, %get3A_9] : memref<1024x128xf32, #tpu.memory_space<vmem>>, vector<1024x128xf32>
    %get3A_11 = arith.constant 0 : index
    %get3A_12 = arith.constant 0 : index
    %get3A_13 = arith.constant 0 : index
    %get3A_14 = vector.load %arg1[%get3A_11, %get3A_12, %get3A_13] : memref<2x1024x64xf32, #tpu.memory_space<vmem>>, vector<2x1024x64xf32>
    %slice3A_15 = vector.extract_strided_slice %get3A_14 {offsets = [0, 0, 0], sizes = [1, 1024, 64], strides = [1, 1, 1]} : vector<2x1024x64xf32> to vector<1x1024x64xf32>
    %squeeze3A_16 = vector.shape_cast %slice3A_15 : vector<1x1024x64xf32> to vector<1024x64xf32>
    %slice3A_17 = vector.extract_strided_slice %get3A_14 {offsets = [1, 0, 0], sizes = [1, 1024, 64], strides = [1, 1, 1]} : vector<2x1024x64xf32> to vector<1x1024x64xf32>
    %squeeze3A_18 = vector.shape_cast %slice3A_17 : vector<1x1024x64xf32> to vector<1024x64xf32>
    %concatenate3A = tpu.concatenate %squeeze3A_16, %squeeze3A_18 in 1 : vector<1024x64xf32>, vector<1024x64xf32> -> vector<1024x128xf32>
    %add3A_19 = arith.addf %concatenate3A, %get3A_10 : vector<1024x128xf32>
    %mul3A = vector.broadcast %reshape3A : vector<1024x1xf32> to vector<1024x128xf32>
    %mul3A_20 = arith.mulf %add3A_19, %mul3A : vector<1024x128xf32>
    %get3A_21 = arith.constant 0 : index
    %get3A_22 = arith.constant 0 : index
    %get3A_23 = vector.load %arg5[%get3A_21, %get3A_22] : memref<1x128xf32, #tpu.memory_space<vmem>>, vector<1x128xf32>
    %add3A_24 = vector.broadcast %get3A_23 : vector<1x128xf32> to vector<1024x128xf32>
    %add3A_25 = arith.addf %mul3A_20, %add3A_24 : vector<1024x128xf32>
    %get3A_26 = arith.constant 0 : index
    %get3A_27 = arith.constant 0 : index
    %get3A_28 = vector.load %arg3[%get3A_26, %get3A_27] : memref<1024x128xf32, #tpu.memory_space<vmem>>, vector<1024x128xf32>
    %add3A_29 = arith.addf %add3A_25, %get3A_28 : vector<1024x128xf32>
    %get3A_30 = arith.constant 0 : index
    %get3A_31 = arith.constant 0 : index
    %get3A_32 = vector.load %arg10[%get3A_30, %get3A_31] : memref<1x128xf32, #tpu.memory_space<vmem>>, vector<1x128xf32>
    %get3A_33 = arith.constant 0 : index
    %get3A_34 = arith.constant 0 : index
    %get3A_35 = vector.load %arg11[%get3A_33, %get3A_34] : memref<1x128xf32, #tpu.memory_space<vmem>>, vector<1x128xf32>
    %reduce_sum3A = arith.constant dense<0.000000e+00> : vector<1024xf32>
    %reduce_sum3A_36 = vector.multi_reduction <add>, %add3A_29, %reduce_sum3A [1] : vector<1024x128xf32> to vector<1024xf32>
    %broadcast_in_dim3A = vector.shape_cast %reduce_sum3A_36 : vector<1024xf32> to vector<1024x1xf32>
    %div3A = arith.constant 1.280000e+02 : f32
    %div3A_37 = vector.broadcast %div3A : f32 to vector<1024x1xf32>
    %div3A_38 = arith.divf %broadcast_in_dim3A, %div3A_37 : vector<1024x1xf32>
    %sub3A = vector.broadcast %div3A_38 : vector<1024x1xf32> to vector<1024x128xf32>
    %sub3A_39 = arith.subf %add3A_29, %sub3A : vector<1024x128xf32>
    %sub3A_40 = vector.broadcast %div3A_38 : vector<1024x1xf32> to vector<1024x128xf32>
    %sub3A_41 = arith.subf %add3A_29, %sub3A_40 : vector<1024x128xf32>
    %mul3A_42 = arith.mulf %sub3A_39, %sub3A_41 : vector<1024x128xf32>
    %reduce_sum3A_43 = arith.constant dense<0.000000e+00> : vector<1024xf32>
    %reduce_sum3A_44 = vector.multi_reduction <add>, %mul3A_42, %reduce_sum3A_43 [1] : vector<1024x128xf32> to vector<1024xf32>
    %broadcast_in_dim3A_45 = vector.shape_cast %reduce_sum3A_44 : vector<1024xf32> to vector<1024x1xf32>
    %div3A_46 = arith.constant 1.280000e+02 : f32
    %div3A_47 = vector.broadcast %div3A_46 : f32 to vector<1024x1xf32>
    %div3A_48 = arith.divf %broadcast_in_dim3A_45, %div3A_47 : vector<1024x1xf32>
    %sub3A_49 = vector.broadcast %div3A_38 : vector<1024x1xf32> to vector<1024x128xf32>
    %sub3A_50 = arith.subf %add3A_29, %sub3A_49 : vector<1024x128xf32>
    %add3A_51 = arith.constant 9.99999974E-6 : f32
    %add3A_52 = vector.broadcast %add3A_51 : f32 to vector<1024x1xf32>
    %add3A_53 = arith.addf %div3A_48, %add3A_52 : vector<1024x1xf32>
    %rsqrt3A_54 = math.rsqrt %add3A_53 : vector<1024x1xf32>
    %mul3A_55 = vector.broadcast %rsqrt3A_54 : vector<1024x1xf32> to vector<1024x128xf32>
    %mul3A_56 = arith.mulf %sub3A_50, %mul3A_55 : vector<1024x128xf32>
    %mul3A_57 = vector.broadcast %get3A_32 : vector<1x128xf32> to vector<1024x128xf32>
    %mul3A_58 = arith.mulf %mul3A_56, %mul3A_57 : vector<1024x128xf32>
    %add3A_59 = vector.broadcast %get3A_35 : vector<1x128xf32> to vector<1024x128xf32>
    %add3A_60 = arith.addf %mul3A_58, %add3A_59 : vector<1024x128xf32>
    %get3A_61 = arith.constant 0 : index
    %get3A_62 = arith.constant 0 : index
    %get3A_63 = vector.load %arg6[%get3A_61, %get3A_62] : memref<128x512xf32, #tpu.memory_space<vmem>>, vector<128x512xf32>
    %dot_general3A = arith.constant dense<0.000000e+00> : vector<1024x512xf32>
    %dot_general3A_64 = tpu.matmul %add3A_60, %get3A_63, %dot_general3A {dimension_numbers = #tpu.dot_dimension_numbers<[1], [0], [0], [1], [0, 0, 1, 1], [], []>, transpose_lhs_hint = false} : vector<1024x128xf32>, vector<128x512xf32>, vector<1024x512xf32> -> vector<1024x512xf32>
    %get3A_65 = arith.constant 0 : index
    %get3A_66 = arith.constant 0 : index
    %get3A_67 = vector.load %arg7[%get3A_65, %get3A_66] : memref<1x512xf32, #tpu.memory_space<vmem>>, vector<1x512xf32>
    %add3A_68 = vector.broadcast %get3A_67 : vector<1x512xf32> to vector<1024x512xf32>
    %add3A_69 = arith.addf %dot_general3A_64, %add3A_68 : vector<1024x512xf32>
    %logistic3A = arith.negf %add3A_69 : vector<1024x512xf32>
    %logistic3A_70 = math.exp %logistic3A : vector<1024x512xf32>
    %logistic3A_71 = arith.constant 1.000000e+00 : f32
    %logistic3A_72 = vector.broadcast %logistic3A_71 : f32 to vector<1024x512xf32>
    %logistic3A_73 = arith.addf %logistic3A_72, %logistic3A_70 : vector<1024x512xf32>
    %logistic3A_74 = arith.divf %logistic3A_72, %logistic3A_73 : vector<1024x512xf32>
    %mul3A_75 = arith.mulf %add3A_69, %logistic3A_74 : vector<1024x512xf32>
    %get3A_76 = arith.constant 0 : index
    %get3A_77 = arith.constant 0 : index
    %get3A_78 = vector.load %arg8[%get3A_76, %get3A_77] : memref<512x128xf32, #tpu.memory_space<vmem>>, vector<512x128xf32>
    %dot_general3A_79 = arith.constant dense<0.000000e+00> : vector<1024x128xf32>
    %dot_general3A_80 = tpu.matmul %mul3A_75, %get3A_78, %dot_general3A_79 {dimension_numbers = #tpu.dot_dimension_numbers<[1], [0], [0], [1], [0, 0, 1, 1], [], []>, transpose_lhs_hint = false} : vector<1024x512xf32>, vector<512x128xf32>, vector<1024x128xf32> -> vector<1024x128xf32>
    %get3A_81 = arith.constant 0 : index
    %get3A_82 = arith.constant 0 : index
    %get3A_83 = vector.load %arg9[%get3A_81, %get3A_82] : memref<1x128xf32, #tpu.memory_space<vmem>>, vector<1x128xf32>
    %add3A_84 = vector.broadcast %get3A_83 : vector<1x128xf32> to vector<1024x128xf32>
    %add3A_85 = arith.addf %dot_general3A_80, %add3A_84 : vector<1024x128xf32>
    %add3A_86 = arith.addf %add3A_85, %add3A_60 : vector<1024x128xf32>
    %get3A_87 = arith.constant 0 : index
    %get3A_88 = arith.constant 0 : index
    %get3A_89 = vector.load %arg12[%get3A_87, %get3A_88] : memref<1x128xf32, #tpu.memory_space<vmem>>, vector<1x128xf32>
    %get3A_90 = arith.constant 0 : index
    %get3A_91 = arith.constant 0 : index
    %get3A_92 = vector.load %arg13[%get3A_90, %get3A_91] : memref<1x128xf32, #tpu.memory_space<vmem>>, vector<1x128xf32>
    %reduce_sum3A_93 = arith.constant dense<0.000000e+00> : vector<1024xf32>
    %reduce_sum3A_94 = vector.multi_reduction <add>, %add3A_86, %reduce_sum3A_93 [1] : vector<1024x128xf32> to vector<1024xf32>
    %broadcast_in_dim3A_95 = vector.shape_cast %reduce_sum3A_94 : vector<1024xf32> to vector<1024x1xf32>
    %div3A_96 = arith.constant 1.280000e+02 : f32
    %div3A_97 = vector.broadcast %div3A_96 : f32 to vector<1024x1xf32>
    %div3A_98 = arith.divf %broadcast_in_dim3A_95, %div3A_97 : vector<1024x1xf32>
    %sub3A_99 = vector.broadcast %div3A_98 : vector<1024x1xf32> to vector<1024x128xf32>
    %sub3A_100 = arith.subf %add3A_86, %sub3A_99 : vector<1024x128xf32>
    %sub3A_101 = vector.broadcast %div3A_98 : vector<1024x1xf32> to vector<1024x128xf32>
    %sub3A_102 = arith.subf %add3A_86, %sub3A_101 : vector<1024x128xf32>
    %mul3A_103 = arith.mulf %sub3A_100, %sub3A_102 : vector<1024x128xf32>
    %reduce_sum3A_104 = arith.constant dense<0.000000e+00> : vector<1024xf32>
    %reduce_sum3A_105 = vector.multi_reduction <add>, %mul3A_103, %reduce_sum3A_104 [1] : vector<1024x128xf32> to vector<1024xf32>
    %broadcast_in_dim3A_106 = vector.shape_cast %reduce_sum3A_105 : vector<1024xf32> to vector<1024x1xf32>
    %div3A_107 = arith.constant 1.280000e+02 : f32
    %div3A_108 = vector.broadcast %div3A_107 : f32 to vector<1024x1xf32>
    %div3A_109 = arith.divf %broadcast_in_dim3A_106, %div3A_108 : vector<1024x1xf32>
    %sub3A_110 = vector.broadcast %div3A_98 : vector<1024x1xf32> to vector<1024x128xf32>
    %sub3A_111 = arith.subf %add3A_86, %sub3A_110 : vector<1024x128xf32>
    %add3A_112 = arith.constant 9.99999974E-6 : f32
    %add3A_113 = vector.broadcast %add3A_112 : f32 to vector<1024x1xf32>
    %add3A_114 = arith.addf %div3A_109, %add3A_113 : vector<1024x1xf32>
    %rsqrt3A_115 = math.rsqrt %add3A_114 : vector<1024x1xf32>
    %mul3A_116 = vector.broadcast %rsqrt3A_115 : vector<1024x1xf32> to vector<1024x128xf32>
    %mul3A_117 = arith.mulf %sub3A_111, %mul3A_116 : vector<1024x128xf32>
    %mul3A_118 = vector.broadcast %get3A_89 : vector<1x128xf32> to vector<1024x128xf32>
    %mul3A_119 = arith.mulf %mul3A_117, %mul3A_118 : vector<1024x128xf32>
    %add3A_120 = vector.broadcast %get3A_92 : vector<1x128xf32> to vector<1024x128xf32>
    %add3A_121 = arith.addf %mul3A_119, %add3A_120 : vector<1024x128xf32>
    %swap3A = arith.constant 0 : index
    %swap3A_122 = arith.constant 0 : index
    %swap3A_123 = vector.load %arg14[%swap3A, %swap3A_122] : memref<1024x128xf32, #tpu.memory_space<vmem>>, vector<1024x128xf32>
    tpu.vector_store %arg14[%swap3A, %swap3A_122], %add3A_121 {strides = array<i32>} : memref<1024x128xf32, #tpu.memory_space<vmem>>, vector<1024x128xf32>,
    return
  }
  func.func @transform_0(%arg0: i32) -> (i32, i32, i32) {
    %c0_i32 = arith.constant 0 : i32
    %c0_i32_0 = arith.constant 0 : i32
    %c0_i32_1 = arith.constant 0 : i32
    return %c0_i32, %arg0, %c0_i32_0 : i32, i32, i32
  }
  func.func @transform_1(%arg0: i32) -> (i32, i32) {
    %c0_i32 = arith.constant 0 : i32
    %c0_i32_0 = arith.constant 0 : i32
    return %arg0, %c0_i32 : i32, i32
  }
  func.func @transform_2(%arg0: i32) -> (i32, i32) {
    %c0_i32 = arith.constant 0 : i32
    %c0_i32_0 = arith.constant 0 : i32
    return %arg0, %c0_i32 : i32, i32
  }
  func.func @transform_3(%arg0: i32) -> (i32, i32, i32) {
    %c0_i32 = arith.constant 0 : i32
    %c0_i32_0 = arith.constant 0 : i32
    %c0_i32_1 = arith.constant 0 : i32
    return %arg0, %c0_i32, %c0_i32_0 : i32, i32, i32
  }
  func.func @transform_4(%arg0: i32) -> (i32, i32) {
    %c0_i32 = arith.constant 0 : i32
    %c0_i32_0 = arith.constant 0 : i32
    %c0_i32_1 = arith.constant 0 : i32
    return %c0_i32, %c0_i32_0 : i32, i32
  }
  func.func @transform_5(%arg0: i32) -> (i32, i32) {
    %c0_i32 = arith.constant 0 : i32
    %c0_i32_0 = arith.constant 0 : i32
    %c0_i32_1 = arith.constant 0 : i32
    return %c0_i32, %c0_i32_0 : i32, i32
  }
  func.func @transform_6(%arg0: i32) -> (i32, i32) {
    %c0_i32 = arith.constant 0 : i32
    %c0_i32_0 = arith.constant 0 : i32
    %c0_i32_1 = arith.constant 0 : i32
    return %c0_i32, %c0_i32_0 : i32, i32
  }
  func.func @transform_7(%arg0: i32) -> (i32, i32) {
    %c0_i32 = arith.constant 0 : i32
    %c0_i32_0 = arith.constant 0 : i32
    %c0_i32_1 = arith.constant 0 : i32
    return %c0_i32, %c0_i32_0 : i32, i32
  }
  func.func @transform_8(%arg0: i32) -> (i32, i32) {
    %c0_i32 = arith.constant 0 : i32
    %c0_i32_0 = arith.constant 0 : i32
    %c0_i32_1 = arith.constant 0 : i32
    return %c0_i32, %c0_i32_0 : i32, i32
  }
  func.func @transform_9(%arg0: i32) -> (i32, i32) {
    %c0_i32 = arith.constant 0 : i32
    %c0_i32_0 = arith.constant 0 : i32
    %c0_i32_1 = arith.constant 0 : i32
    return %c0_i32, %c0_i32_0 : i32, i32
  }
  func.func @transform_10(%arg0: i32) -> (i32, i32) {
    %c0_i32 = arith.constant 0 : i32
    %c0_i32_0 = arith.constant 0 : i32
    %c0_i32_1 = arith.constant 0 : i32
    return %c0_i32, %c0_i32_0 : i32, i32
  }
  func.func @transform_11(%arg0: i32) -> (i32, i32) {
    %c0_i32 = arith.constant 0 : i32
    %c0_i32_0 = arith.constant 0 : i32
    %c0_i32_1 = arith.constant 0 : i32
    return %c0_i32, %c0_i32_0 : i32, i32
  }
  func.func @transform_12(%arg0: i32) -> (i32, i32) {
    %c0_i32 = arith.constant 0 : i32
    %c0_i32_0 = arith.constant 0 : i32
    %c0_i32_1 = arith.constant 0 : i32
    return %c0_i32, %c0_i32_0 : i32, i32
  }
  func.func @transform_13(%arg0: i32) -> (i32, i32) {
    %c0_i32 = arith.constant 0 : i32
    %c0_i32_0 = arith.constant 0 : i32
    return %arg0, %c0_i32 : i32, i32
  }
}

</mosaic_0001>

<sc_bundles>
// kernel: kernel.6.cloned.1.call-start
scs
__scs_entry_jumppad:
0x0: {  	(pc) =	sbr.rel $0x88, $3  }
0x1: {  	(tag) =	ssettag $0x0;
	lr =	simm.s32 $0x1  }
0x2: {  	[smem:$0x3F95] =	sst lr;
	_ =	strace $0xD0000000  }
0x3: {  	_ = 	snop  }
0x4: {  	_ = 	snop  }
0x5: {  	_ = 	snop  }
0x6: {  	_ = 	snop  }
0x7: {  	_ = 	snop  }
__scs_overlays_trampoline_lowered:
0x8: {  	[smem:$0x3FA4] =	sst s0  }
0x9: {  	[smem:$0x3FA5] =	sst s1  }
0xa: {  	[smem:$0x3FA6] =	sst s2  }
0xb: {  	[smem:$0x3FA7] =	sst s3  }
0xc: {  	[smem:$0x3FA8] =	sst s4  }
0xd: {  	[smem:$0x3FA9] =	sst s5  }
0xe: {  	[smem:$0x3FAA] =	sst s6  }
0xf: {  	[smem:$0x3FAB] =	sst s7  }
0x10: {  	[smem:$0x3FAC] =	sst s8  }
0x11: {  	[smem:$0x3FAD] =	sst s9;
	s0 =	simm.s32 @!p0 $0x0  }
0x12: {  	s1 =	sld [smem:$0x3F93];
	s0 =	simm.s32 @p0 $0x1  }
0x13: {  	[smem:$0x3FAE] =	sst s0;
	s0 =	simm.s32 @!p1 $0x0  }
0x14: {  	s2 =	sld [smem:$0x3F92];
	s0 =	simm.s32 @p1 $0x1  }
0x15: {  	[smem:$0x3FAF] =	sst s0;
	s0 =	simm.s32 @!p2 $0x0  }
0x16: {  	s3 =	sld [smem:$0x3FDB];
	s0 =	simm.s32 @p2 $0x1  }
0x17: {  	s4 =	simm.s32 $0x1BF5;
	[smem:$0x3FB1] =	sst s0  }
0x18: {  	s0 =	sld [smem:$0x3F94];
	_ =	swait.ge [sflag:s4], $0x0  }
0x19: {  	s7 =	sld [smem:$0x3F95]  }
0x1a: {  	s8 =	sadd.s32 $0xFFFFE003, lr  }
0x1b: {  	s9 =	sadd.s32 $0xFFFFFEF7, lr;
	s5 =	simm.s32 $0xFFFFFFFF;
	p2 =	slt.u32 s8, $0xFFFFF086  }
0x1c: {  	p1 =	slt.u32 s9, $0xF7A;
	s5 =	simm.s32 @!p2 $0x0  }
0x1d: {  	s5 =	simm.s32 @p1 $0x1;
	p0 =	seq.s32 s7, s2  }
0x1e: {  	s7 =	smul.u32 @!p0 $0xF7A, s2;
	p2 =	seq.s32 @!p0 s5, $0x0  }
0x1f: {  	s9 =	smul.u32 $0xF7A, s1;
	s8 =	simm.s32 @!p0 $0x1BF5;
	p2 =	por !p2, p0  }
0x20: {  	[sflag:s8] =	ssyncset.s32 @!p0 $0xFFFFF086;
	s6 =	sadd.s32 @!p0 s3, s7;
	s7 =	simm.s32 @!p0 $0x108  }
0x21: {  	s3 =	sadd.s32 s3, s9;
	s6 =	sadd.s32 @!p0 $0x88, s6;
	s7 =	simm.s32 @p2 $0x1082  }
0x22: {  	[simem:s7], [sflag:s8] =	dma.local @!p0 [hbm:s6], $0xF7A  }
0x23: {  	s9 =	sor.u32 $0xD0000000, s2;
	s6 =	simm.s32 $0x108;
	_ =	swait.ge @!p0 [sflag:s8], $0x0  }
0x24: {  	s3 =	sadd.s32 $0x88, s3;
	s6 =	simm.s32 @!p1 $0x1082;
	[sflag:s4] =	ssyncset.s32 $0xFFFFF086  }
0x25: {  	[simem:s6], [sflag:s4] =	dma.local [hbm:s3], $0xF7A  }
0x26: {  	[smem:$0x3F95] =	sst s1;
	(tag) =	ssettag s2;
	_ =	strace s9  }
0x27: {  	s1 =	sld [smem:$0x3FA5]  }
0x28: {  	s2 =	sld [smem:$0x3FA6]  }
0x29: {  	s4 =	sld [smem:$0x3FA8]  }
0x2a: {  	p0 =	seq.s32 s5, $0x0;
	s5 =	sld [smem:$0x3FA9]  }
0x2b: {  	s6 =	sld [smem:$0x3FAA]  }
0x2c: {  	s7 =	sld [smem:$0x3FAB]  }
0x2d: {  	s3 =	simm.s32 $0x108;
	s8 =	sld [smem:$0x3FAC]  }
0x2e: {  	s3 =	simm.s32 @!p0 $0x1082;
	s9 =	sld [smem:$0x3FAD]  }
0x2f: {  	lr =	sadd.s32 s0, s3;
	s0 =	sld [smem:$0x3FA4]  }
0x30: {  	s3 =	sld [smem:$0x3FA7]  }
0x31: {  	[smem:$0x3FB0] =	sst s10  }
0x32: {  	s10 =	sld [smem:$0x3FAE];
	_ =	sdelay $0x3  }
0x33: {  	p0 =	seq.s32 s10, $0x1;
	s10 =	sld [smem:$0x3FB0];
	_ =	sdelay $0x3  }
0x34: {  	[smem:$0x3FB0] =	sst s10  }
0x35: {  	s10 =	sld [smem:$0x3FAF];
	_ =	sdelay $0x3  }
0x36: {  	p1 =	seq.s32 s10, $0x1;
	s10 =	sld [smem:$0x3FB0];
	_ =	sdelay $0x3  }
0x37: {  	[smem:$0x3FB0] =	sst s10  }
0x38: {  	s10 =	sld [smem:$0x3FB1]  }
0x39: {  	_ = 	snop;
	(pc) =	sbr.ind lr, $3  }
0x3a: {  	_ = 	snop  }
0x3b: {  	_ = 	snop  }
0x3c: {  	p2 =	seq.s32 s10, $0x1;
	s10 =	sld [smem:$0x3FB0]  }
0x3d: {  	_ =	shalt  }
0x3e: {  	_ =	shalt  }
0x3f: {  	_ =	shalt  }
0x40: {  	_ =	shalt  }
0x41: {  	_ =	shalt  }
0x42: {  	_ =	shalt  }
0x43: {  	_ =	shalt  }
0x44: {  	_ =	shalt  }
0x45: {  	_ =	shalt  }
0x46: {  	_ =	shalt  }
0x47: {  	_ =	shalt  }
0x48: {  	_ =	shalt  }
0x49: {  	_ =	shalt  }
0x4a: {  	_ =	shalt  }
0x4b: {  	_ =	shalt  }
0x4c: {  	_ =	shalt  }
0x4d: {  	_ =	shalt  }
0x4e: {  	_ =	shalt  }
0x4f: {  	_ =	shalt  }
0x50: {  	_ =	shalt  }
0x51: {  	_ =	shalt  }
0x52: {  	_ =	shalt  }
0x53: {  	_ =	shalt  }
0x54: {  	_ =	shalt  }
0x55: {  	_ =	shalt  }
0x56: {  	_ =	shalt  }
0x57: {  	_ =	shalt  }
0x58: {  	_ =	shalt  }
0x59: {  	_ =	shalt  }
0x5a: {  	_ =	shalt  }
0x5b: {  	_ =	shalt  }
0x5c: {  	_ =	shalt  }
0x5d: {  	_ =	shalt  }
0x5e: {  	_ =	shalt  }
0x5f: {  	_ =	shalt  }
0x60: {  	_ =	shalt  }
0x61: {  	_ =	shalt  }
0x62: {  	_ =	shalt  }
0x63: {  	_ =	shalt  }
0x64: {  	_ =	shalt  }
0x65: {  	_ =	shalt  }
0x66: {  	_ =	shalt  }
0x67: {  	_ =	shalt  }
0x68: {  	_ =	shalt  }
0x69: {  	_ =	shalt  }
0x6a: {  	_ =	shalt  }
0x6b: {  	_ =	shalt  }
0x6c: {  	_ =	shalt  }
0x6d: {  	_ =	shalt  }
0x6e: {  	_ =	shalt  }
0x6f: {  	_ =	shalt  }
0x70: {  	_ =	shalt  }
0x71: {  	_ =	shalt  }
0x72: {  	_ =	shalt  }
0x73: {  	_ =	shalt  }
0x74: {  	_ =	shalt  }
0x75: {  	_ =	shalt  }
0x76: {  	_ =	shalt  }
0x77: {  	_ =	shalt  }
0x78: {  	_ =	shalt  }
0x79: {  	_ =	shalt  }
0x7a: {  	_ =	shalt  }
0x7b: {  	_ =	shalt  }
0x7c: {  	_ =	shalt  }
0x7d: {  	_ =	shalt  }
0x7e: {  	_ =	shalt  }
0x7f: {  	_ =	shalt  }
0x80: {  	_ =	shalt  }
0x81: {  	_ =	shalt  }
0x82: {  	_ =	shalt  }
0x83: {  	_ =	shalt  }
0x84: {  	_ =	shalt  }
0x85: {  	_ =	shalt  }
0x86: {  	_ =	shalt  }
0x87: {  	_ =	shalt  }
.Lfunc_end0:
.L_simem_size_0:
called_computation_lowered:
.L_overlay_start_0:
0x88: {  	s2 =	sld [smem:$0x3FD9]  }
0x89: {  	s3 =	sld [smem:$0x3FFE];
	_ =	sdelay $0x1  }
0x8a: {  	s1 =	srdreg.scid  }
0x8b: {  	s0 =	sand.u32 $0x1, s1  }
0x8c: {  	s17 =	sshll.u32 s0, $0xA;
	s2 =	sadd.s32 s3, s2  }
0x8d: {  	s2 =	sadd.s32 s2, s17  }
0x8e: {  	[smem:$0x3FBC] =	sst s2  }
0x8f: {  	_ = 	snop  }
0x90: {  	s2 =	sld [smem:$0x3FD0];
	(tm) =	ssettm $0x1  }
0x91: {  	s18 =	sld [smem:$0x3FFB];
	_ =	sdelay $0x3  }
0x92: {  	_ =	strace s18  }
0x93: {  	s3 =	sld [smem:$0x3FFC];
	_ =	sdelay $0x3  }
0x94: {  	_ =	strace s3  }
0x95: {  	s3 =	sld [smem:$0x3FFD];
	_ =	sdelay $0x3  }
0x96: {  	_ =	strace s3  }
0x97: {  	_ =	strace $0x8FFFFFFF  }
0x98: {  	s19 =	sld [smem:$0x3FDB];
	_ =	sdelay $0x1  }
0x99: {  	s4 =	simm.s32 $_scs_section_size  }
0x9a: {  	s5 =	simm.s32 $_size__tile_overlayer_lowered;
	s6 =	simm.s32 $_tile_overlayer_lowered  }
0x9b: {  	s22 =	simm.s32 $0x1BFF;
	s21 =	sshll.u32 s6, $0x1;
	s3 =	sadd.s32 s4, s19  }
0x9c: {  	s7 =	simm.s32 $0x0;
	s20 =	sshll.u32 s5, $0x1;
	s5 =	sadd.s32 s21, s3  }
0x9d: {  	[timem:s7], [sflag:s22] =	dma.local [hbm:s5], s20  }
0x9e: {  	_ =	swait.ge [sflag:s22], s20  }
0x9f: {  	s4 =	ssub.s32 $0x0, s20;
	[sflag:s22] =	ssyncset.done $0x0  }
0xa0: {  	[sflag:s22] =	ssyncadd.s32 s4;
	_ =	sdelay $0x1  }
0xa1: {  	s23 =	simm.s32 $0x1B8B  }
0xa2: {  	_ =	swait.ge [sflag:s23], $0x1  }
0xa3: {  	[sflag:s23] =	ssyncset.done $0x0  }
0xa4: {  	s25 =	simm.s32 $0x1B8E;
	s24 =	sld [smem:$0x3FFE];
	[sflag:s23] =	ssyncadd.s32 $0xFFFFFFFF  }
0xa5: {  	s26 =	simm.s32 $execute0_lowered;
	[smem:$0x3FD2] =	sst s25  }
0xa6: {  	s5 =	sshll.u32 s26, $0x1;
	_ =	strace $0x80000046;
	[dreg:$0x1] =	wrdreg $0xFFFFFFFF  }
0xa7: {  	s28 =	simm.s32 $_size_execute0_lowered;
	s3 =	sadd.s32 s3, s5;
	[dreg:$0x0] =	wrdreg $0x0  }
0xa8: {  	s5 =	sshll.u32 s28, $0x1;
	[dreg:$0x2] =	wrdreg s3  }
0xa9: {  	[dreg:$0x3] =	wrdreg s5  }
0xaa: {  	[dreg:$0x4] =	wrdreg $0xC0  }
0xab: {  	_ =	task [dreg:s7], $0x5FFFF  }
0xac: {  	[dreg:$0x1] =	wrdreg $0xFFFFFFFF  }
0xad: {  	[dreg:$0x0] =	wrdreg $0x60  }
0xae: {  	[dreg:$0x2] =	wrdreg s2  }
0xaf: {  	[dreg:$0x3] =	wrdreg s24  }
0xb0: {  	[dreg:$0x4] =	wrdreg $0x2D800  }
0xb1: {  	[dreg:$0x5] =	wrdreg $0x9  }
0xb2: {  	_ =	task.clear_ibuf [dreg:s7], $0x6FFFF;
	_ =	strace $0x90000046  }
0xb3: {  	s29 =	simm.s32 $0x9;
	_ =	strace $0x80000048  }
0xb4: {  	_ =	swait.ge [sflag:s29], $0x1  }
0xb5: {  	[sflag:s29] =	ssyncadd.s32 $0xFFFFFFFF  }
0xb6: {  	_ =	strace $0x90000048  }
0xb7: {  	_ =	sfence  }
0xb8: {  	s30 =	sld [smem:$0x0];
	_ =	sdelay $0x2  }
0xb9: {  	s31 =	sshll.u32 s1, $0xD;
	s1 =	sshrl.u32 s1, $0x2  }
0xba: {  	s3 =	sand.u32 $0x4000, s31;
	s1 =	sadd.s32 s1, s30  }
0xbb: {  	s0 =	sor.u32 s3, s0;
	s1 =	sshll.u32 s1, $0x11  }
0xbc: {  	s0 =	sor.u32 s1, s0  }
0xbd: {  	s0 =	sadd.s32 $0x8F2B, s0  }
0xbe: {  	[sflag:s0] =	ssyncadd.remote.s32 $0x1  }
0xbf: {  	_ =	sfence.sel $0xFFFF  }
0xc0: {  	[dreg:$0x0] =	wrdreg $0xFFFFFFFF;
	(pc) =	sbr.abs _section_cstart, $3  }
0xc1: {  	[dreg:$0x1] =	wrdreg $0xFFFFFFFF  }
0xc2: {  	_ =	task.clear_ibuf [dreg:s7], $0x2FFFF;
	_ =	strace $0x9FFFFFFF  }
0xc3: {  	(tm) =	ssettm $0x7FFFFFFF  }
tec
execute0_lowered:
.L_overlay_start_1:
0x0: {  	(tag) =	ssettag $0x1  }
0x1: {  	s1 =	srdreg.scid;
	s20 =	rddreg [dreg:$0x0]  }
0x2: {  	s0 =	stileid.u32;
	s6 =	rddreg [dreg:$0x1]  }
0x3: {  	s2 =	rddreg [dreg:$0x2];
	s3 =	simm.s32 $0x0;
	s24 =	simm.s32 $0x1  }
0x4: {  	s25 =	simm.s32 $0x80;
	s28 =	simm.s32 $0x2B00;
	s5 =	smul.u32 $0x280, s0  }
0x5: {  	s29 =	simm.s32 $0x0;
	s4 =	sand.u32 $0x1, s1;
	s26 =	smul.u32 $0x2800, s0  }
0x6: {  	[smem:$0x7FF] =	sst s3;
	s7 =	smul.u32 $0x2800, s4;
	s8 =	ssub.s32 $0x2, s4  }
0x7: {  	_ =	strace $0x80000047;
	s31 =	sshll.u32 s4, $0x4;
	s30 =	sshrl.u32 s8, $0x1  }
0x8: {  	s4 =	sadd.s32 s5, s2;
	s15 =	sor.u32 s0, s31;
	v0 =	vmov s26;
	s26 =	simm.s32 $0x2800  }
0x9: {  	s7 =	sadd.s32 s5, s7;
	s22 =	ssub.s32 s8, s30;
	s5 =	sadd.s32 $0x2800, s4  }
0xa: {  	s8 =	sadd.s32 $0xA000, s4;
	s9 =	sadd.s32 $0xC800, s4;
	s10 =	sadd.s32 $0xF000, s4  }
0xb: {  	s11 =	sadd.s32 $0x11800, s4;
	s12 =	sadd.s32 $0x14000, s4;
	s13 =	sadd.s32 $0x16800, s4  }
0xc: {  	s14 =	sadd.s32 $0x19000, s4;
	s23 =	smul.u32 $0x500, s15;
	s15 =	sadd.s32 $0x1B800, s4  }
0xd: {  	s16 =	sadd.s32 $0x1E000, s4;
	s17 =	sadd.s32 $0x20800, s4;
	s18 =	sadd.s32 $0x23000, s4  }
0xe: {  	s19 =	sadd.s32 $0x25800, s4;
	s7 =	sshrl.u32 s7, $0x3;
	s22 =	smax.u32 s22, $0x1  }
0xf: {  	s21 =	sadd.s32 s7, s6;
	s6 =	sadd.s32 $0x5000, s4;
	s7 =	sadd.s32 $0x7800, s4  }
0x10: {  	v1 =	vimm.f32 $0.0e+00;
	v2 =	vimm.f32 $1.000000000e+00;
	s20 =	sadd.s32 s20, s23;
	s23 =	simm.s32 $0x2880;
	s21 =	sadd.s32 $0x1E00, s21  }
.LBB2_1:
0x11: {  	s30 =	simm.s32 $0x40;
	s31 =	simm.s32 $0x0  }
.LBB2_2:
0x12: {  	p0 =	sne.s32 s30, $0x9C0;
	[tilespmem:s31+$0x2880] =	vst v1;
	s1 =	smov.u32 s30;
	s30 =	sadd.s32 $0x40, s30  }
.Ltmp0:
0x13: {  	[tilespmem:s31+$0x2B00] =	vst v1;
	(pc) =	sbr.rel @p0 .LBB2_2-.Ltmp0, $2  }
0x14: {  	_ =	sdelay $0x2  }
0x15: {  	s31 =	sshra.s32 s1, $0x2  }
0x16: {  	[tilespmem:s31+$0x2880] =	vst v1  }
0x17: {  	[tilespmem:s31+$0x2B00] =	vst v1  }
0x18: {  	[tilespmem:$0x2800] =	vst v2  }
0x19: {  	[tilespmem:$0x2810] =	vst v2  }
0x1a: {  	[tilespmem:$0x2820] =	vst v2  }
0x1b: {  	[tilespmem:$0x2830] =	vst v2  }
0x1c: {  	[tilespmem:$0x2840] =	vst v2  }
0x1d: {  	[tilespmem:$0x2850] =	vst v2  }
0x1e: {  	[tilespmem:$0x2860] =	vst v2  }
0x1f: {  	[tilespmem:$0x2870] =	vst v2  }
0x20: {  	[spmem:s4] =	stream.linear.scatter [tilespmem:s23], [sflag:$0x1], $0x280, $0x38;
	[tilespmem:$0x5580] =	vst v63  }
0x21: {  	_ =	swait.ge [sflag:s24], $0x280  }
0x22: {  	[sflag:s24] =	ssyncset.done $0x0  }
0x23: {  	[sflag:s24] =	ssyncadd.s32 $0xFFFFFD80  }
0x24: {  	[spmem:s5] =	stream.linear.scatter [tilespmem:s23], [sflag:$0x1], $0x280, $0x38;
	[tilespmem:$0x5580] =	vst v63  }
0x25: {  	_ =	swait.ge [sflag:s24], $0x280  }
0x26: {  	[sflag:s24] =	ssyncset.done $0x0  }
0x27: {  	[sflag:s24] =	ssyncadd.s32 $0xFFFFFD80  }
0x28: {  	[spmem:s6] =	stream.linear.scatter [tilespmem:s23], [sflag:$0x1], $0x280, $0x38;
	[tilespmem:$0x5580] =	vst v63  }
0x29: {  	_ =	swait.ge [sflag:s24], $0x280  }
0x2a: {  	[sflag:s24] =	ssyncset.done $0x0  }
0x2b: {  	[sflag:s24] =	ssyncadd.s32 $0xFFFFFD80  }
0x2c: {  	[spmem:s7] =	stream.linear.scatter [tilespmem:s23], [sflag:$0x1], $0x280, $0x38;
	[tilespmem:$0x5580] =	vst v63  }
0x2d: {  	_ =	swait.ge [sflag:s24], $0x280  }
0x2e: {  	[sflag:s24] =	ssyncset.done $0x0  }
0x2f: {  	[sflag:s24] =	ssyncadd.s32 $0xFFFFFD80  }
0x30: {  	[spmem:s8] =	stream.linear.scatter [tilespmem:s23], [sflag:$0x1], $0x280, $0x38;
	[tilespmem:$0x5580] =	vst v63  }
0x31: {  	_ =	swait.ge [sflag:s24], $0x280  }
0x32: {  	[sflag:s24] =	ssyncset.done $0x0  }
0x33: {  	[sflag:s24] =	ssyncadd.s32 $0xFFFFFD80  }
0x34: {  	[spmem:s9] =	stream.linear.scatter [tilespmem:s23], [sflag:$0x1], $0x280, $0x38;
	[tilespmem:$0x5580] =	vst v63  }
0x35: {  	_ =	swait.ge [sflag:s24], $0x280  }
0x36: {  	[sflag:s24] =	ssyncset.done $0x0  }
0x37: {  	[sflag:s24] =	ssyncadd.s32 $0xFFFFFD80  }
0x38: {  	[spmem:s10] =	stream.linear.scatter [tilespmem:s23], [sflag:$0x1], $0x280, $0x38;
	[tilespmem:$0x5580] =	vst v63  }
0x39: {  	_ =	swait.ge [sflag:s24], $0x280  }
0x3a: {  	[sflag:s24] =	ssyncset.done $0x0  }
0x3b: {  	[sflag:s24] =	ssyncadd.s32 $0xFFFFFD80  }
0x3c: {  	[spmem:s11] =	stream.linear.scatter [tilespmem:s23], [sflag:$0x1], $0x280, $0x38;
	[tilespmem:$0x5580] =	vst v63  }
0x3d: {  	_ =	swait.ge [sflag:s24], $0x280  }
0x3e: {  	[sflag:s24] =	ssyncset.done $0x0  }
0x3f: {  	[sflag:s24] =	ssyncadd.s32 $0xFFFFFD80  }
0x40: {  	[spmem:s12] =	stream.linear.scatter [tilespmem:s23], [sflag:$0x1], $0x280, $0x38;
	[tilespmem:$0x5580] =	vst v63  }
0x41: {  	_ =	swait.ge [sflag:s24], $0x280  }
0x42: {  	[sflag:s24] =	ssyncset.done $0x0  }
0x43: {  	[sflag:s24] =	ssyncadd.s32 $0xFFFFFD80  }
0x44: {  	[spmem:s13] =	stream.linear.scatter [tilespmem:s23], [sflag:$0x1], $0x280, $0x38;
	[tilespmem:$0x5580] =	vst v63  }
0x45: {  	_ =	swait.ge [sflag:s24], $0x280  }
0x46: {  	[sflag:s24] =	ssyncset.done $0x0  }
0x47: {  	[sflag:s24] =	ssyncadd.s32 $0xFFFFFD80  }
0x48: {  	[spmem:s14] =	stream.linear.scatter [tilespmem:s23], [sflag:$0x1], $0x280, $0x38;
	[tilespmem:$0x5580] =	vst v63  }
0x49: {  	_ =	swait.ge [sflag:s24], $0x280  }
0x4a: {  	[sflag:s24] =	ssyncset.done $0x0  }
0x4b: {  	[sflag:s24] =	ssyncadd.s32 $0xFFFFFD80  }
0x4c: {  	[spmem:s15] =	stream.linear.scatter [tilespmem:s23], [sflag:$0x1], $0x280, $0x38;
	[tilespmem:$0x5580] =	vst v63  }
0x4d: {  	_ =	swait.ge [sflag:s24], $0x280  }
0x4e: {  	[sflag:s24] =	ssyncset.done $0x0  }
0x4f: {  	[sflag:s24] =	ssyncadd.s32 $0xFFFFFD80  }
0x50: {  	[spmem:s16] =	stream.linear.scatter [tilespmem:s23], [sflag:$0x1], $0x280, $0x38;
	[tilespmem:$0x5580] =	vst v63  }
0x51: {  	_ =	swait.ge [sflag:s24], $0x280  }
0x52: {  	[sflag:s24] =	ssyncset.done $0x0  }
0x53: {  	[sflag:s24] =	ssyncadd.s32 $0xFFFFFD80  }
0x54: {  	[spmem:s17] =	stream.linear.scatter [tilespmem:s23], [sflag:$0x1], $0x280, $0x38;
	[tilespmem:$0x5580] =	vst v63  }
0x55: {  	_ =	swait.ge [sflag:s24], $0x280  }
0x56: {  	[sflag:s24] =	ssyncset.done $0x0  }
0x57: {  	[sflag:s24] =	ssyncadd.s32 $0xFFFFFD80  }
0x58: {  	[spmem:s18] =	stream.linear.scatter [tilespmem:s23], [sflag:$0x1], $0x280, $0x38;
	[tilespmem:$0x5580] =	vst v63  }
0x59: {  	_ =	swait.ge [sflag:s24], $0x280  }
0x5a: {  	[sflag:s24] =	ssyncset.done $0x0  }
0x5b: {  	[sflag:s24] =	ssyncadd.s32 $0xFFFFFD80  }
0x5c: {  	[spmem:s19] =	stream.linear.scatter [tilespmem:s23], [sflag:$0x1], $0x280, $0x38;
	[tilespmem:$0x5580] =	vst v63  }
0x5d: {  	_ =	swait.ge [sflag:s24], $0x280  }
0x5e: {  	[sflag:s24] =	ssyncset.done $0x0  }
0x5f: {  	s1 =	simm.s32 $0x0;
	[sflag:s24] =	ssyncadd.s32 $0xFFFFFD80  }
0x60: {  	[tilespmem:s1], [sflag:$0x1] =	stream.linear.gather [hbm4b:s20+s1], $0x2800, $0x38;
	[tilespmem:$0x5580] =	vst v63  }
0x61: {  	_ =	swait.ge [sflag:s24], $0x2800  }
0x62: {  	[sflag:s24] =	ssyncset.done $0x0  }
0x63: {  	s30 =	simm.s32 $0x0;
	[sflag:s24] =	ssyncadd.s32 $0xFFFFD800  }
0x64: {  	v5 =	vld [tilespmem:s30+$0x0]  }
0x65: {  	v7 =	vld [tilespmem:s30+$0x10]  }
0x66: {  	v6 =	vld [tilespmem:s30+$0x20]  }
0x67: {  	v4 =	vld [tilespmem:s30+$0x30]  }
0x68: {  	v3 =	vld [tilespmem:s30+$0x40]  }
0x69: {  	v8 =	vadd.s32 v0, v5;
	v5 =	vld [tilespmem:s30+$0x50]  }
0x6a: {  	s31 =	simm.s32 $0x200;
	[tilespmem:s30+$0x0] =	vst v8;
	v8 =	vadd.s32 v0, v7;
	v7 =	vld [tilespmem:s30+$0x60]  }
.LBB2_4:
0x6b: {  	s1 =	sshra.s32 s31, $0x2;
	p0 =	sne.s32 s31, $0x9E00;
	[tilespmem:s30+$0x10] =	vst v8;
	v6 =	vadd.s32 v0, v6;
	v8 =	vld [tilespmem:s30+$0x70]  }
0x6c: {  	v9 =	vld [tilespmem:s1+$0x0];
	[tilespmem:s30+$0x20] =	vst v6;
	v4 =	vadd.s32 v0, v4  }
0x6d: {  	v10 =	vld [tilespmem:s1+$0x10];
	[tilespmem:s30+$0x30] =	vst v4;
	v3 =	vadd.s32 v0, v3  }
.Ltmp1:
0x6e: {  	v6 =	vld [tilespmem:s1+$0x20];
	[tilespmem:s30+$0x40] =	vst v3;
	v3 =	vadd.s32 v0, v5;
	(pc) =	sbr.rel @p0 .LBB2_4-.Ltmp1, $4  }
0x6f: {  	v4 =	vld [tilespmem:s1+$0x30];
	[tilespmem:s30+$0x50] =	vst v3;
	v5 =	vadd.s32 v0, v7  }
0x70: {  	v3 =	vld [tilespmem:s1+$0x40];
	[tilespmem:s30+$0x60] =	vst v5;
	v7 =	vadd.s32 v0, v8  }
0x71: {  	v8 =	vadd.s32 v0, v9;
	v5 =	vld [tilespmem:s1+$0x50];
	[tilespmem:s30+$0x70] =	vst v7;
	s30 =	smov.u32 s1  }
0x72: {  	s31 =	sadd.s32 $0x200, s31;
	[tilespmem:s30+$0x0] =	vst v8;
	v8 =	vadd.s32 v0, v10;
	v7 =	vld [tilespmem:s30+$0x60]  }
0x73: {  	[tilespmem:s30+$0x10] =	vst v8;
	v6 =	vadd.s32 v0, v6;
	v63 =	vld [tilespmem:s30+$0x70]  }
0x74: {  	[tilespmem:s30+$0x20] =	vst v6;
	v4 =	vadd.s32 v0, v4  }
0x75: {  	[tilespmem:s30+$0x30] =	vst v4;
	v3 =	vadd.s32 v0, v3  }
0x76: {  	[tilespmem:s30+$0x40] =	vst v3;
	v3 =	vadd.s32 v0, v5  }
0x77: {  	[tilespmem:s30+$0x50] =	vst v3;
	v3 =	vadd.s32 v0, v7  }
0x78: {  	[tilespmem:s30+$0x60] =	vst v3;
	v3 =	vadd.s32 v0, v63  }
0x79: {  	[tilespmem:s30+$0x70] =	vst v3  }
0x7a: {  	s1 =	simm.s32 $0x0;
	[bflag:$0x0] =	sbarrier.arrive $0xFFFF  }
0x7b: {  	[spmem:s2] =	stream.indirect.scatter.add.f32 [tilespmem:s26], [sflag:$0x1], $0x1, s1, s25, $0xb8;
	[tilespmem:$0x5580] =	vst v63  }
0x7c: {  	_ =	swait.ge [sflag:s24], $0x80  }
0x7d: {  	s30 =	simm.s32 $0x200;
	[sflag:s24] =	ssyncset.done $0x0  }
.LBB2_6:
0x7e: {  	s1 =	sshra.s32 s30, $0x2;
	[sflag:s24] =	ssyncadd.s32 $0xFFFFFF80;
	p0 =	sne.s32 s30, $0x9E00  }
0x7f: {  	[spmem:s2] =	stream.indirect.scatter.add.f32 [tilespmem:s26], [sflag:$0x1], $0x1, s1, s25, $0xb8;
	[tilespmem:$0x5580] =	vst v63  }
.Ltmp2:
0x80: {  	_ = 	snop;
	(pc) =	sbr.rel @p0 .LBB2_6-.Ltmp2, $4  }
0x81: {  	_ = 	snop  }
0x82: {  	s30 =	sadd.s32 $0x200, s30  }
0x83: {  	_ =	swait.ge [sflag:s24], $0x80  }
0x84: {  	[sflag:s24] =	ssyncset.done $0x0  }
0x85: {  	[sflag:s24] =	ssyncadd.s32 $0xFFFFFF80  }
0x86: {  	[bflag:$0x0] =	sbarrier.arrive $0xFFFF  }
0x87: {  	[tilespmem:s23], [sflag:$0x1] =	stream.linear.gather [spmem:s4], $0x280, $0x38;
	[tilespmem:$0x5580] =	vst v63  }
0x88: {  	_ =	swait.ge [sflag:s24], $0x280  }
0x89: {  	[sflag:s24] =	ssyncset.done $0x0  }
0x8a: {  	s30 =	simm.s32 $0x0;
	[sflag:s24] =	ssyncadd.s32 $0xFFFFFD80  }
0x8b: {  	s31 =	simm.s32 $0x40;
	v3 =	vld [tilespmem:s30+$0x2880]  }
.LBB2_8:
0x8c: {  	p0 =	sne.s32 s31, $0x9C0;
	v4 =	vld [tilespmem:s30+$0x2B00];
	_ =	sdelay $0x2  }
.Ltmp3:
0x8d: {  	(pc) =	sbr.rel @p0 .LBB2_8-.Ltmp3, $4  }
0x8e: {  	_ = 	snop  }
0x8f: {  	v4 =	vadd.f32 v3, v4  }
0x90: {  	s1 =	sshra.s32 s31, $0x2  }
0x91: {  	s31 =	sadd.s32 $0x40, s31;
	v3 =	vld [tilespmem:s1+$0x2880];
	[tilespmem:s30+$0x2B00] =	vst v4;
	s30 =	smov.u32 s1  }
0x92: {  	v4 =	vld [tilespmem:s30+$0x2B00];
	_ =	sdelay $0x4  }
0x93: {  	v3 =	vadd.f32 v3, v4;
	_ =	sdelay $0x1  }
0x94: {  	[tilespmem:s30+$0x2B00] =	vst v3  }
0x95: {  	[tilespmem:s23], [sflag:$0x1] =	stream.linear.gather [spmem:s5], $0x280, $0x38;
	[tilespmem:$0x5580] =	vst v63  }
0x96: {  	_ =	swait.ge [sflag:s24], $0x280  }
0x97: {  	[sflag:s24] =	ssyncset.done $0x0  }
0x98: {  	s30 =	simm.s32 $0x0;
	[sflag:s24] =	ssyncadd.s32 $0xFFFFFD80  }
0x99: {  	s31 =	simm.s32 $0x40;
	v3 =	vld [tilespmem:s30+$0x2880]  }
.LBB2_10:
0x9a: {  	p0 =	sne.s32 s31, $0x9C0;
	v4 =	vld [tilespmem:s30+$0x2B00];
	_ =	sdelay $0x2  }
.Ltmp4:
0x9b: {  	(pc) =	sbr.rel @p0 .LBB2_10-.Ltmp4, $4  }
0x9c: {  	_ = 	snop  }
0x9d: {  	v4 =	vadd.f32 v3, v4  }
0x9e: {  	s1 =	sshra.s32 s31, $0x2  }
0x9f: {  	s31 =	sadd.s32 $0x40, s31;
	v3 =	vld [tilespmem:s1+$0x2880];
	[tilespmem:s30+$0x2B00] =	vst v4;
	s30 =	smov.u32 s1  }
0xa0: {  	v4 =	vld [tilespmem:s30+$0x2B00];
	_ =	sdelay $0x4  }
0xa1: {  	v3 =	vadd.f32 v3, v4;
	_ =	sdelay $0x1  }
0xa2: {  	[tilespmem:s30+$0x2B00] =	vst v3  }
0xa3: {  	[tilespmem:s23], [sflag:$0x1] =	stream.linear.gather [spmem:s6], $0x280, $0x38;
	[tilespmem:$0x5580] =	vst v63  }
0xa4: {  	_ =	swait.ge [sflag:s24], $0x280  }
0xa5: {  	[sflag:s24] =	ssyncset.done $0x0  }
0xa6: {  	s30 =	simm.s32 $0x0;
	[sflag:s24] =	ssyncadd.s32 $0xFFFFFD80  }
0xa7: {  	s31 =	simm.s32 $0x40;
	v3 =	vld [tilespmem:s30+$0x2880]  }
.LBB2_12:
0xa8: {  	p0 =	sne.s32 s31, $0x9C0;
	v4 =	vld [tilespmem:s30+$0x2B00];
	_ =	sdelay $0x2  }
.Ltmp5:
0xa9: {  	(pc) =	sbr.rel @p0 .LBB2_12-.Ltmp5, $4  }
0xaa: {  	_ = 	snop  }
0xab: {  	v4 =	vadd.f32 v3, v4  }
0xac: {  	s1 =	sshra.s32 s31, $0x2  }
0xad: {  	s31 =	sadd.s32 $0x40, s31;
	v3 =	vld [tilespmem:s1+$0x2880];
	[tilespmem:s30+$0x2B00] =	vst v4;
	s30 =	smov.u32 s1  }
0xae: {  	v4 =	vld [tilespmem:s30+$0x2B00];
	_ =	sdelay $0x4  }
0xaf: {  	v3 =	vadd.f32 v3, v4;
	_ =	sdelay $0x1  }
0xb0: {  	[tilespmem:s30+$0x2B00] =	vst v3  }
0xb1: {  	[tilespmem:s23], [sflag:$0x1] =	stream.linear.gather [spmem:s7], $0x280, $0x38;
	[tilespmem:$0x5580] =	vst v63  }
0xb2: {  	_ =	swait.ge [sflag:s24], $0x280  }
0xb3: {  	[sflag:s24] =	ssyncset.done $0x0  }
0xb4: {  	s30 =	simm.s32 $0x0;
	[sflag:s24] =	ssyncadd.s32 $0xFFFFFD80  }
0xb5: {  	s31 =	simm.s32 $0x40;
	v3 =	vld [tilespmem:s30+$0x2880]  }
.LBB2_14:
0xb6: {  	p0 =	sne.s32 s31, $0x9C0;
	v4 =	vld [tilespmem:s30+$0x2B00];
	_ =	sdelay $0x2  }
.Ltmp6:
0xb7: {  	(pc) =	sbr.rel @p0 .LBB2_14-.Ltmp6, $4  }
0xb8: {  	_ = 	snop  }
0xb9: {  	v4 =	vadd.f32 v3, v4  }
0xba: {  	s1 =	sshra.s32 s31, $0x2  }
0xbb: {  	s31 =	sadd.s32 $0x40, s31;
	v3 =	vld [tilespmem:s1+$0x2880];
	[tilespmem:s30+$0x2B00] =	vst v4;
	s30 =	smov.u32 s1  }
0xbc: {  	v4 =	vld [tilespmem:s30+$0x2B00];
	_ =	sdelay $0x4  }
0xbd: {  	v3 =	vadd.f32 v3, v4;
	_ =	sdelay $0x1  }
0xbe: {  	[tilespmem:s30+$0x2B00] =	vst v3  }
0xbf: {  	[tilespmem:s23], [sflag:$0x1] =	stream.linear.gather [spmem:s8], $0x280, $0x38;
	[tilespmem:$0x5580] =	vst v63  }
0xc0: {  	_ =	swait.ge [sflag:s24], $0x280  }
0xc1: {  	[sflag:s24] =	ssyncset.done $0x0  }
0xc2: {  	s30 =	simm.s32 $0x0;
	[sflag:s24] =	ssyncadd.s32 $0xFFFFFD80  }
0xc3: {  	s31 =	simm.s32 $0x40;
	v3 =	vld [tilespmem:s30+$0x2880]  }
.LBB2_16:
0xc4: {  	p0 =	sne.s32 s31, $0x9C0;
	v4 =	vld [tilespmem:s30+$0x2B00];
	_ =	sdelay $0x2  }
.Ltmp7:
0xc5: {  	(pc) =	sbr.rel @p0 .LBB2_16-.Ltmp7, $4  }
0xc6: {  	_ = 	snop  }
0xc7: {  	v4 =	vadd.f32 v3, v4  }
0xc8: {  	s1 =	sshra.s32 s31, $0x2  }
0xc9: {  	s31 =	sadd.s32 $0x40, s31;
	v3 =	vld [tilespmem:s1+$0x2880];
	[tilespmem:s30+$0x2B00] =	vst v4;
	s30 =	smov.u32 s1  }
0xca: {  	v4 =	vld [tilespmem:s30+$0x2B00];
	_ =	sdelay $0x4  }
0xcb: {  	v3 =	vadd.f32 v3, v4;
	_ =	sdelay $0x1  }
0xcc: {  	[tilespmem:s30+$0x2B00] =	vst v3  }
0xcd: {  	[tilespmem:s23], [sflag:$0x1] =	stream.linear.gather [spmem:s9], $0x280, $0x38;
	[tilespmem:$0x5580] =	vst v63  }
0xce: {  	_ =	swait.ge [sflag:s24], $0x280  }
0xcf: {  	[sflag:s24] =	ssyncset.done $0x0  }
0xd0: {  	s30 =	simm.s32 $0x0;
	[sflag:s24] =	ssyncadd.s32 $0xFFFFFD80  }
0xd1: {  	s31 =	simm.s32 $0x40;
	v3 =	vld [tilespmem:s30+$0x2880]  }
.LBB2_18:
0xd2: {  	p0 =	sne.s32 s31, $0x9C0;
	v4 =	vld [tilespmem:s30+$0x2B00];
	_ =	sdelay $0x2  }
.Ltmp8:
0xd3: {  	(pc) =	sbr.rel @p0 .LBB2_18-.Ltmp8, $4  }
0xd4: {  	_ = 	snop  }
0xd5: {  	v4 =	vadd.f32 v3, v4  }
0xd6: {  	s1 =	sshra.s32 s31, $0x2  }
0xd7: {  	s31 =	sadd.s32 $0x40, s31;
	v3 =	vld [tilespmem:s1+$0x2880];
	[tilespmem:s30+$0x2B00] =	vst v4;
	s30 =	smov.u32 s1  }
0xd8: {  	v4 =	vld [tilespmem:s30+$0x2B00];
	_ =	sdelay $0x4  }
0xd9: {  	v3 =	vadd.f32 v3, v4;
	_ =	sdelay $0x1  }
0xda: {  	[tilespmem:s30+$0x2B00] =	vst v3  }
0xdb: {  	[tilespmem:s23], [sflag:$0x1] =	stream.linear.gather [spmem:s10], $0x280, $0x38;
	[tilespmem:$0x5580] =	vst v63  }
0xdc: {  	_ =	swait.ge [sflag:s24], $0x280  }
0xdd: {  	[sflag:s24] =	ssyncset.done $0x0  }
0xde: {  	s30 =	simm.s32 $0x0;
	[sflag:s24] =	ssyncadd.s32 $0xFFFFFD80  }
0xdf: {  	s31 =	simm.s32 $0x40;
	v3 =	vld [tilespmem:s30+$0x2880]  }
.LBB2_20:
0xe0: {  	p0 =	sne.s32 s31, $0x9C0;
	v4 =	vld [tilespmem:s30+$0x2B00];
	_ =	sdelay $0x2  }
.Ltmp9:
0xe1: {  	(pc) =	sbr.rel @p0 .LBB2_20-.Ltmp9, $4  }
0xe2: {  	_ = 	snop  }
0xe3: {  	v4 =	vadd.f32 v3, v4  }
0xe4: {  	s1 =	sshra.s32 s31, $0x2  }
0xe5: {  	s31 =	sadd.s32 $0x40, s31;
	v3 =	vld [tilespmem:s1+$0x2880];
	[tilespmem:s30+$0x2B00] =	vst v4;
	s30 =	smov.u32 s1  }
0xe6: {  	v4 =	vld [tilespmem:s30+$0x2B00];
	_ =	sdelay $0x4  }
0xe7: {  	v3 =	vadd.f32 v3, v4;
	_ =	sdelay $0x1  }
0xe8: {  	[tilespmem:s30+$0x2B00] =	vst v3  }
0xe9: {  	[tilespmem:s23], [sflag:$0x1] =	stream.linear.gather [spmem:s11], $0x280, $0x38;
	[tilespmem:$0x5580] =	vst v63  }
0xea: {  	_ =	swait.ge [sflag:s24], $0x280  }
0xeb: {  	[sflag:s24] =	ssyncset.done $0x0  }
0xec: {  	s30 =	simm.s32 $0x0;
	[sflag:s24] =	ssyncadd.s32 $0xFFFFFD80  }
0xed: {  	s31 =	simm.s32 $0x40;
	v3 =	vld [tilespmem:s30+$0x2880]  }
.LBB2_22:
0xee: {  	p0 =	sne.s32 s31, $0x9C0;
	v4 =	vld [tilespmem:s30+$0x2B00];
	_ =	sdelay $0x2  }
.Ltmp10:
0xef: {  	(pc) =	sbr.rel @p0 .LBB2_22-.Ltmp10, $4  }
0xf0: {  	_ = 	snop  }
0xf1: {  	v4 =	vadd.f32 v3, v4  }
0xf2: {  	s1 =	sshra.s32 s31, $0x2  }
0xf3: {  	s31 =	sadd.s32 $0x40, s31;
	v3 =	vld [tilespmem:s1+$0x2880];
	[tilespmem:s30+$0x2B00] =	vst v4;
	s30 =	smov.u32 s1  }
0xf4: {  	v4 =	vld [tilespmem:s30+$0x2B00];
	_ =	sdelay $0x4  }
0xf5: {  	v3 =	vadd.f32 v3, v4;
	_ =	sdelay $0x1  }
0xf6: {  	[tilespmem:s30+$0x2B00] =	vst v3  }
0xf7: {  	[tilespmem:s23], [sflag:$0x1] =	stream.linear.gather [spmem:s12], $0x280, $0x38;
	[tilespmem:$0x5580] =	vst v63  }
0xf8: {  	_ =	swait.ge [sflag:s24], $0x280  }
0xf9: {  	[sflag:s24] =	ssyncset.done $0x0  }
0xfa: {  	s30 =	simm.s32 $0x0;
	[sflag:s24] =	ssyncadd.s32 $0xFFFFFD80  }
0xfb: {  	s31 =	simm.s32 $0x40;
	v3 =	vld [tilespmem:s30+$0x2880]  }
.LBB2_24:
0xfc: {  	p0 =	sne.s32 s31, $0x9C0;
	v4 =	vld [tilespmem:s30+$0x2B00];
	_ =	sdelay $0x2  }
.Ltmp11:
0xfd: {  	(pc) =	sbr.rel @p0 .LBB2_24-.Ltmp11, $4  }
0xfe: {  	_ = 	snop  }
0xff: {  	v4 =	vadd.f32 v3, v4  }
0x100: {  	s1 =	sshra.s32 s31, $0x2  }
0x101: {  	s31 =	sadd.s32 $0x40, s31;
	v3 =	vld [tilespmem:s1+$0x2880];
	[tilespmem:s30+$0x2B00] =	vst v4;
	s30 =	smov.u32 s1  }
0x102: {  	v4 =	vld [tilespmem:s30+$0x2B00];
	_ =	sdelay $0x4  }
0x103: {  	v3 =	vadd.f32 v3, v4;
	_ =	sdelay $0x1  }
0x104: {  	[tilespmem:s30+$0x2B00] =	vst v3  }
0x105: {  	[tilespmem:s23], [sflag:$0x1] =	stream.linear.gather [spmem:s13], $0x280, $0x38;
	[tilespmem:$0x5580] =	vst v63  }
0x106: {  	_ =	swait.ge [sflag:s24], $0x280  }
0x107: {  	[sflag:s24] =	ssyncset.done $0x0  }
0x108: {  	s30 =	simm.s32 $0x0;
	[sflag:s24] =	ssyncadd.s32 $0xFFFFFD80  }
0x109: {  	s31 =	simm.s32 $0x40;
	v3 =	vld [tilespmem:s30+$0x2880]  }
.LBB2_26:
0x10a: {  	p0 =	sne.s32 s31, $0x9C0;
	v4 =	vld [tilespmem:s30+$0x2B00];
	_ =	sdelay $0x2  }
.Ltmp12:
0x10b: {  	(pc) =	sbr.rel @p0 .LBB2_26-.Ltmp12, $4  }
0x10c: {  	_ = 	snop  }
0x10d: {  	v4 =	vadd.f32 v3, v4  }
0x10e: {  	s1 =	sshra.s32 s31, $0x2  }
0x10f: {  	s31 =	sadd.s32 $0x40, s31;
	v3 =	vld [tilespmem:s1+$0x2880];
	[tilespmem:s30+$0x2B00] =	vst v4;
	s30 =	smov.u32 s1  }
0x110: {  	v4 =	vld [tilespmem:s30+$0x2B00];
	_ =	sdelay $0x4  }
0x111: {  	v3 =	vadd.f32 v3, v4;
	_ =	sdelay $0x1  }
0x112: {  	[tilespmem:s30+$0x2B00] =	vst v3  }
0x113: {  	[tilespmem:s23], [sflag:$0x1] =	stream.linear.gather [spmem:s14], $0x280, $0x38;
	[tilespmem:$0x5580] =	vst v63  }
0x114: {  	_ =	swait.ge [sflag:s24], $0x280  }
0x115: {  	[sflag:s24] =	ssyncset.done $0x0  }
0x116: {  	s30 =	simm.s32 $0x0;
	[sflag:s24] =	ssyncadd.s32 $0xFFFFFD80  }
0x117: {  	s31 =	simm.s32 $0x40;
	v3 =	vld [tilespmem:s30+$0x2880]  }
.LBB2_28:
0x118: {  	p0 =	sne.s32 s31, $0x9C0;
	v4 =	vld [tilespmem:s30+$0x2B00];
	_ =	sdelay $0x2  }
.Ltmp13:
0x119: {  	(pc) =	sbr.rel @p0 .LBB2_28-.Ltmp13, $4  }
0x11a: {  	_ = 	snop  }
0x11b: {  	v4 =	vadd.f32 v3, v4  }
0x11c: {  	s1 =	sshra.s32 s31, $0x2  }
0x11d: {  	s31 =	sadd.s32 $0x40, s31;
	v3 =	vld [tilespmem:s1+$0x2880];
	[tilespmem:s30+$0x2B00] =	vst v4;
	s30 =	smov.u32 s1  }
0x11e: {  	v4 =	vld [tilespmem:s30+$0x2B00];
	_ =	sdelay $0x4  }
0x11f: {  	v3 =	vadd.f32 v3, v4;
	_ =	sdelay $0x1  }
0x120: {  	[tilespmem:s30+$0x2B00] =	vst v3  }
0x121: {  	[tilespmem:s23], [sflag:$0x1] =	stream.linear.gather [spmem:s15], $0x280, $0x38;
	[tilespmem:$0x5580] =	vst v63  }
0x122: {  	_ =	swait.ge [sflag:s24], $0x280  }
0x123: {  	[sflag:s24] =	ssyncset.done $0x0  }
0x124: {  	s30 =	simm.s32 $0x0;
	[sflag:s24] =	ssyncadd.s32 $0xFFFFFD80  }
0x125: {  	s31 =	simm.s32 $0x40;
	v3 =	vld [tilespmem:s30+$0x2880]  }
.LBB2_30:
0x126: {  	p0 =	sne.s32 s31, $0x9C0;
	v4 =	vld [tilespmem:s30+$0x2B00];
	_ =	sdelay $0x2  }
.Ltmp14:
0x127: {  	(pc) =	sbr.rel @p0 .LBB2_30-.Ltmp14, $4  }
0x128: {  	_ = 	snop  }
0x129: {  	v4 =	vadd.f32 v3, v4  }
0x12a: {  	s1 =	sshra.s32 s31, $0x2  }
0x12b: {  	s31 =	sadd.s32 $0x40, s31;
	v3 =	vld [tilespmem:s1+$0x2880];
	[tilespmem:s30+$0x2B00] =	vst v4;
	s30 =	smov.u32 s1  }
0x12c: {  	v4 =	vld [tilespmem:s30+$0x2B00];
	_ =	sdelay $0x4  }
0x12d: {  	v3 =	vadd.f32 v3, v4;
	_ =	sdelay $0x1  }
0x12e: {  	[tilespmem:s30+$0x2B00] =	vst v3  }
0x12f: {  	[tilespmem:s23], [sflag:$0x1] =	stream.linear.gather [spmem:s16], $0x280, $0x38;
	[tilespmem:$0x5580] =	vst v63  }
0x130: {  	_ =	swait.ge [sflag:s24], $0x280  }
0x131: {  	[sflag:s24] =	ssyncset.done $0x0  }
0x132: {  	s30 =	simm.s32 $0x0;
	[sflag:s24] =	ssyncadd.s32 $0xFFFFFD80  }
0x133: {  	s31 =	simm.s32 $0x40;
	v3 =	vld [tilespmem:s30+$0x2880]  }
.LBB2_32:
0x134: {  	p0 =	sne.s32 s31, $0x9C0;
	v4 =	vld [tilespmem:s30+$0x2B00];
	_ =	sdelay $0x2  }
.Ltmp15:
0x135: {  	(pc) =	sbr.rel @p0 .LBB2_32-.Ltmp15, $4  }
0x136: {  	_ = 	snop  }
0x137: {  	v4 =	vadd.f32 v3, v4  }
0x138: {  	s1 =	sshra.s32 s31, $0x2  }
0x139: {  	s31 =	sadd.s32 $0x40, s31;
	v3 =	vld [tilespmem:s1+$0x2880];
	[tilespmem:s30+$0x2B00] =	vst v4;
	s30 =	smov.u32 s1  }
0x13a: {  	v4 =	vld [tilespmem:s30+$0x2B00];
	_ =	sdelay $0x4  }
0x13b: {  	v3 =	vadd.f32 v3, v4;
	_ =	sdelay $0x1  }
0x13c: {  	[tilespmem:s30+$0x2B00] =	vst v3  }
0x13d: {  	[tilespmem:s23], [sflag:$0x1] =	stream.linear.gather [spmem:s17], $0x280, $0x38;
	[tilespmem:$0x5580] =	vst v63  }
0x13e: {  	_ =	swait.ge [sflag:s24], $0x280  }
0x13f: {  	[sflag:s24] =	ssyncset.done $0x0  }
0x140: {  	s30 =	simm.s32 $0x0;
	[sflag:s24] =	ssyncadd.s32 $0xFFFFFD80  }
0x141: {  	s31 =	simm.s32 $0x40;
	v3 =	vld [tilespmem:s30+$0x2880]  }
.LBB2_34:
0x142: {  	p0 =	sne.s32 s31, $0x9C0;
	v4 =	vld [tilespmem:s30+$0x2B00];
	_ =	sdelay $0x2  }
.Ltmp16:
0x143: {  	(pc) =	sbr.rel @p0 .LBB2_34-.Ltmp16, $4  }
0x144: {  	_ = 	snop  }
0x145: {  	v4 =	vadd.f32 v3, v4  }
0x146: {  	s1 =	sshra.s32 s31, $0x2  }
0x147: {  	s31 =	sadd.s32 $0x40, s31;
	v3 =	vld [tilespmem:s1+$0x2880];
	[tilespmem:s30+$0x2B00] =	vst v4;
	s30 =	smov.u32 s1  }
0x148: {  	v4 =	vld [tilespmem:s30+$0x2B00];
	_ =	sdelay $0x4  }
0x149: {  	v3 =	vadd.f32 v3, v4;
	_ =	sdelay $0x1  }
0x14a: {  	[tilespmem:s30+$0x2B00] =	vst v3  }
0x14b: {  	[tilespmem:s23], [sflag:$0x1] =	stream.linear.gather [spmem:s18], $0x280, $0x38;
	[tilespmem:$0x5580] =	vst v63  }
0x14c: {  	_ =	swait.ge [sflag:s24], $0x280  }
0x14d: {  	[sflag:s24] =	ssyncset.done $0x0  }
0x14e: {  	s30 =	simm.s32 $0x0;
	[sflag:s24] =	ssyncadd.s32 $0xFFFFFD80  }
0x14f: {  	s31 =	simm.s32 $0x40;
	v3 =	vld [tilespmem:s30+$0x2880]  }
.LBB2_36:
0x150: {  	p0 =	sne.s32 s31, $0x9C0;
	v4 =	vld [tilespmem:s30+$0x2B00];
	_ =	sdelay $0x2  }
.Ltmp17:
0x151: {  	(pc) =	sbr.rel @p0 .LBB2_36-.Ltmp17, $4  }
0x152: {  	_ = 	snop  }
0x153: {  	v4 =	vadd.f32 v3, v4  }
0x154: {  	s1 =	sshra.s32 s31, $0x2  }
0x155: {  	s31 =	sadd.s32 $0x40, s31;
	v3 =	vld [tilespmem:s1+$0x2880];
	[tilespmem:s30+$0x2B00] =	vst v4;
	s30 =	smov.u32 s1  }
0x156: {  	v4 =	vld [tilespmem:s30+$0x2B00];
	_ =	sdelay $0x4  }
0x157: {  	v3 =	vadd.f32 v3, v4;
	_ =	sdelay $0x1  }
0x158: {  	[tilespmem:s30+$0x2B00] =	vst v3  }
0x159: {  	[tilespmem:s23], [sflag:$0x1] =	stream.linear.gather [spmem:s19], $0x280, $0x38;
	[tilespmem:$0x5580] =	vst v63  }
0x15a: {  	_ =	swait.ge [sflag:s24], $0x280  }
0x15b: {  	[sflag:s24] =	ssyncset.done $0x0  }
0x15c: {  	s30 =	simm.s32 $0x0;
	[sflag:s24] =	ssyncadd.s32 $0xFFFFFD80  }
0x15d: {  	s31 =	simm.s32 $0x40;
	v3 =	vld [tilespmem:s30+$0x2880]  }
.LBB2_38:
0x15e: {  	p0 =	sne.s32 s31, $0x9C0;
	v4 =	vld [tilespmem:s30+$0x2B00];
	_ =	sdelay $0x2  }
.Ltmp18:
0x15f: {  	(pc) =	sbr.rel @p0 .LBB2_38-.Ltmp18, $4  }
0x160: {  	_ = 	snop  }
0x161: {  	v4 =	vadd.f32 v3, v4  }
0x162: {  	s1 =	sshra.s32 s31, $0x2  }
0x163: {  	s31 =	sadd.s32 $0x40, s31;
	v3 =	vld [tilespmem:s1+$0x2880];
	[tilespmem:s30+$0x2B00] =	vst v4;
	s30 =	smov.u32 s1  }
0x164: {  	v4 =	vld [tilespmem:s30+$0x2B00];
	_ =	sdelay $0x4  }
0x165: {  	s29 =	sadd.s32 $0x1, s29;
	v3 =	vadd.f32 v3, v4  }
0x166: {  	p0 =	sne.s32 s29, s22  }
.Ltmp19:
0x167: {  	[tilespmem:s30+$0x2B00] =	vst v3;
	(pc) =	sbr.rel @p0 .LBB2_1-.Ltmp19, $4  }
0x168: {  	[hbm4b:s21+s3] =	stream.linear.scatter [tilespmem:s28], [sflag:$0x1], $0x280, $0x38;
	[tilespmem:$0x5580] =	vst v63  }
0x169: {  	_ =	swait.ge [sflag:s24], $0x280  }
0x16a: {  	[sflag:s24] =	ssyncset.done $0x0  }
0x16b: {  	[sflag:s24] =	ssyncadd.s32 $0xFFFFFD80  }
0x16c: {  	_ =	sfence.sel $0x180000  }
0x16d: {  	[bflag:$0x0] =	sbarrier.arrive $0xFFFF  }
0x16e: {  	_ =	strace $0x90000047  }
0x16f: {  	[bflag:$0x2] =	sbarrier.arrive $0xFFFF  }
0x170: {  	p0 =	sne.s32 s0, $0x0;
	s0 =	rddreg [dreg:$0x3]  }
0x171: {  	s0 =	sadd.s32 @!p0 $0x100000, s0  }
0x172: {  	[sflag:s0] =	ssyncadd.tile.s32 @!p0 $0x1;
	_ =	shalt  }
.Lfunc_end2:
_tile_overlayer_lowered:
.L_overlay_start_2:
0x173: {  	(tag) =	ssettag $0x2  }
0x174: {  	s0 =	rddreg [dreg:$0x0];
	s2 =	stileid.u32  }
0x175: {  	s1 =	rddreg [dreg:$0x1];
	p0 =	sne.s32 s2, $0x0  }
0x176: {  	s3 =	rddreg [dreg:$0x2];
	[bflag:$0x3] =	sbarrier.arrive $0xFFFF;
	s2 =	simm.s32 @!p0 $0x1C01  }
0x177: {  	[timem:s3], [sflag:s2] =	dma.local @!p0 [hbm:s0], s1  }
0x178: {  	s0 =	simm.s32 @!p0 $0x1  }
0x179: {  	_ =	swait.ge @!p0 [sflag:s0], s1  }
0x17a: {  	s1 =	ssub.s32 @!p0 $0x0, s1;
	[sflag:s0] =	ssyncset.done @!p0 $0x0  }
0x17b: {  	[sflag:s0] =	ssyncadd.s32 @!p0 s1  }
0x17c: {  	[bflag:$0x3] =	sbarrier.arrive $0xFFFF  }
0x17d: {  	_ =	shalt  }

// kernel: kernel.9.cloned.1.call-start
scs
__scs_entry_jumppad:
0x0: {  	(pc) =	sbr.rel $0x88, $3  }
0x1: {  	(tag) =	ssettag $0x0;
	lr =	simm.s32 $0x1  }
0x2: {  	[smem:$0x3F95] =	sst lr;
	_ =	strace $0xD0000000  }
0x3: {  	_ = 	snop  }
0x4: {  	_ = 	snop  }
0x5: {  	_ = 	snop  }
0x6: {  	_ = 	snop  }
0x7: {  	_ = 	snop  }
__scs_overlays_trampoline_lowered:
0x8: {  	[smem:$0x3FA4] =	sst s0  }
0x9: {  	[smem:$0x3FA5] =	sst s1  }
0xa: {  	[smem:$0x3FA6] =	sst s2  }
0xb: {  	[smem:$0x3FA7] =	sst s3  }
0xc: {  	[smem:$0x3FA8] =	sst s4  }
0xd: {  	[smem:$0x3FA9] =	sst s5  }
0xe: {  	[smem:$0x3FAA] =	sst s6  }
0xf: {  	[smem:$0x3FAB] =	sst s7  }
0x10: {  	[smem:$0x3FAC] =	sst s8  }
0x11: {  	[smem:$0x3FAD] =	sst s9;
	s0 =	simm.s32 @!p0 $0x0  }
0x12: {  	s1 =	sld [smem:$0x3F93];
	s0 =	simm.s32 @p0 $0x1  }
0x13: {  	[smem:$0x3FAE] =	sst s0;
	s0 =	simm.s32 @!p1 $0x0  }
0x14: {  	s2 =	sld [smem:$0x3F92];
	s0 =	simm.s32 @p1 $0x1  }
0x15: {  	[smem:$0x3FAF] =	sst s0;
	s0 =	simm.s32 @!p2 $0x0  }
0x16: {  	s3 =	sld [smem:$0x3FDB];
	s0 =	simm.s32 @p2 $0x1  }
0x17: {  	s4 =	simm.s32 $0x1BF5;
	[smem:$0x3FB1] =	sst s0  }
0x18: {  	s0 =	sld [smem:$0x3F94];
	_ =	swait.ge [sflag:s4], $0x0  }
0x19: {  	s7 =	sld [smem:$0x3F95]  }
0x1a: {  	s8 =	sadd.s32 $0xFFFFE003, lr  }
0x1b: {  	s9 =	sadd.s32 $0xFFFFFEF7, lr;
	s5 =	simm.s32 $0xFFFFFFFF;
	p2 =	slt.u32 s8, $0xFFFFF086  }
0x1c: {  	p1 =	slt.u32 s9, $0xF7A;
	s5 =	simm.s32 @!p2 $0x0  }
0x1d: {  	s5 =	simm.s32 @p1 $0x1;
	p0 =	seq.s32 s7, s2  }
0x1e: {  	s7 =	smul.u32 @!p0 $0xF7A, s2;
	p2 =	seq.s32 @!p0 s5, $0x0  }
0x1f: {  	s9 =	smul.u32 $0xF7A, s1;
	s8 =	simm.s32 @!p0 $0x1BF5;
	p2 =	por !p2, p0  }
0x20: {  	[sflag:s8] =	ssyncset.s32 @!p0 $0xFFFFF086;
	s6 =	sadd.s32 @!p0 s3, s7;
	s7 =	simm.s32 @!p0 $0x108  }
0x21: {  	s3 =	sadd.s32 s3, s9;
	s6 =	sadd.s32 @!p0 $0x88, s6;
	s7 =	simm.s32 @p2 $0x1082  }
0x22: {  	[simem:s7], [sflag:s8] =	dma.local @!p0 [hbm:s6], $0xF7A  }
0x23: {  	s9 =	sor.u32 $0xD0000000, s2;
	s6 =	simm.s32 $0x108;
	_ =	swait.ge @!p0 [sflag:s8], $0x0  }
0x24: {  	s3 =	sadd.s32 $0x88, s3;
	s6 =	simm.s32 @!p1 $0x1082;
	[sflag:s4] =	ssyncset.s32 $0xFFFFF086  }
0x25: {  	[simem:s6], [sflag:s4] =	dma.local [hbm:s3], $0xF7A  }
0x26: {  	[smem:$0x3F95] =	sst s1;
	(tag) =	ssettag s2;
	_ =	strace s9  }
0x27: {  	s1 =	sld [smem:$0x3FA5]  }
0x28: {  	s2 =	sld [smem:$0x3FA6]  }
0x29: {  	s4 =	sld [smem:$0x3FA8]  }
0x2a: {  	p0 =	seq.s32 s5, $0x0;
	s5 =	sld [smem:$0x3FA9]  }
0x2b: {  	s6 =	sld [smem:$0x3FAA]  }
0x2c: {  	s7 =	sld [smem:$0x3FAB]  }
0x2d: {  	s3 =	simm.s32 $0x108;
	s8 =	sld [smem:$0x3FAC]  }
0x2e: {  	s3 =	simm.s32 @!p0 $0x1082;
	s9 =	sld [smem:$0x3FAD]  }
0x2f: {  	lr =	sadd.s32 s0, s3;
	s0 =	sld [smem:$0x3FA4]  }
0x30: {  	s3 =	sld [smem:$0x3FA7]  }
0x31: {  	[smem:$0x3FB0] =	sst s10  }
0x32: {  	s10 =	sld [smem:$0x3FAE];
	_ =	sdelay $0x3  }
0x33: {  	p0 =	seq.s32 s10, $0x1;
	s10 =	sld [smem:$0x3FB0];
	_ =	sdelay $0x3  }
0x34: {  	[smem:$0x3FB0] =	sst s10  }
0x35: {  	s10 =	sld [smem:$0x3FAF];
	_ =	sdelay $0x3  }
0x36: {  	p1 =	seq.s32 s10, $0x1;
	s10 =	sld [smem:$0x3FB0];
	_ =	sdelay $0x3  }
0x37: {  	[smem:$0x3FB0] =	sst s10  }
0x38: {  	s10 =	sld [smem:$0x3FB1]  }
0x39: {  	_ = 	snop;
	(pc) =	sbr.ind lr, $3  }
0x3a: {  	_ = 	snop  }
0x3b: {  	_ = 	snop  }
0x3c: {  	p2 =	seq.s32 s10, $0x1;
	s10 =	sld [smem:$0x3FB0]  }
0x3d: {  	_ =	shalt  }
0x3e: {  	_ =	shalt  }
0x3f: {  	_ =	shalt  }
0x40: {  	_ =	shalt  }
0x41: {  	_ =	shalt  }
0x42: {  	_ =	shalt  }
0x43: {  	_ =	shalt  }
0x44: {  	_ =	shalt  }
0x45: {  	_ =	shalt  }
0x46: {  	_ =	shalt  }
0x47: {  	_ =	shalt  }
0x48: {  	_ =	shalt  }
0x49: {  	_ =	shalt  }
0x4a: {  	_ =	shalt  }
0x4b: {  	_ =	shalt  }
0x4c: {  	_ =	shalt  }
0x4d: {  	_ =	shalt  }
0x4e: {  	_ =	shalt  }
0x4f: {  	_ =	shalt  }
0x50: {  	_ =	shalt  }
0x51: {  	_ =	shalt  }
0x52: {  	_ =	shalt  }
0x53: {  	_ =	shalt  }
0x54: {  	_ =	shalt  }
0x55: {  	_ =	shalt  }
0x56: {  	_ =	shalt  }
0x57: {  	_ =	shalt  }
0x58: {  	_ =	shalt  }
0x59: {  	_ =	shalt  }
0x5a: {  	_ =	shalt  }
0x5b: {  	_ =	shalt  }
0x5c: {  	_ =	shalt  }
0x5d: {  	_ =	shalt  }
0x5e: {  	_ =	shalt  }
0x5f: {  	_ =	shalt  }
0x60: {  	_ =	shalt  }
0x61: {  	_ =	shalt  }
0x62: {  	_ =	shalt  }
0x63: {  	_ =	shalt  }
0x64: {  	_ =	shalt  }
0x65: {  	_ =	shalt  }
0x66: {  	_ =	shalt  }
0x67: {  	_ =	shalt  }
0x68: {  	_ =	shalt  }
0x69: {  	_ =	shalt  }
0x6a: {  	_ =	shalt  }
0x6b: {  	_ =	shalt  }
0x6c: {  	_ =	shalt  }
0x6d: {  	_ =	shalt  }
0x6e: {  	_ =	shalt  }
0x6f: {  	_ =	shalt  }
0x70: {  	_ =	shalt  }
0x71: {  	_ =	shalt  }
0x72: {  	_ =	shalt  }
0x73: {  	_ =	shalt  }
0x74: {  	_ =	shalt  }
0x75: {  	_ =	shalt  }
0x76: {  	_ =	shalt  }
0x77: {  	_ =	shalt  }
0x78: {  	_ =	shalt  }
0x79: {  	_ =	shalt  }
0x7a: {  	_ =	shalt  }
0x7b: {  	_ =	shalt  }
0x7c: {  	_ =	shalt  }
0x7d: {  	_ =	shalt  }
0x7e: {  	_ =	shalt  }
0x7f: {  	_ =	shalt  }
0x80: {  	_ =	shalt  }
0x81: {  	_ =	shalt  }
0x82: {  	_ =	shalt  }
0x83: {  	_ =	shalt  }
0x84: {  	_ =	shalt  }
0x85: {  	_ =	shalt  }
0x86: {  	_ =	shalt  }
0x87: {  	_ =	shalt  }
.Lfunc_end0:
.L_simem_size_0:
called_computation.1_lowered:
.L_overlay_start_0:
0x88: {  	s2 =	sld [smem:$0x3FD9]  }
0x89: {  	s3 =	sld [smem:$0x3FFE];
	_ =	sdelay $0x1  }
0x8a: {  	s1 =	srdreg.scid  }
0x8b: {  	s0 =	sand.u32 $0x1, s1  }
0x8c: {  	s17 =	sshll.u32 s0, $0xA;
	s2 =	sadd.s32 s3, s2  }
0x8d: {  	s2 =	sadd.s32 s2, s17  }
0x8e: {  	[smem:$0x3FBC] =	sst s2  }
0x8f: {  	_ = 	snop  }
0x90: {  	s2 =	sld [smem:$0x3FD0];
	(tm) =	ssettm $0x1  }
0x91: {  	s18 =	sld [smem:$0x3FFB];
	_ =	sdelay $0x3  }
0x92: {  	_ =	strace s18  }
0x93: {  	s3 =	sld [smem:$0x3FFC];
	_ =	sdelay $0x3  }
0x94: {  	_ =	strace s3  }
0x95: {  	s3 =	sld [smem:$0x3FFD];
	_ =	sdelay $0x3  }
0x96: {  	_ =	strace s3  }
0x97: {  	_ =	strace $0x8FFFFFFF  }
0x98: {  	s19 =	sld [smem:$0x3FDB];
	_ =	sdelay $0x1  }
0x99: {  	s4 =	simm.s32 $_scs_section_size  }
0x9a: {  	s5 =	simm.s32 $_size__tile_overlayer_lowered;
	s6 =	simm.s32 $_tile_overlayer_lowered  }
0x9b: {  	s22 =	simm.s32 $0x1BFF;
	s21 =	sshll.u32 s6, $0x1;
	s3 =	sadd.s32 s4, s19  }
0x9c: {  	s7 =	simm.s32 $0x0;
	s20 =	sshll.u32 s5, $0x1;
	s5 =	sadd.s32 s21, s3  }
0x9d: {  	[timem:s7], [sflag:s22] =	dma.local [hbm:s5], s20  }
0x9e: {  	_ =	swait.ge [sflag:s22], s20  }
0x9f: {  	s4 =	ssub.s32 $0x0, s20;
	[sflag:s22] =	ssyncset.done $0x0  }
0xa0: {  	[sflag:s22] =	ssyncadd.s32 s4;
	_ =	sdelay $0x1  }
0xa1: {  	s23 =	simm.s32 $0x1B8B  }
0xa2: {  	_ =	swait.ge [sflag:s23], $0x1  }
0xa3: {  	[sflag:s23] =	ssyncset.done $0x0  }
0xa4: {  	s25 =	simm.s32 $0x1B8E;
	s24 =	sld [smem:$0x3FFE];
	[sflag:s23] =	ssyncadd.s32 $0xFFFFFFFF  }
0xa5: {  	s26 =	simm.s32 $execute0_lowered;
	[smem:$0x3FD2] =	sst s25  }
0xa6: {  	s5 =	sshll.u32 s26, $0x1;
	_ =	strace $0x80000049;
	[dreg:$0x1] =	wrdreg $0xFFFFFFFF  }
0xa7: {  	s28 =	simm.s32 $_size_execute0_lowered;
	s3 =	sadd.s32 s3, s5;
	[dreg:$0x0] =	wrdreg $0x0  }
0xa8: {  	s5 =	sshll.u32 s28, $0x1;
	[dreg:$0x2] =	wrdreg s3  }
0xa9: {  	[dreg:$0x3] =	wrdreg s5  }
0xaa: {  	[dreg:$0x4] =	wrdreg $0xC0  }
0xab: {  	_ =	task [dreg:s7], $0x5FFFF  }
0xac: {  	[dreg:$0x1] =	wrdreg $0xFFFFFFFF  }
0xad: {  	[dreg:$0x0] =	wrdreg $0x60  }
0xae: {  	[dreg:$0x2] =	wrdreg s24  }
0xaf: {  	[dreg:$0x3] =	wrdreg s2  }
0xb0: {  	[dreg:$0x4] =	wrdreg $0x118800  }
0xb1: {  	[dreg:$0x5] =	wrdreg $0x78800  }
0xb2: {  	[dreg:$0x6] =	wrdreg $0x9  }
0xb3: {  	_ =	task.clear_ibuf [dreg:s7], $0x7FFFF;
	_ =	strace $0x90000049  }
0xb4: {  	s29 =	simm.s32 $0x9;
	_ =	strace $0x8000004B  }
0xb5: {  	_ =	swait.ge [sflag:s29], $0x1  }
0xb6: {  	[sflag:s29] =	ssyncadd.s32 $0xFFFFFFFF  }
0xb7: {  	_ =	strace $0x9000004B  }
0xb8: {  	_ =	sfence  }
0xb9: {  	s30 =	sld [smem:$0x0];
	_ =	sdelay $0x2  }
0xba: {  	s31 =	sshll.u32 s1, $0xD;
	s1 =	sshrl.u32 s1, $0x2  }
0xbb: {  	s3 =	sand.u32 $0x4000, s31;
	s1 =	sadd.s32 s1, s30  }
0xbc: {  	s0 =	sor.u32 s3, s0;
	s1 =	sshll.u32 s1, $0x11  }
0xbd: {  	s0 =	sor.u32 s1, s0  }
0xbe: {  	s0 =	sadd.s32 $0x8F2B, s0  }
0xbf: {  	[sflag:s0] =	ssyncadd.remote.s32 $0x1  }
0xc0: {  	_ =	sfence.sel $0xFFFF  }
0xc1: {  	[dreg:$0x0] =	wrdreg $0xFFFFFFFF;
	(pc) =	sbr.abs _section_cstart, $3  }
0xc2: {  	[dreg:$0x1] =	wrdreg $0xFFFFFFFF  }
0xc3: {  	_ =	task.clear_ibuf [dreg:s7], $0x2FFFF;
	_ =	strace $0x9FFFFFFF  }
0xc4: {  	(tm) =	ssettm $0x7FFFFFFF  }
0xc5: {  	_ =	shalt  }
tec
execute0_lowered:
.L_overlay_start_1:
0x0: {  	(tag) =	ssettag $0x1  }
0x1: {  	s0 =	rddreg [dreg:$0x0]  }
0x2: {  	s15 =	rddreg [dreg:$0x1]  }
0x3: {  	s1 =	rddreg [dreg:$0x2]  }
0x4: {  	s3 =	rddreg [dreg:$0x3]  }
0x5: {  	s25 =	simm.s32 $0x0;
	s5 =	stileid.u32;
	s2 =	srdreg.scid  }
0x6: {  	s29 =	simm.s32 $0x880;
	s22 =	simm.s32 $0xA00;
	s16 =	smul.u32 $0xA00, s5  }
0x7: {  	[smem:$0x7FF] =	sst s25;
	s17 =	sadd.s32 $0xC800, s0;
	s10 =	smul.u32 $0x280, s5  }
0x8: {  	s18 =	sand.u32 $0x1, s2;
	s2 =	smul.u32 $0xA000, s5;
	s5 =	sadd.s32 $0x34800, s0  }
0x9: {  	_ =	strace $0x8000004A;
	s6 =	ssub.s32 $0x2, s18;
	[dreg:$0x7] =	wrdreg s29  }
0xa: {  	s20 =	smul.u32 $0xA0000, s18;
	[dreg:$0xa] =	wrdreg s22;
	s19 =	sadd.s32 s16, s0  }
0xb: {  	s23 =	sshrl.u32 s6, $0x1;
	s12 =	sadd.s32 $0x80, s10;
	s24 =	sadd.s32 s2, s1  }
0xc: {  	s14 =	sadd.s32 $0x100, s10;
	s11 =	sadd.s32 $0x180, s10;
	s13 =	sadd.s32 $0x200, s10  }
0xd: {  	s15 =	sadd.s32 s16, s15;
	s0 =	ssub.s32 s6, s23;
	[smem:$0x7E4] =	sst s24  }
0xe: {  	s6 =	sshll.u32 s12, $0x6;
	[dreg:$0x5] =	wrdreg s15;
	s28 =	sadd.s32 $0x2800, s19  }
0xf: {  	s7 =	sshll.u32 s14, $0x6;
	s19 =	simm.s32 $0x900;
	[dreg:$0x6] =	wrdreg s28  }
0x10: {  	s8 =	sshll.u32 s11, $0x6;
	s24 =	simm.s32 $0xA80;
	[dreg:$0x8] =	wrdreg s19  }
0x11: {  	s9 =	sshll.u32 s13, $0x6;
	s15 =	simm.s32 $0x1600;
	[dreg:$0xb] =	wrdreg s24  }
0x12: {  	s21 =	sadd.s32 s2, s20;
	s2 =	sadd.s32 s2, s3;
	[smem:$0x7EE] =	sst s15  }
0x13: {  	s26 =	sshrl.u32 s21, $0x3;
	s21 =	simm.s32 $0x980;
	[smem:$0x7F6] =	sst s2  }
0x14: {  	s4 =	sadd.s32 s20, s6;
	s28 =	simm.s32 $0xB80;
	[dreg:$0x9] =	wrdreg s21  }
0x15: {  	s23 =	sadd.s32 s20, s7;
	s19 =	simm.s32 $0xC80;
	[dreg:$0xd] =	wrdreg s28  }
0x16: {  	s29 =	sadd.s32 s20, s8;
	s24 =	simm.s32 $0xE00;
	[dreg:$0xf] =	wrdreg s19  }
0x17: {  	s22 =	sadd.s32 s20, s9;
	s20 =	simm.s32 $0x1180;
	[dreg:$0x12] =	wrdreg s24  }
0x18: {  	s0 =	smax.u32 s0, $0x1;
	[dreg:$0x18] =	wrdreg s20  }
0x19: {  	s16 =	sadd.s32 s17, s26;
	[smem:$0x7FB] =	sst s0  }
0x1a: {  	s26 =	simm.s32 $0xB00;
	[smem:$0x7E5] =	sst s16  }
0x1b: {  	s21 =	simm.s32 $0xD00;
	[dreg:$0xc] =	wrdreg s26  }
0x1c: {  	s28 =	smul.u32 $0x2800, s18;
	s18 =	simm.s32 $0x1100;
	[dreg:$0x10] =	wrdreg s21  }
0x1d: {  	s24 =	simm.s32 $0x1380;
	[dreg:$0x17] =	wrdreg s18  }
0x1e: {  	s19 =	sadd.s32 s6, s1;
	[dreg:$0x1c] =	wrdreg s24  }
0x1f: {  	s16 =	sshrl.u32 s4, $0x3;
	s4 =	simm.s32 $0xC00;
	[smem:$0x7FC] =	sst s19  }
0x20: {  	s26 =	simm.s32 $0xE80;
	[dreg:$0xe] =	wrdreg s4  }
0x21: {  	s21 =	simm.s32 $0x1200;
	[dreg:$0x13] =	wrdreg s26  }
0x22: {  	s18 =	simm.s32 $0x1700;
	[dreg:$0x19] =	wrdreg s21  }
0x23: {  	s24 =	sadd.s32 s6, s3;
	s16 =	sadd.s32 s17, s16;
	[smem:$0x7F1] =	sst s18  }
0x24: {  	s4 =	simm.s32 $0xF80;
	s10 =	sadd.s32 s10, s28;
	[smem:$0x7F7] =	sst s24  }
0x25: {  	s12 =	sadd.s32 s28, s12;
	s14 =	sadd.s32 s28, s14;
	[smem:$0x7E6] =	sst s16  }
0x26: {  	s11 =	sadd.s32 s28, s11;
	s26 =	simm.s32 $0x1400;
	[dreg:$0x15] =	wrdreg s4  }
0x27: {  	s13 =	sadd.s32 s28, s13;
	s28 =	simm.s32 $0x1480;
	[dreg:$0x1d] =	wrdreg s26  }
0x28: {  	s21 =	simm.s32 $0x1780;
	[dreg:$0x1e] =	wrdreg s28  }
0x29: {  	s16 =	sshrl.u32 s23, $0x3;
	s23 =	simm.s32 $0xD80;
	[smem:$0x7F4] =	sst s21  }
0x2a: {  	s4 =	sshll.u32 s14, $0x3;
	s14 =	simm.s32 $0x1580;
	[dreg:$0x11] =	wrdreg s23  }
0x2b: {  	s26 =	sadd.s32 s7, s3;
	[smem:$0x7ED] =	sst s14  }
0x2c: {  	s28 =	sadd.s32 s8, s3;
	[smem:$0x7F8] =	sst s26  }
0x2d: {  	s16 =	sadd.s32 s17, s16;
	[smem:$0x7F9] =	sst s28  }
0x2e: {  	s10 =	sshll.u32 s10, $0x3;
	s23 =	simm.s32 $0x1300;
	[smem:$0x7E7] =	sst s16  }
0x2f: {  	s12 =	sshll.u32 s12, $0x3;
	s10 =	sadd.s32 s5, s10;
	[dreg:$0x1b] =	wrdreg s23  }
0x30: {  	s11 =	sshll.u32 s11, $0x3;
	s12 =	sadd.s32 s5, s12;
	[smem:$0x7EA] =	sst s10  }
0x31: {  	s11 =	sadd.s32 s5, s11;
	[smem:$0x7EB] =	sst s12  }
0x32: {  	s16 =	sshrl.u32 s29, $0x3;
	s29 =	simm.s32 $0xF00;
	[smem:$0x7EF] =	sst s11  }
0x33: {  	s20 =	sshll.u32 s13, $0x3;
	s12 =	sadd.s32 s5, s4;
	[dreg:$0x14] =	wrdreg s29  }
0x34: {  	s5 =	sadd.s32 s5, s20;
	[smem:$0x7EC] =	sst s12  }
0x35: {  	s30 =	simm.s32 $0x5880;
	s23 =	sadd.s32 s9, s1;
	[smem:$0x7F2] =	sst s5  }
0x36: {  	s31 =	simm.s32 $0x5;
	s16 =	sadd.s32 s17, s16;
	[smem:$0x7F5] =	sst s23  }
0x37: {  	s2 =	simm.s32 $0x1;
	s29 =	simm.s32 $0x1500;
	[smem:$0x7E8] =	sst s16  }
0x38: {  	s16 =	sshrl.u32 s22, $0x3;
	s22 =	simm.s32 $0x1280;
	[dreg:$0x1f] =	wrdreg s29  }
0x39: {  	s0 =	simm.s32 $0x6;
	s29 =	sadd.s32 s9, s3;
	[dreg:$0x1a] =	wrdreg s22  }
0x3a: {  	s6 =	simm.s32 $0x80;
	s16 =	sadd.s32 s17, s16;
	[smem:$0x7FA] =	sst s29  }
0x3b: {  	s26 =	simm.s32 $0x1880;
	s17 =	simm.s32 $0x1080;
	[smem:$0x7E9] =	sst s16  }
0x3c: {  	s14 =	simm.s32 $0x4;
	s22 =	sadd.s32 s8, s1;
	[dreg:$0x16] =	wrdreg s17  }
0x3d: {  	s4 =	simm.s32 $0x3880;
	s17 =	simm.s32 $0x1680;
	[smem:$0x7F3] =	sst s22  }
0x3e: {  	s10 =	simm.s32 $0x3;
	s16 =	sadd.s32 s7, s1;
	[smem:$0x7F0] =	sst s17  }
0x3f: {  	v0 =	vimm.f32 $0.0e+00;
	v1 =	vimm.s32 $0x2710;
	s5 =	simm.s32 $0x0;
	s9 =	simm.s32 $0x2;
	[smem:$0x7FD] =	sst s16  }
.LBB2_1:
0x40: {  	[smem:$0x7E3] =	sst s5;
	s13 =	simm.s32 $0x100;
	s8 =	simm.s32 $0x0  }
.LBB2_2:
0x41: {  	p0 =	sne.s32 s13, $0x7F00;
	[tilespmem:s8+$0x18B0] =	vst v0;
	s15 =	smov.u32 s13;
	s13 =	sadd.s32 $0x100, s13  }
.Ltmp0:
0x42: {  	[tilespmem:s8+$0x18A0] =	vst v0;
	(pc) =	sbr.rel @p0 .LBB2_2-.Ltmp0, $3  }
0x43: {  	[tilespmem:s8+$0x1880] =	vst v0  }
0x44: {  	[tilespmem:s8+$0x1890] =	vst v0;
	_ =	sdelay $0x1  }
0x45: {  	s8 =	sshra.s32 s15, $0x2  }
0x46: {  	[tilespmem:s8+$0x18B0] =	vst v0  }
0x47: {  	[tilespmem:s8+$0x18A0] =	vst v0;
	s29 =	sld [smem:$0x7E4]  }
0x48: {  	[tilespmem:s8+$0x1880] =	vst v0  }
0x49: {  	[tilespmem:s8+$0x1890] =	vst v0  }
0x4a: {  	[spmem:s29] =	stream.linear.scatter [tilespmem:s26], [sflag:$0x1], $0x2000, $0x38;
	[tilespmem:$0x1B880] =	vst v63  }
0x4b: {  	_ = 	snop  }
0x4c: {  	[spmem:s19] =	stream.linear.scatter [tilespmem:s26], [sflag:$0x1], $0x2000, $0x38;
	[tilespmem:$0x1B880] =	vst v63  }
0x4d: {  	s5 =	sld [smem:$0x7F3]  }
0x4e: {  	[spmem:s16] =	stream.linear.scatter [tilespmem:s26], [sflag:$0x1], $0x2000, $0x38;
	[tilespmem:$0x1B880] =	vst v63  }
0x4f: {  	s7 =	sld [smem:$0x7F5]  }
0x50: {  	[spmem:s5] =	stream.linear.scatter [tilespmem:s26], [sflag:$0x1], $0x2000, $0x38;
	[tilespmem:$0x1B880] =	vst v63  }
0x51: {  	_ = 	snop  }
0x52: {  	[spmem:s7] =	stream.linear.scatter [tilespmem:s26], [sflag:$0x1], $0x2000, $0x38;
	[tilespmem:$0x1B880] =	vst v63  }
0x53: {  	[tilespmem:$0x1800] =	vst v1  }
0x54: {  	[tilespmem:$0x1810] =	vst v1  }
0x55: {  	[tilespmem:$0x1820] =	vst v1  }
0x56: {  	[tilespmem:$0x1830] =	vst v1  }
0x57: {  	[tilespmem:$0x1840] =	vst v1  }
0x58: {  	s13 =	sld [smem:$0x7E5];
	[tilespmem:$0x1850] =	vst v1  }
0x59: {  	[tilespmem:$0x1860] =	vst v1  }
0x5a: {  	s11 =	simm.s32 $0x0;
	s24 =	simm.s32 $0x7;
	[tilespmem:$0x1870] =	vst v1  }
0x5b: {  	[tilespmem:s4], [sflag:$0x7] =	stream.linear.gather [hbm4b:s13+s11], $0x2000, $0x38;
	[tilespmem:$0x1B880] =	vst v63  }
0x5c: {  	_ =	swait.ge [sflag:s24], $0x2000  }
0x5d: {  	s12 =	sld [smem:$0x7F6]  }
0x5e: {  	[sflag:s24] =	ssyncset.done $0x0  }
0x5f: {  	s15 =	sld [smem:$0x7E6];
	[sflag:s24] =	ssyncadd.s32 $0xFFFFE000  }
0x60: {  	[spmem:s12] =	stream.linear.scatter [tilespmem:s4], [sflag:$0x5], $0x2000, $0x38;
	[tilespmem:$0x1B880] =	vst v63  }
0x61: {  	_ = 	snop  }
0x62: {  	[tilespmem:s30], [sflag:$0x7] =	stream.linear.gather [hbm4b:s15+s11], $0x2000, $0x38;
	[tilespmem:$0x1B880] =	vst v63  }
0x63: {  	_ =	swait.ge [sflag:s24], $0x2000  }
0x64: {  	s16 =	sld [smem:$0x7F7]  }
0x65: {  	[sflag:s24] =	ssyncset.done $0x0  }
0x66: {  	[sflag:s24] =	ssyncadd.s32 $0xFFFFE000  }
0x67: {  	[spmem:s16] =	stream.linear.scatter [tilespmem:s30], [sflag:$0x6], $0x2000, $0x38;
	[tilespmem:$0x1B880] =	vst v63  }
0x68: {  	_ =	swait.ge [sflag:s31], $0x2000  }
0x69: {  	s17 =	sld [smem:$0x7E7]  }
0x6a: {  	[sflag:s31] =	ssyncset.done $0x0  }
0x6b: {  	[sflag:s31] =	ssyncadd.s32 $0xFFFFE000  }
0x6c: {  	[tilespmem:s4], [sflag:$0x7] =	stream.linear.gather [hbm4b:s17+s11], $0x2000, $0x38;
	[tilespmem:$0x1B880] =	vst v63  }
0x6d: {  	_ =	swait.ge [sflag:s24], $0x2000  }
0x6e: {  	s18 =	sld [smem:$0x7F8]  }
0x6f: {  	[sflag:s24] =	ssyncset.done $0x0  }
0x70: {  	[sflag:s24] =	ssyncadd.s32 $0xFFFFE000  }
0x71: {  	[spmem:s18] =	stream.linear.scatter [tilespmem:s4], [sflag:$0x5], $0x2000, $0x38;
	[tilespmem:$0x1B880] =	vst v63  }
0x72: {  	_ =	swait.ge [sflag:s0], $0x2000  }
0x73: {  	s19 =	sld [smem:$0x7E8]  }
0x74: {  	[sflag:s0] =	ssyncset.done $0x0  }
0x75: {  	[sflag:s0] =	ssyncadd.s32 $0xFFFFE000  }
0x76: {  	[tilespmem:s30], [sflag:$0x7] =	stream.linear.gather [hbm4b:s19+s11], $0x2000, $0x38;
	[tilespmem:$0x1B880] =	vst v63  }
0x77: {  	_ =	swait.ge [sflag:s24], $0x2000  }
0x78: {  	s20 =	sld [smem:$0x7F9]  }
0x79: {  	[sflag:s24] =	ssyncset.done $0x0  }
0x7a: {  	[sflag:s24] =	ssyncadd.s32 $0xFFFFE000  }
0x7b: {  	[spmem:s20] =	stream.linear.scatter [tilespmem:s30], [sflag:$0x6], $0x2000, $0x38;
	[tilespmem:$0x1B880] =	vst v63  }
0x7c: {  	_ =	swait.ge [sflag:s31], $0x2000  }
0x7d: {  	s21 =	sld [smem:$0x7E9]  }
0x7e: {  	[sflag:s31] =	ssyncset.done $0x0  }
0x7f: {  	[sflag:s31] =	ssyncadd.s32 $0xFFFFE000  }
0x80: {  	[tilespmem:s4], [sflag:$0x7] =	stream.linear.gather [hbm4b:s21+s11], $0x2000, $0x38;
	[tilespmem:$0x1B880] =	vst v63  }
0x81: {  	_ =	swait.ge [sflag:s24], $0x2000  }
0x82: {  	s22 =	sld [smem:$0x7FA]  }
0x83: {  	[sflag:s24] =	ssyncset.done $0x0  }
0x84: {  	[sflag:s24] =	ssyncadd.s32 $0xFFFFE000  }
0x85: {  	[spmem:s22] =	stream.linear.scatter [tilespmem:s4], [sflag:$0x5], $0x2000, $0x38;
	[tilespmem:$0x1B880] =	vst v63  }
0x86: {  	_ =	swait.ge [sflag:s0], $0x2000  }
0x87: {  	[sflag:s0] =	ssyncset.done $0x0  }
0x88: {  	[sflag:s0] =	ssyncadd.s32 $0xFFFFE000  }
0x89: {  	_ =	swait.ge [sflag:s31], $0x2000  }
0x8a: {  	[sflag:s31] =	ssyncset.done $0x0  }
0x8b: {  	[sflag:s31] =	ssyncadd.s32 $0xFFFFE000  }
0x8c: {  	_ =	swait.ge [sflag:s2], $0x2000  }
0x8d: {  	[sflag:s2] =	ssyncset.done $0x0  }
0x8e: {  	[sflag:s2] =	ssyncadd.s32 $0xFFFFE000  }
0x8f: {  	_ =	swait.ge [sflag:s2], $0x2000  }
0x90: {  	[sflag:s2] =	ssyncset.done $0x0  }
0x91: {  	[sflag:s2] =	ssyncadd.s32 $0xFFFFE000  }
0x92: {  	_ =	swait.ge [sflag:s2], $0x2000  }
0x93: {  	[sflag:s2] =	ssyncset.done $0x0  }
0x94: {  	[sflag:s2] =	ssyncadd.s32 $0xFFFFE000  }
0x95: {  	_ =	swait.ge [sflag:s2], $0x2000  }
0x96: {  	[sflag:s2] =	ssyncset.done $0x0  }
0x97: {  	[sflag:s2] =	ssyncadd.s32 $0xFFFFE000  }
0x98: {  	_ =	swait.ge [sflag:s2], $0x2000  }
0x99: {  	[sflag:s2] =	ssyncset.done $0x0  }
0x9a: {  	[sflag:s2] =	ssyncadd.s32 $0xFFFFE000  }
0x9b: {  	s23 =	simm.s32 $0x1800;
	[bflag:$0x0] =	sbarrier.arrive $0xFFFF  }
0x9c: {  	[spmem:s1] =	stream.indirect.scatter.add.f32 [tilespmem:s26], [sflag:$0x1], $0x40, s23, s6, $0xb8;
	[tilespmem:$0x1B880] =	vst v63  }
0x9d: {  	_ = 	snop  }
0x9e: {  	[spmem:s1] =	stream.indirect.scatter.add.f32 [tilespmem:s4], [sflag:$0x2], $0x40, s23, s6, $0xb8;
	[tilespmem:$0x1B880] =	vst v63  }
0x9f: {  	s28 =	rddreg [dreg:$0x6]  }
0xa0: {  	[spmem:s1] =	stream.indirect.scatter.add.f32 [tilespmem:s30], [sflag:$0x3], $0x40, s23, s6, $0xb8;
	[tilespmem:$0x1B880] =	vst v63  }
0xa1: {  	s8 =	sadd.s32 $0x0, s28  }
0xa2: {  	[tilespmem:s25], [sflag:$0x7] =	stream.linear.gather [hbm4b:s8+s25], $0x800, $0x38;
	[tilespmem:$0x1B880] =	vst v63  }
0xa3: {  	_ =	swait.ge [sflag:s24], $0x800  }
0xa4: {  	s29 =	rddreg [dreg:$0x5];
	[sflag:s24] =	ssyncset.done $0x0  }
0xa5: {  	s5 =	simm.s32 $0x800;
	[sflag:s24] =	ssyncadd.s32 $0xFFFFF800;
	s13 =	sadd.s32 $0x0, s29  }
0xa6: {  	[tilespmem:s5], [sflag:$0x7] =	stream.linear.gather [hbm4b:s13+s25], $0x800, $0x38;
	[tilespmem:$0x1B880] =	vst v63  }
0xa7: {  	_ =	swait.ge [sflag:s24], $0x800  }
0xa8: {  	[sflag:s24] =	ssyncset.done $0x0  }
0xa9: {  	[sflag:s24] =	ssyncadd.s32 $0xFFFFF800  }
0xaa: {  	_ =	swait.ge [sflag:s2], $0x2000  }
0xab: {  	[sflag:s2] =	ssyncset.done $0x0  }
0xac: {  	[sflag:s2] =	ssyncadd.s32 $0xFFFFE000  }
0xad: {  	[tilespmem:s26], [sflag:$0x4] =	stream.indirect.gather [spmem:s3], $0x40, s25, s6, $0xb8;
	[tilespmem:$0x1B880] =	vst v63  }
0xae: {  	_ =	swait.ge [sflag:s9], $0x2000  }
0xaf: {  	[sflag:s9] =	ssyncset.done $0x0  }
0xb0: {  	[sflag:s9] =	ssyncadd.s32 $0xFFFFE000  }
0xb1: {  	[tilespmem:s4], [sflag:$0x5] =	stream.indirect.gather [spmem:s3], $0x40, s6, s6, $0xb8;
	[tilespmem:$0x1B880] =	vst v63  }
0xb2: {  	_ =	swait.ge [sflag:s10], $0x2000  }
0xb3: {  	[sflag:s10] =	ssyncset.done $0x0  }
0xb4: {  	s19 =	simm.s32 $0x100;
	[sflag:s10] =	ssyncadd.s32 $0xFFFFE000  }
0xb5: {  	[tilespmem:s30], [sflag:$0x6] =	stream.indirect.gather [spmem:s3], $0x40, s19, s6, $0xb8;
	[tilespmem:$0x1B880] =	vst v63  }
0xb6: {  	_ =	swait.ge [sflag:s14], $0x2000  }
0xb7: {  	[sflag:s14] =	ssyncset.done $0x0  }
0xb8: {  	[sflag:s14] =	ssyncadd.s32 $0xFFFFE000  }
0xb9: {  	[spmem:s1] =	stream.indirect.scatter.add.f32 [tilespmem:s26], [sflag:$0x1], $0x40, s5, s6, $0xb8;
	[tilespmem:$0x1B880] =	vst v63  }
0xba: {  	_ =	swait.ge [sflag:s2], $0x2000  }
0xbb: {  	[sflag:s2] =	ssyncset.done $0x0  }
0xbc: {  	s20 =	simm.s32 $0x180;
	[sflag:s2] =	ssyncadd.s32 $0xFFFFE000  }
0xbd: {  	[tilespmem:s26], [sflag:$0x4] =	stream.indirect.gather [spmem:s3], $0x40, s20, s6, $0xb8;
	[tilespmem:$0x1B880] =	vst v63  }
0xbe: {  	_ =	swait.ge [sflag:s31], $0x2000  }
0xbf: {  	[sflag:s31] =	ssyncset.done $0x0  }
0xc0: {  	s15 =	rddreg [dreg:$0x7];
	[sflag:s31] =	ssyncadd.s32 $0xFFFFE000  }
0xc1: {  	[spmem:s1] =	stream.indirect.scatter.add.f32 [tilespmem:s4], [sflag:$0x2], $0x40, s15, s6, $0xb8;
	[tilespmem:$0x1B880] =	vst v63  }
0xc2: {  	_ =	swait.ge [sflag:s9], $0x2000  }
0xc3: {  	[sflag:s9] =	ssyncset.done $0x0  }
0xc4: {  	s21 =	simm.s32 $0x200;
	[sflag:s9] =	ssyncadd.s32 $0xFFFFE000  }
0xc5: {  	[tilespmem:s4], [sflag:$0x5] =	stream.indirect.gather [spmem:s3], $0x40, s21, s6, $0xb8;
	[tilespmem:$0x1B880] =	vst v63  }
0xc6: {  	_ =	swait.ge [sflag:s0], $0x2000  }
0xc7: {  	[sflag:s0] =	ssyncset.done $0x0  }
0xc8: {  	s5 =	rddreg [dreg:$0x8];
	[sflag:s0] =	ssyncadd.s32 $0xFFFFE000  }
0xc9: {  	[spmem:s1] =	stream.indirect.scatter.add.f32 [tilespmem:s30], [sflag:$0x3], $0x40, s5, s6, $0xb8;
	[tilespmem:$0x1B880] =	vst v63  }
0xca: {  	_ =	swait.ge [sflag:s10], $0x2000  }
0xcb: {  	[sflag:s10] =	ssyncset.done $0x0  }
0xcc: {  	s22 =	simm.s32 $0x280;
	[sflag:s10] =	ssyncadd.s32 $0xFFFFE000  }
0xcd: {  	[tilespmem:s30], [sflag:$0x6] =	stream.indirect.gather [spmem:s3], $0x40, s22, s6, $0xb8;
	[tilespmem:$0x1B880] =	vst v63  }
0xce: {  	_ =	swait.ge [sflag:s14], $0x2000  }
0xcf: {  	[sflag:s14] =	ssyncset.done $0x0  }
0xd0: {  	s7 =	rddreg [dreg:$0x9];
	[sflag:s14] =	ssyncadd.s32 $0xFFFFE000  }
0xd1: {  	[spmem:s1] =	stream.indirect.scatter.add.f32 [tilespmem:s26], [sflag:$0x1], $0x40, s7, s6, $0xb8;
	[tilespmem:$0x1B880] =	vst v63  }
0xd2: {  	_ =	swait.ge [sflag:s2], $0x2000  }
0xd3: {  	[sflag:s2] =	ssyncset.done $0x0  }
0xd4: {  	s23 =	simm.s32 $0x300;
	[sflag:s2] =	ssyncadd.s32 $0xFFFFE000  }
0xd5: {  	[tilespmem:s26], [sflag:$0x4] =	stream.indirect.gather [spmem:s3], $0x40, s23, s6, $0xb8;
	[tilespmem:$0x1B880] =	vst v63  }
0xd6: {  	_ =	swait.ge [sflag:s31], $0x2000  }
0xd7: {  	[sflag:s31] =	ssyncset.done $0x0  }
0xd8: {  	s11 =	rddreg [dreg:$0xa];
	[sflag:s31] =	ssyncadd.s32 $0xFFFFE000  }
0xd9: {  	[spmem:s1] =	stream.indirect.scatter.add.f32 [tilespmem:s4], [sflag:$0x2], $0x40, s11, s6, $0xb8;
	[tilespmem:$0x1B880] =	vst v63  }
0xda: {  	_ =	swait.ge [sflag:s9], $0x2000  }
0xdb: {  	[sflag:s9] =	ssyncset.done $0x0  }
0xdc: {  	s17 =	simm.s32 $0x380;
	[sflag:s9] =	ssyncadd.s32 $0xFFFFE000  }
0xdd: {  	[tilespmem:s4], [sflag:$0x5] =	stream.indirect.gather [spmem:s3], $0x40, s17, s6, $0xb8;
	[tilespmem:$0x1B880] =	vst v63  }
0xde: {  	_ =	swait.ge [sflag:s0], $0x2000  }
0xdf: {  	[sflag:s0] =	ssyncset.done $0x0  }
0xe0: {  	s12 =	rddreg [dreg:$0xb];
	[sflag:s0] =	ssyncadd.s32 $0xFFFFE000  }
0xe1: {  	[spmem:s1] =	stream.indirect.scatter.add.f32 [tilespmem:s30], [sflag:$0x3], $0x40, s12, s6, $0xb8;
	[tilespmem:$0x1B880] =	vst v63  }
0xe2: {  	_ =	swait.ge [sflag:s10], $0x2000  }
0xe3: {  	[sflag:s10] =	ssyncset.done $0x0  }
0xe4: {  	s11 =	simm.s32 $0x400;
	[sflag:s10] =	ssyncadd.s32 $0xFFFFE000  }
0xe5: {  	[tilespmem:s30], [sflag:$0x6] =	stream.indirect.gather [spmem:s3], $0x40, s11, s6, $0xb8;
	[tilespmem:$0x1B880] =	vst v63  }
0xe6: {  	_ =	swait.ge [sflag:s14], $0x2000  }
0xe7: {  	[sflag:s14] =	ssyncset.done $0x0  }
0xe8: {  	s16 =	rddreg [dreg:$0xc];
	[sflag:s14] =	ssyncadd.s32 $0xFFFFE000  }
0xe9: {  	[spmem:s1] =	stream.indirect.scatter.add.f32 [tilespmem:s26], [sflag:$0x1], $0x40, s16, s6, $0xb8;
	[tilespmem:$0x1B880] =	vst v63  }
0xea: {  	_ =	swait.ge [sflag:s2], $0x2000  }
0xeb: {  	[sflag:s2] =	ssyncset.done $0x0  }
0xec: {  	s7 =	simm.s32 $0x480;
	[sflag:s2] =	ssyncadd.s32 $0xFFFFE000  }
0xed: {  	[tilespmem:s26], [sflag:$0x4] =	stream.indirect.gather [spmem:s3], $0x40, s7, s6, $0xb8;
	[tilespmem:$0x1B880] =	vst v63  }
0xee: {  	_ =	swait.ge [sflag:s31], $0x2000  }
0xef: {  	[sflag:s31] =	ssyncset.done $0x0  }
0xf0: {  	s18 =	rddreg [dreg:$0xd];
	[sflag:s31] =	ssyncadd.s32 $0xFFFFE000  }
0xf1: {  	[spmem:s1] =	stream.indirect.scatter.add.f32 [tilespmem:s4], [sflag:$0x2], $0x40, s18, s6, $0xb8;
	[tilespmem:$0x1B880] =	vst v63  }
0xf2: {  	_ =	swait.ge [sflag:s9], $0x2000  }
0xf3: {  	[sflag:s9] =	ssyncset.done $0x0  }
0xf4: {  	s12 =	simm.s32 $0x500;
	[sflag:s9] =	ssyncadd.s32 $0xFFFFE000  }
0xf5: {  	[tilespmem:s4], [sflag:$0x5] =	stream.indirect.gather [spmem:s3], $0x40, s12, s6, $0xb8;
	[tilespmem:$0x1B880] =	vst v63  }
0xf6: {  	_ =	swait.ge [sflag:s0], $0x2000  }
0xf7: {  	[sflag:s0] =	ssyncset.done $0x0  }
0xf8: {  	s28 =	rddreg [dreg:$0xe];
	[sflag:s0] =	ssyncadd.s32 $0xFFFFE000  }
0xf9: {  	[spmem:s1] =	stream.indirect.scatter.add.f32 [tilespmem:s30], [sflag:$0x3], $0x40, s28, s6, $0xb8;
	[tilespmem:$0x1B880] =	vst v63  }
0xfa: {  	_ =	swait.ge [sflag:s10], $0x2000  }
0xfb: {  	[sflag:s10] =	ssyncset.done $0x0  }
0xfc: {  	s16 =	simm.s32 $0x580;
	[sflag:s10] =	ssyncadd.s32 $0xFFFFE000  }
0xfd: {  	[tilespmem:s30], [sflag:$0x6] =	stream.indirect.gather [spmem:s3], $0x40, s16, s6, $0xb8;
	[tilespmem:$0x1B880] =	vst v63  }
0xfe: {  	_ =	swait.ge [sflag:s14], $0x2000  }
0xff: {  	[sflag:s14] =	ssyncset.done $0x0  }
0x100: {  	s29 =	rddreg [dreg:$0xf];
	[sflag:s14] =	ssyncadd.s32 $0xFFFFE000  }
0x101: {  	[spmem:s1] =	stream.indirect.scatter.add.f32 [tilespmem:s26], [sflag:$0x1], $0x40, s29, s6, $0xb8;
	[tilespmem:$0x1B880] =	vst v63  }
0x102: {  	_ =	swait.ge [sflag:s2], $0x2000  }
0x103: {  	[sflag:s2] =	ssyncset.done $0x0  }
0x104: {  	s18 =	simm.s32 $0x600;
	[sflag:s2] =	ssyncadd.s32 $0xFFFFE000  }
0x105: {  	[tilespmem:s26], [sflag:$0x4] =	stream.indirect.gather [spmem:s3], $0x40, s18, s6, $0xb8;
	[tilespmem:$0x1B880] =	vst v63  }
0x106: {  	_ =	swait.ge [sflag:s31], $0x2000  }
0x107: {  	[sflag:s31] =	ssyncset.done $0x0  }
0x108: {  	s5 =	rddreg [dreg:$0x10];
	[sflag:s31] =	ssyncadd.s32 $0xFFFFE000  }
0x109: {  	[spmem:s1] =	stream.indirect.scatter.add.f32 [tilespmem:s4], [sflag:$0x2], $0x40, s5, s6, $0xb8;
	[tilespmem:$0x1B880] =	vst v63  }
0x10a: {  	_ =	swait.ge [sflag:s9], $0x2000  }
0x10b: {  	[sflag:s9] =	ssyncset.done $0x0  }
0x10c: {  	s5 =	simm.s32 $0x680;
	[sflag:s9] =	ssyncadd.s32 $0xFFFFE000  }
0x10d: {  	[tilespmem:s4], [sflag:$0x5] =	stream.indirect.gather [spmem:s3], $0x40, s5, s6, $0xb8;
	[tilespmem:$0x1B880] =	vst v63  }
0x10e: {  	_ =	swait.ge [sflag:s0], $0x2000  }
0x10f: {  	[sflag:s0] =	ssyncset.done $0x0  }
0x110: {  	s28 =	rddreg [dreg:$0x11];
	[sflag:s0] =	ssyncadd.s32 $0xFFFFE000  }
0x111: {  	[spmem:s1] =	stream.indirect.scatter.add.f32 [tilespmem:s30], [sflag:$0x3], $0x40, s28, s6, $0xb8;
	[tilespmem:$0x1B880] =	vst v63  }
0x112: {  	_ =	swait.ge [sflag:s10], $0x2000  }
0x113: {  	[sflag:s10] =	ssyncset.done $0x0  }
0x114: {  	s28 =	simm.s32 $0x700;
	[sflag:s10] =	ssyncadd.s32 $0xFFFFE000  }
0x115: {  	[tilespmem:s30], [sflag:$0x6] =	stream.indirect.gather [spmem:s3], $0x40, s28, s6, $0xb8;
	[tilespmem:$0x1B880] =	vst v63  }
0x116: {  	_ =	swait.ge [sflag:s14], $0x2000  }
0x117: {  	[sflag:s14] =	ssyncset.done $0x0  }
0x118: {  	s29 =	rddreg [dreg:$0x12];
	[sflag:s14] =	ssyncadd.s32 $0xFFFFE000  }
0x119: {  	[spmem:s1] =	stream.indirect.scatter.add.f32 [tilespmem:s26], [sflag:$0x1], $0x40, s29, s6, $0xb8;
	[tilespmem:$0x1B880] =	vst v63  }
0x11a: {  	_ =	swait.ge [sflag:s2], $0x2000  }
0x11b: {  	[sflag:s2] =	ssyncset.done $0x0  }
0x11c: {  	s29 =	simm.s32 $0x780;
	[sflag:s2] =	ssyncadd.s32 $0xFFFFE000  }
0x11d: {  	[tilespmem:s26], [sflag:$0x4] =	stream.indirect.gather [spmem:s3], $0x40, s29, s6, $0xb8;
	[tilespmem:$0x1B880] =	vst v63  }
0x11e: {  	_ =	swait.ge [sflag:s31], $0x2000  }
0x11f: {  	[sflag:s31] =	ssyncset.done $0x0  }
0x120: {  	s15 =	rddreg [dreg:$0x13];
	[sflag:s31] =	ssyncadd.s32 $0xFFFFE000  }
0x121: {  	[spmem:s1] =	stream.indirect.scatter.add.f32 [tilespmem:s4], [sflag:$0x2], $0x40, s15, s6, $0xb8;
	[tilespmem:$0x1B880] =	vst v63  }
0x122: {  	_ =	swait.ge [sflag:s0], $0x2000  }
0x123: {  	[sflag:s0] =	ssyncset.done $0x0  }
0x124: {  	s15 =	rddreg [dreg:$0x14];
	[sflag:s0] =	ssyncadd.s32 $0xFFFFE000  }
0x125: {  	[spmem:s1] =	stream.indirect.scatter.add.f32 [tilespmem:s30], [sflag:$0x3], $0x40, s15, s6, $0xb8;
	[tilespmem:$0x1B880] =	vst v63  }
0x126: {  	_ =	swait.ge [sflag:s14], $0x2000  }
0x127: {  	[sflag:s14] =	ssyncset.done $0x0  }
0x128: {  	s15 =	rddreg [dreg:$0x15];
	[sflag:s14] =	ssyncadd.s32 $0xFFFFE000  }
0x129: {  	[spmem:s1] =	stream.indirect.scatter.add.f32 [tilespmem:s26], [sflag:$0x1], $0x40, s15, s6, $0xb8;
	[tilespmem:$0x1B880] =	vst v63  }
0x12a: {  	s8 =	sadd.s32 $0x100, s8  }
0x12b: {  	[tilespmem:s25], [sflag:$0x7] =	stream.linear.gather [hbm4b:s8+s25], $0x800, $0x38;
	[tilespmem:$0x1B880] =	vst v63  }
0x12c: {  	_ =	swait.ge [sflag:s24], $0x800  }
0x12d: {  	[sflag:s24] =	ssyncset.done $0x0  }
0x12e: {  	s13 =	sadd.s32 $0x100, s13;
	s15 =	simm.s32 $0x1000;
	[sflag:s24] =	ssyncadd.s32 $0xFFFFF800  }
0x12f: {  	[tilespmem:s15], [sflag:$0x7] =	stream.linear.gather [hbm4b:s13+s25], $0x800, $0x38;
	[tilespmem:$0x1B880] =	vst v63  }
0x130: {  	_ =	swait.ge [sflag:s24], $0x800  }
0x131: {  	[sflag:s24] =	ssyncset.done $0x0  }
0x132: {  	[sflag:s24] =	ssyncadd.s32 $0xFFFFF800  }
0x133: {  	_ =	swait.ge [sflag:s2], $0x2000  }
0x134: {  	[sflag:s2] =	ssyncset.done $0x0  }
0x135: {  	[sflag:s2] =	ssyncadd.s32 $0xFFFFE000  }
0x136: {  	[tilespmem:s26], [sflag:$0x4] =	stream.indirect.gather [spmem:s3], $0x40, s25, s6, $0xb8;
	[tilespmem:$0x1B880] =	vst v63  }
0x137: {  	_ =	swait.ge [sflag:s9], $0x2000  }
0x138: {  	[sflag:s9] =	ssyncset.done $0x0  }
0x139: {  	[sflag:s9] =	ssyncadd.s32 $0xFFFFE000  }
0x13a: {  	[tilespmem:s4], [sflag:$0x5] =	stream.indirect.gather [spmem:s3], $0x40, s6, s6, $0xb8;
	[tilespmem:$0x1B880] =	vst v63  }
0x13b: {  	_ =	swait.ge [sflag:s10], $0x2000  }
0x13c: {  	[sflag:s10] =	ssyncset.done $0x0  }
0x13d: {  	[sflag:s10] =	ssyncadd.s32 $0xFFFFE000  }
0x13e: {  	[tilespmem:s30], [sflag:$0x6] =	stream.indirect.gather [spmem:s3], $0x40, s19, s6, $0xb8;
	[tilespmem:$0x1B880] =	vst v63  }
0x13f: {  	_ =	swait.ge [sflag:s14], $0x2000  }
0x140: {  	[sflag:s14] =	ssyncset.done $0x0  }
0x141: {  	[sflag:s14] =	ssyncadd.s32 $0xFFFFE000  }
0x142: {  	[spmem:s1] =	stream.indirect.scatter.add.f32 [tilespmem:s26], [sflag:$0x1], $0x40, s15, s6, $0xb8;
	[tilespmem:$0x1B880] =	vst v63  }
0x143: {  	_ =	swait.ge [sflag:s2], $0x2000  }
0x144: {  	[sflag:s2] =	ssyncset.done $0x0  }
0x145: {  	[sflag:s2] =	ssyncadd.s32 $0xFFFFE000  }
0x146: {  	[tilespmem:s26], [sflag:$0x4] =	stream.indirect.gather [spmem:s3], $0x40, s20, s6, $0xb8;
	[tilespmem:$0x1B880] =	vst v63  }
0x147: {  	_ =	swait.ge [sflag:s31], $0x2000  }
0x148: {  	[sflag:s31] =	ssyncset.done $0x0  }
0x149: {  	s20 =	rddreg [dreg:$0x16];
	[sflag:s31] =	ssyncadd.s32 $0xFFFFE000  }
0x14a: {  	[spmem:s1] =	stream.indirect.scatter.add.f32 [tilespmem:s4], [sflag:$0x2], $0x40, s20, s6, $0xb8;
	[tilespmem:$0x1B880] =	vst v63  }
0x14b: {  	_ =	swait.ge [sflag:s9], $0x2000  }
0x14c: {  	[sflag:s9] =	ssyncset.done $0x0  }
0x14d: {  	[sflag:s9] =	ssyncadd.s32 $0xFFFFE000  }
0x14e: {  	[tilespmem:s4], [sflag:$0x5] =	stream.indirect.gather [spmem:s3], $0x40, s21, s6, $0xb8;
	[tilespmem:$0x1B880] =	vst v63  }
0x14f: {  	_ =	swait.ge [sflag:s0], $0x2000  }
0x150: {  	[sflag:s0] =	ssyncset.done $0x0  }
0x151: {  	s21 =	rddreg [dreg:$0x17];
	[sflag:s0] =	ssyncadd.s32 $0xFFFFE000  }
0x152: {  	[spmem:s1] =	stream.indirect.scatter.add.f32 [tilespmem:s30], [sflag:$0x3], $0x40, s21, s6, $0xb8;
	[tilespmem:$0x1B880] =	vst v63  }
0x153: {  	_ =	swait.ge [sflag:s10], $0x2000  }
0x154: {  	[sflag:s10] =	ssyncset.done $0x0  }
0x155: {  	[sflag:s10] =	ssyncadd.s32 $0xFFFFE000  }
0x156: {  	[tilespmem:s30], [sflag:$0x6] =	stream.indirect.gather [spmem:s3], $0x40, s22, s6, $0xb8;
	[tilespmem:$0x1B880] =	vst v63  }
0x157: {  	_ =	swait.ge [sflag:s14], $0x2000  }
0x158: {  	[sflag:s14] =	ssyncset.done $0x0  }
0x159: {  	s24 =	rddreg [dreg:$0x18];
	[sflag:s14] =	ssyncadd.s32 $0xFFFFE000  }
0x15a: {  	[spmem:s1] =	stream.indirect.scatter.add.f32 [tilespmem:s26], [sflag:$0x1], $0x40, s24, s6, $0xb8;
	[tilespmem:$0x1B880] =	vst v63  }
0x15b: {  	_ =	swait.ge [sflag:s2], $0x2000  }
0x15c: {  	[sflag:s2] =	ssyncset.done $0x0  }
0x15d: {  	[sflag:s2] =	ssyncadd.s32 $0xFFFFE000  }
0x15e: {  	[tilespmem:s26], [sflag:$0x4] =	stream.indirect.gather [spmem:s3], $0x40, s23, s6, $0xb8;
	[tilespmem:$0x1B880] =	vst v63  }
0x15f: {  	_ =	swait.ge [sflag:s31], $0x2000  }
0x160: {  	[sflag:s31] =	ssyncset.done $0x0  }
0x161: {  	s13 =	rddreg [dreg:$0x19];
	[sflag:s31] =	ssyncadd.s32 $0xFFFFE000  }
0x162: {  	[spmem:s1] =	stream.indirect.scatter.add.f32 [tilespmem:s4], [sflag:$0x2], $0x40, s13, s6, $0xb8;
	[tilespmem:$0x1B880] =	vst v63  }
0x163: {  	_ =	swait.ge [sflag:s9], $0x2000  }
0x164: {  	[sflag:s9] =	ssyncset.done $0x0  }
0x165: {  	[sflag:s9] =	ssyncadd.s32 $0xFFFFE000  }
0x166: {  	[tilespmem:s4], [sflag:$0x5] =	stream.indirect.gather [spmem:s3], $0x40, s17, s6, $0xb8;
	[tilespmem:$0x1B880] =	vst v63  }
0x167: {  	_ =	swait.ge [sflag:s0], $0x2000  }
0x168: {  	[sflag:s0] =	ssyncset.done $0x0  }
0x169: {  	s15 =	rddreg [dreg:$0x1a];
	[sflag:s0] =	ssyncadd.s32 $0xFFFFE000  }
0x16a: {  	[spmem:s1] =	stream.indirect.scatter.add.f32 [tilespmem:s30], [sflag:$0x3], $0x40, s15, s6, $0xb8;
	[tilespmem:$0x1B880] =	vst v63  }
0x16b: {  	_ =	swait.ge [sflag:s10], $0x2000  }
0x16c: {  	[sflag:s10] =	ssyncset.done $0x0  }
0x16d: {  	[sflag:s10] =	ssyncadd.s32 $0xFFFFE000  }
0x16e: {  	[tilespmem:s30], [sflag:$0x6] =	stream.indirect.gather [spmem:s3], $0x40, s11, s6, $0xb8;
	[tilespmem:$0x1B880] =	vst v63  }
0x16f: {  	_ =	swait.ge [sflag:s14], $0x2000  }
0x170: {  	[sflag:s14] =	ssyncset.done $0x0  }
0x171: {  	s17 =	rddreg [dreg:$0x1b];
	[sflag:s14] =	ssyncadd.s32 $0xFFFFE000  }
0x172: {  	[spmem:s1] =	stream.indirect.scatter.add.f32 [tilespmem:s26], [sflag:$0x1], $0x40, s17, s6, $0xb8;
	[tilespmem:$0x1B880] =	vst v63  }
0x173: {  	_ =	swait.ge [sflag:s2], $0x2000  }
0x174: {  	[sflag:s2] =	ssyncset.done $0x0  }
0x175: {  	[sflag:s2] =	ssyncadd.s32 $0xFFFFE000  }
0x176: {  	[tilespmem:s26], [sflag:$0x4] =	stream.indirect.gather [spmem:s3], $0x40, s7, s6, $0xb8;
	[tilespmem:$0x1B880] =	vst v63  }
0x177: {  	_ =	swait.ge [sflag:s31], $0x2000  }
0x178: {  	[sflag:s31] =	ssyncset.done $0x0  }
0x179: {  	s19 =	rddreg [dreg:$0x1c];
	[sflag:s31] =	ssyncadd.s32 $0xFFFFE000  }
0x17a: {  	[spmem:s1] =	stream.indirect.scatter.add.f32 [tilespmem:s4], [sflag:$0x2], $0x40, s19, s6, $0xb8;
	[tilespmem:$0x1B880] =	vst v63  }
0x17b: {  	_ =	swait.ge [sflag:s9], $0x2000  }
0x17c: {  	[sflag:s9] =	ssyncset.done $0x0  }
0x17d: {  	[sflag:s9] =	ssyncadd.s32 $0xFFFFE000  }
0x17e: {  	[tilespmem:s4], [sflag:$0x5] =	stream.indirect.gather [spmem:s3], $0x40, s12, s6, $0xb8;
	[tilespmem:$0x1B880] =	vst v63  }
0x17f: {  	_ =	swait.ge [sflag:s0], $0x2000  }
0x180: {  	[sflag:s0] =	ssyncset.done $0x0  }
0x181: {  	s20 =	rddreg [dreg:$0x1d];
	[sflag:s0] =	ssyncadd.s32 $0xFFFFE000  }
0x182: {  	[spmem:s1] =	stream.indirect.scatter.add.f32 [tilespmem:s30], [sflag:$0x3], $0x40, s20, s6, $0xb8;
	[tilespmem:$0x1B880] =	vst v63  }
0x183: {  	_ =	swait.ge [sflag:s10], $0x2000  }
0x184: {  	[sflag:s10] =	ssyncset.done $0x0  }
0x185: {  	[sflag:s10] =	ssyncadd.s32 $0xFFFFE000  }
0x186: {  	[tilespmem:s30], [sflag:$0x6] =	stream.indirect.gather [spmem:s3], $0x40, s16, s6, $0xb8;
	[tilespmem:$0x1B880] =	vst v63  }
0x187: {  	_ =	swait.ge [sflag:s14], $0x2000  }
0x188: {  	[sflag:s14] =	ssyncset.done $0x0  }
0x189: {  	s21 =	rddreg [dreg:$0x1e];
	[sflag:s14] =	ssyncadd.s32 $0xFFFFE000  }
0x18a: {  	[spmem:s1] =	stream.indirect.scatter.add.f32 [tilespmem:s26], [sflag:$0x1], $0x40, s21, s6, $0xb8;
	[tilespmem:$0x1B880] =	vst v63  }
0x18b: {  	_ =	swait.ge [sflag:s2], $0x2000  }
0x18c: {  	[sflag:s2] =	ssyncset.done $0x0  }
0x18d: {  	[sflag:s2] =	ssyncadd.s32 $0xFFFFE000  }
0x18e: {  	[tilespmem:s26], [sflag:$0x4] =	stream.indirect.gather [spmem:s3], $0x40, s18, s6, $0xb8;
	[tilespmem:$0x1B880] =	vst v63  }
0x18f: {  	_ =	swait.ge [sflag:s31], $0x2000  }
0x190: {  	[sflag:s31] =	ssyncset.done $0x0  }
0x191: {  	s22 =	rddreg [dreg:$0x1f];
	[sflag:s31] =	ssyncadd.s32 $0xFFFFE000  }
0x192: {  	[spmem:s1] =	stream.indirect.scatter.add.f32 [tilespmem:s4], [sflag:$0x2], $0x40, s22, s6, $0xb8;
	[tilespmem:$0x1B880] =	vst v63  }
0x193: {  	_ =	swait.ge [sflag:s9], $0x2000  }
0x194: {  	[sflag:s9] =	ssyncset.done $0x0  }
0x195: {  	[sflag:s9] =	ssyncadd.s32 $0xFFFFE000  }
0x196: {  	[tilespmem:s4], [sflag:$0x5] =	stream.indirect.gather [spmem:s3], $0x40, s5, s6, $0xb8;
	[tilespmem:$0x1B880] =	vst v63  }
0x197: {  	_ =	swait.ge [sflag:s0], $0x2000  }
0x198: {  	s23 =	sld [smem:$0x7ED]  }
0x199: {  	[sflag:s0] =	ssyncset.done $0x0  }
0x19a: {  	[sflag:s0] =	ssyncadd.s32 $0xFFFFE000  }
0x19b: {  	[spmem:s1] =	stream.indirect.scatter.add.f32 [tilespmem:s30], [sflag:$0x3], $0x40, s23, s6, $0xb8;
	[tilespmem:$0x1B880] =	vst v63  }
0x19c: {  	_ =	swait.ge [sflag:s10], $0x2000  }
0x19d: {  	[sflag:s10] =	ssyncset.done $0x0  }
0x19e: {  	[sflag:s10] =	ssyncadd.s32 $0xFFFFE000  }
0x19f: {  	[tilespmem:s30], [sflag:$0x6] =	stream.indirect.gather [spmem:s3], $0x40, s28, s6, $0xb8;
	[tilespmem:$0x1B880] =	vst v63  }
0x1a0: {  	_ =	swait.ge [sflag:s14], $0x2000  }
0x1a1: {  	s24 =	sld [smem:$0x7EE]  }
0x1a2: {  	[sflag:s14] =	ssyncset.done $0x0  }
0x1a3: {  	[sflag:s14] =	ssyncadd.s32 $0xFFFFE000  }
0x1a4: {  	[spmem:s1] =	stream.indirect.scatter.add.f32 [tilespmem:s26], [sflag:$0x1], $0x40, s24, s6, $0xb8;
	[tilespmem:$0x1B880] =	vst v63  }
0x1a5: {  	_ =	swait.ge [sflag:s2], $0x2000  }
0x1a6: {  	[sflag:s2] =	ssyncset.done $0x0  }
0x1a7: {  	[sflag:s2] =	ssyncadd.s32 $0xFFFFE000  }
0x1a8: {  	[tilespmem:s26], [sflag:$0x4] =	stream.indirect.gather [spmem:s3], $0x40, s29, s6, $0xb8;
	[tilespmem:$0x1B880] =	vst v63  }
0x1a9: {  	_ =	swait.ge [sflag:s31], $0x2000  }
0x1aa: {  	s28 =	sld [smem:$0x7F0]  }
0x1ab: {  	[sflag:s31] =	ssyncset.done $0x0  }
0x1ac: {  	[sflag:s31] =	ssyncadd.s32 $0xFFFFE000  }
0x1ad: {  	[spmem:s1] =	stream.indirect.scatter.add.f32 [tilespmem:s4], [sflag:$0x2], $0x40, s28, s6, $0xb8;
	[tilespmem:$0x1B880] =	vst v63  }
0x1ae: {  	_ =	swait.ge [sflag:s0], $0x2000  }
0x1af: {  	s29 =	sld [smem:$0x7F1]  }
0x1b0: {  	[sflag:s0] =	ssyncset.done $0x0  }
0x1b1: {  	[sflag:s0] =	ssyncadd.s32 $0xFFFFE000  }
0x1b2: {  	[spmem:s1] =	stream.indirect.scatter.add.f32 [tilespmem:s30], [sflag:$0x3], $0x40, s29, s6, $0xb8;
	[tilespmem:$0x1B880] =	vst v63  }
0x1b3: {  	_ =	swait.ge [sflag:s14], $0x2000  }
0x1b4: {  	s8 =	simm.s32 $0x400;
	[sflag:s14] =	ssyncset.done $0x0;
	s13 =	sld [smem:$0x7F4]  }
0x1b5: {  	s19 =	simm.s32 $0x200;
	s15 =	rddreg [dreg:$0x6];
	[sflag:s14] =	ssyncadd.s32 $0xFFFFE000  }
.LBB2_4:
0x1b6: {  	_ = 	snop  }
0x1b7: {  	[spmem:s1] =	stream.indirect.scatter.add.f32 [tilespmem:s26], [sflag:$0x1], $0x40, s13, s6, $0xb8;
	[tilespmem:$0x1B880] =	vst v63  }
0x1b8: {  	s28 =	simm.s32 $0x7;
	s13 =	sadd.s32 s19, s15  }
0x1b9: {  	[tilespmem:s25], [sflag:$0x7] =	stream.linear.gather [hbm4b:s13+s25], $0x800, $0x38;
	[tilespmem:$0x1B880] =	vst v63  }
0x1ba: {  	_ =	swait.ge [sflag:s28], $0x800  }
0x1bb: {  	s11 =	rddreg [dreg:$0x5];
	[sflag:s28] =	ssyncset.done $0x0  }
0x1bc: {  	s5 =	simm.s32 $0x800;
	[sflag:s28] =	ssyncadd.s32 $0xFFFFF800;
	s15 =	sadd.s32 s19, s11  }
0x1bd: {  	[tilespmem:s5], [sflag:$0x7] =	stream.linear.gather [hbm4b:s15+s25], $0x800, $0x38;
	[tilespmem:$0x1B880] =	vst v63  }
0x1be: {  	_ =	swait.ge [sflag:s28], $0x800  }
0x1bf: {  	[sflag:s28] =	ssyncset.done $0x0  }
0x1c0: {  	[sflag:s28] =	ssyncadd.s32 $0xFFFFF800  }
0x1c1: {  	_ =	swait.ge [sflag:s2], $0x2000  }
0x1c2: {  	[sflag:s2] =	ssyncset.done $0x0  }
0x1c3: {  	[sflag:s2] =	ssyncadd.s32 $0xFFFFE000  }
0x1c4: {  	[tilespmem:s26], [sflag:$0x4] =	stream.indirect.gather [spmem:s3], $0x40, s25, s6, $0xb8;
	[tilespmem:$0x1B880] =	vst v63  }
0x1c5: {  	_ =	swait.ge [sflag:s9], $0x2000  }
0x1c6: {  	[sflag:s9] =	ssyncset.done $0x0  }
0x1c7: {  	[sflag:s9] =	ssyncadd.s32 $0xFFFFE000  }
0x1c8: {  	[tilespmem:s4], [sflag:$0x5] =	stream.indirect.gather [spmem:s3], $0x40, s6, s6, $0xb8;
	[tilespmem:$0x1B880] =	vst v63  }
0x1c9: {  	_ =	swait.ge [sflag:s10], $0x2000  }
0x1ca: {  	[sflag:s10] =	ssyncset.done $0x0  }
0x1cb: {  	s21 =	simm.s32 $0x100;
	[sflag:s10] =	ssyncadd.s32 $0xFFFFE000  }
0x1cc: {  	[tilespmem:s30], [sflag:$0x6] =	stream.indirect.gather [spmem:s3], $0x40, s21, s6, $0xb8;
	[tilespmem:$0x1B880] =	vst v63  }
0x1cd: {  	_ =	swait.ge [sflag:s14], $0x2000  }
0x1ce: {  	[sflag:s14] =	ssyncset.done $0x0  }
0x1cf: {  	[sflag:s14] =	ssyncadd.s32 $0xFFFFE000  }
0x1d0: {  	[spmem:s1] =	stream.indirect.scatter.add.f32 [tilespmem:s26], [sflag:$0x1], $0x40, s5, s6, $0xb8;
	[tilespmem:$0x1B880] =	vst v63  }
0x1d1: {  	_ =	swait.ge [sflag:s2], $0x2000  }
0x1d2: {  	[sflag:s2] =	ssyncset.done $0x0  }
0x1d3: {  	s22 =	simm.s32 $0x180;
	[sflag:s2] =	ssyncadd.s32 $0xFFFFE000  }
0x1d4: {  	[tilespmem:s26], [sflag:$0x4] =	stream.indirect.gather [spmem:s3], $0x40, s22, s6, $0xb8;
	[tilespmem:$0x1B880] =	vst v63  }
0x1d5: {  	_ =	swait.ge [sflag:s31], $0x2000  }
0x1d6: {  	[sflag:s31] =	ssyncset.done $0x0  }
0x1d7: {  	s12 =	rddreg [dreg:$0x7];
	[sflag:s31] =	ssyncadd.s32 $0xFFFFE000  }
0x1d8: {  	[spmem:s1] =	stream.indirect.scatter.add.f32 [tilespmem:s4], [sflag:$0x2], $0x40, s12, s6, $0xb8;
	[tilespmem:$0x1B880] =	vst v63  }
0x1d9: {  	_ =	swait.ge [sflag:s9], $0x2000  }
0x1da: {  	[sflag:s9] =	ssyncset.done $0x0  }
0x1db: {  	s23 =	simm.s32 $0x200;
	[sflag:s9] =	ssyncadd.s32 $0xFFFFE000  }
0x1dc: {  	[tilespmem:s4], [sflag:$0x5] =	stream.indirect.gather [spmem:s3], $0x40, s23, s6, $0xb8;
	[tilespmem:$0x1B880] =	vst v63  }
0x1dd: {  	_ =	swait.ge [sflag:s0], $0x2000  }
0x1de: {  	[sflag:s0] =	ssyncset.done $0x0  }
0x1df: {  	s17 =	rddreg [dreg:$0x8];
	[sflag:s0] =	ssyncadd.s32 $0xFFFFE000  }
0x1e0: {  	[spmem:s1] =	stream.indirect.scatter.add.f32 [tilespmem:s30], [sflag:$0x3], $0x40, s17, s6, $0xb8;
	[tilespmem:$0x1B880] =	vst v63  }
0x1e1: {  	_ =	swait.ge [sflag:s10], $0x2000  }
0x1e2: {  	[sflag:s10] =	ssyncset.done $0x0  }
0x1e3: {  	s24 =	simm.s32 $0x280;
	[sflag:s10] =	ssyncadd.s32 $0xFFFFE000  }
0x1e4: {  	[tilespmem:s30], [sflag:$0x6] =	stream.indirect.gather [spmem:s3], $0x40, s24, s6, $0xb8;
	[tilespmem:$0x1B880] =	vst v63  }
0x1e5: {  	_ =	swait.ge [sflag:s14], $0x2000  }
0x1e6: {  	[sflag:s14] =	ssyncset.done $0x0  }
0x1e7: {  	s18 =	rddreg [dreg:$0x9];
	[sflag:s14] =	ssyncadd.s32 $0xFFFFE000  }
0x1e8: {  	[spmem:s1] =	stream.indirect.scatter.add.f32 [tilespmem:s26], [sflag:$0x1], $0x40, s18, s6, $0xb8;
	[tilespmem:$0x1B880] =	vst v63  }
0x1e9: {  	_ =	swait.ge [sflag:s2], $0x2000  }
0x1ea: {  	[sflag:s2] =	ssyncset.done $0x0  }
0x1eb: {  	s25 =	simm.s32 $0x300;
	[sflag:s2] =	ssyncadd.s32 $0xFFFFE000  }
0x1ec: {  	[tilespmem:s26], [sflag:$0x4] =	stream.indirect.gather [spmem:s3], $0x40, s25, s6, $0xb8;
	[tilespmem:$0x1B880] =	vst v63  }
0x1ed: {  	_ =	swait.ge [sflag:s31], $0x2000  }
0x1ee: {  	[sflag:s31] =	ssyncset.done $0x0  }
0x1ef: {  	s20 =	rddreg [dreg:$0xa];
	[sflag:s31] =	ssyncadd.s32 $0xFFFFE000  }
0x1f0: {  	[spmem:s1] =	stream.indirect.scatter.add.f32 [tilespmem:s4], [sflag:$0x2], $0x40, s20, s6, $0xb8;
	[tilespmem:$0x1B880] =	vst v63  }
0x1f1: {  	_ =	swait.ge [sflag:s9], $0x2000  }
0x1f2: {  	[sflag:s9] =	ssyncset.done $0x0  }
0x1f3: {  	s17 =	simm.s32 $0x380;
	[sflag:s9] =	ssyncadd.s32 $0xFFFFE000  }
0x1f4: {  	[tilespmem:s4], [sflag:$0x5] =	stream.indirect.gather [spmem:s3], $0x40, s17, s6, $0xb8;
	[tilespmem:$0x1B880] =	vst v63  }
0x1f5: {  	_ =	swait.ge [sflag:s0], $0x2000  }
0x1f6: {  	[sflag:s0] =	ssyncset.done $0x0  }
0x1f7: {  	s5 =	rddreg [dreg:$0xb];
	[sflag:s0] =	ssyncadd.s32 $0xFFFFE000  }
0x1f8: {  	[spmem:s1] =	stream.indirect.scatter.add.f32 [tilespmem:s30], [sflag:$0x3], $0x40, s5, s6, $0xb8;
	[tilespmem:$0x1B880] =	vst v63  }
0x1f9: {  	_ =	swait.ge [sflag:s10], $0x2000  }
0x1fa: {  	[sflag:s10] =	ssyncset.done $0x0  }
0x1fb: {  	s11 =	simm.s32 $0x400;
	[sflag:s10] =	ssyncadd.s32 $0xFFFFE000  }
0x1fc: {  	[tilespmem:s30], [sflag:$0x6] =	stream.indirect.gather [spmem:s3], $0x40, s11, s6, $0xb8;
	[tilespmem:$0x1B880] =	vst v63  }
0x1fd: {  	_ =	swait.ge [sflag:s14], $0x2000  }
0x1fe: {  	[sflag:s14] =	ssyncset.done $0x0  }
0x1ff: {  	s7 =	rddreg [dreg:$0xc];
	[sflag:s14] =	ssyncadd.s32 $0xFFFFE000  }
0x200: {  	[spmem:s1] =	stream.indirect.scatter.add.f32 [tilespmem:s26], [sflag:$0x1], $0x40, s7, s6, $0xb8;
	[tilespmem:$0x1B880] =	vst v63  }
0x201: {  	_ =	swait.ge [sflag:s2], $0x2000  }
0x202: {  	[sflag:s2] =	ssyncset.done $0x0  }
0x203: {  	s7 =	simm.s32 $0x480;
	[sflag:s2] =	ssyncadd.s32 $0xFFFFE000  }
0x204: {  	[tilespmem:s26], [sflag:$0x4] =	stream.indirect.gather [spmem:s3], $0x40, s7, s6, $0xb8;
	[tilespmem:$0x1B880] =	vst v63  }
0x205: {  	_ =	swait.ge [sflag:s31], $0x2000  }
0x206: {  	[sflag:s31] =	ssyncset.done $0x0  }
0x207: {  	s12 =	rddreg [dreg:$0xd];
	[sflag:s31] =	ssyncadd.s32 $0xFFFFE000  }
0x208: {  	[spmem:s1] =	stream.indirect.scatter.add.f32 [tilespmem:s4], [sflag:$0x2], $0x40, s12, s6, $0xb8;
	[tilespmem:$0x1B880] =	vst v63  }
0x209: {  	_ =	swait.ge [sflag:s9], $0x2000  }
0x20a: {  	[sflag:s9] =	ssyncset.done $0x0  }
0x20b: {  	s12 =	simm.s32 $0x500;
	[sflag:s9] =	ssyncadd.s32 $0xFFFFE000  }
0x20c: {  	[tilespmem:s4], [sflag:$0x5] =	stream.indirect.gather [spmem:s3], $0x40, s12, s6, $0xb8;
	[tilespmem:$0x1B880] =	vst v63  }
0x20d: {  	_ =	swait.ge [sflag:s0], $0x2000  }
0x20e: {  	[sflag:s0] =	ssyncset.done $0x0  }
0x20f: {  	s18 =	rddreg [dreg:$0xe];
	[sflag:s0] =	ssyncadd.s32 $0xFFFFE000  }
0x210: {  	[spmem:s1] =	stream.indirect.scatter.add.f32 [tilespmem:s30], [sflag:$0x3], $0x40, s18, s6, $0xb8;
	[tilespmem:$0x1B880] =	vst v63  }
0x211: {  	_ =	swait.ge [sflag:s10], $0x2000  }
0x212: {  	[sflag:s10] =	ssyncset.done $0x0  }
0x213: {  	s18 =	simm.s32 $0x580;
	[sflag:s10] =	ssyncadd.s32 $0xFFFFE000  }
0x214: {  	[tilespmem:s30], [sflag:$0x6] =	stream.indirect.gather [spmem:s3], $0x40, s18, s6, $0xb8;
	[tilespmem:$0x1B880] =	vst v63  }
0x215: {  	_ =	swait.ge [sflag:s14], $0x2000  }
0x216: {  	[sflag:s14] =	ssyncset.done $0x0  }
0x217: {  	s20 =	rddreg [dreg:$0xf];
	[sflag:s14] =	ssyncadd.s32 $0xFFFFE000  }
0x218: {  	[spmem:s1] =	stream.indirect.scatter.add.f32 [tilespmem:s26], [sflag:$0x1], $0x40, s20, s6, $0xb8;
	[tilespmem:$0x1B880] =	vst v63  }
0x219: {  	_ =	swait.ge [sflag:s2], $0x2000  }
0x21a: {  	[sflag:s2] =	ssyncset.done $0x0  }
0x21b: {  	s20 =	simm.s32 $0x600;
	[sflag:s2] =	ssyncadd.s32 $0xFFFFE000  }
0x21c: {  	[tilespmem:s26], [sflag:$0x4] =	stream.indirect.gather [spmem:s3], $0x40, s20, s6, $0xb8;
	[tilespmem:$0x1B880] =	vst v63  }
0x21d: {  	_ =	swait.ge [sflag:s31], $0x2000  }
0x21e: {  	[sflag:s31] =	ssyncset.done $0x0  }
0x21f: {  	s5 =	rddreg [dreg:$0x10];
	[sflag:s31] =	ssyncadd.s32 $0xFFFFE000  }
0x220: {  	[spmem:s1] =	stream.indirect.scatter.add.f32 [tilespmem:s4], [sflag:$0x2], $0x40, s5, s6, $0xb8;
	[tilespmem:$0x1B880] =	vst v63  }
0x221: {  	_ =	swait.ge [sflag:s9], $0x2000  }
0x222: {  	[sflag:s9] =	ssyncset.done $0x0  }
0x223: {  	s5 =	simm.s32 $0x680;
	[sflag:s9] =	ssyncadd.s32 $0xFFFFE000  }
0x224: {  	[tilespmem:s4], [sflag:$0x5] =	stream.indirect.gather [spmem:s3], $0x40, s5, s6, $0xb8;
	[tilespmem:$0x1B880] =	vst v63  }
0x225: {  	_ =	swait.ge [sflag:s0], $0x2000  }
0x226: {  	s16 =	smov.u32 s8;
	[sflag:s0] =	ssyncset.done $0x0  }
0x227: {  	s19 =	smov.u32 s16;
	s16 =	rddreg [dreg:$0x11];
	[sflag:s0] =	ssyncadd.s32 $0xFFFFE000  }
0x228: {  	[spmem:s1] =	stream.indirect.scatter.add.f32 [tilespmem:s30], [sflag:$0x3], $0x40, s16, s6, $0xb8;
	[tilespmem:$0x1B880] =	vst v63  }
0x229: {  	_ =	swait.ge [sflag:s10], $0x2000  }
0x22a: {  	[sflag:s10] =	ssyncset.done $0x0  }
0x22b: {  	s16 =	simm.s32 $0x700;
	[sflag:s10] =	ssyncadd.s32 $0xFFFFE000  }
0x22c: {  	[tilespmem:s30], [sflag:$0x6] =	stream.indirect.gather [spmem:s3], $0x40, s16, s6, $0xb8;
	[tilespmem:$0x1B880] =	vst v63  }
0x22d: {  	_ =	swait.ge [sflag:s14], $0x2000  }
0x22e: {  	[sflag:s14] =	ssyncset.done $0x0  }
0x22f: {  	s16 =	rddreg [dreg:$0x12];
	[sflag:s14] =	ssyncadd.s32 $0xFFFFE000  }
0x230: {  	[spmem:s1] =	stream.indirect.scatter.add.f32 [tilespmem:s26], [sflag:$0x1], $0x40, s16, s6, $0xb8;
	[tilespmem:$0x1B880] =	vst v63  }
0x231: {  	_ =	swait.ge [sflag:s2], $0x2000  }
0x232: {  	[sflag:s2] =	ssyncset.done $0x0  }
0x233: {  	s16 =	simm.s32 $0x780;
	[sflag:s2] =	ssyncadd.s32 $0xFFFFE000  }
0x234: {  	[tilespmem:s26], [sflag:$0x4] =	stream.indirect.gather [spmem:s3], $0x40, s16, s6, $0xb8;
	[tilespmem:$0x1B880] =	vst v63  }
0x235: {  	_ =	swait.ge [sflag:s31], $0x2000  }
0x236: {  	[sflag:s31] =	ssyncset.done $0x0  }
0x237: {  	s16 =	rddreg [dreg:$0x13];
	[sflag:s31] =	ssyncadd.s32 $0xFFFFE000  }
0x238: {  	[spmem:s1] =	stream.indirect.scatter.add.f32 [tilespmem:s4], [sflag:$0x2], $0x40, s16, s6, $0xb8;
	[tilespmem:$0x1B880] =	vst v63  }
0x239: {  	_ =	swait.ge [sflag:s0], $0x2000  }
0x23a: {  	[sflag:s0] =	ssyncset.done $0x0  }
0x23b: {  	s16 =	rddreg [dreg:$0x14];
	[sflag:s0] =	ssyncadd.s32 $0xFFFFE000  }
0x23c: {  	[spmem:s1] =	stream.indirect.scatter.add.f32 [tilespmem:s30], [sflag:$0x3], $0x40, s16, s6, $0xb8;
	[tilespmem:$0x1B880] =	vst v63  }
0x23d: {  	_ =	swait.ge [sflag:s14], $0x2000  }
0x23e: {  	[sflag:s14] =	ssyncset.done $0x0  }
0x23f: {  	s16 =	rddreg [dreg:$0x15];
	[sflag:s14] =	ssyncadd.s32 $0xFFFFE000  }
0x240: {  	[spmem:s1] =	stream.indirect.scatter.add.f32 [tilespmem:s26], [sflag:$0x1], $0x40, s16, s6, $0xb8;
	[tilespmem:$0x1B880] =	vst v63  }
0x241: {  	s29 =	simm.s32 $0x0;
	s13 =	sadd.s32 $0x100, s13  }
0x242: {  	[tilespmem:s29], [sflag:$0x7] =	stream.linear.gather [hbm4b:s13+s29], $0x800, $0x38;
	[tilespmem:$0x1B880] =	vst v63  }
0x243: {  	_ =	swait.ge [sflag:s28], $0x800  }
0x244: {  	[sflag:s28] =	ssyncset.done $0x0  }
0x245: {  	s15 =	sadd.s32 $0x100, s15;
	s16 =	simm.s32 $0x1000;
	[sflag:s28] =	ssyncadd.s32 $0xFFFFF800  }
0x246: {  	[tilespmem:s16], [sflag:$0x7] =	stream.linear.gather [hbm4b:s15+s29], $0x800, $0x38;
	[tilespmem:$0x1B880] =	vst v63  }
0x247: {  	_ =	swait.ge [sflag:s28], $0x800  }
0x248: {  	[sflag:s28] =	ssyncset.done $0x0  }
0x249: {  	[sflag:s28] =	ssyncadd.s32 $0xFFFFF800  }
0x24a: {  	_ =	swait.ge [sflag:s2], $0x2000  }
0x24b: {  	[sflag:s2] =	ssyncset.done $0x0  }
0x24c: {  	[sflag:s2] =	ssyncadd.s32 $0xFFFFE000  }
0x24d: {  	[tilespmem:s26], [sflag:$0x4] =	stream.indirect.gather [spmem:s3], $0x40, s29, s6, $0xb8;
	[tilespmem:$0x1B880] =	vst v63  }
0x24e: {  	_ =	swait.ge [sflag:s9], $0x2000  }
0x24f: {  	[sflag:s9] =	ssyncset.done $0x0  }
0x250: {  	[sflag:s9] =	ssyncadd.s32 $0xFFFFE000  }
0x251: {  	[tilespmem:s4], [sflag:$0x5] =	stream.indirect.gather [spmem:s3], $0x40, s6, s6, $0xb8;
	[tilespmem:$0x1B880] =	vst v63  }
0x252: {  	_ =	swait.ge [sflag:s10], $0x2000  }
0x253: {  	[sflag:s10] =	ssyncset.done $0x0  }
0x254: {  	[sflag:s10] =	ssyncadd.s32 $0xFFFFE000  }
0x255: {  	[tilespmem:s30], [sflag:$0x6] =	stream.indirect.gather [spmem:s3], $0x40, s21, s6, $0xb8;
	[tilespmem:$0x1B880] =	vst v63  }
0x256: {  	_ =	swait.ge [sflag:s14], $0x2000  }
0x257: {  	[sflag:s14] =	ssyncset.done $0x0  }
0x258: {  	[sflag:s14] =	ssyncadd.s32 $0xFFFFE000  }
0x259: {  	[spmem:s1] =	stream.indirect.scatter.add.f32 [tilespmem:s26], [sflag:$0x1], $0x40, s16, s6, $0xb8;
	[tilespmem:$0x1B880] =	vst v63  }
0x25a: {  	_ =	swait.ge [sflag:s2], $0x2000  }
0x25b: {  	[sflag:s2] =	ssyncset.done $0x0  }
0x25c: {  	[sflag:s2] =	ssyncadd.s32 $0xFFFFE000  }
0x25d: {  	[tilespmem:s26], [sflag:$0x4] =	stream.indirect.gather [spmem:s3], $0x40, s22, s6, $0xb8;
	[tilespmem:$0x1B880] =	vst v63  }
0x25e: {  	_ =	swait.ge [sflag:s31], $0x2000  }
0x25f: {  	[sflag:s31] =	ssyncset.done $0x0  }
0x260: {  	s22 =	rddreg [dreg:$0x16];
	[sflag:s31] =	ssyncadd.s32 $0xFFFFE000  }
0x261: {  	[spmem:s1] =	stream.indirect.scatter.add.f32 [tilespmem:s4], [sflag:$0x2], $0x40, s22, s6, $0xb8;
	[tilespmem:$0x1B880] =	vst v63  }
0x262: {  	_ =	swait.ge [sflag:s9], $0x2000  }
0x263: {  	[sflag:s9] =	ssyncset.done $0x0  }
0x264: {  	[sflag:s9] =	ssyncadd.s32 $0xFFFFE000  }
0x265: {  	[tilespmem:s4], [sflag:$0x5] =	stream.indirect.gather [spmem:s3], $0x40, s23, s6, $0xb8;
	[tilespmem:$0x1B880] =	vst v63  }
0x266: {  	_ =	swait.ge [sflag:s0], $0x2000  }
0x267: {  	[sflag:s0] =	ssyncset.done $0x0  }
0x268: {  	s23 =	rddreg [dreg:$0x17];
	[sflag:s0] =	ssyncadd.s32 $0xFFFFE000  }
0x269: {  	[spmem:s1] =	stream.indirect.scatter.add.f32 [tilespmem:s30], [sflag:$0x3], $0x40, s23, s6, $0xb8;
	[tilespmem:$0x1B880] =	vst v63  }
0x26a: {  	_ =	swait.ge [sflag:s10], $0x2000  }
0x26b: {  	[sflag:s10] =	ssyncset.done $0x0  }
0x26c: {  	[sflag:s10] =	ssyncadd.s32 $0xFFFFE000  }
0x26d: {  	[tilespmem:s30], [sflag:$0x6] =	stream.indirect.gather [spmem:s3], $0x40, s24, s6, $0xb8;
	[tilespmem:$0x1B880] =	vst v63  }
0x26e: {  	_ =	swait.ge [sflag:s14], $0x2000  }
0x26f: {  	[sflag:s14] =	ssyncset.done $0x0  }
0x270: {  	s24 =	rddreg [dreg:$0x18];
	[sflag:s14] =	ssyncadd.s32 $0xFFFFE000  }
0x271: {  	[spmem:s1] =	stream.indirect.scatter.add.f32 [tilespmem:s26], [sflag:$0x1], $0x40, s24, s6, $0xb8;
	[tilespmem:$0x1B880] =	vst v63  }
0x272: {  	_ =	swait.ge [sflag:s2], $0x2000  }
0x273: {  	[sflag:s2] =	ssyncset.done $0x0  }
0x274: {  	[sflag:s2] =	ssyncadd.s32 $0xFFFFE000  }
0x275: {  	[tilespmem:s26], [sflag:$0x4] =	stream.indirect.gather [spmem:s3], $0x40, s25, s6, $0xb8;
	[tilespmem:$0x1B880] =	vst v63  }
0x276: {  	_ =	swait.ge [sflag:s31], $0x2000  }
0x277: {  	[sflag:s31] =	ssyncset.done $0x0  }
0x278: {  	s28 =	rddreg [dreg:$0x19];
	[sflag:s31] =	ssyncadd.s32 $0xFFFFE000  }
0x279: {  	[spmem:s1] =	stream.indirect.scatter.add.f32 [tilespmem:s4], [sflag:$0x2], $0x40, s28, s6, $0xb8;
	[tilespmem:$0x1B880] =	vst v63  }
0x27a: {  	_ =	swait.ge [sflag:s9], $0x2000  }
0x27b: {  	[sflag:s9] =	ssyncset.done $0x0  }
0x27c: {  	[sflag:s9] =	ssyncadd.s32 $0xFFFFE000  }
0x27d: {  	[tilespmem:s4], [sflag:$0x5] =	stream.indirect.gather [spmem:s3], $0x40, s17, s6, $0xb8;
	[tilespmem:$0x1B880] =	vst v63  }
0x27e: {  	_ =	swait.ge [sflag:s0], $0x2000  }
0x27f: {  	[sflag:s0] =	ssyncset.done $0x0  }
0x280: {  	s29 =	rddreg [dreg:$0x1a];
	[sflag:s0] =	ssyncadd.s32 $0xFFFFE000  }
0x281: {  	[spmem:s1] =	stream.indirect.scatter.add.f32 [tilespmem:s30], [sflag:$0x3], $0x40, s29, s6, $0xb8;
	[tilespmem:$0x1B880] =	vst v63  }
0x282: {  	_ =	swait.ge [sflag:s10], $0x2000  }
0x283: {  	[sflag:s10] =	ssyncset.done $0x0  }
0x284: {  	[sflag:s10] =	ssyncadd.s32 $0xFFFFE000  }
0x285: {  	[tilespmem:s30], [sflag:$0x6] =	stream.indirect.gather [spmem:s3], $0x40, s11, s6, $0xb8;
	[tilespmem:$0x1B880] =	vst v63  }
0x286: {  	_ =	swait.ge [sflag:s14], $0x2000  }
0x287: {  	[sflag:s14] =	ssyncset.done $0x0  }
0x288: {  	s11 =	rddreg [dreg:$0x1b];
	[sflag:s14] =	ssyncadd.s32 $0xFFFFE000  }
0x289: {  	[spmem:s1] =	stream.indirect.scatter.add.f32 [tilespmem:s26], [sflag:$0x1], $0x40, s11, s6, $0xb8;
	[tilespmem:$0x1B880] =	vst v63  }
0x28a: {  	_ =	swait.ge [sflag:s2], $0x2000  }
0x28b: {  	[sflag:s2] =	ssyncset.done $0x0  }
0x28c: {  	[sflag:s2] =	ssyncadd.s32 $0xFFFFE000  }
0x28d: {  	[tilespmem:s26], [sflag:$0x4] =	stream.indirect.gather [spmem:s3], $0x40, s7, s6, $0xb8;
	[tilespmem:$0x1B880] =	vst v63  }
0x28e: {  	_ =	swait.ge [sflag:s31], $0x2000  }
0x28f: {  	[sflag:s31] =	ssyncset.done $0x0  }
0x290: {  	s15 =	rddreg [dreg:$0x1c];
	[sflag:s31] =	ssyncadd.s32 $0xFFFFE000  }
0x291: {  	[spmem:s1] =	stream.indirect.scatter.add.f32 [tilespmem:s4], [sflag:$0x2], $0x40, s15, s6, $0xb8;
	[tilespmem:$0x1B880] =	vst v63  }
0x292: {  	_ =	swait.ge [sflag:s9], $0x2000  }
0x293: {  	[sflag:s9] =	ssyncset.done $0x0  }
0x294: {  	[sflag:s9] =	ssyncadd.s32 $0xFFFFE000  }
0x295: {  	[tilespmem:s4], [sflag:$0x5] =	stream.indirect.gather [spmem:s3], $0x40, s12, s6, $0xb8;
	[tilespmem:$0x1B880] =	vst v63  }
0x296: {  	_ =	swait.ge [sflag:s0], $0x2000  }
0x297: {  	[sflag:s0] =	ssyncset.done $0x0  }
0x298: {  	s17 =	rddreg [dreg:$0x1d];
	[sflag:s0] =	ssyncadd.s32 $0xFFFFE000  }
0x299: {  	[spmem:s1] =	stream.indirect.scatter.add.f32 [tilespmem:s30], [sflag:$0x3], $0x40, s17, s6, $0xb8;
	[tilespmem:$0x1B880] =	vst v63  }
0x29a: {  	_ =	swait.ge [sflag:s10], $0x2000  }
0x29b: {  	[sflag:s10] =	ssyncset.done $0x0  }
0x29c: {  	[sflag:s10] =	ssyncadd.s32 $0xFFFFE000  }
0x29d: {  	[tilespmem:s30], [sflag:$0x6] =	stream.indirect.gather [spmem:s3], $0x40, s18, s6, $0xb8;
	[tilespmem:$0x1B880] =	vst v63  }
0x29e: {  	_ =	swait.ge [sflag:s14], $0x2000  }
0x29f: {  	[sflag:s14] =	ssyncset.done $0x0  }
0x2a0: {  	s18 =	rddreg [dreg:$0x1e];
	[sflag:s14] =	ssyncadd.s32 $0xFFFFE000  }
0x2a1: {  	[spmem:s1] =	stream.indirect.scatter.add.f32 [tilespmem:s26], [sflag:$0x1], $0x40, s18, s6, $0xb8;
	[tilespmem:$0x1B880] =	vst v63  }
0x2a2: {  	_ =	swait.ge [sflag:s2], $0x2000  }
0x2a3: {  	[sflag:s2] =	ssyncset.done $0x0  }
0x2a4: {  	[sflag:s2] =	ssyncadd.s32 $0xFFFFE000  }
0x2a5: {  	[tilespmem:s26], [sflag:$0x4] =	stream.indirect.gather [spmem:s3], $0x40, s20, s6, $0xb8;
	[tilespmem:$0x1B880] =	vst v63  }
0x2a6: {  	_ =	swait.ge [sflag:s31], $0x2000  }
0x2a7: {  	[sflag:s31] =	ssyncset.done $0x0  }
0x2a8: {  	s20 =	rddreg [dreg:$0x1f];
	[sflag:s31] =	ssyncadd.s32 $0xFFFFE000  }
0x2a9: {  	[spmem:s1] =	stream.indirect.scatter.add.f32 [tilespmem:s4], [sflag:$0x2], $0x40, s20, s6, $0xb8;
	[tilespmem:$0x1B880] =	vst v63  }
0x2aa: {  	_ =	swait.ge [sflag:s9], $0x2000  }
0x2ab: {  	[sflag:s9] =	ssyncset.done $0x0  }
0x2ac: {  	[sflag:s9] =	ssyncadd.s32 $0xFFFFE000  }
0x2ad: {  	[tilespmem:s4], [sflag:$0x5] =	stream.indirect.gather [spmem:s3], $0x40, s5, s6, $0xb8;
	[tilespmem:$0x1B880] =	vst v63  }
0x2ae: {  	_ =	swait.ge [sflag:s0], $0x2000  }
0x2af: {  	s21 =	sld [smem:$0x7ED]  }
0x2b0: {  	[sflag:s0] =	ssyncset.done $0x0  }
0x2b1: {  	[sflag:s0] =	ssyncadd.s32 $0xFFFFE000  }
0x2b2: {  	[spmem:s1] =	stream.indirect.scatter.add.f32 [tilespmem:s30], [sflag:$0x3], $0x40, s21, s6, $0xb8;
	[tilespmem:$0x1B880] =	vst v63  }
0x2b3: {  	_ =	swait.ge [sflag:s10], $0x2000  }
0x2b4: {  	[sflag:s10] =	ssyncset.done $0x0  }
0x2b5: {  	s22 =	simm.s32 $0x700;
	[sflag:s10] =	ssyncadd.s32 $0xFFFFE000  }
0x2b6: {  	[tilespmem:s30], [sflag:$0x6] =	stream.indirect.gather [spmem:s3], $0x40, s22, s6, $0xb8;
	[tilespmem:$0x1B880] =	vst v63  }
0x2b7: {  	_ =	swait.ge [sflag:s14], $0x2000  }
0x2b8: {  	s23 =	sld [smem:$0x7EE]  }
0x2b9: {  	[sflag:s14] =	ssyncset.done $0x0  }
0x2ba: {  	[sflag:s14] =	ssyncadd.s32 $0xFFFFE000  }
0x2bb: {  	[spmem:s1] =	stream.indirect.scatter.add.f32 [tilespmem:s26], [sflag:$0x1], $0x40, s23, s6, $0xb8;
	[tilespmem:$0x1B880] =	vst v63  }
0x2bc: {  	_ =	swait.ge [sflag:s2], $0x2000  }
0x2bd: {  	[sflag:s2] =	ssyncset.done $0x0  }
0x2be: {  	s24 =	simm.s32 $0x780;
	[sflag:s2] =	ssyncadd.s32 $0xFFFFE000  }
0x2bf: {  	[tilespmem:s26], [sflag:$0x4] =	stream.indirect.gather [spmem:s3], $0x40, s24, s6, $0xb8;
	[tilespmem:$0x1B880] =	vst v63  }
0x2c0: {  	_ =	swait.ge [sflag:s31], $0x2000  }
0x2c1: {  	s28 =	sld [smem:$0x7F0]  }
0x2c2: {  	[sflag:s31] =	ssyncset.done $0x0  }
0x2c3: {  	[sflag:s31] =	ssyncadd.s32 $0xFFFFE000  }
0x2c4: {  	[spmem:s1] =	stream.indirect.scatter.add.f32 [tilespmem:s4], [sflag:$0x2], $0x40, s28, s6, $0xb8;
	[tilespmem:$0x1B880] =	vst v63  }
0x2c5: {  	_ =	swait.ge [sflag:s0], $0x2000  }
0x2c6: {  	s29 =	sld [smem:$0x7F1]  }
0x2c7: {  	p0 =	sne.s32 s8, $0x800;
	[sflag:s0] =	ssyncset.done $0x0  }
.Ltmp1:
0x2c8: {  	[sflag:s0] =	ssyncadd.s32 $0xFFFFE000;
	(pc) =	sbr.rel @p0 .LBB2_4-.Ltmp1, $4  }
0x2c9: {  	[spmem:s1] =	stream.indirect.scatter.add.f32 [tilespmem:s30], [sflag:$0x3], $0x40, s29, s6, $0xb8;
	[tilespmem:$0x1B880] =	vst v63  }
0x2ca: {  	_ =	swait.ge [sflag:s14], $0x2000  }
0x2cb: {  	s8 =	sadd.s32 $0x200, s8;
	[sflag:s14] =	ssyncset.done $0x0;
	s13 =	sld [smem:$0x7F4]  }
0x2cc: {  	s25 =	simm.s32 $0x0;
	s15 =	rddreg [dreg:$0x6];
	[sflag:s14] =	ssyncadd.s32 $0xFFFFE000  }
0x2cd: {  	_ = 	snop  }
0x2ce: {  	[spmem:s1] =	stream.indirect.scatter.add.f32 [tilespmem:s26], [sflag:$0x1], $0x40, s13, s6, $0xb8;
	[tilespmem:$0x1B880] =	vst v63  }
0x2cf: {  	s8 =	sadd.s32 s19, s15;
	s29 =	simm.s32 $0x7  }
0x2d0: {  	[tilespmem:s25], [sflag:$0x7] =	stream.linear.gather [hbm4b:s8+s25], $0x800, $0x38;
	[tilespmem:$0x1B880] =	vst v63  }
0x2d1: {  	_ =	swait.ge [sflag:s29], $0x800  }
0x2d2: {  	s23 =	rddreg [dreg:$0x5];
	[sflag:s29] =	ssyncset.done $0x0  }
0x2d3: {  	s5 =	simm.s32 $0x800;
	[sflag:s29] =	ssyncadd.s32 $0xFFFFF800;
	s13 =	sadd.s32 s19, s23  }
0x2d4: {  	[tilespmem:s5], [sflag:$0x7] =	stream.linear.gather [hbm4b:s13+s25], $0x800, $0x38;
	[tilespmem:$0x1B880] =	vst v63  }
0x2d5: {  	_ =	swait.ge [sflag:s29], $0x800  }
0x2d6: {  	[sflag:s29] =	ssyncset.done $0x0  }
0x2d7: {  	[sflag:s29] =	ssyncadd.s32 $0xFFFFF800  }
0x2d8: {  	_ =	swait.ge [sflag:s2], $0x2000  }
0x2d9: {  	[sflag:s2] =	ssyncset.done $0x0  }
0x2da: {  	[sflag:s2] =	ssyncadd.s32 $0xFFFFE000  }
0x2db: {  	[tilespmem:s26], [sflag:$0x4] =	stream.indirect.gather [spmem:s3], $0x40, s25, s6, $0xb8;
	[tilespmem:$0x1B880] =	vst v63  }
0x2dc: {  	_ =	swait.ge [sflag:s9], $0x2000  }
0x2dd: {  	[sflag:s9] =	ssyncset.done $0x0  }
0x2de: {  	[sflag:s9] =	ssyncadd.s32 $0xFFFFE000  }
0x2df: {  	[tilespmem:s4], [sflag:$0x5] =	stream.indirect.gather [spmem:s3], $0x40, s6, s6, $0xb8;
	[tilespmem:$0x1B880] =	vst v63  }
0x2e0: {  	_ =	swait.ge [sflag:s10], $0x2000  }
0x2e1: {  	[sflag:s10] =	ssyncset.done $0x0  }
0x2e2: {  	s19 =	simm.s32 $0x100;
	[sflag:s10] =	ssyncadd.s32 $0xFFFFE000  }
0x2e3: {  	[tilespmem:s30], [sflag:$0x6] =	stream.indirect.gather [spmem:s3], $0x40, s19, s6, $0xb8;
	[tilespmem:$0x1B880] =	vst v63  }
0x2e4: {  	_ =	swait.ge [sflag:s14], $0x2000  }
0x2e5: {  	[sflag:s14] =	ssyncset.done $0x0  }
0x2e6: {  	[sflag:s14] =	ssyncadd.s32 $0xFFFFE000  }
0x2e7: {  	[spmem:s1] =	stream.indirect.scatter.add.f32 [tilespmem:s26], [sflag:$0x1], $0x40, s5, s6, $0xb8;
	[tilespmem:$0x1B880] =	vst v63  }
0x2e8: {  	_ =	swait.ge [sflag:s2], $0x2000  }
0x2e9: {  	[sflag:s2] =	ssyncset.done $0x0  }
0x2ea: {  	s20 =	simm.s32 $0x180;
	[sflag:s2] =	ssyncadd.s32 $0xFFFFE000  }
0x2eb: {  	[tilespmem:s26], [sflag:$0x4] =	stream.indirect.gather [spmem:s3], $0x40, s20, s6, $0xb8;
	[tilespmem:$0x1B880] =	vst v63  }
0x2ec: {  	_ =	swait.ge [sflag:s31], $0x2000  }
0x2ed: {  	[sflag:s31] =	ssyncset.done $0x0  }
0x2ee: {  	s24 =	rddreg [dreg:$0x7];
	[sflag:s31] =	ssyncadd.s32 $0xFFFFE000  }
0x2ef: {  	[spmem:s1] =	stream.indirect.scatter.add.f32 [tilespmem:s4], [sflag:$0x2], $0x40, s24, s6, $0xb8;
	[tilespmem:$0x1B880] =	vst v63  }
0x2f0: {  	_ =	swait.ge [sflag:s9], $0x2000  }
0x2f1: {  	[sflag:s9] =	ssyncset.done $0x0  }
0x2f2: {  	s21 =	simm.s32 $0x200;
	[sflag:s9] =	ssyncadd.s32 $0xFFFFE000  }
0x2f3: {  	[tilespmem:s4], [sflag:$0x5] =	stream.indirect.gather [spmem:s3], $0x40, s21, s6, $0xb8;
	[tilespmem:$0x1B880] =	vst v63  }
0x2f4: {  	_ =	swait.ge [sflag:s0], $0x2000  }
0x2f5: {  	[sflag:s0] =	ssyncset.done $0x0  }
0x2f6: {  	s28 =	rddreg [dreg:$0x8];
	[sflag:s0] =	ssyncadd.s32 $0xFFFFE000  }
0x2f7: {  	[spmem:s1] =	stream.indirect.scatter.add.f32 [tilespmem:s30], [sflag:$0x3], $0x40, s28, s6, $0xb8;
	[tilespmem:$0x1B880] =	vst v63  }
0x2f8: {  	_ =	swait.ge [sflag:s10], $0x2000  }
0x2f9: {  	[sflag:s10] =	ssyncset.done $0x0  }
0x2fa: {  	s22 =	simm.s32 $0x280;
	[sflag:s10] =	ssyncadd.s32 $0xFFFFE000  }
0x2fb: {  	[tilespmem:s30], [sflag:$0x6] =	stream.indirect.gather [spmem:s3], $0x40, s22, s6, $0xb8;
	[tilespmem:$0x1B880] =	vst v63  }
0x2fc: {  	_ =	swait.ge [sflag:s14], $0x2000  }
0x2fd: {  	[sflag:s14] =	ssyncset.done $0x0  }
0x2fe: {  	s5 =	rddreg [dreg:$0x9];
	[sflag:s14] =	ssyncadd.s32 $0xFFFFE000  }
0x2ff: {  	[spmem:s1] =	stream.indirect.scatter.add.f32 [tilespmem:s26], [sflag:$0x1], $0x40, s5, s6, $0xb8;
	[tilespmem:$0x1B880] =	vst v63  }
0x300: {  	_ =	swait.ge [sflag:s2], $0x2000  }
0x301: {  	[sflag:s2] =	ssyncset.done $0x0  }
0x302: {  	s23 =	simm.s32 $0x300;
	[sflag:s2] =	ssyncadd.s32 $0xFFFFE000  }
0x303: {  	[tilespmem:s26], [sflag:$0x4] =	stream.indirect.gather [spmem:s3], $0x40, s23, s6, $0xb8;
	[tilespmem:$0x1B880] =	vst v63  }
0x304: {  	_ =	swait.ge [sflag:s31], $0x2000  }
0x305: {  	[sflag:s31] =	ssyncset.done $0x0  }
0x306: {  	s7 =	rddreg [dreg:$0xa];
	[sflag:s31] =	ssyncadd.s32 $0xFFFFE000  }
0x307: {  	[spmem:s1] =	stream.indirect.scatter.add.f32 [tilespmem:s4], [sflag:$0x2], $0x40, s7, s6, $0xb8;
	[tilespmem:$0x1B880] =	vst v63  }
0x308: {  	_ =	swait.ge [sflag:s9], $0x2000  }
0x309: {  	[sflag:s9] =	ssyncset.done $0x0  }
0x30a: {  	s24 =	simm.s32 $0x380;
	[sflag:s9] =	ssyncadd.s32 $0xFFFFE000  }
0x30b: {  	[tilespmem:s4], [sflag:$0x5] =	stream.indirect.gather [spmem:s3], $0x40, s24, s6, $0xb8;
	[tilespmem:$0x1B880] =	vst v63  }
0x30c: {  	_ =	swait.ge [sflag:s0], $0x2000  }
0x30d: {  	[sflag:s0] =	ssyncset.done $0x0  }
0x30e: {  	s11 =	rddreg [dreg:$0xb];
	[sflag:s0] =	ssyncadd.s32 $0xFFFFE000  }
0x30f: {  	[spmem:s1] =	stream.indirect.scatter.add.f32 [tilespmem:s30], [sflag:$0x3], $0x40, s11, s6, $0xb8;
	[tilespmem:$0x1B880] =	vst v63  }
0x310: {  	_ =	swait.ge [sflag:s10], $0x2000  }
0x311: {  	[sflag:s10] =	ssyncset.done $0x0  }
0x312: {  	s11 =	simm.s32 $0x400;
	[sflag:s10] =	ssyncadd.s32 $0xFFFFE000  }
0x313: {  	[tilespmem:s30], [sflag:$0x6] =	stream.indirect.gather [spmem:s3], $0x40, s11, s6, $0xb8;
	[tilespmem:$0x1B880] =	vst v63  }
0x314: {  	_ =	swait.ge [sflag:s14], $0x2000  }
0x315: {  	[sflag:s14] =	ssyncset.done $0x0  }
0x316: {  	s12 =	rddreg [dreg:$0xc];
	[sflag:s14] =	ssyncadd.s32 $0xFFFFE000  }
0x317: {  	[spmem:s1] =	stream.indirect.scatter.add.f32 [tilespmem:s26], [sflag:$0x1], $0x40, s12, s6, $0xb8;
	[tilespmem:$0x1B880] =	vst v63  }
0x318: {  	_ =	swait.ge [sflag:s2], $0x2000  }
0x319: {  	[sflag:s2] =	ssyncset.done $0x0  }
0x31a: {  	s7 =	simm.s32 $0x480;
	[sflag:s2] =	ssyncadd.s32 $0xFFFFE000  }
0x31b: {  	[tilespmem:s26], [sflag:$0x4] =	stream.indirect.gather [spmem:s3], $0x40, s7, s6, $0xb8;
	[tilespmem:$0x1B880] =	vst v63  }
0x31c: {  	_ =	swait.ge [sflag:s31], $0x2000  }
0x31d: {  	[sflag:s31] =	ssyncset.done $0x0  }
0x31e: {  	s17 =	rddreg [dreg:$0xd];
	[sflag:s31] =	ssyncadd.s32 $0xFFFFE000  }
0x31f: {  	[spmem:s1] =	stream.indirect.scatter.add.f32 [tilespmem:s4], [sflag:$0x2], $0x40, s17, s6, $0xb8;
	[tilespmem:$0x1B880] =	vst v63  }
0x320: {  	_ =	swait.ge [sflag:s9], $0x2000  }
0x321: {  	[sflag:s9] =	ssyncset.done $0x0  }
0x322: {  	s12 =	simm.s32 $0x500;
	[sflag:s9] =	ssyncadd.s32 $0xFFFFE000  }
0x323: {  	[tilespmem:s4], [sflag:$0x5] =	stream.indirect.gather [spmem:s3], $0x40, s12, s6, $0xb8;
	[tilespmem:$0x1B880] =	vst v63  }
0x324: {  	_ =	swait.ge [sflag:s0], $0x2000  }
0x325: {  	[sflag:s0] =	ssyncset.done $0x0  }
0x326: {  	s18 =	rddreg [dreg:$0xe];
	[sflag:s0] =	ssyncadd.s32 $0xFFFFE000  }
0x327: {  	[spmem:s1] =	stream.indirect.scatter.add.f32 [tilespmem:s30], [sflag:$0x3], $0x40, s18, s6, $0xb8;
	[tilespmem:$0x1B880] =	vst v63  }
0x328: {  	_ =	swait.ge [sflag:s10], $0x2000  }
0x329: {  	[sflag:s10] =	ssyncset.done $0x0  }
0x32a: {  	s17 =	simm.s32 $0x580;
	[sflag:s10] =	ssyncadd.s32 $0xFFFFE000  }
0x32b: {  	[tilespmem:s30], [sflag:$0x6] =	stream.indirect.gather [spmem:s3], $0x40, s17, s6, $0xb8;
	[tilespmem:$0x1B880] =	vst v63  }
0x32c: {  	_ =	swait.ge [sflag:s14], $0x2000  }
0x32d: {  	[sflag:s14] =	ssyncset.done $0x0  }
0x32e: {  	s28 =	rddreg [dreg:$0xf];
	[sflag:s14] =	ssyncadd.s32 $0xFFFFE000  }
0x32f: {  	[spmem:s1] =	stream.indirect.scatter.add.f32 [tilespmem:s26], [sflag:$0x1], $0x40, s28, s6, $0xb8;
	[tilespmem:$0x1B880] =	vst v63  }
0x330: {  	_ =	swait.ge [sflag:s2], $0x2000  }
0x331: {  	[sflag:s2] =	ssyncset.done $0x0  }
0x332: {  	s18 =	simm.s32 $0x600;
	[sflag:s2] =	ssyncadd.s32 $0xFFFFE000  }
0x333: {  	[tilespmem:s26], [sflag:$0x4] =	stream.indirect.gather [spmem:s3], $0x40, s18, s6, $0xb8;
	[tilespmem:$0x1B880] =	vst v63  }
0x334: {  	_ =	swait.ge [sflag:s31], $0x2000  }
0x335: {  	[sflag:s31] =	ssyncset.done $0x0  }
0x336: {  	s5 =	rddreg [dreg:$0x10];
	[sflag:s31] =	ssyncadd.s32 $0xFFFFE000  }
0x337: {  	[spmem:s1] =	stream.indirect.scatter.add.f32 [tilespmem:s4], [sflag:$0x2], $0x40, s5, s6, $0xb8;
	[tilespmem:$0x1B880] =	vst v63  }
0x338: {  	_ =	swait.ge [sflag:s9], $0x2000  }
0x339: {  	[sflag:s9] =	ssyncset.done $0x0  }
0x33a: {  	s5 =	simm.s32 $0x680;
	[sflag:s9] =	ssyncadd.s32 $0xFFFFE000  }
0x33b: {  	[tilespmem:s4], [sflag:$0x5] =	stream.indirect.gather [spmem:s3], $0x40, s5, s6, $0xb8;
	[tilespmem:$0x1B880] =	vst v63  }
0x33c: {  	_ =	swait.ge [sflag:s0], $0x2000  }
0x33d: {  	[sflag:s0] =	ssyncset.done $0x0  }
0x33e: {  	s28 =	rddreg [dreg:$0x11];
	[sflag:s0] =	ssyncadd.s32 $0xFFFFE000  }
0x33f: {  	[spmem:s1] =	stream.indirect.scatter.add.f32 [tilespmem:s30], [sflag:$0x3], $0x40, s28, s6, $0xb8;
	[tilespmem:$0x1B880] =	vst v63  }
0x340: {  	_ =	swait.ge [sflag:s10], $0x2000  }
0x341: {  	[sflag:s10] =	ssyncset.done $0x0  }
0x342: {  	s28 =	simm.s32 $0x700;
	[sflag:s10] =	ssyncadd.s32 $0xFFFFE000  }
0x343: {  	[tilespmem:s30], [sflag:$0x6] =	stream.indirect.gather [spmem:s3], $0x40, s28, s6, $0xb8;
	[tilespmem:$0x1B880] =	vst v63  }
0x344: {  	_ =	swait.ge [sflag:s14], $0x2000  }
0x345: {  	[sflag:s14] =	ssyncset.done $0x0  }
0x346: {  	s15 =	rddreg [dreg:$0x12];
	[sflag:s14] =	ssyncadd.s32 $0xFFFFE000  }
0x347: {  	[spmem:s1] =	stream.indirect.scatter.add.f32 [tilespmem:s26], [sflag:$0x1], $0x40, s15, s6, $0xb8;
	[tilespmem:$0x1B880] =	vst v63  }
0x348: {  	_ =	swait.ge [sflag:s2], $0x2000  }
0x349: {  	[sflag:s2] =	ssyncset.done $0x0  }
0x34a: {  	s15 =	simm.s32 $0x780;
	[sflag:s2] =	ssyncadd.s32 $0xFFFFE000  }
0x34b: {  	[tilespmem:s26], [sflag:$0x4] =	stream.indirect.gather [spmem:s3], $0x40, s15, s6, $0xb8;
	[tilespmem:$0x1B880] =	vst v63  }
0x34c: {  	_ =	swait.ge [sflag:s31], $0x2000  }
0x34d: {  	[sflag:s31] =	ssyncset.done $0x0  }
0x34e: {  	s15 =	rddreg [dreg:$0x13];
	[sflag:s31] =	ssyncadd.s32 $0xFFFFE000  }
0x34f: {  	[spmem:s1] =	stream.indirect.scatter.add.f32 [tilespmem:s4], [sflag:$0x2], $0x40, s15, s6, $0xb8;
	[tilespmem:$0x1B880] =	vst v63  }
0x350: {  	_ =	swait.ge [sflag:s0], $0x2000  }
0x351: {  	[sflag:s0] =	ssyncset.done $0x0  }
0x352: {  	s15 =	rddreg [dreg:$0x14];
	[sflag:s0] =	ssyncadd.s32 $0xFFFFE000  }
0x353: {  	[spmem:s1] =	stream.indirect.scatter.add.f32 [tilespmem:s30], [sflag:$0x3], $0x40, s15, s6, $0xb8;
	[tilespmem:$0x1B880] =	vst v63  }
0x354: {  	_ =	swait.ge [sflag:s14], $0x2000  }
0x355: {  	[sflag:s14] =	ssyncset.done $0x0  }
0x356: {  	s15 =	rddreg [dreg:$0x15];
	[sflag:s14] =	ssyncadd.s32 $0xFFFFE000  }
0x357: {  	[spmem:s1] =	stream.indirect.scatter.add.f32 [tilespmem:s26], [sflag:$0x1], $0x40, s15, s6, $0xb8;
	[tilespmem:$0x1B880] =	vst v63  }
0x358: {  	s8 =	sadd.s32 $0x100, s8  }
0x359: {  	[tilespmem:s25], [sflag:$0x7] =	stream.linear.gather [hbm4b:s8+s25], $0x800, $0x38;
	[tilespmem:$0x1B880] =	vst v63  }
0x35a: {  	_ =	swait.ge [sflag:s29], $0x800  }
0x35b: {  	[sflag:s29] =	ssyncset.done $0x0  }
0x35c: {  	s15 =	sadd.s32 $0x100, s13;
	[sflag:s29] =	ssyncadd.s32 $0xFFFFF800  }
0x35d: {  	[tilespmem:s16], [sflag:$0x7] =	stream.linear.gather [hbm4b:s15+s25], $0x800, $0x38;
	[tilespmem:$0x1B880] =	vst v63  }
0x35e: {  	_ =	swait.ge [sflag:s29], $0x800  }
0x35f: {  	[sflag:s29] =	ssyncset.done $0x0  }
0x360: {  	[sflag:s29] =	ssyncadd.s32 $0xFFFFF800  }
0x361: {  	_ =	swait.ge [sflag:s2], $0x2000  }
0x362: {  	[sflag:s2] =	ssyncset.done $0x0  }
0x363: {  	[sflag:s2] =	ssyncadd.s32 $0xFFFFE000  }
0x364: {  	[tilespmem:s26], [sflag:$0x4] =	stream.indirect.gather [spmem:s3], $0x40, s25, s6, $0xb8;
	[tilespmem:$0x1B880] =	vst v63  }
0x365: {  	_ =	swait.ge [sflag:s9], $0x2000  }
0x366: {  	[sflag:s9] =	ssyncset.done $0x0  }
0x367: {  	[sflag:s9] =	ssyncadd.s32 $0xFFFFE000  }
0x368: {  	[tilespmem:s4], [sflag:$0x5] =	stream.indirect.gather [spmem:s3], $0x40, s6, s6, $0xb8;
	[tilespmem:$0x1B880] =	vst v63  }
0x369: {  	_ =	swait.ge [sflag:s10], $0x2000  }
0x36a: {  	[sflag:s10] =	ssyncset.done $0x0  }
0x36b: {  	[sflag:s10] =	ssyncadd.s32 $0xFFFFE000  }
0x36c: {  	[tilespmem:s30], [sflag:$0x6] =	stream.indirect.gather [spmem:s3], $0x40, s19, s6, $0xb8;
	[tilespmem:$0x1B880] =	vst v63  }
0x36d: {  	_ =	swait.ge [sflag:s14], $0x2000  }
0x36e: {  	[sflag:s14] =	ssyncset.done $0x0  }
0x36f: {  	[sflag:s14] =	ssyncadd.s32 $0xFFFFE000  }
0x370: {  	[spmem:s1] =	stream.indirect.scatter.add.f32 [tilespmem:s26], [sflag:$0x1], $0x40, s16, s6, $0xb8;
	[tilespmem:$0x1B880] =	vst v63  }
0x371: {  	_ =	swait.ge [sflag:s2], $0x2000  }
0x372: {  	[sflag:s2] =	ssyncset.done $0x0  }
0x373: {  	[sflag:s2] =	ssyncadd.s32 $0xFFFFE000  }
0x374: {  	[tilespmem:s26], [sflag:$0x4] =	stream.indirect.gather [spmem:s3], $0x40, s20, s6, $0xb8;
	[tilespmem:$0x1B880] =	vst v63  }
0x375: {  	_ =	swait.ge [sflag:s31], $0x2000  }
0x376: {  	[sflag:s31] =	ssyncset.done $0x0  }
0x377: {  	s20 =	rddreg [dreg:$0x16];
	[sflag:s31] =	ssyncadd.s32 $0xFFFFE000  }
0x378: {  	[spmem:s1] =	stream.indirect.scatter.add.f32 [tilespmem:s4], [sflag:$0x2], $0x40, s20, s6, $0xb8;
	[tilespmem:$0x1B880] =	vst v63  }
0x379: {  	_ =	swait.ge [sflag:s9], $0x2000  }
0x37a: {  	[sflag:s9] =	ssyncset.done $0x0  }
0x37b: {  	[sflag:s9] =	ssyncadd.s32 $0xFFFFE000  }
0x37c: {  	[tilespmem:s4], [sflag:$0x5] =	stream.indirect.gather [spmem:s3], $0x40, s21, s6, $0xb8;
	[tilespmem:$0x1B880] =	vst v63  }
0x37d: {  	_ =	swait.ge [sflag:s0], $0x2000  }
0x37e: {  	[sflag:s0] =	ssyncset.done $0x0  }
0x37f: {  	s13 =	rddreg [dreg:$0x17];
	[sflag:s0] =	ssyncadd.s32 $0xFFFFE000  }
0x380: {  	[spmem:s1] =	stream.indirect.scatter.add.f32 [tilespmem:s30], [sflag:$0x3], $0x40, s13, s6, $0xb8;
	[tilespmem:$0x1B880] =	vst v63  }
0x381: {  	_ =	swait.ge [sflag:s10], $0x2000  }
0x382: {  	[sflag:s10] =	ssyncset.done $0x0  }
0x383: {  	[sflag:s10] =	ssyncadd.s32 $0xFFFFE000  }
0x384: {  	[tilespmem:s30], [sflag:$0x6] =	stream.indirect.gather [spmem:s3], $0x40, s22, s6, $0xb8;
	[tilespmem:$0x1B880] =	vst v63  }
0x385: {  	_ =	swait.ge [sflag:s14], $0x2000  }
0x386: {  	[sflag:s14] =	ssyncset.done $0x0  }
0x387: {  	s15 =	rddreg [dreg:$0x18];
	[sflag:s14] =	ssyncadd.s32 $0xFFFFE000  }
0x388: {  	[spmem:s1] =	stream.indirect.scatter.add.f32 [tilespmem:s26], [sflag:$0x1], $0x40, s15, s6, $0xb8;
	[tilespmem:$0x1B880] =	vst v63  }
0x389: {  	_ =	swait.ge [sflag:s2], $0x2000  }
0x38a: {  	[sflag:s2] =	ssyncset.done $0x0  }
0x38b: {  	[sflag:s2] =	ssyncadd.s32 $0xFFFFE000  }
0x38c: {  	[tilespmem:s26], [sflag:$0x4] =	stream.indirect.gather [spmem:s3], $0x40, s23, s6, $0xb8;
	[tilespmem:$0x1B880] =	vst v63  }
0x38d: {  	_ =	swait.ge [sflag:s31], $0x2000  }
0x38e: {  	[sflag:s31] =	ssyncset.done $0x0  }
0x38f: {  	s16 =	rddreg [dreg:$0x19];
	[sflag:s31] =	ssyncadd.s32 $0xFFFFE000  }
0x390: {  	[spmem:s1] =	stream.indirect.scatter.add.f32 [tilespmem:s4], [sflag:$0x2], $0x40, s16, s6, $0xb8;
	[tilespmem:$0x1B880] =	vst v63  }
0x391: {  	_ =	swait.ge [sflag:s9], $0x2000  }
0x392: {  	[sflag:s9] =	ssyncset.done $0x0  }
0x393: {  	[sflag:s9] =	ssyncadd.s32 $0xFFFFE000  }
0x394: {  	[tilespmem:s4], [sflag:$0x5] =	stream.indirect.gather [spmem:s3], $0x40, s24, s6, $0xb8;
	[tilespmem:$0x1B880] =	vst v63  }
0x395: {  	_ =	swait.ge [sflag:s0], $0x2000  }
0x396: {  	[sflag:s0] =	ssyncset.done $0x0  }
0x397: {  	s19 =	rddreg [dreg:$0x1a];
	[sflag:s0] =	ssyncadd.s32 $0xFFFFE000  }
0x398: {  	[spmem:s1] =	stream.indirect.scatter.add.f32 [tilespmem:s30], [sflag:$0x3], $0x40, s19, s6, $0xb8;
	[tilespmem:$0x1B880] =	vst v63  }
0x399: {  	_ =	swait.ge [sflag:s10], $0x2000  }
0x39a: {  	[sflag:s10] =	ssyncset.done $0x0  }
0x39b: {  	[sflag:s10] =	ssyncadd.s32 $0xFFFFE000  }
0x39c: {  	[tilespmem:s30], [sflag:$0x6] =	stream.indirect.gather [spmem:s3], $0x40, s11, s6, $0xb8;
	[tilespmem:$0x1B880] =	vst v63  }
0x39d: {  	_ =	swait.ge [sflag:s14], $0x2000  }
0x39e: {  	[sflag:s14] =	ssyncset.done $0x0  }
0x39f: {  	s20 =	rddreg [dreg:$0x1b];
	[sflag:s14] =	ssyncadd.s32 $0xFFFFE000  }
0x3a0: {  	[spmem:s1] =	stream.indirect.scatter.add.f32 [tilespmem:s26], [sflag:$0x1], $0x40, s20, s6, $0xb8;
	[tilespmem:$0x1B880] =	vst v63  }
0x3a1: {  	_ =	swait.ge [sflag:s2], $0x2000  }
0x3a2: {  	[sflag:s2] =	ssyncset.done $0x0  }
0x3a3: {  	[sflag:s2] =	ssyncadd.s32 $0xFFFFE000  }
0x3a4: {  	[tilespmem:s26], [sflag:$0x4] =	stream.indirect.gather [spmem:s3], $0x40, s7, s6, $0xb8;
	[tilespmem:$0x1B880] =	vst v63  }
0x3a5: {  	_ =	swait.ge [sflag:s31], $0x2000  }
0x3a6: {  	[sflag:s31] =	ssyncset.done $0x0  }
0x3a7: {  	s21 =	rddreg [dreg:$0x1c];
	[sflag:s31] =	ssyncadd.s32 $0xFFFFE000  }
0x3a8: {  	[spmem:s1] =	stream.indirect.scatter.add.f32 [tilespmem:s4], [sflag:$0x2], $0x40, s21, s6, $0xb8;
	[tilespmem:$0x1B880] =	vst v63  }
0x3a9: {  	_ =	swait.ge [sflag:s9], $0x2000  }
0x3aa: {  	[sflag:s9] =	ssyncset.done $0x0  }
0x3ab: {  	[sflag:s9] =	ssyncadd.s32 $0xFFFFE000  }
0x3ac: {  	[tilespmem:s4], [sflag:$0x5] =	stream.indirect.gather [spmem:s3], $0x40, s12, s6, $0xb8;
	[tilespmem:$0x1B880] =	vst v63  }
0x3ad: {  	_ =	swait.ge [sflag:s0], $0x2000  }
0x3ae: {  	[sflag:s0] =	ssyncset.done $0x0  }
0x3af: {  	s22 =	rddreg [dreg:$0x1d];
	[sflag:s0] =	ssyncadd.s32 $0xFFFFE000  }
0x3b0: {  	[spmem:s1] =	stream.indirect.scatter.add.f32 [tilespmem:s30], [sflag:$0x3], $0x40, s22, s6, $0xb8;
	[tilespmem:$0x1B880] =	vst v63  }
0x3b1: {  	_ =	swait.ge [sflag:s10], $0x2000  }
0x3b2: {  	[sflag:s10] =	ssyncset.done $0x0  }
0x3b3: {  	[sflag:s10] =	ssyncadd.s32 $0xFFFFE000  }
0x3b4: {  	[tilespmem:s30], [sflag:$0x6] =	stream.indirect.gather [spmem:s3], $0x40, s17, s6, $0xb8;
	[tilespmem:$0x1B880] =	vst v63  }
0x3b5: {  	_ =	swait.ge [sflag:s14], $0x2000  }
0x3b6: {  	[sflag:s14] =	ssyncset.done $0x0  }
0x3b7: {  	s23 =	rddreg [dreg:$0x1e];
	[sflag:s14] =	ssyncadd.s32 $0xFFFFE000  }
0x3b8: {  	[spmem:s1] =	stream.indirect.scatter.add.f32 [tilespmem:s26], [sflag:$0x1], $0x40, s23, s6, $0xb8;
	[tilespmem:$0x1B880] =	vst v63  }
0x3b9: {  	_ =	swait.ge [sflag:s2], $0x2000  }
0x3ba: {  	[sflag:s2] =	ssyncset.done $0x0  }
0x3bb: {  	[sflag:s2] =	ssyncadd.s32 $0xFFFFE000  }
0x3bc: {  	[tilespmem:s26], [sflag:$0x4] =	stream.indirect.gather [spmem:s3], $0x40, s18, s6, $0xb8;
	[tilespmem:$0x1B880] =	vst v63  }
0x3bd: {  	_ =	swait.ge [sflag:s31], $0x2000  }
0x3be: {  	[sflag:s31] =	ssyncset.done $0x0  }
0x3bf: {  	s24 =	rddreg [dreg:$0x1f];
	[sflag:s31] =	ssyncadd.s32 $0xFFFFE000  }
0x3c0: {  	[spmem:s1] =	stream.indirect.scatter.add.f32 [tilespmem:s4], [sflag:$0x2], $0x40, s24, s6, $0xb8;
	[tilespmem:$0x1B880] =	vst v63  }
0x3c1: {  	_ =	swait.ge [sflag:s9], $0x2000  }
0x3c2: {  	[sflag:s9] =	ssyncset.done $0x0  }
0x3c3: {  	[sflag:s9] =	ssyncadd.s32 $0xFFFFE000  }
0x3c4: {  	[tilespmem:s4], [sflag:$0x5] =	stream.indirect.gather [spmem:s3], $0x40, s5, s6, $0xb8;
	[tilespmem:$0x1B880] =	vst v63  }
0x3c5: {  	_ =	swait.ge [sflag:s0], $0x2000  }
0x3c6: {  	s5 =	sld [smem:$0x7ED]  }
0x3c7: {  	[sflag:s0] =	ssyncset.done $0x0  }
0x3c8: {  	[sflag:s0] =	ssyncadd.s32 $0xFFFFE000  }
0x3c9: {  	[spmem:s1] =	stream.indirect.scatter.add.f32 [tilespmem:s30], [sflag:$0x3], $0x40, s5, s6, $0xb8;
	[tilespmem:$0x1B880] =	vst v63  }
0x3ca: {  	_ =	swait.ge [sflag:s10], $0x2000  }
0x3cb: {  	[sflag:s10] =	ssyncset.done $0x0  }
0x3cc: {  	[sflag:s10] =	ssyncadd.s32 $0xFFFFE000  }
0x3cd: {  	[tilespmem:s30], [sflag:$0x6] =	stream.indirect.gather [spmem:s3], $0x40, s28, s6, $0xb8;
	[tilespmem:$0x1B880] =	vst v63  }
0x3ce: {  	_ =	swait.ge [sflag:s14], $0x2000  }
0x3cf: {  	s7 =	sld [smem:$0x7EE]  }
0x3d0: {  	[sflag:s14] =	ssyncset.done $0x0  }
0x3d1: {  	[sflag:s14] =	ssyncadd.s32 $0xFFFFE000  }
0x3d2: {  	[spmem:s1] =	stream.indirect.scatter.add.f32 [tilespmem:s26], [sflag:$0x1], $0x40, s7, s6, $0xb8;
	[tilespmem:$0x1B880] =	vst v63  }
0x3d3: {  	_ =	swait.ge [sflag:s2], $0x2000  }
0x3d4: {  	[sflag:s2] =	ssyncset.done $0x0  }
0x3d5: {  	s11 =	simm.s32 $0x780;
	[sflag:s2] =	ssyncadd.s32 $0xFFFFE000  }
0x3d6: {  	[tilespmem:s26], [sflag:$0x4] =	stream.indirect.gather [spmem:s3], $0x40, s11, s6, $0xb8;
	[tilespmem:$0x1B880] =	vst v63  }
0x3d7: {  	_ =	swait.ge [sflag:s31], $0x2000  }
0x3d8: {  	s12 =	sld [smem:$0x7F0]  }
0x3d9: {  	[sflag:s31] =	ssyncset.done $0x0  }
0x3da: {  	[sflag:s31] =	ssyncadd.s32 $0xFFFFE000  }
0x3db: {  	[spmem:s1] =	stream.indirect.scatter.add.f32 [tilespmem:s4], [sflag:$0x2], $0x40, s12, s6, $0xb8;
	[tilespmem:$0x1B880] =	vst v63  }
0x3dc: {  	_ =	swait.ge [sflag:s0], $0x2000  }
0x3dd: {  	s13 =	sld [smem:$0x7F1]  }
0x3de: {  	[sflag:s0] =	ssyncset.done $0x0  }
0x3df: {  	[sflag:s0] =	ssyncadd.s32 $0xFFFFE000  }
0x3e0: {  	[spmem:s1] =	stream.indirect.scatter.add.f32 [tilespmem:s30], [sflag:$0x3], $0x40, s13, s6, $0xb8;
	[tilespmem:$0x1B880] =	vst v63  }
0x3e1: {  	_ =	swait.ge [sflag:s14], $0x2000  }
0x3e2: {  	s15 =	sld [smem:$0x7F4]  }
0x3e3: {  	[sflag:s14] =	ssyncset.done $0x0  }
0x3e4: {  	[sflag:s14] =	ssyncadd.s32 $0xFFFFE000  }
0x3e5: {  	[spmem:s1] =	stream.indirect.scatter.add.f32 [tilespmem:s26], [sflag:$0x1], $0x40, s15, s6, $0xb8;
	[tilespmem:$0x1B880] =	vst v63  }
0x3e6: {  	_ =	swait.ge [sflag:s2], $0x2000  }
0x3e7: {  	[sflag:s2] =	ssyncset.done $0x0  }
0x3e8: {  	[sflag:s2] =	ssyncadd.s32 $0xFFFFE000  }
0x3e9: {  	_ =	swait.ge [sflag:s9], $0x2000  }
0x3ea: {  	[sflag:s9] =	ssyncset.done $0x0  }
0x3eb: {  	[sflag:s9] =	ssyncadd.s32 $0xFFFFE000  }
0x3ec: {  	_ =	swait.ge [sflag:s10], $0x2000  }
0x3ed: {  	[sflag:s10] =	ssyncset.done $0x0  }
0x3ee: {  	[sflag:s10] =	ssyncadd.s32 $0xFFFFE000  }
0x3ef: {  	[bflag:$0x0] =	sbarrier.arrive $0xFFFF  }
0x3f0: {  	s16 =	sld [smem:$0x7E4];
	_ =	sdelay $0x2  }
0x3f1: {  	[tilespmem:s26], [sflag:$0x7] =	stream.linear.gather [spmem:s16], $0x2000, $0x38;
	[tilespmem:$0x1B880] =	vst v63  }
0x3f2: {  	_ =	swait.ge [sflag:s29], $0x2000  }
0x3f3: {  	s17 =	sld [smem:$0x7EA]  }
0x3f4: {  	[sflag:s29] =	ssyncset.done $0x0  }
0x3f5: {  	s19 =	sld [smem:$0x7FC];
	[sflag:s29] =	ssyncadd.s32 $0xFFFFE000  }
0x3f6: {  	[hbm4b:s17+s25] =	stream.linear.scatter [tilespmem:s26], [sflag:$0x4], $0x2000, $0x38;
	[tilespmem:$0x1B880] =	vst v63  }
0x3f7: {  	_ = 	snop  }
0x3f8: {  	[tilespmem:s4], [sflag:$0x7] =	stream.linear.gather [spmem:s19], $0x2000, $0x38;
	[tilespmem:$0x1B880] =	vst v63  }
0x3f9: {  	_ =	swait.ge [sflag:s29], $0x2000  }
0x3fa: {  	s18 =	sld [smem:$0x7EB]  }
0x3fb: {  	[sflag:s29] =	ssyncset.done $0x0  }
0x3fc: {  	s16 =	sld [smem:$0x7FD];
	[sflag:s29] =	ssyncadd.s32 $0xFFFFE000  }
0x3fd: {  	[hbm4b:s18+s25] =	stream.linear.scatter [tilespmem:s4], [sflag:$0x5], $0x2000, $0x38;
	[tilespmem:$0x1B880] =	vst v63  }
0x3fe: {  	_ = 	snop  }
0x3ff: {  	[tilespmem:s30], [sflag:$0x7] =	stream.linear.gather [spmem:s16], $0x2000, $0x38;
	[tilespmem:$0x1B880] =	vst v63  }
0x400: {  	_ =	swait.ge [sflag:s29], $0x2000  }
0x401: {  	s20 =	sld [smem:$0x7EC]  }
0x402: {  	[sflag:s29] =	ssyncset.done $0x0  }
0x403: {  	[sflag:s29] =	ssyncadd.s32 $0xFFFFE000  }
0x404: {  	[hbm4b:s20+s25] =	stream.linear.scatter [tilespmem:s30], [sflag:$0x6], $0x2000, $0x38;
	[tilespmem:$0x1B880] =	vst v63  }
0x405: {  	_ =	swait.ge [sflag:s14], $0x2000  }
0x406: {  	s21 =	sld [smem:$0x7F3]  }
0x407: {  	[sflag:s14] =	ssyncset.done $0x0  }
0x408: {  	[sflag:s14] =	ssyncadd.s32 $0xFFFFE000  }
0x409: {  	[tilespmem:s26], [sflag:$0x7] =	stream.linear.gather [spmem:s21], $0x2000, $0x38;
	[tilespmem:$0x1B880] =	vst v63  }
0x40a: {  	_ =	swait.ge [sflag:s29], $0x2000  }
0x40b: {  	s22 =	sld [smem:$0x7EF]  }
0x40c: {  	[sflag:s29] =	ssyncset.done $0x0  }
0x40d: {  	[sflag:s29] =	ssyncadd.s32 $0xFFFFE000  }
0x40e: {  	[hbm4b:s22+s25] =	stream.linear.scatter [tilespmem:s26], [sflag:$0x4], $0x2000, $0x38;
	[tilespmem:$0x1B880] =	vst v63  }
0x40f: {  	_ =	swait.ge [sflag:s31], $0x2000  }
0x410: {  	s23 =	sld [smem:$0x7F5]  }
0x411: {  	[sflag:s31] =	ssyncset.done $0x0  }
0x412: {  	[sflag:s31] =	ssyncadd.s32 $0xFFFFE000  }
0x413: {  	[tilespmem:s4], [sflag:$0x7] =	stream.linear.gather [spmem:s23], $0x2000, $0x38;
	[tilespmem:$0x1B880] =	vst v63  }
0x414: {  	_ =	swait.ge [sflag:s29], $0x2000  }
0x415: {  	s24 =	sld [smem:$0x7F2]  }
0x416: {  	[sflag:s29] =	ssyncset.done $0x0  }
0x417: {  	[sflag:s29] =	ssyncadd.s32 $0xFFFFE000  }
0x418: {  	[hbm4b:s24+s25] =	stream.linear.scatter [tilespmem:s4], [sflag:$0x5], $0x2000, $0x38;
	[tilespmem:$0x1B880] =	vst v63  }
0x419: {  	_ =	swait.ge [sflag:s14], $0x2000  }
0x41a: {  	[sflag:s14] =	ssyncset.done $0x0  }
0x41b: {  	[sflag:s14] =	ssyncadd.s32 $0xFFFFE000  }
0x41c: {  	_ =	swait.ge [sflag:s31], $0x2000  }
0x41d: {  	[sflag:s31] =	ssyncset.done $0x0  }
0x41e: {  	[sflag:s31] =	ssyncadd.s32 $0xFFFFE000  }
0x41f: {  	_ =	swait.ge [sflag:s0], $0x2000  }
0x420: {  	s28 =	sld [smem:$0x7E3]  }
0x421: {  	s29 =	sld [smem:$0x7FB];
	_ =	sdelay $0x1  }
0x422: {  	s5 =	sadd.s32 $0x1, s28  }
0x423: {  	p0 =	sne.s32 s5, s29  }
.Ltmp2:
0x424: {  	_ = 	snop;
	(pc) =	sbr.rel @p0 .LBB2_1-.Ltmp2, $3  }
0x425: {  	_ =	sdelay $0x1  }
0x426: {  	[sflag:s0] =	ssyncset.done $0x0  }
0x427: {  	[sflag:s0] =	ssyncadd.s32 $0xFFFFE000  }
0x428: {  	_ =	sfence.sel $0x180000  }
0x429: {  	[bflag:$0x0] =	sbarrier.arrive $0xFFFF  }
0x42a: {  	_ =	strace $0x9000004A  }
0x42b: {  	s0 =	stileid.u32;
	[bflag:$0x2] =	sbarrier.arrive $0xFFFF  }
0x42c: {  	p0 =	sne.s32 s0, $0x0;
	s0 =	rddreg [dreg:$0x4]  }
0x42d: {  	s0 =	sadd.s32 @!p0 $0x100000, s0  }
0x42e: {  	[sflag:s0] =	ssyncadd.tile.s32 @!p0 $0x1;
	_ =	shalt  }
.Lfunc_end2:
_tile_overlayer_lowered:
.L_overlay_start_2:
0x42f: {  	(tag) =	ssettag $0x2  }
0x430: {  	s0 =	rddreg [dreg:$0x0];
	s2 =	stileid.u32  }
0x431: {  	s1 =	rddreg [dreg:$0x1];
	p0 =	sne.s32 s2, $0x0  }
0x432: {  	s3 =	rddreg [dreg:$0x2];
	[bflag:$0x3] =	sbarrier.arrive $0xFFFF;
	s2 =	simm.s32 @!p0 $0x1C07  }
0x433: {  	[timem:s3], [sflag:s2] =	dma.local @!p0 [hbm:s0], s1  }
0x434: {  	s0 =	simm.s32 @!p0 $0x7  }
0x435: {  	_ =	swait.ge @!p0 [sflag:s0], s1  }
0x436: {  	s1 =	ssub.s32 @!p0 $0x0, s1;
	[sflag:s0] =	ssyncset.done @!p0 $0x0  }
0x437: {  	[sflag:s0] =	ssyncadd.s32 @!p0 s1  }
0x438: {  	[bflag:$0x3] =	sbarrier.arrive $0xFFFF  }
0x439: {  	_ =	shalt  }

</sc_bundles>
